<compile_context>
chip_gen: v7x
topology: tpu7x:2x2x1
jax: 0.10.2.dev20260603
libtpu: 0.0.44.dev20260713+nightly
codegen_flags: <defaults>
</compile_context>

<pallas_src>
import functools

import jax
import jax.numpy as jnp
from jax import lax
from jax.experimental import pallas as pl
from jax.experimental.pallas import tpu as pltpu
from jax.experimental.pallas import tpu_sc as plsc

N = 10000
E = 320000
H = 32
NC, NS, LN = 2, 16, 16
NW = NC * NS
NPT = 640
NPAD = NS * NPT
EPT = E // NW
EPS = E // NS
CHR = 1000
CHS = 2000
SPT = NPAD // NW
TBL = N * N + 8
SHORTCUT = 14


@functools.cache
def _mesh():
    return plsc.VectorSubcoreMesh(core_axis_name="c", subcore_axis_name="s",
                                  num_cores=NC, num_subcores=NS)


def _params():
    return pltpu.CompilerParams(use_tc_tiling_on_sc=False,
                                needs_layout_passes=False)


def _fill(ref, size, value, dtype):
    @pl.loop(0, size // LN)
    def _(i):
        ref[pl.ds(i * LN, LN)] = jnp.full((LN,), value, dtype)


def _zero_rows(zrow_v):
    @pl.loop(0, NPT)
    def _(i):
        zrow_v[i, pl.ds(0, LN)] = jnp.zeros((LN,), jnp.float32)
        zrow_v[i, pl.ds(LN, LN)] = jnp.zeros((LN,), jnp.float32)


@functools.cache
def _deg_kernel():
    @functools.partial(
        pl.kernel,
        out_type=jax.ShapeDtypeStruct((NC, NPAD), jnp.float32),
        mesh=_mesh(),
        scratch_types=[
            pltpu.VMEM((EPT,), jnp.int32),
            pltpu.VMEM((EPT,), jnp.float32),
            pltpu.VMEM((NPT,), jnp.float32),
            pltpu.VMEM_SHARED((NPAD,), jnp.float32),
        ],
        compiler_params=_params(),
    )
    def deg(dst_hbm, out_hbm, idx_v, ones_v, z_v, acc_sh):
        c = lax.axis_index("c")
        s = lax.axis_index("s")
        _fill(z_v, NPT, 0.0, jnp.float32)
        pltpu.sync_copy(z_v, acc_sh.at[pl.ds(s * NPT, NPT)])
        _fill(ones_v, EPT, 1.0, jnp.float32)
        plsc.subcore_barrier()
        base = (c * NS + s) * EPT
        pltpu.sync_copy(dst_hbm.at[pl.ds(base, EPT)], idx_v)
        pltpu.sync_copy(ones_v, acc_sh.at[idx_v], add=True)
        plsc.subcore_barrier()

        @pl.when(s == 0)
        def _():
            pltpu.sync_copy(acc_sh, out_hbm.at[c])

    return deg


@functools.cache
def _agg_kernel():
    @functools.partial(
        pl.kernel,
        out_type=jax.ShapeDtypeStruct((NC, NPAD, H), jnp.float32),
        mesh=_mesh(),
        scratch_types=[
            pltpu.VMEM((CHR,), jnp.int32),
            pltpu.VMEM((CHR,), jnp.int32),
            pltpu.VMEM((CHR, H), jnp.float32),
            pltpu.VMEM((NPT, H), jnp.float32),
            pltpu.VMEM_SHARED((N, H), jnp.float32),
            pltpu.VMEM_SHARED((NPAD, H), jnp.float32),
            pltpu.SemaphoreType.DMA,
        ],
        compiler_params=_params(),
    )
    def agg(rows_hbm, src_hbm, dst_hbm, out_hbm,
            idx_v, tgt_v, rows_v, zrow_v, tab_sh, acc_sh, sem):
        c = lax.axis_index("c")
        s = lax.axis_index("s")
        _zero_rows(zrow_v)
        pltpu.sync_copy(zrow_v, acc_sh.at[pl.ds(s * NPT, NPT)])

        @pl.when(s == 0)
        def _():
            pltpu.sync_copy(rows_hbm, tab_sh)

        plsc.subcore_barrier()
        base = (c * NS + s) * EPT

        @pl.loop(0, EPT // CHR)
        def _(k):
            off = base + k * CHR
            pltpu.sync_copy(src_hbm.at[pl.ds(off, CHR)], idx_v)
            pltpu.sync_copy(dst_hbm.at[pl.ds(off, CHR)], tgt_v)
            pltpu.async_copy(tab_sh.at[idx_v], rows_v, sem).wait()
            pltpu.sync_copy(rows_v, acc_sh.at[tgt_v], add=True)

        plsc.subcore_barrier()

        @pl.when(s == 0)
        def _():
            pltpu.sync_copy(acc_sh, out_hbm.at[c])

    return agg


@functools.cache
def _agg_w_kernel(with_singles):
    scratch = [
        pltpu.VMEM((CHR,), jnp.int32),
        pltpu.VMEM((CHR,), jnp.int32),
        pltpu.VMEM((CHR,), jnp.float32),
        pltpu.VMEM((CHR, H), jnp.float32),
        pltpu.VMEM((NPT, H), jnp.float32),
        pltpu.VMEM_SHARED((N, H), jnp.float32),
        pltpu.VMEM_SHARED((NPAD, H), jnp.float32),
        pltpu.SemaphoreType.DMA,
    ]
    if with_singles:
        scratch = scratch + [
            pltpu.VMEM((SPT,), jnp.int32),
            pltpu.VMEM((SPT, H), jnp.float32),
        ]

    def body(*refs):
        if with_singles:
            (rows_hbm, idx_hbm, tgt_hbm, w_hbm, sing_rows_hbm, sing_tgt_hbm,
             out_hbm, idx_v, tgt_v, w_v, rows_v, zrow_v, tab_sh, acc_sh, sem,
             stgt_v, srows_v) = refs
        else:
            (rows_hbm, idx_hbm, tgt_hbm, w_hbm, out_hbm,
             idx_v, tgt_v, w_v, rows_v, zrow_v, tab_sh, acc_sh, sem) = refs
        c = lax.axis_index("c")
        s = lax.axis_index("s")
        _zero_rows(zrow_v)
        pltpu.sync_copy(zrow_v, acc_sh.at[pl.ds(s * NPT, NPT)])

        @pl.when(s == 0)
        def _():
            pltpu.sync_copy(rows_hbm, tab_sh)

        plsc.subcore_barrier()
        base = (c * NS + s) * EPT

        @pl.loop(0, EPT // CHR)
        def _(k):
            off = base + k * CHR
            pltpu.sync_copy(idx_hbm.at[pl.ds(off, CHR)], idx_v)
            pltpu.sync_copy(tgt_hbm.at[pl.ds(off, CHR)], tgt_v)
            pltpu.sync_copy(w_hbm.at[pl.ds(off, CHR)], w_v)
            pltpu.async_copy(tab_sh.at[idx_v], rows_v, sem).wait()

            @pl.loop(0, CHR, unroll=4)
            def _(e):
                eidx = jnp.full((LN,), e, jnp.int32)
                wb = plsc.load_gather(w_v, [eidx])
                rows_v[e, pl.ds(0, LN)] = rows_v[e, pl.ds(0, LN)] * wb
                rows_v[e, pl.ds(LN, LN)] = rows_v[e, pl.ds(LN, LN)] * wb

            pltpu.sync_copy(rows_v, acc_sh.at[tgt_v], add=True)

        if with_singles:
            soff = (c * NS + s) * SPT
            pltpu.sync_copy(sing_rows_hbm.at[pl.ds(soff, SPT)], srows_v)
            pltpu.sync_copy(sing_tgt_hbm.at[pl.ds(soff, SPT)], stgt_v)
            pltpu.sync_copy(srows_v, acc_sh.at[stgt_v], add=True)

        plsc.subcore_barrier()

        @pl.when(s == 0)
        def _():
            pltpu.sync_copy(acc_sh, out_hbm.at[c])

    return pl.kernel(
        body,
        out_type=jax.ShapeDtypeStruct((NC, NPAD, H), jnp.float32),
        mesh=_mesh(),
        scratch_types=scratch,
        compiler_params=_params(),
    )


@functools.cache
def _score_kernel():
    @functools.partial(
        pl.kernel,
        out_type=(
            jax.ShapeDtypeStruct((E,), jnp.float32),
            jax.ShapeDtypeStruct((E,), jnp.int32),
            jax.ShapeDtypeStruct((NC, NPAD), jnp.float32),
        ),
        mesh=_mesh(),
        scratch_types=[
            pltpu.VMEM((N,), jnp.float32),
            pltpu.VMEM((N,), jnp.float32),
            pltpu.VMEM((CHS,), jnp.int32),
            pltpu.VMEM((CHS,), jnp.int32),
            pltpu.VMEM((CHS,), jnp.float32),
            pltpu.VMEM((CHS,), jnp.int32),
            pltpu.VMEM((CHS,), jnp.float32),
            pltpu.VMEM((NPT,), jnp.float32),
            pltpu.VMEM_SHARED((NPAD,), jnp.float32),
        ],
        compiler_params=_params(),
    )
    def score(src_hbm, dst_hbm, p_hbm, q_hbm, sm_hbm, tk_hbm, he_hbm,
              p_v, q_v, srcc_v, dstc_v, sm_v, tk_v, tkf_v, z_v, he_sh):
        c = lax.axis_index("c")
        s = lax.axis_index("s")
        _fill(z_v, NPT, 0.0, jnp.float32)
        pltpu.sync_copy(z_v, he_sh.at[pl.ds(s * NPT, NPT)])
        pltpu.sync_copy(p_hbm, p_v)
        pltpu.sync_copy(q_hbm, q_v)
        plsc.subcore_barrier()
        base = (c * NS + s) * EPT

        @pl.loop(0, EPT // CHS)
        def _(k):
            off = base + k * CHS
            pltpu.sync_copy(src_hbm.at[pl.ds(off, CHS)], srcc_v)
            pltpu.sync_copy(dst_hbm.at[pl.ds(off, CHS)], dstc_v)

            @pl.loop(0, CHS // LN)
            def _(j):
                sa = srcc_v[pl.ds(j * LN, LN)]
                sb = dstc_v[pl.ds(j * LN, LN)]
                ps = plsc.load_gather(p_v, [sa])
                qd = plsc.load_gather(q_v, [sb])
                t16 = ps + qd
                sc = 1.0 / (1.0 + jnp.exp(-t16))
                mk = sa != sb
                sm_v[pl.ds(j * LN, LN)] = jnp.where(mk, sc, 0.0)
                tk = mk & (t16 > 0.0)
                tk_v[pl.ds(j * LN, LN)] = jnp.where(tk, 1, 0).astype(jnp.int32)
                tkf_v[pl.ds(j * LN, LN)] = jnp.where(tk, 1.0, 0.0)

            pltpu.sync_copy(sm_v, sm_hbm.at[pl.ds(off, CHS)])
            pltpu.sync_copy(tk_v, tk_hbm.at[pl.ds(off, CHS)])
            pltpu.sync_copy(tkf_v, he_sh.at[srcc_v], add=True)
            pltpu.sync_copy(tkf_v, he_sh.at[dstc_v], add=True)

        plsc.subcore_barrier()

        @pl.when(s == 0)
        def _():
            pltpu.sync_copy(he_sh, he_hbm.at[c])

    return score


@functools.cache
def _cc_kernel():
    @functools.partial(
        pl.kernel,
        out_type=(
            jax.ShapeDtypeStruct((NPAD,), jnp.int32),
            jax.ShapeDtypeStruct((E,), jnp.int32),
            jax.ShapeDtypeStruct((E,), jnp.int32),
        ),
        mesh=_mesh(),
        scratch_types=[
            pltpu.VMEM((NPAD,), jnp.int32),
            pltpu.VMEM((NPT,), jnp.int32),
            pltpu.VMEM((NPT,), jnp.int32),
            pltpu.VMEM((CHS,), jnp.int32),
            pltpu.VMEM((CHS,), jnp.int32),
            pltpu.VMEM((CHS,), jnp.int32),
            pltpu.VMEM((CHS,), jnp.int32),
            pltpu.VMEM((CHS,), jnp.int32),
            pltpu.VMEM((LN,), jnp.int32),
            pltpu.VMEM((NS, LN), jnp.int32),
            pltpu.VMEM_SHARED((NS, NPAD), jnp.int32),
            pltpu.VMEM_SHARED((NPAD,), jnp.int32),
            pltpu.VMEM_SHARED((NS, LN), jnp.int32),
        ],
        compiler_params=_params(),
    )
    def cc(src_hbm, dst_hbm, tk_hbm, lab_hbm, cs_hbm, cd_hbm,
           L_v, j_v, t_v, srcc_v, dstc_v, tkc_v, cs_v, cd_v,
           cnt_v, flg_v, lcop_sh, canon_sh, flag_sh):
        c = lax.axis_index("c")
        s = lax.axis_index("s")

        @pl.when(c == 0)
        def _():
            iota = lax.iota(jnp.int32, LN)

            @pl.loop(0, NPAD // LN)
            def _(i):
                L_v[pl.ds(i * LN, LN)] = iota + i * LN

            pltpu.sync_copy(L_v.at[pl.ds(s * NPT, NPT)],
                            canon_sh.at[pl.ds(s * NPT, NPT)])
            plsc.subcore_barrier()

            def _round(state):
                del state

                def hook_chunk(k, mism):
                    off = s * EPS + k * CHS
                    pltpu.sync_copy(src_hbm.at[pl.ds(off, CHS)], srcc_v)
                    pltpu.sync_copy(dst_hbm.at[pl.ds(off, CHS)], dstc_v)
                    pltpu.sync_copy(tk_hbm.at[pl.ds(off, CHS)], tkc_v)

                    def hook16(j, mism):
                        sa = srcc_v[pl.ds(j * LN, LN)]
                        sb = dstc_v[pl.ds(j * LN, LN)]
                        tk = tkc_v[pl.ds(j * LN, LN)]
                        a = plsc.load_gather(L_v, [sa])
                        b = plsc.load_gather(L_v, [sb])
                        hi = jnp.maximum(a, b)
                        lo = jnp.minimum(a, b)
                        act = (tk > 0) & (hi != lo)
                        g = plsc.load_gather(L_v, [hi])
                        newv = jnp.minimum(g, lo)
                        plsc.store_scatter(L_v, [hi], newv, mask=act)
                        return mism + jnp.where(act, 1, 0).astype(jnp.int32)

                    return lax.fori_loop(0, CHS // LN, hook16, mism)

                mism = lax.fori_loop(0, EPS // CHS, hook_chunk,
                                     jnp.zeros((LN,), jnp.int32))
                pltpu.sync_copy(L_v, lcop_sh.at[s])
                cnt_v[pl.ds(0, LN)] = mism
                pltpu.sync_copy(cnt_v, flag_sh.at[s])
                plsc.subcore_barrier()

                pltpu.sync_copy(lcop_sh.at[0, pl.ds(s * NPT, NPT)], j_v)
                for t in range(1, NS):
                    pltpu.sync_copy(lcop_sh.at[t, pl.ds(s * NPT, NPT)], t_v)

                    @pl.loop(0, NPT // LN)
                    def _(i):
                        j_v[pl.ds(i * LN, LN)] = jnp.minimum(
                            j_v[pl.ds(i * LN, LN)], t_v[pl.ds(i * LN, LN)])

                pltpu.sync_copy(flag_sh, flg_v)
                tot16 = jnp.zeros((LN,), jnp.int32)
                for t in range(NS):
                    tot16 = tot16 + flg_v[t, pl.ds(0, LN)]
                total = jnp.sum(tot16)

                pltpu.sync_copy(j_v, canon_sh.at[pl.ds(s * NPT, NPT)])
                plsc.subcore_barrier()
                pltpu.sync_copy(canon_sh, L_v)

                @pl.loop(0, NPT // LN)
                def _(i):
                    v = j_v[pl.ds(i * LN, LN)]
                    for _ in range(SHORTCUT):
                        v = plsc.load_gather(L_v, [v])
                    j_v[pl.ds(i * LN, LN)] = v

                pltpu.sync_copy(j_v, canon_sh.at[pl.ds(s * NPT, NPT)])
                plsc.subcore_barrier()
                pltpu.sync_copy(canon_sh, L_v)
                return total

            lax.while_loop(lambda t: t > 0, _round, jnp.int32(1))

            @pl.when(s == 0)
            def _():
                pltpu.sync_copy(L_v, lab_hbm)

            @pl.loop(0, EPS // CHS)
            def _(k):
                off = s * EPS + k * CHS
                pltpu.sync_copy(src_hbm.at[pl.ds(off, CHS)], srcc_v)
                pltpu.sync_copy(dst_hbm.at[pl.ds(off, CHS)], dstc_v)

                @pl.loop(0, CHS // LN)
                def _(j):
                    sa = srcc_v[pl.ds(j * LN, LN)]
                    sb = dstc_v[pl.ds(j * LN, LN)]
                    cs_v[pl.ds(j * LN, LN)] = plsc.load_gather(L_v, [sa])
                    cd_v[pl.ds(j * LN, LN)] = plsc.load_gather(L_v, [sb])

                pltpu.sync_copy(cs_v, cs_hbm.at[pl.ds(off, CHS)])
                pltpu.sync_copy(cd_v, cd_hbm.at[pl.ds(off, CHS)])

    return cc


@functools.cache
def _dedup_kernel():
    @functools.partial(
        pl.kernel,
        out_type=(
            jax.ShapeDtypeStruct((TBL,), jnp.int32),
            jax.ShapeDtypeStruct((E,), jnp.float32),
            jax.ShapeDtypeStruct((NPAD,), jnp.float32),
        ),
        mesh=_mesh(),
        scratch_types=[
            pltpu.VMEM((CHS,), jnp.int32),
            pltpu.VMEM((CHS,), jnp.int32),
            pltpu.VMEM((CHS,), jnp.int32),
            pltpu.VMEM((CHS,), jnp.int32),
            pltpu.VMEM((CHS,), jnp.int32),
            pltpu.VMEM((CHS,), jnp.int32),
            pltpu.VMEM((CHS,), jnp.int32),
            pltpu.VMEM((CHS,), jnp.float32),
            pltpu.VMEM((NPT,), jnp.float32),
            pltpu.VMEM_SHARED((NPAD,), jnp.float32),
            pltpu.SemaphoreType.DMA,
        ],
        compiler_params=_params(),
    )
    def dedup(src_hbm, dst_hbm, cs_hbm, cd_hbm, tbl_hbm, rep_hbm, deg2_hbm,
              srcc_v, dstc_v, cs_v, cd_v, code_v, eid_v, g_v, rep_v,
              z_v, deg_sh, sem):
        c = lax.axis_index("c")
        s = lax.axis_index("s")

        @pl.when(c == 0)
        def _():
            iota = lax.iota(jnp.int32, LN)
            _fill(z_v, NPT, 0.0, jnp.float32)
            pltpu.sync_copy(z_v, deg_sh.at[pl.ds(s * NPT, NPT)])

            def load_and_code(k):
                off = s * EPS + k * CHS
                pltpu.sync_copy(src_hbm.at[pl.ds(off, CHS)], srcc_v)
                pltpu.sync_copy(dst_hbm.at[pl.ds(off, CHS)], dstc_v)
                pltpu.sync_copy(cs_hbm.at[pl.ds(off, CHS)], cs_v)
                pltpu.sync_copy(cd_hbm.at[pl.ds(off, CHS)], cd_v)

                @pl.loop(0, CHS // LN)
                def _(j):
                    sa = srcc_v[pl.ds(j * LN, LN)]
                    sb = dstc_v[pl.ds(j * LN, LN)]
                    csk = cs_v[pl.ds(j * LN, LN)]
                    cdk = cd_v[pl.ds(j * LN, LN)]
                    mmk = (sa != sb) & (csk != cdk)
                    code = csk * N + cdk
                    code_v[pl.ds(j * LN, LN)] = jnp.where(mmk, code, N * N)
                    eid_v[pl.ds(j * LN, LN)] = iota + (off + j * LN)

                return off

            @pl.loop(0, EPS // CHS)
            def _(k):
                load_and_code(k)
                pltpu.sync_copy(eid_v, tbl_hbm.at[code_v])

            plsc.subcore_barrier()

            @pl.loop(0, EPS // CHS)
            def _(k):
                off = load_and_code(k)
                pltpu.async_copy(tbl_hbm.at[code_v], g_v, sem).wait()

                @pl.loop(0, CHS // LN)
                def _(j):
                    gk = g_v[pl.ds(j * LN, LN)]
                    ek = eid_v[pl.ds(j * LN, LN)]
                    ck = code_v[pl.ds(j * LN, LN)]
                    rep = (gk == ek) & (ck < N * N)
                    rep_v[pl.ds(j * LN, LN)] = jnp.where(rep, 1.0, 0.0)

                pltpu.sync_copy(rep_v, rep_hbm.at[pl.ds(off, CHS)])
                pltpu.sync_copy(rep_v, deg_sh.at[cd_v], add=True)

            plsc.subcore_barrier()

            @pl.when(s == 0)
            def _():
                pltpu.sync_copy(deg_sh, deg2_hbm)

    return dedup


def _mm_kernel(x_ref, w_ref, o_ref):
    o_ref[...] = jnp.dot(x_ref[...], w_ref[...],
                         preferred_element_type=jnp.float32)


def _matmul(x, w):
    return pl.pallas_call(
        _mm_kernel,
        out_shape=jax.ShapeDtypeStruct((x.shape[0], w.shape[1]), jnp.float32),
    )(x, w)


def kernel(x, edge_index, edge_weight, batch, W1, b1, Wp, bp, W3, b3, Wf, bf):
    src = edge_index[:, 0]
    dst = edge_index[:, 1]

    h = _matmul(x, W1)
    deg1 = 1.0 + _deg_kernel()(dst).sum(axis=0)[:N]
    dinv1 = lax.rsqrt(deg1)
    hs = dinv1[:, None] * h
    acc1 = _agg_kernel()(hs, src, dst).sum(axis=0)[:N]
    x1 = jax.nn.relu(dinv1[:, None] * acc1 + dinv1[:, None] ** 2 * h + b1)

    w2col = jnp.concatenate([Wp[:H], Wp[H:]], axis=1)
    pq = _matmul(x1, w2col)
    p = pq[:, 0]
    q = pq[:, 1] + bp[0]
    sm, tk, he_parts = _score_kernel()(src, dst, p, q)
    he = he_parts.sum(axis=0)[:N]

    lab_pad, csrc, cdst = _cc_kernel()(src, dst, tk)
    labels = lab_pad[:N]

    single = (he == 0.0)
    sing_rows = jnp.where(single[:, None], x1, 0.0)
    sing_rows_pad = jnp.concatenate(
        [sing_rows, jnp.zeros((NPAD - N, H), jnp.float32)], axis=0)
    xc = _agg_w_kernel(True)(x1, src, cdst, sm, sing_rows_pad,
                             lab_pad).sum(axis=0)[:N]

    mmk = (src != dst) & (csrc != cdst)
    big = N * N
    code = jnp.sort(jnp.where(mmk, csrc * N + cdst, big))
    first = jnp.concatenate([jnp.ones((1,), bool), code[1:] != code[:-1]])
    ev = first & (code < big)
    wuniq = ev.astype(jnp.float32)
    nsrc = jnp.where(ev, code // N, 0).astype(jnp.int32)
    ndst = jnp.where(ev, code % N, 0).astype(jnp.int32)
    deg2 = jnp.ones((N,), jnp.float32).at[ndst].add(wuniq)
    dinv2 = lax.rsqrt(deg2)

    hc = _matmul(xc, W3)
    w2 = dinv2[:, None] * hc
    acc2 = _agg_w_kernel(False)(w2, nsrc, ndst, wuniq).sum(axis=0)[:N]
    x2 = jax.nn.relu(dinv2[:, None] * acc2 + dinv2[:, None] ** 2 * hc + b3)

    is_root = (labels == jnp.arange(N, dtype=jnp.int32)).astype(jnp.float32)
    K = is_root.sum()
    pooled = (x2 * is_root[:, None]).sum(axis=0) / K
    out = jax.nn.sigmoid(pooled @ Wf + bf)
    return out.reshape(-1)

# --- scband reference (transcript-rebuilt; emitter-appended) ---
"""Pipeline reference for scband-graph-conv-pool-nnprotein-18305150616266 (READ-ONLY COPY).

The authoritative reference and input builder live on the scoring server;
editing this copy changes nothing except your own understanding.
"""

import jax, jax.numpy as jnp
from jax import lax
import numpy as np

N = 10000
E = 320000
F_IN = 128
HID = 32

def _glorot(key, fan_in, fan_out):
    limit = float(np.sqrt(6.0 / (fan_in + fan_out)))
    return jax.random.uniform(key, (fan_in, fan_out), minval=-limit, maxval=limit, dtype=jnp.float32)

def setup_inputs(seed: int = 0):
    key = jax.random.key(seed)
    ks = jax.random.split(key, 8)
    inp = {}
    inp["x"] = jax.random.normal(ks[0], (N, F_IN), dtype=jnp.float32)
    inp["edge_index"] = jax.random.randint(ks[1], (E, 2), 0, N, dtype=jnp.int32)
    inp["edge_weight"] = jnp.zeros((E,), dtype=jnp.float32)
    inp["batch"] = jnp.zeros((N,), dtype=jnp.int32)
    inp["W1"] = _glorot(ks[2], F_IN, HID)
    inp["b1"] = jnp.zeros((HID,), dtype=jnp.float32)
    inp["Wp"] = _glorot(ks[3], 2 * HID, 1)
    inp["bp"] = jnp.zeros((1,), dtype=jnp.float32)
    inp["W3"] = _glorot(ks[4], HID, HID)
    inp["b3"] = jnp.zeros((HID,), dtype=jnp.float32)
    inp["Wf"] = _glorot(ks[5], HID, 1)
    inp["bf"] = jnp.zeros((1,), dtype=jnp.float32)
    return inp

def _gcn_conv(x, src, dst, W, b, num_nodes):
    # PyG GCNConv: add self loops, symmetric normalization, scatter-add, bias
    h = x @ W
    loop = jnp.arange(num_nodes, dtype=src.dtype)
    s = jnp.concatenate([src, loop])
    d = jnp.concatenate([dst, loop])
    deg = jax.ops.segment_sum(jnp.ones(s.shape[0], dtype=h.dtype), d, num_segments=num_nodes)
    safe = jnp.where(deg > 0, deg, 1.0)
    dinv = jnp.where(deg > 0, 1.0 / jnp.sqrt(safe), 0.0)
    norm = dinv[s] * dinv[d]
    out = jax.ops.segment_sum(h[s] * norm[:, None], d, num_segments=num_nodes)
    return out + b

def _gcn_conv_w(x, src, dst, w, W, b, num_nodes):
    # GCNConv with per-edge 0/1 weights standing in for a dynamically sized edge list
    h = x @ W
    loop = jnp.arange(num_nodes, dtype=src.dtype)
    s = jnp.concatenate([src, loop])
    d = jnp.concatenate([dst, loop])
    wf = jnp.concatenate([w, jnp.ones((num_nodes,), dtype=h.dtype)])
    deg = jax.ops.segment_sum(wf, d, num_segments=num_nodes)
    safe = jnp.where(deg > 0, deg, 1.0)
    dinv = jnp.where(deg > 0, 1.0 / jnp.sqrt(safe), 0.0)
    norm = dinv[s] * dinv[d] * wf
    out = jax.ops.segment_sum(h[s] * norm[:, None], d, num_segments=num_nodes)
    return out + b

def _union_find(n, src, dst):
    # weakly-connected components of the contracted edge set (scipy connected_components equivalent,
    # up to a relabeling permutation which the downstream math is invariant to)
    parent = np.arange(n, dtype=np.int64)
    def find(i):
        r = i
        while parent[r] != r:
            r = parent[r]
        while parent[i] != r:
            nxt = parent[i]
            parent[i] = r
            i = nxt
        return r
    for a, b in zip(src.tolist(), dst.tolist()):
        ra, rb = find(a), find(b)
        if ra != rb:
            parent[rb] = ra
    roots = np.fromiter((find(i) for i in range(n)), dtype=np.int64, count=n)
    _, labels = np.unique(roots, return_inverse=True)
    return labels

def _cc_labels(n, src, dst, take):
    # exact traced equivalent of _union_find over edges where take[e] is True
    def find_root(parent, i):
        return lax.while_loop(lambda r: parent[r] != r, lambda r: parent[r], i)
    def compress(parent, i, r):
        def body(state):
            p, j = state
            nxt = p[j]
            return p.at[j].set(r), nxt
        parent, _ = lax.while_loop(lambda st: st[0][st[1]] != r, body, (parent, i))
        return parent
    def body(e, parent):
        a = src[e]
        b = dst[e]
        ra = find_root(parent, a)
        rb = find_root(parent, b)
        parent = compress(parent, a, ra)
        parent = compress(parent, b, rb)
        do = take[e] & (ra != rb)
        parent = parent.at[rb].set(jnp.where(do, ra, parent[rb]))
        return parent
    parent = lax.fori_loop(0, src.shape[0], body, jnp.arange(n, dtype=jnp.int32))
    parent = lax.fori_loop(0, 16, lambda _, p: p[p], parent)
    roots = parent
    mark = jnp.zeros((n,), dtype=jnp.int32).at[roots].set(1)
    labels = jnp.cumsum(mark)[roots] - 1
    return labels

def reference(x, edge_index, edge_weight, batch, W1, b1, Wp, bp, W3, b3, Wf, bf):
    num_nodes = x.shape[0]
    src = edge_index[:, 0]
    dst = edge_index[:, 1]
    # conv1 + relu (dropout = identity in eval mode)
    x1 = jax.nn.relu(_gcn_conv(x, src, dst, W1, b1, num_nodes))
    # ClusterPooling: drop self loops, score edges via Linear(2*hid -> 1) + sigmoid
    m = src != dst
    mf = m.astype(x1.dtype)
    feat = jnp.concatenate([x1[src], x1[dst]], axis=-1)
    score = jax.nn.sigmoid((feat @ Wp).reshape(-1) + bp[0])
    contract = score > 0.5
    take = m & contract
    labels = _cc_labels(num_nodes, src, dst, take)
    K = labels.max() + 1
    tke = take.astype(jnp.int32)
    he = jnp.zeros((num_nodes,), dtype=jnp.int32).at[src].add(tke).at[dst].add(tke)
    single = jnp.where(he > 0, 0.0, 1.0).astype(x1.dtype)
    cluster = labels
    cdst = labels[dst]
    # x_new = (S @ C).T @ x1 computed sparsely: S sums duplicate-edge scores (scatter-add of
    # to_dense_adj), plus diagonal 1 for nodes with no incident contracted edge
    xc = jax.ops.segment_sum((score * mf)[:, None] * x1[src], cdst, num_segments=num_nodes)
    xc = xc + jax.ops.segment_sum(x1 * single[:, None], cluster, num_segments=num_nodes)
    # new edge_index = nonzeros of (C.T @ A @ C) with zeroed diagonal
    ci = labels[src]
    cj = labels[dst]
    mm = m & (ci != cj)
    big = num_nodes * num_nodes
    code = jnp.sort(jnp.where(mm, ci * num_nodes + cj, big))
    first = jnp.concatenate([jnp.ones((1,), dtype=bool), code[1:] != code[:-1]])
    ev = first & (code < big)
    nsrc = jnp.where(ev, code // num_nodes, 0).astype(jnp.int32)
    ndst = jnp.where(ev, code % num_nodes, 0).astype(jnp.int32)
    w = ev.astype(x1.dtype)
    x2 = jax.nn.relu(_gcn_conv_w(xc, nsrc, ndst, w, W3, b3, num_nodes))
    # global_mean_pool: single graph (batch all zeros -> pooled batch all zeros)
    validn = (jnp.arange(num_nodes) < K).astype(x2.dtype)
    nb = jnp.zeros((num_nodes,), dtype=jnp.int32)
    psum = jax.ops.segment_sum(x2 * validn[:, None], nb, num_segments=1)
    pcnt = jax.ops.segment_sum(validn[:, None], nb, num_segments=1)
    pooled = psum / pcnt
    out = jax.nn.sigmoid(pooled @ Wf + bf)
    return out.reshape(-1)

if __name__ == "__main__":
    import jax
    _d = setup_inputs()
    print(jax.jit(kernel)(*tuple(_d.values())))

</pallas_src>

<mosaic_0001>
#map = affine_map<(d0, d1) -> (0)>
#map1 = affine_map<(d0, d1) -> (0, 0)>
module attributes {stable_mosaic.version = 14 : i64} {
  func.func @deg(%arg0: i32, %arg1: i32, %arg2: memref<320000xi32, #tpu.memory_space<hbm>>, %arg3: memref<2x10240xf32, #tpu.memory_space<hbm>>, %arg4: memref<10000xi32, #tpu.memory_space<vmem>>, %arg5: memref<10000xf32, #tpu.memory_space<vmem>>, %arg6: memref<640xf32, #tpu.memory_space<vmem>>, %arg7: memref<10240xf32, #tpu.memory_space<vmem_shared>>) attributes {dimension_semantics = [#tpu.dimension_semantics<core_parallel>, #tpu.dimension_semantics<subcore_parallel>], iteration_bounds = array<i64: 2, 16>, scalar_prefetch = 0 : i64, scratch_operands = 4 : i64, tpu.core_type = #tpu.core_type<sc_vector_subcore>, window_params = [{transform_indices = #map}, {transform_indices = #map1}]} {
    %scan3A = arith.constant 0 : i32
    %scan3A_0 = arith.constant 40 : i32
    %scan3A_1 = arith.addi %scan3A, %scan3A_0 : i32
    %scan3A_2 = arith.constant 1 : i32
    scf.for %scan3A_17 = %scan3A to %scan3A_1 step %scan3A_2  : i32 {
      %mul3A_18 = arith.constant 1 : i32
      %mul3A_19 = arith.muli %scan3A_17, %mul3A_18 : i32
      %add3A_20 = arith.constant 0 : i32
      %add3A_21 = arith.addi %add3A_20, %mul3A_19 : i32
      %broadcast_in_dim3A = arith.constant 0.000000e+00 : f32
      %broadcast_in_dim3A_22 = vector.broadcast %broadcast_in_dim3A : f32 to vector<16xf32>
      %mul3A_23 = arith.constant 16 : i32
      %mul3A_24 = arith.muli %add3A_21, %mul3A_23 : i32
      %swap3A = arith.index_cast %mul3A_24 : i32 to index
      %swap3A_25 = tpu.vector_load %arg6[%swap3A] {strides = array<i32>} : memref<640xf32, #tpu.memory_space<vmem>>, vector<16xf32>,
      tpu.vector_store %arg6[%swap3A], %broadcast_in_dim3A_22 {strides = array<i32>} : memref<640xf32, #tpu.memory_space<vmem>>, vector<16xf32>,
    }
    %scan3A_3 = arith.constant 40 : i32
    %mul3A = arith.constant 640 : i32
    %mul3A_4 = arith.muli %arg1, %mul3A : i32
    "tpu.region"() ({
      %run_scoped3A = tpu.sem_alloc : memref<!tpu.dma_semaphore, #tpu.memory_space<semaphore_mem>>
      %dma_start3A = tpu.memref_slice %arg7[%mul3A_4] : memref<10240xf32, #tpu.memory_space<vmem_shared>> -> memref<640xf32, #tpu.memory_space<vmem_shared>>
      %dma_start3A_17 = tpu.memref_slice %arg7[%mul3A_4] : memref<10240xf32, #tpu.memory_space<vmem_shared>> -> memref<640xf32, #tpu.memory_space<vmem_shared>>
      tpu.enqueue_dma source(%arg6 : memref<640xf32, #tpu.memory_space<vmem>>) target(%dma_start3A_17 : memref<640xf32, #tpu.memory_space<vmem_shared>>) target_semaphore(%run_scoped3A : memref<!tpu.dma_semaphore, #tpu.memory_space<semaphore_mem>>)
      %dma_wait3A = tpu.memref_slice %arg7[%mul3A_4] : memref<10240xf32, #tpu.memory_space<vmem_shared>> -> memref<640xf32, #tpu.memory_space<vmem_shared>>
      %dma_wait3A_18 = tpu.memref_slice %arg7[%mul3A_4] : memref<10240xf32, #tpu.memory_space<vmem_shared>> -> memref<640xf32, #tpu.memory_space<vmem_shared>>
      tpu.wait_dma2 semaphore(%run_scoped3A : memref<!tpu.dma_semaphore, #tpu.memory_space<semaphore_mem>>) src(%arg6 : memref<640xf32, #tpu.memory_space<vmem>>) dst(%dma_wait3A_18 : memref<640xf32, #tpu.memory_space<vmem_shared>>)
      tpu.yield
    }) : () -> ()
    %scan3A_5 = arith.constant 0 : i32
    %scan3A_6 = arith.constant 625 : i32
    %scan3A_7 = arith.addi %scan3A_5, %scan3A_6 : i32
    %scan3A_8 = arith.constant 1 : i32
    scf.for %scan3A_17 = %scan3A_5 to %scan3A_7 step %scan3A_8  : i32 {
      %mul3A_18 = arith.constant 1 : i32
      %mul3A_19 = arith.muli %scan3A_17, %mul3A_18 : i32
      %add3A_20 = arith.constant 0 : i32
      %add3A_21 = arith.addi %add3A_20, %mul3A_19 : i32
      %broadcast_in_dim3A = arith.constant 1.000000e+00 : f32
      %broadcast_in_dim3A_22 = vector.broadcast %broadcast_in_dim3A : f32 to vector<16xf32>
      %mul3A_23 = arith.constant 16 : i32
      %mul3A_24 = arith.muli %add3A_21, %mul3A_23 : i32
      %swap3A = arith.index_cast %mul3A_24 : i32 to index
      %swap3A_25 = tpu.vector_load %arg5[%swap3A] {strides = array<i32>} : memref<10000xf32, #tpu.memory_space<vmem>>, vector<16xf32>,
      tpu.vector_store %arg5[%swap3A], %broadcast_in_dim3A_22 {strides = array<i32>} : memref<10000xf32, #tpu.memory_space<vmem>>, vector<16xf32>,
    }
    %scan3A_9 = arith.constant 625 : i32
    %barrier3A = arith.constant 0 : index
    tpu.barrier barrier_id(%barrier3A)
    %mul3A_10 = arith.constant 16 : i32
    %mul3A_11 = arith.muli %arg0, %mul3A_10 : i32
    %add3A = arith.addi %mul3A_11, %arg1 : i32
    %mul3A_12 = arith.constant 10000 : i32
    %mul3A_13 = arith.muli %add3A, %mul3A_12 : i32
    "tpu.region"() ({
      %run_scoped3A = tpu.sem_alloc : memref<!tpu.dma_semaphore, #tpu.memory_space<semaphore_mem>>
      %dma_start3A = tpu.memref_slice %arg2[%mul3A_13] : memref<320000xi32, #tpu.memory_space<hbm>> -> memref<10000xi32, #tpu.memory_space<hbm>>
      %dma_start3A_17 = tpu.memref_slice %arg2[%mul3A_13] : memref<320000xi32, #tpu.memory_space<hbm>> -> memref<10000xi32, #tpu.memory_space<hbm>>
      tpu.enqueue_dma source(%dma_start3A_17 : memref<10000xi32, #tpu.memory_space<hbm>>) target(%arg4 : memref<10000xi32, #tpu.memory_space<vmem>>) target_semaphore(%run_scoped3A : memref<!tpu.dma_semaphore, #tpu.memory_space<semaphore_mem>>)
      %dma_wait3A = tpu.memref_slice %arg2[%mul3A_13] : memref<320000xi32, #tpu.memory_space<hbm>> -> memref<10000xi32, #tpu.memory_space<hbm>>
      %dma_wait3A_18 = tpu.memref_slice %arg2[%mul3A_13] : memref<320000xi32, #tpu.memory_space<hbm>> -> memref<10000xi32, #tpu.memory_space<hbm>>
      tpu.wait_dma2 semaphore(%run_scoped3A : memref<!tpu.dma_semaphore, #tpu.memory_space<semaphore_mem>>) src(%dma_wait3A_18 : memref<10000xi32, #tpu.memory_space<hbm>>) dst(%arg4 : memref<10000xi32, #tpu.memory_space<vmem>>)
      tpu.yield
    }) : () -> ()
    "tpu.region"() ({
      %run_scoped3A = tpu.sem_alloc : memref<!tpu.dma_semaphore, #tpu.memory_space<semaphore_mem>>
      %dma_start3A = arith.constant 0 : i32
      %dma_start3A_17 = tpu.memref_slice %arg7[%dma_start3A] : memref<10240xf32, #tpu.memory_space<vmem_shared>> -> memref<10240xf32, #tpu.memory_space<vmem_shared>>
      tpu.enqueue_indirect_dma source(%arg5 : memref<10000xf32, #tpu.memory_space<vmem>>) target(%dma_start3A_17 : memref<10240xf32, #tpu.memory_space<vmem_shared>>) offsets(%arg4 : memref<10000xi32, #tpu.memory_space<vmem>>) semaphore(%run_scoped3A : memref<!tpu.dma_semaphore, #tpu.memory_space<semaphore_mem>>) {add = true}
      %dma_wait3A = arith.constant 0 : i32
      %dma_wait3A_18 = tpu.memref_slice %arg7[%dma_wait3A] : memref<10240xf32, #tpu.memory_space<vmem_shared>> -> memref<10240xf32, #tpu.memory_space<vmem_shared>>
      tpu.wait_indirect_dma semaphore(%run_scoped3A : memref<!tpu.dma_semaphore, #tpu.memory_space<semaphore_mem>>) src(%arg5 : memref<10000xf32, #tpu.memory_space<vmem>>) dst(%dma_wait3A_18 : memref<10240xf32, #tpu.memory_space<vmem_shared>>)
      tpu.yield
    }) : () -> ()
    %barrier3A_14 = arith.constant 0 : index
    tpu.barrier barrier_id(%barrier3A_14)
    %eq3A = arith.constant 0 : i32
    %eq3A_15 = arith.cmpi eq, %arg1, %eq3A : i32
    %convert_element_type3A = arith.extui %eq3A_15 : i1 to i32
    %cond3A = arith.constant 0 : i32
    %cond3A_16 = arith.cmpi ne, %convert_element_type3A, %cond3A : i32
    scf.if %cond3A_16 {
      "tpu.region"() ({
        %run_scoped3A = tpu.sem_alloc : memref<!tpu.dma_semaphore, #tpu.memory_space<semaphore_mem>>
        %dma_start3A = arith.constant 0 : i32
        %dma_start3A_17 = tpu.memref_slice %arg3[%arg0, %dma_start3A] : memref<2x10240xf32, #tpu.memory_space<hbm>> -> memref<1x10240xf32, #tpu.memory_space<hbm>>
        %dma_start3A_18 = tpu.memref_squeeze %dma_start3A_17 : memref<1x10240xf32, #tpu.memory_space<hbm>> -> memref<10240xf32, #tpu.memory_space<hbm>>
        tpu.enqueue_dma source(%arg7 : memref<10240xf32, #tpu.memory_space<vmem_shared>>) target(%dma_start3A_18 : memref<10240xf32, #tpu.memory_space<hbm>>) target_semaphore(%run_scoped3A : memref<!tpu.dma_semaphore, #tpu.memory_space<semaphore_mem>>)
        %dma_wait3A = arith.constant 0 : i32
        %dma_wait3A_19 = tpu.memref_slice %arg3[%arg0, %dma_wait3A] : memref<2x10240xf32, #tpu.memory_space<hbm>> -> memref<1x10240xf32, #tpu.memory_space<hbm>>
        %dma_wait3A_20 = tpu.memref_squeeze %dma_wait3A_19 : memref<1x10240xf32, #tpu.memory_space<hbm>> -> memref<10240xf32, #tpu.memory_space<hbm>>
        tpu.wait_dma2 semaphore(%run_scoped3A : memref<!tpu.dma_semaphore, #tpu.memory_space<semaphore_mem>>) src(%arg7 : memref<10240xf32, #tpu.memory_space<vmem_shared>>) dst(%dma_wait3A_20 : memref<10240xf32, #tpu.memory_space<hbm>>)
        tpu.yield
      }) : () -> ()
    } else {
    }
    return
  }
}

#map = affine_map<(d0, d1) -> (0, 0)>
#map1 = affine_map<(d0, d1) -> (0)>
#map2 = affine_map<(d0, d1) -> (0, 0, 0)>
module attributes {stable_mosaic.version = 14 : i64} {
  func.func @agg(%arg0: i32, %arg1: i32, %arg2: memref<10000x32xf32, #tpu.memory_space<hbm>>, %arg3: memref<320000xi32, #tpu.memory_space<hbm>>, %arg4: memref<320000xi32, #tpu.memory_space<hbm>>, %arg5: memref<2x10240x32xf32, #tpu.memory_space<hbm>>, %arg6: memref<1000xi32, #tpu.memory_space<vmem>>, %arg7: memref<1000xi32, #tpu.memory_space<vmem>>, %arg8: memref<1000x32xf32, #tpu.memory_space<vmem>>, %arg9: memref<640x32xf32, #tpu.memory_space<vmem>>, %arg10: memref<10000x32xf32, #tpu.memory_space<vmem_shared>>, %arg11: memref<10240x32xf32, #tpu.memory_space<vmem_shared>>, %arg12: memref<!tpu.dma_semaphore, #tpu.memory_space<semaphore_mem>>) attributes {dimension_semantics = [#tpu.dimension_semantics<core_parallel>, #tpu.dimension_semantics<subcore_parallel>], iteration_bounds = array<i64: 2, 16>, scalar_prefetch = 0 : i64, scratch_operands = 7 : i64, tpu.core_type = #tpu.core_type<sc_vector_subcore>, window_params = [{transform_indices = #map}, {transform_indices = #map1}, {transform_indices = #map1}, {transform_indices = #map2}]} {
    %scan3A = arith.constant 0 : i32
    %scan3A_0 = arith.constant 640 : i32
    %scan3A_1 = arith.addi %scan3A, %scan3A_0 : i32
    %scan3A_2 = arith.constant 1 : i32
    scf.for %scan3A_22 = %scan3A to %scan3A_1 step %scan3A_2  : i32 {
      %mul3A_23 = arith.constant 1 : i32
      %mul3A_24 = arith.muli %scan3A_22, %mul3A_23 : i32
      %add3A_25 = arith.constant 0 : i32
      %add3A_26 = arith.addi %add3A_25, %mul3A_24 : i32
      %broadcast_in_dim3A = arith.constant 0.000000e+00 : f32
      %broadcast_in_dim3A_27 = vector.broadcast %broadcast_in_dim3A : f32 to vector<16xf32>
      %swap3A = arith.index_cast %add3A_26 : i32 to index
      %swap3A_28 = arith.constant 0 : index
      %swap3A_29 = tpu.vector_load %arg9[%swap3A, %swap3A_28] {strides = array<i32>} : memref<640x32xf32, #tpu.memory_space<vmem>>, vector<16xf32>,
      tpu.vector_store %arg9[%swap3A, %swap3A_28], %broadcast_in_dim3A_27 {strides = array<i32>} : memref<640x32xf32, #tpu.memory_space<vmem>>, vector<16xf32>,
      %broadcast_in_dim3A_30 = arith.constant 0.000000e+00 : f32
      %broadcast_in_dim3A_31 = vector.broadcast %broadcast_in_dim3A_30 : f32 to vector<16xf32>
      %swap3A_32 = arith.index_cast %add3A_26 : i32 to index
      %swap3A_33 = arith.constant 16 : index
      %swap3A_34 = tpu.vector_load %arg9[%swap3A_32, %swap3A_33] {strides = array<i32>} : memref<640x32xf32, #tpu.memory_space<vmem>>, vector<16xf32>,
      tpu.vector_store %arg9[%swap3A_32, %swap3A_33], %broadcast_in_dim3A_31 {strides = array<i32>} : memref<640x32xf32, #tpu.memory_space<vmem>>, vector<16xf32>,
    }
    %scan3A_3 = arith.constant 640 : i32
    %mul3A = arith.constant 640 : i32
    %mul3A_4 = arith.muli %arg1, %mul3A : i32
    "tpu.region"() ({
      %run_scoped3A = tpu.sem_alloc : memref<!tpu.dma_semaphore, #tpu.memory_space<semaphore_mem>>
      %dma_start3A = arith.constant 0 : i32
      %dma_start3A_22 = tpu.memref_slice %arg11[%mul3A_4, %dma_start3A] : memref<10240x32xf32, #tpu.memory_space<vmem_shared>> -> memref<640x32xf32, #tpu.memory_space<vmem_shared>>
      %dma_start3A_23 = arith.constant 0 : i32
      %dma_start3A_24 = tpu.memref_slice %arg11[%mul3A_4, %dma_start3A_23] : memref<10240x32xf32, #tpu.memory_space<vmem_shared>> -> memref<640x32xf32, #tpu.memory_space<vmem_shared>>
      tpu.enqueue_dma source(%arg9 : memref<640x32xf32, #tpu.memory_space<vmem>>) target(%dma_start3A_24 : memref<640x32xf32, #tpu.memory_space<vmem_shared>>) target_semaphore(%run_scoped3A : memref<!tpu.dma_semaphore, #tpu.memory_space<semaphore_mem>>)
      %dma_wait3A = arith.constant 0 : i32
      %dma_wait3A_25 = tpu.memref_slice %arg11[%mul3A_4, %dma_wait3A] : memref<10240x32xf32, #tpu.memory_space<vmem_shared>> -> memref<640x32xf32, #tpu.memory_space<vmem_shared>>
      %dma_wait3A_26 = arith.constant 0 : i32
      %dma_wait3A_27 = tpu.memref_slice %arg11[%mul3A_4, %dma_wait3A_26] : memref<10240x32xf32, #tpu.memory_space<vmem_shared>> -> memref<640x32xf32, #tpu.memory_space<vmem_shared>>
      tpu.wait_dma2 semaphore(%run_scoped3A : memref<!tpu.dma_semaphore, #tpu.memory_space<semaphore_mem>>) src(%arg9 : memref<640x32xf32, #tpu.memory_space<vmem>>) dst(%dma_wait3A_27 : memref<640x32xf32, #tpu.memory_space<vmem_shared>>)
      tpu.yield
    }) : () -> ()
    %eq3A = arith.constant 0 : i32
    %eq3A_5 = arith.cmpi eq, %arg1, %eq3A : i32
    %convert_element_type3A = arith.extui %eq3A_5 : i1 to i32
    %cond3A = arith.constant 0 : i32
    %cond3A_6 = arith.cmpi ne, %convert_element_type3A, %cond3A : i32
    scf.if %cond3A_6 {
      "tpu.region"() ({
        %run_scoped3A = tpu.sem_alloc : memref<!tpu.dma_semaphore, #tpu.memory_space<semaphore_mem>>
        tpu.enqueue_dma source(%arg2 : memref<10000x32xf32, #tpu.memory_space<hbm>>) target(%arg10 : memref<10000x32xf32, #tpu.memory_space<vmem_shared>>) target_semaphore(%run_scoped3A : memref<!tpu.dma_semaphore, #tpu.memory_space<semaphore_mem>>)
        tpu.wait_dma2 semaphore(%run_scoped3A : memref<!tpu.dma_semaphore, #tpu.memory_space<semaphore_mem>>) src(%arg2 : memref<10000x32xf32, #tpu.memory_space<hbm>>) dst(%arg10 : memref<10000x32xf32, #tpu.memory_space<vmem_shared>>)
        tpu.yield
      }) : () -> ()
    } else {
    }
    %barrier3A = arith.constant 0 : index
    tpu.barrier barrier_id(%barrier3A)
    %mul3A_7 = arith.constant 16 : i32
    %mul3A_8 = arith.muli %arg0, %mul3A_7 : i32
    %add3A = arith.addi %mul3A_8, %arg1 : i32
    %mul3A_9 = arith.constant 10000 : i32
    %mul3A_10 = arith.muli %add3A, %mul3A_9 : i32
    %scan3A_11 = arith.constant 0 : i32
    %scan3A_12 = arith.constant 10 : i32
    %scan3A_13 = arith.addi %scan3A_11, %scan3A_12 : i32
    %scan3A_14 = arith.constant 1 : i32
    scf.for %scan3A_22 = %scan3A_11 to %scan3A_13 step %scan3A_14  : i32 {
      %mul3A_23 = arith.constant 1 : i32
      %mul3A_24 = arith.muli %scan3A_22, %mul3A_23 : i32
      %add3A_25 = arith.constant 0 : i32
      %add3A_26 = arith.addi %add3A_25, %mul3A_24 : i32
      %mul3A_27 = arith.constant 1000 : i32
      %mul3A_28 = arith.muli %add3A_26, %mul3A_27 : i32
      %add3A_29 = arith.addi %mul3A_10, %mul3A_28 : i32
      "tpu.region"() ({
        %run_scoped3A = tpu.sem_alloc : memref<!tpu.dma_semaphore, #tpu.memory_space<semaphore_mem>>
        %dma_start3A_34 = tpu.memref_slice %arg3[%add3A_29] : memref<320000xi32, #tpu.memory_space<hbm>> -> memref<1000xi32, #tpu.memory_space<hbm>>
        %dma_start3A_35 = tpu.memref_slice %arg3[%add3A_29] : memref<320000xi32, #tpu.memory_space<hbm>> -> memref<1000xi32, #tpu.memory_space<hbm>>
        tpu.enqueue_dma source(%dma_start3A_35 : memref<1000xi32, #tpu.memory_space<hbm>>) target(%arg6 : memref<1000xi32, #tpu.memory_space<vmem>>) target_semaphore(%run_scoped3A : memref<!tpu.dma_semaphore, #tpu.memory_space<semaphore_mem>>)
        %dma_wait3A_36 = tpu.memref_slice %arg3[%add3A_29] : memref<320000xi32, #tpu.memory_space<hbm>> -> memref<1000xi32, #tpu.memory_space<hbm>>
        %dma_wait3A_37 = tpu.memref_slice %arg3[%add3A_29] : memref<320000xi32, #tpu.memory_space<hbm>> -> memref<1000xi32, #tpu.memory_space<hbm>>
        tpu.wait_dma2 semaphore(%run_scoped3A : memref<!tpu.dma_semaphore, #tpu.memory_space<semaphore_mem>>) src(%dma_wait3A_37 : memref<1000xi32, #tpu.memory_space<hbm>>) dst(%arg6 : memref<1000xi32, #tpu.memory_space<vmem>>)
        tpu.yield
      }) : () -> ()
      "tpu.region"() ({
        %run_scoped3A = tpu.sem_alloc : memref<!tpu.dma_semaphore, #tpu.memory_space<semaphore_mem>>
        %dma_start3A_34 = tpu.memref_slice %arg4[%add3A_29] : memref<320000xi32, #tpu.memory_space<hbm>> -> memref<1000xi32, #tpu.memory_space<hbm>>
        %dma_start3A_35 = tpu.memref_slice %arg4[%add3A_29] : memref<320000xi32, #tpu.memory_space<hbm>> -> memref<1000xi32, #tpu.memory_space<hbm>>
        tpu.enqueue_dma source(%dma_start3A_35 : memref<1000xi32, #tpu.memory_space<hbm>>) target(%arg7 : memref<1000xi32, #tpu.memory_space<vmem>>) target_semaphore(%run_scoped3A : memref<!tpu.dma_semaphore, #tpu.memory_space<semaphore_mem>>)
        %dma_wait3A_36 = tpu.memref_slice %arg4[%add3A_29] : memref<320000xi32, #tpu.memory_space<hbm>> -> memref<1000xi32, #tpu.memory_space<hbm>>
        %dma_wait3A_37 = tpu.memref_slice %arg4[%add3A_29] : memref<320000xi32, #tpu.memory_space<hbm>> -> memref<1000xi32, #tpu.memory_space<hbm>>
        tpu.wait_dma2 semaphore(%run_scoped3A : memref<!tpu.dma_semaphore, #tpu.memory_space<semaphore_mem>>) src(%dma_wait3A_37 : memref<1000xi32, #tpu.memory_space<hbm>>) dst(%arg7 : memref<1000xi32, #tpu.memory_space<vmem>>)
        tpu.yield
      }) : () -> ()
      %dma_start3A = arith.constant 0 : i32
      %dma_start3A_30 = arith.constant 0 : i32
      %dma_start3A_31 = tpu.memref_slice %arg10[%dma_start3A, %dma_start3A_30] : memref<10000x32xf32, #tpu.memory_space<vmem_shared>> -> memref<10000x32xf32, #tpu.memory_space<vmem_shared>>
      tpu.enqueue_indirect_dma source(%dma_start3A_31 : memref<10000x32xf32, #tpu.memory_space<vmem_shared>>) target(%arg8 : memref<1000x32xf32, #tpu.memory_space<vmem>>) offsets(%arg6 : memref<1000xi32, #tpu.memory_space<vmem>>) semaphore(%arg12 : memref<!tpu.dma_semaphore, #tpu.memory_space<semaphore_mem>>)
      %dma_wait3A = arith.constant 0 : i32
      %dma_wait3A_32 = arith.constant 0 : i32
      %dma_wait3A_33 = tpu.memref_slice %arg10[%dma_wait3A, %dma_wait3A_32] : memref<10000x32xf32, #tpu.memory_space<vmem_shared>> -> memref<10000x32xf32, #tpu.memory_space<vmem_shared>>
      tpu.wait_indirect_dma semaphore(%arg12 : memref<!tpu.dma_semaphore, #tpu.memory_space<semaphore_mem>>) src(%dma_wait3A_33 : memref<10000x32xf32, #tpu.memory_space<vmem_shared>>) dst(%arg8 : memref<1000x32xf32, #tpu.memory_space<vmem>>)
      "tpu.region"() ({
        %run_scoped3A = tpu.sem_alloc : memref<!tpu.dma_semaphore, #tpu.memory_space<semaphore_mem>>
        %dma_start3A_34 = arith.constant 0 : i32
        %dma_start3A_35 = arith.constant 0 : i32
        %dma_start3A_36 = tpu.memref_slice %arg11[%dma_start3A_34, %dma_start3A_35] : memref<10240x32xf32, #tpu.memory_space<vmem_shared>> -> memref<10240x32xf32, #tpu.memory_space<vmem_shared>>
        tpu.enqueue_indirect_dma source(%arg8 : memref<1000x32xf32, #tpu.memory_space<vmem>>) target(%dma_start3A_36 : memref<10240x32xf32, #tpu.memory_space<vmem_shared>>) offsets(%arg7 : memref<1000xi32, #tpu.memory_space<vmem>>) semaphore(%run_scoped3A : memref<!tpu.dma_semaphore, #tpu.memory_space<semaphore_mem>>) {add = true}
        %dma_wait3A_37 = arith.constant 0 : i32
        %dma_wait3A_38 = arith.constant 0 : i32
        %dma_wait3A_39 = tpu.memref_slice %arg11[%dma_wait3A_37, %dma_wait3A_38] : memref<10240x32xf32, #tpu.memory_space<vmem_shared>> -> memref<10240x32xf32, #tpu.memory_space<vmem_shared>>
        tpu.wait_indirect_dma semaphore(%run_scoped3A : memref<!tpu.dma_semaphore, #tpu.memory_space<semaphore_mem>>) src(%arg8 : memref<1000x32xf32, #tpu.memory_space<vmem>>) dst(%dma_wait3A_39 : memref<10240x32xf32, #tpu.memory_space<vmem_shared>>)
        tpu.yield
      }) : () -> ()
    }
    %scan3A_15 = arith.constant 10 : i32
    %barrier3A_16 = arith.constant 0 : index
    tpu.barrier barrier_id(%barrier3A_16)
    %eq3A_17 = arith.constant 0 : i32
    %eq3A_18 = arith.cmpi eq, %arg1, %eq3A_17 : i32
    %convert_element_type3A_19 = arith.extui %eq3A_18 : i1 to i32
    %cond3A_20 = arith.constant 0 : i32
    %cond3A_21 = arith.cmpi ne, %convert_element_type3A_19, %cond3A_20 : i32
    scf.if %cond3A_21 {
      "tpu.region"() ({
        %run_scoped3A = tpu.sem_alloc : memref<!tpu.dma_semaphore, #tpu.memory_space<semaphore_mem>>
        %dma_start3A = arith.constant 0 : i32
        %dma_start3A_22 = arith.constant 0 : i32
        %dma_start3A_23 = tpu.memref_slice %arg5[%arg0, %dma_start3A, %dma_start3A_22] : memref<2x10240x32xf32, #tpu.memory_space<hbm>> -> memref<1x10240x32xf32, #tpu.memory_space<hbm>>
        %dma_start3A_24 = tpu.memref_squeeze %dma_start3A_23 : memref<1x10240x32xf32, #tpu.memory_space<hbm>> -> memref<10240x32xf32, #tpu.memory_space<hbm>>
        tpu.enqueue_dma source(%arg11 : memref<10240x32xf32, #tpu.memory_space<vmem_shared>>) target(%dma_start3A_24 : memref<10240x32xf32, #tpu.memory_space<hbm>>) target_semaphore(%run_scoped3A : memref<!tpu.dma_semaphore, #tpu.memory_space<semaphore_mem>>)
        %dma_wait3A = arith.constant 0 : i32
        %dma_wait3A_25 = arith.constant 0 : i32
        %dma_wait3A_26 = tpu.memref_slice %arg5[%arg0, %dma_wait3A, %dma_wait3A_25] : memref<2x10240x32xf32, #tpu.memory_space<hbm>> -> memref<1x10240x32xf32, #tpu.memory_space<hbm>>
        %dma_wait3A_27 = tpu.memref_squeeze %dma_wait3A_26 : memref<1x10240x32xf32, #tpu.memory_space<hbm>> -> memref<10240x32xf32, #tpu.memory_space<hbm>>
        tpu.wait_dma2 semaphore(%run_scoped3A : memref<!tpu.dma_semaphore, #tpu.memory_space<semaphore_mem>>) src(%arg11 : memref<10240x32xf32, #tpu.memory_space<vmem_shared>>) dst(%dma_wait3A_27 : memref<10240x32xf32, #tpu.memory_space<hbm>>)
        tpu.yield
      }) : () -> ()
    } else {
    }
    return
  }
}

#map = affine_map<(d0, d1) -> (0)>
#map1 = affine_map<(d0, d1) -> (0, 0)>
module attributes {stable_mosaic.version = 14 : i64} {
  func.func @score(%arg0: i32, %arg1: i32, %arg2: memref<320000xi32, #tpu.memory_space<hbm>>, %arg3: memref<320000xi32, #tpu.memory_space<hbm>>, %arg4: memref<10000xf32, #tpu.memory_space<hbm>>, %arg5: memref<10000xf32, #tpu.memory_space<hbm>>, %arg6: memref<320000xf32, #tpu.memory_space<hbm>>, %arg7: memref<320000xi32, #tpu.memory_space<hbm>>, %arg8: memref<2x10240xf32, #tpu.memory_space<hbm>>, %arg9: memref<10000xf32, #tpu.memory_space<vmem>>, %arg10: memref<10000xf32, #tpu.memory_space<vmem>>, %arg11: memref<2000xi32, #tpu.memory_space<vmem>>, %arg12: memref<2000xi32, #tpu.memory_space<vmem>>, %arg13: memref<2000xf32, #tpu.memory_space<vmem>>, %arg14: memref<2000xi32, #tpu.memory_space<vmem>>, %arg15: memref<2000xf32, #tpu.memory_space<vmem>>, %arg16: memref<640xf32, #tpu.memory_space<vmem>>, %arg17: memref<10240xf32, #tpu.memory_space<vmem_shared>>) attributes {dimension_semantics = [#tpu.dimension_semantics<core_parallel>, #tpu.dimension_semantics<subcore_parallel>], iteration_bounds = array<i64: 2, 16>, scalar_prefetch = 0 : i64, scratch_operands = 9 : i64, tpu.core_type = #tpu.core_type<sc_vector_subcore>, window_params = [{transform_indices = #map}, {transform_indices = #map}, {transform_indices = #map}, {transform_indices = #map}, {transform_indices = #map}, {transform_indices = #map}, {transform_indices = #map1}]} {
    %scan3A = arith.constant 0 : i32
    %scan3A_0 = arith.constant 40 : i32
    %scan3A_1 = arith.addi %scan3A, %scan3A_0 : i32
    %scan3A_2 = arith.constant 1 : i32
    scf.for %scan3A_17 = %scan3A to %scan3A_1 step %scan3A_2  : i32 {
      %mul3A_18 = arith.constant 1 : i32
      %mul3A_19 = arith.muli %scan3A_17, %mul3A_18 : i32
      %add3A_20 = arith.constant 0 : i32
      %add3A_21 = arith.addi %add3A_20, %mul3A_19 : i32
      %broadcast_in_dim3A = arith.constant 0.000000e+00 : f32
      %broadcast_in_dim3A_22 = vector.broadcast %broadcast_in_dim3A : f32 to vector<16xf32>
      %mul3A_23 = arith.constant 16 : i32
      %mul3A_24 = arith.muli %add3A_21, %mul3A_23 : i32
      %swap3A = arith.index_cast %mul3A_24 : i32 to index
      %swap3A_25 = tpu.vector_load %arg16[%swap3A] {strides = array<i32>} : memref<640xf32, #tpu.memory_space<vmem>>, vector<16xf32>,
      tpu.vector_store %arg16[%swap3A], %broadcast_in_dim3A_22 {strides = array<i32>} : memref<640xf32, #tpu.memory_space<vmem>>, vector<16xf32>,
    }
    %scan3A_3 = arith.constant 40 : i32
    %mul3A = arith.constant 640 : i32
    %mul3A_4 = arith.muli %arg1, %mul3A : i32
    "tpu.region"() ({
      %run_scoped3A = tpu.sem_alloc : memref<!tpu.dma_semaphore, #tpu.memory_space<semaphore_mem>>
      %dma_start3A = tpu.memref_slice %arg17[%mul3A_4] : memref<10240xf32, #tpu.memory_space<vmem_shared>> -> memref<640xf32, #tpu.memory_space<vmem_shared>>
      %dma_start3A_17 = tpu.memref_slice %arg17[%mul3A_4] : memref<10240xf32, #tpu.memory_space<vmem_shared>> -> memref<640xf32, #tpu.memory_space<vmem_shared>>
      tpu.enqueue_dma source(%arg16 : memref<640xf32, #tpu.memory_space<vmem>>) target(%dma_start3A_17 : memref<640xf32, #tpu.memory_space<vmem_shared>>) target_semaphore(%run_scoped3A : memref<!tpu.dma_semaphore, #tpu.memory_space<semaphore_mem>>)
      %dma_wait3A = tpu.memref_slice %arg17[%mul3A_4] : memref<10240xf32, #tpu.memory_space<vmem_shared>> -> memref<640xf32, #tpu.memory_space<vmem_shared>>
      %dma_wait3A_18 = tpu.memref_slice %arg17[%mul3A_4] : memref<10240xf32, #tpu.memory_space<vmem_shared>> -> memref<640xf32, #tpu.memory_space<vmem_shared>>
      tpu.wait_dma2 semaphore(%run_scoped3A : memref<!tpu.dma_semaphore, #tpu.memory_space<semaphore_mem>>) src(%arg16 : memref<640xf32, #tpu.memory_space<vmem>>) dst(%dma_wait3A_18 : memref<640xf32, #tpu.memory_space<vmem_shared>>)
      tpu.yield
    }) : () -> ()
    "tpu.region"() ({
      %run_scoped3A = tpu.sem_alloc : memref<!tpu.dma_semaphore, #tpu.memory_space<semaphore_mem>>
      tpu.enqueue_dma source(%arg4 : memref<10000xf32, #tpu.memory_space<hbm>>) target(%arg9 : memref<10000xf32, #tpu.memory_space<vmem>>) target_semaphore(%run_scoped3A : memref<!tpu.dma_semaphore, #tpu.memory_space<semaphore_mem>>)
      tpu.wait_dma2 semaphore(%run_scoped3A : memref<!tpu.dma_semaphore, #tpu.memory_space<semaphore_mem>>) src(%arg4 : memref<10000xf32, #tpu.memory_space<hbm>>) dst(%arg9 : memref<10000xf32, #tpu.memory_space<vmem>>)
      tpu.yield
    }) : () -> ()
    "tpu.region"() ({
      %run_scoped3A = tpu.sem_alloc : memref<!tpu.dma_semaphore, #tpu.memory_space<semaphore_mem>>
      tpu.enqueue_dma source(%arg5 : memref<10000xf32, #tpu.memory_space<hbm>>) target(%arg10 : memref<10000xf32, #tpu.memory_space<vmem>>) target_semaphore(%run_scoped3A : memref<!tpu.dma_semaphore, #tpu.memory_space<semaphore_mem>>)
      tpu.wait_dma2 semaphore(%run_scoped3A : memref<!tpu.dma_semaphore, #tpu.memory_space<semaphore_mem>>) src(%arg5 : memref<10000xf32, #tpu.memory_space<hbm>>) dst(%arg10 : memref<10000xf32, #tpu.memory_space<vmem>>)
      tpu.yield
    }) : () -> ()
    %barrier3A = arith.constant 0 : index
    tpu.barrier barrier_id(%barrier3A)
    %mul3A_5 = arith.constant 16 : i32
    %mul3A_6 = arith.muli %arg0, %mul3A_5 : i32
    %add3A = arith.addi %mul3A_6, %arg1 : i32
    %mul3A_7 = arith.constant 10000 : i32
    %mul3A_8 = arith.muli %add3A, %mul3A_7 : i32
    %scan3A_9 = arith.constant 0 : i32
    %scan3A_10 = arith.constant 5 : i32
    %scan3A_11 = arith.addi %scan3A_9, %scan3A_10 : i32
    %scan3A_12 = arith.constant 1 : i32
    scf.for %scan3A_17 = %scan3A_9 to %scan3A_11 step %scan3A_12  : i32 {
      %mul3A_18 = arith.constant 1 : i32
      %mul3A_19 = arith.muli %scan3A_17, %mul3A_18 : i32
      %add3A_20 = arith.constant 0 : i32
      %add3A_21 = arith.addi %add3A_20, %mul3A_19 : i32
      %mul3A_22 = arith.constant 2000 : i32
      %mul3A_23 = arith.muli %add3A_21, %mul3A_22 : i32
      %add3A_24 = arith.addi %mul3A_8, %mul3A_23 : i32
      "tpu.region"() ({
        %run_scoped3A = tpu.sem_alloc : memref<!tpu.dma_semaphore, #tpu.memory_space<semaphore_mem>>
        %dma_start3A = tpu.memref_slice %arg2[%add3A_24] : memref<320000xi32, #tpu.memory_space<hbm>> -> memref<2000xi32, #tpu.memory_space<hbm>>
        %dma_start3A_30 = tpu.memref_slice %arg2[%add3A_24] : memref<320000xi32, #tpu.memory_space<hbm>> -> memref<2000xi32, #tpu.memory_space<hbm>>
        tpu.enqueue_dma source(%dma_start3A_30 : memref<2000xi32, #tpu.memory_space<hbm>>) target(%arg11 : memref<2000xi32, #tpu.memory_space<vmem>>) target_semaphore(%run_scoped3A : memref<!tpu.dma_semaphore, #tpu.memory_space<semaphore_mem>>)
        %dma_wait3A = tpu.memref_slice %arg2[%add3A_24] : memref<320000xi32, #tpu.memory_space<hbm>> -> memref<2000xi32, #tpu.memory_space<hbm>>
        %dma_wait3A_31 = tpu.memref_slice %arg2[%add3A_24] : memref<320000xi32, #tpu.memory_space<hbm>> -> memref<2000xi32, #tpu.memory_space<hbm>>
        tpu.wait_dma2 semaphore(%run_scoped3A : memref<!tpu.dma_semaphore, #tpu.memory_space<semaphore_mem>>) src(%dma_wait3A_31 : memref<2000xi32, #tpu.memory_space<hbm>>) dst(%arg11 : memref<2000xi32, #tpu.memory_space<vmem>>)
        tpu.yield
      }) : () -> ()
      "tpu.region"() ({
        %run_scoped3A = tpu.sem_alloc : memref<!tpu.dma_semaphore, #tpu.memory_space<semaphore_mem>>
        %dma_start3A = tpu.memref_slice %arg3[%add3A_24] : memref<320000xi32, #tpu.memory_space<hbm>> -> memref<2000xi32, #tpu.memory_space<hbm>>
        %dma_start3A_30 = tpu.memref_slice %arg3[%add3A_24] : memref<320000xi32, #tpu.memory_space<hbm>> -> memref<2000xi32, #tpu.memory_space<hbm>>
        tpu.enqueue_dma source(%dma_start3A_30 : memref<2000xi32, #tpu.memory_space<hbm>>) target(%arg12 : memref<2000xi32, #tpu.memory_space<vmem>>) target_semaphore(%run_scoped3A : memref<!tpu.dma_semaphore, #tpu.memory_space<semaphore_mem>>)
        %dma_wait3A = tpu.memref_slice %arg3[%add3A_24] : memref<320000xi32, #tpu.memory_space<hbm>> -> memref<2000xi32, #tpu.memory_space<hbm>>
        %dma_wait3A_31 = tpu.memref_slice %arg3[%add3A_24] : memref<320000xi32, #tpu.memory_space<hbm>> -> memref<2000xi32, #tpu.memory_space<hbm>>
        tpu.wait_dma2 semaphore(%run_scoped3A : memref<!tpu.dma_semaphore, #tpu.memory_space<semaphore_mem>>) src(%dma_wait3A_31 : memref<2000xi32, #tpu.memory_space<hbm>>) dst(%arg12 : memref<2000xi32, #tpu.memory_space<vmem>>)
        tpu.yield
      }) : () -> ()
      %scan3A_25 = arith.constant 0 : i32
      %scan3A_26 = arith.constant 125 : i32
      %scan3A_27 = arith.addi %scan3A_25, %scan3A_26 : i32
      %scan3A_28 = arith.constant 1 : i32
      scf.for %scan3A_30 = %scan3A_25 to %scan3A_27 step %scan3A_28  : i32 {
        %mul3A_31 = arith.constant 1 : i32
        %mul3A_32 = arith.muli %scan3A_30, %mul3A_31 : i32
        %add3A_33 = arith.constant 0 : i32
        %add3A_34 = arith.addi %add3A_33, %mul3A_32 : i32
        %mul3A_35 = arith.constant 16 : i32
        %mul3A_36 = arith.muli %add3A_34, %mul3A_35 : i32
        %get3A = arith.index_cast %mul3A_36 : i32 to index
        %get3A_37 = tpu.vector_load %arg11[%get3A] {strides = array<i32>} : memref<2000xi32, #tpu.memory_space<vmem>>, vector<16xi32>,
        %mul3A_38 = arith.constant 16 : i32
        %mul3A_39 = arith.muli %add3A_34, %mul3A_38 : i32
        %get3A_40 = arith.index_cast %mul3A_39 : i32 to index
        %get3A_41 = tpu.vector_load %arg12[%get3A_40] {strides = array<i32>} : memref<2000xi32, #tpu.memory_space<vmem>>, vector<16xi32>,
        %gather3A = tpu.vector_load_idx %arg9[%get3A_37] : memref<10000xf32, #tpu.memory_space<vmem>>[vector<16xi32>], vector<16xf32>,
        %gather3A_42 = tpu.vector_load_idx %arg10[%get3A_41] : memref<10000xf32, #tpu.memory_space<vmem>>[vector<16xi32>], vector<16xf32>,
        %add3A_43 = arith.addf %gather3A, %gather3A_42 : vector<16xf32>
        %neg3A = arith.constant 0.000000e+00 : f32
        %neg3A_44 = vector.broadcast %neg3A : f32 to vector<16xf32>
        %neg3A_45 = arith.subf %neg3A_44, %add3A_43 : vector<16xf32>
        %exp3A = math.exp %neg3A_45 : vector<16xf32>
        %add3A_46 = arith.constant 1.000000e+00 : f32
        %add3A_47 = vector.broadcast %add3A_46 : f32 to vector<16xf32>
        %add3A_48 = arith.addf %add3A_47, %exp3A : vector<16xf32>
        %div3A = arith.constant 1.000000e+00 : f32
        %div3A_49 = vector.broadcast %div3A : f32 to vector<16xf32>
        %div3A_50 = arith.divf %div3A_49, %add3A_48 : vector<16xf32>
        %ne3A = arith.cmpi ne, %get3A_37, %get3A_41 : vector<16xi32>
        %jit3A = arith.constant 0.000000e+00 : f32
        %broadcast_in_dim3A = vector.broadcast %jit3A : f32 to vector<16xf32>
        %select_n3A = arith.select %ne3A, %div3A_50, %broadcast_in_dim3A : vector<16xi1>, vector<16xf32>
        %mul3A_51 = arith.constant 16 : i32
        %mul3A_52 = arith.muli %add3A_34, %mul3A_51 : i32
        %swap3A = arith.index_cast %mul3A_52 : i32 to index
        %swap3A_53 = tpu.vector_load %arg13[%swap3A] {strides = array<i32>} : memref<2000xf32, #tpu.memory_space<vmem>>, vector<16xf32>,
        tpu.vector_store %arg13[%swap3A], %select_n3A {strides = array<i32>} : memref<2000xf32, #tpu.memory_space<vmem>>, vector<16xf32>,
        %gt3A = arith.constant 0.000000e+00 : f32
        %gt3A_54 = vector.broadcast %gt3A : f32 to vector<16xf32>
        %gt3A_55 = arith.cmpf ogt, %add3A_43, %gt3A_54 : vector<16xf32>
        %and3A = arith.andi %ne3A, %gt3A_55 : vector<16xi1>
        %jit3A_56 = arith.constant 1 : i32
        %jit3A_57 = arith.constant 0 : i32
        %broadcast_in_dim3A_58 = vector.broadcast %jit3A_56 : i32 to vector<16xi32>
        %broadcast_in_dim3A_59 = vector.broadcast %jit3A_57 : i32 to vector<16xi32>
        %select_n3A_60 = arith.select %and3A, %broadcast_in_dim3A_58, %broadcast_in_dim3A_59 : vector<16xi1>, vector<16xi32>
        %mul3A_61 = arith.constant 16 : i32
        %mul3A_62 = arith.muli %add3A_34, %mul3A_61 : i32
        %swap3A_63 = arith.index_cast %mul3A_62 : i32 to index
        %swap3A_64 = tpu.vector_load %arg14[%swap3A_63] {strides = array<i32>} : memref<2000xi32, #tpu.memory_space<vmem>>, vector<16xi32>,
        tpu.vector_store %arg14[%swap3A_63], %select_n3A_60 {strides = array<i32>} : memref<2000xi32, #tpu.memory_space<vmem>>, vector<16xi32>,
        %jit3A_65 = arith.constant 1.000000e+00 : f32
        %jit3A_66 = arith.constant 0.000000e+00 : f32
        %broadcast_in_dim3A_67 = vector.broadcast %jit3A_65 : f32 to vector<16xf32>
        %broadcast_in_dim3A_68 = vector.broadcast %jit3A_66 : f32 to vector<16xf32>
        %select_n3A_69 = arith.select %and3A, %broadcast_in_dim3A_67, %broadcast_in_dim3A_68 : vector<16xi1>, vector<16xf32>
        %mul3A_70 = arith.constant 16 : i32
        %mul3A_71 = arith.muli %add3A_34, %mul3A_70 : i32
        %swap3A_72 = arith.index_cast %mul3A_71 : i32 to index
        %swap3A_73 = tpu.vector_load %arg15[%swap3A_72] {strides = array<i32>} : memref<2000xf32, #tpu.memory_space<vmem>>, vector<16xf32>,
        tpu.vector_store %arg15[%swap3A_72], %select_n3A_69 {strides = array<i32>} : memref<2000xf32, #tpu.memory_space<vmem>>, vector<16xf32>,
      }
      %scan3A_29 = arith.constant 125 : i32
      "tpu.region"() ({
        %run_scoped3A = tpu.sem_alloc : memref<!tpu.dma_semaphore, #tpu.memory_space<semaphore_mem>>
        %dma_start3A = tpu.memref_slice %arg6[%add3A_24] : memref<320000xf32, #tpu.memory_space<hbm>> -> memref<2000xf32, #tpu.memory_space<hbm>>
        %dma_start3A_30 = tpu.memref_slice %arg6[%add3A_24] : memref<320000xf32, #tpu.memory_space<hbm>> -> memref<2000xf32, #tpu.memory_space<hbm>>
        tpu.enqueue_dma source(%arg13 : memref<2000xf32, #tpu.memory_space<vmem>>) target(%dma_start3A_30 : memref<2000xf32, #tpu.memory_space<hbm>>) target_semaphore(%run_scoped3A : memref<!tpu.dma_semaphore, #tpu.memory_space<semaphore_mem>>)
        %dma_wait3A = tpu.memref_slice %arg6[%add3A_24] : memref<320000xf32, #tpu.memory_space<hbm>> -> memref<2000xf32, #tpu.memory_space<hbm>>
        %dma_wait3A_31 = tpu.memref_slice %arg6[%add3A_24] : memref<320000xf32, #tpu.memory_space<hbm>> -> memref<2000xf32, #tpu.memory_space<hbm>>
        tpu.wait_dma2 semaphore(%run_scoped3A : memref<!tpu.dma_semaphore, #tpu.memory_space<semaphore_mem>>) src(%arg13 : memref<2000xf32, #tpu.memory_space<vmem>>) dst(%dma_wait3A_31 : memref<2000xf32, #tpu.memory_space<hbm>>)
        tpu.yield
      }) : () -> ()
      "tpu.region"() ({
        %run_scoped3A = tpu.sem_alloc : memref<!tpu.dma_semaphore, #tpu.memory_space<semaphore_mem>>
        %dma_start3A = tpu.memref_slice %arg7[%add3A_24] : memref<320000xi32, #tpu.memory_space<hbm>> -> memref<2000xi32, #tpu.memory_space<hbm>>
        %dma_start3A_30 = tpu.memref_slice %arg7[%add3A_24] : memref<320000xi32, #tpu.memory_space<hbm>> -> memref<2000xi32, #tpu.memory_space<hbm>>
        tpu.enqueue_dma source(%arg14 : memref<2000xi32, #tpu.memory_space<vmem>>) target(%dma_start3A_30 : memref<2000xi32, #tpu.memory_space<hbm>>) target_semaphore(%run_scoped3A : memref<!tpu.dma_semaphore, #tpu.memory_space<semaphore_mem>>)
        %dma_wait3A = tpu.memref_slice %arg7[%add3A_24] : memref<320000xi32, #tpu.memory_space<hbm>> -> memref<2000xi32, #tpu.memory_space<hbm>>
        %dma_wait3A_31 = tpu.memref_slice %arg7[%add3A_24] : memref<320000xi32, #tpu.memory_space<hbm>> -> memref<2000xi32, #tpu.memory_space<hbm>>
        tpu.wait_dma2 semaphore(%run_scoped3A : memref<!tpu.dma_semaphore, #tpu.memory_space<semaphore_mem>>) src(%arg14 : memref<2000xi32, #tpu.memory_space<vmem>>) dst(%dma_wait3A_31 : memref<2000xi32, #tpu.memory_space<hbm>>)
        tpu.yield
      }) : () -> ()
      "tpu.region"() ({
        %run_scoped3A = tpu.sem_alloc : memref<!tpu.dma_semaphore, #tpu.memory_space<semaphore_mem>>
        %dma_start3A = arith.constant 0 : i32
        %dma_start3A_30 = tpu.memref_slice %arg17[%dma_start3A] : memref<10240xf32, #tpu.memory_space<vmem_shared>> -> memref<10240xf32, #tpu.memory_space<vmem_shared>>
        tpu.enqueue_indirect_dma source(%arg15 : memref<2000xf32, #tpu.memory_space<vmem>>) target(%dma_start3A_30 : memref<10240xf32, #tpu.memory_space<vmem_shared>>) offsets(%arg11 : memref<2000xi32, #tpu.memory_space<vmem>>) semaphore(%run_scoped3A : memref<!tpu.dma_semaphore, #tpu.memory_space<semaphore_mem>>) {add = true}
        %dma_wait3A = arith.constant 0 : i32
        %dma_wait3A_31 = tpu.memref_slice %arg17[%dma_wait3A] : memref<10240xf32, #tpu.memory_space<vmem_shared>> -> memref<10240xf32, #tpu.memory_space<vmem_shared>>
        tpu.wait_indirect_dma semaphore(%run_scoped3A : memref<!tpu.dma_semaphore, #tpu.memory_space<semaphore_mem>>) src(%arg15 : memref<2000xf32, #tpu.memory_space<vmem>>) dst(%dma_wait3A_31 : memref<10240xf32, #tpu.memory_space<vmem_shared>>)
        tpu.yield
      }) : () -> ()
      "tpu.region"() ({
        %run_scoped3A = tpu.sem_alloc : memref<!tpu.dma_semaphore, #tpu.memory_space<semaphore_mem>>
        %dma_start3A = arith.constant 0 : i32
        %dma_start3A_30 = tpu.memref_slice %arg17[%dma_start3A] : memref<10240xf32, #tpu.memory_space<vmem_shared>> -> memref<10240xf32, #tpu.memory_space<vmem_shared>>
        tpu.enqueue_indirect_dma source(%arg15 : memref<2000xf32, #tpu.memory_space<vmem>>) target(%dma_start3A_30 : memref<10240xf32, #tpu.memory_space<vmem_shared>>) offsets(%arg12 : memref<2000xi32, #tpu.memory_space<vmem>>) semaphore(%run_scoped3A : memref<!tpu.dma_semaphore, #tpu.memory_space<semaphore_mem>>) {add = true}
        %dma_wait3A = arith.constant 0 : i32
        %dma_wait3A_31 = tpu.memref_slice %arg17[%dma_wait3A] : memref<10240xf32, #tpu.memory_space<vmem_shared>> -> memref<10240xf32, #tpu.memory_space<vmem_shared>>
        tpu.wait_indirect_dma semaphore(%run_scoped3A : memref<!tpu.dma_semaphore, #tpu.memory_space<semaphore_mem>>) src(%arg15 : memref<2000xf32, #tpu.memory_space<vmem>>) dst(%dma_wait3A_31 : memref<10240xf32, #tpu.memory_space<vmem_shared>>)
        tpu.yield
      }) : () -> ()
    }
    %scan3A_13 = arith.constant 5 : i32
    %barrier3A_14 = arith.constant 0 : index
    tpu.barrier barrier_id(%barrier3A_14)
    %eq3A = arith.constant 0 : i32
    %eq3A_15 = arith.cmpi eq, %arg1, %eq3A : i32
    %convert_element_type3A = arith.extui %eq3A_15 : i1 to i32
    %cond3A = arith.constant 0 : i32
    %cond3A_16 = arith.cmpi ne, %convert_element_type3A, %cond3A : i32
    scf.if %cond3A_16 {
      "tpu.region"() ({
        %run_scoped3A = tpu.sem_alloc : memref<!tpu.dma_semaphore, #tpu.memory_space<semaphore_mem>>
        %dma_start3A = arith.constant 0 : i32
        %dma_start3A_17 = tpu.memref_slice %arg8[%arg0, %dma_start3A] : memref<2x10240xf32, #tpu.memory_space<hbm>> -> memref<1x10240xf32, #tpu.memory_space<hbm>>
        %dma_start3A_18 = tpu.memref_squeeze %dma_start3A_17 : memref<1x10240xf32, #tpu.memory_space<hbm>> -> memref<10240xf32, #tpu.memory_space<hbm>>
        tpu.enqueue_dma source(%arg17 : memref<10240xf32, #tpu.memory_space<vmem_shared>>) target(%dma_start3A_18 : memref<10240xf32, #tpu.memory_space<hbm>>) target_semaphore(%run_scoped3A : memref<!tpu.dma_semaphore, #tpu.memory_space<semaphore_mem>>)
        %dma_wait3A = arith.constant 0 : i32
        %dma_wait3A_19 = tpu.memref_slice %arg8[%arg0, %dma_wait3A] : memref<2x10240xf32, #tpu.memory_space<hbm>> -> memref<1x10240xf32, #tpu.memory_space<hbm>>
        %dma_wait3A_20 = tpu.memref_squeeze %dma_wait3A_19 : memref<1x10240xf32, #tpu.memory_space<hbm>> -> memref<10240xf32, #tpu.memory_space<hbm>>
        tpu.wait_dma2 semaphore(%run_scoped3A : memref<!tpu.dma_semaphore, #tpu.memory_space<semaphore_mem>>) src(%arg17 : memref<10240xf32, #tpu.memory_space<vmem_shared>>) dst(%dma_wait3A_20 : memref<10240xf32, #tpu.memory_space<hbm>>)
        tpu.yield
      }) : () -> ()
    } else {
    }
    return
  }
}

#map = affine_map<(d0, d1) -> (0)>
module attributes {stable_mosaic.version = 14 : i64} {
  func.func @cc(%arg0: i32, %arg1: i32, %arg2: memref<320000xi32, #tpu.memory_space<hbm>>, %arg3: memref<320000xi32, #tpu.memory_space<hbm>>, %arg4: memref<320000xi32, #tpu.memory_space<hbm>>, %arg5: memref<10240xi32, #tpu.memory_space<hbm>>, %arg6: memref<320000xi32, #tpu.memory_space<hbm>>, %arg7: memref<320000xi32, #tpu.memory_space<hbm>>, %arg8: memref<10240xi32, #tpu.memory_space<vmem>>, %arg9: memref<640xi32, #tpu.memory_space<vmem>>, %arg10: memref<640xi32, #tpu.memory_space<vmem>>, %arg11: memref<2000xi32, #tpu.memory_space<vmem>>, %arg12: memref<2000xi32, #tpu.memory_space<vmem>>, %arg13: memref<2000xi32, #tpu.memory_space<vmem>>, %arg14: memref<2000xi32, #tpu.memory_space<vmem>>, %arg15: memref<2000xi32, #tpu.memory_space<vmem>>, %arg16: memref<16xi32, #tpu.memory_space<vmem>>, %arg17: memref<16x16xi32, #tpu.memory_space<vmem>>, %arg18: memref<16x10240xi32, #tpu.memory_space<vmem_shared>>, %arg19: memref<10240xi32, #tpu.memory_space<vmem_shared>>, %arg20: memref<16x16xi32, #tpu.memory_space<vmem_shared>>) attributes {dimension_semantics = [#tpu.dimension_semantics<core_parallel>, #tpu.dimension_semantics<subcore_parallel>], iteration_bounds = array<i64: 2, 16>, scalar_prefetch = 0 : i64, scratch_operands = 13 : i64, tpu.core_type = #tpu.core_type<sc_vector_subcore>, window_params = [{transform_indices = #map}, {transform_indices = #map}, {transform_indices = #map}, {transform_indices = #map}, {transform_indices = #map}, {transform_indices = #map}]} {
    %eq3A = arith.constant 0 : i32
    %eq3A_0 = arith.cmpi eq, %arg0, %eq3A : i32
    %convert_element_type3A = arith.extui %eq3A_0 : i1 to i32
    %cond3A = arith.constant 0 : i32
    %cond3A_1 = arith.cmpi ne, %convert_element_type3A, %cond3A : i32
    scf.if %cond3A_1 {
      %iota3A = tpu.iota {dimensions = array<i32: 0>} : vector<16xi32>
      %scan3A = arith.constant 0 : i32
      %scan3A_2 = arith.constant 640 : i32
      %scan3A_3 = arith.addi %scan3A, %scan3A_2 : i32
      %scan3A_4 = arith.constant 1 : i32
      scf.for %scan3A_20 = %scan3A to %scan3A_3 step %scan3A_4  : i32 {
        %mul3A_21 = arith.constant 1 : i32
        %mul3A_22 = arith.muli %scan3A_20, %mul3A_21 : i32
        %add3A = arith.constant 0 : i32
        %add3A_23 = arith.addi %add3A, %mul3A_22 : i32
        %mul3A_24 = arith.constant 16 : i32
        %mul3A_25 = arith.muli %add3A_23, %mul3A_24 : i32
        %add3A_26 = vector.broadcast %mul3A_25 : i32 to vector<16xi32>
        %add3A_27 = arith.addi %iota3A, %add3A_26 : vector<16xi32>
        %mul3A_28 = arith.constant 16 : i32
        %mul3A_29 = arith.muli %add3A_23, %mul3A_28 : i32
        %swap3A = arith.index_cast %mul3A_29 : i32 to index
        %swap3A_30 = tpu.vector_load %arg8[%swap3A] {strides = array<i32>} : memref<10240xi32, #tpu.memory_space<vmem>>, vector<16xi32>,
        tpu.vector_store %arg8[%swap3A], %add3A_27 {strides = array<i32>} : memref<10240xi32, #tpu.memory_space<vmem>>, vector<16xi32>,
      }
      %scan3A_5 = arith.constant 640 : i32
      %mul3A = arith.constant 640 : i32
      %mul3A_6 = arith.muli %arg1, %mul3A : i32
      %mul3A_7 = arith.constant 640 : i32
      %mul3A_8 = arith.muli %arg1, %mul3A_7 : i32
      "tpu.region"() ({
        %run_scoped3A = tpu.sem_alloc : memref<!tpu.dma_semaphore, #tpu.memory_space<semaphore_mem>>
        %dma_start3A = tpu.memref_slice %arg8[%mul3A_6] : memref<10240xi32, #tpu.memory_space<vmem>> -> memref<640xi32, #tpu.memory_space<vmem>>
        %dma_start3A_20 = tpu.memref_slice %arg19[%mul3A_8] : memref<10240xi32, #tpu.memory_space<vmem_shared>> -> memref<640xi32, #tpu.memory_space<vmem_shared>>
        %dma_start3A_21 = tpu.memref_slice %arg19[%mul3A_8] : memref<10240xi32, #tpu.memory_space<vmem_shared>> -> memref<640xi32, #tpu.memory_space<vmem_shared>>
        %dma_start3A_22 = tpu.memref_slice %arg8[%mul3A_6] : memref<10240xi32, #tpu.memory_space<vmem>> -> memref<640xi32, #tpu.memory_space<vmem>>
        tpu.enqueue_dma source(%dma_start3A_22 : memref<640xi32, #tpu.memory_space<vmem>>) target(%dma_start3A_21 : memref<640xi32, #tpu.memory_space<vmem_shared>>) target_semaphore(%run_scoped3A : memref<!tpu.dma_semaphore, #tpu.memory_space<semaphore_mem>>)
        %dma_wait3A = tpu.memref_slice %arg8[%mul3A_6] : memref<10240xi32, #tpu.memory_space<vmem>> -> memref<640xi32, #tpu.memory_space<vmem>>
        %dma_wait3A_23 = tpu.memref_slice %arg19[%mul3A_8] : memref<10240xi32, #tpu.memory_space<vmem_shared>> -> memref<640xi32, #tpu.memory_space<vmem_shared>>
        %dma_wait3A_24 = tpu.memref_slice %arg19[%mul3A_8] : memref<10240xi32, #tpu.memory_space<vmem_shared>> -> memref<640xi32, #tpu.memory_space<vmem_shared>>
        %dma_wait3A_25 = tpu.memref_slice %arg8[%mul3A_6] : memref<10240xi32, #tpu.memory_space<vmem>> -> memref<640xi32, #tpu.memory_space<vmem>>
        tpu.wait_dma2 semaphore(%run_scoped3A : memref<!tpu.dma_semaphore, #tpu.memory_space<semaphore_mem>>) src(%dma_wait3A_25 : memref<640xi32, #tpu.memory_space<vmem>>) dst(%dma_wait3A_24 : memref<640xi32, #tpu.memory_space<vmem_shared>>)
        tpu.yield
      }) : () -> ()
      %barrier3A = arith.constant 0 : index
      tpu.barrier barrier_id(%barrier3A)
      %while3A = arith.constant 1 : i32
      %while3A_9 = scf.while (%while3A_20 = %while3A) : (i32) -> i32 {
        %gt3A = arith.constant 0 : i32
        %gt3A_21 = arith.cmpi sgt, %while3A_20, %gt3A : i32
        scf.condition(%gt3A_21) %while3A_20 : i32
      } do {
      ^bb0(%while3A_20: i32):
        %broadcast_in_dim3A = arith.constant 0 : i32
        %broadcast_in_dim3A_21 = vector.broadcast %broadcast_in_dim3A : i32 to vector<16xi32>
        %scan3A_22 = arith.constant 0 : i32
        %scan3A_23 = arith.constant 10 : i32
        %scan3A_24 = arith.addi %scan3A_22, %scan3A_23 : i32
        %scan3A_25 = arith.constant 1 : i32
        %scan3A_26 = scf.for %scan3A_246 = %scan3A_22 to %scan3A_24 step %scan3A_25 iter_args(%scan3A_247 = %broadcast_in_dim3A_21) -> (vector<16xi32>)  : i32 {
          %mul3A_248 = arith.constant 20000 : i32
          %mul3A_249 = arith.muli %arg1, %mul3A_248 : i32
          %mul3A_250 = arith.constant 2000 : i32
          %mul3A_251 = arith.muli %scan3A_246, %mul3A_250 : i32
          %add3A_252 = arith.addi %mul3A_249, %mul3A_251 : i32
          "tpu.region"() ({
            %run_scoped3A_259 = tpu.sem_alloc : memref<!tpu.dma_semaphore, #tpu.memory_space<semaphore_mem>>
            %dma_start3A = tpu.memref_slice %arg2[%add3A_252] : memref<320000xi32, #tpu.memory_space<hbm>> -> memref<2000xi32, #tpu.memory_space<hbm>>
            %dma_start3A_260 = tpu.memref_slice %arg2[%add3A_252] : memref<320000xi32, #tpu.memory_space<hbm>> -> memref<2000xi32, #tpu.memory_space<hbm>>
            tpu.enqueue_dma source(%dma_start3A_260 : memref<2000xi32, #tpu.memory_space<hbm>>) target(%arg11 : memref<2000xi32, #tpu.memory_space<vmem>>) target_semaphore(%run_scoped3A_259 : memref<!tpu.dma_semaphore, #tpu.memory_space<semaphore_mem>>)
            %dma_wait3A = tpu.memref_slice %arg2[%add3A_252] : memref<320000xi32, #tpu.memory_space<hbm>> -> memref<2000xi32, #tpu.memory_space<hbm>>
            %dma_wait3A_261 = tpu.memref_slice %arg2[%add3A_252] : memref<320000xi32, #tpu.memory_space<hbm>> -> memref<2000xi32, #tpu.memory_space<hbm>>
            tpu.wait_dma2 semaphore(%run_scoped3A_259 : memref<!tpu.dma_semaphore, #tpu.memory_space<semaphore_mem>>) src(%dma_wait3A_261 : memref<2000xi32, #tpu.memory_space<hbm>>) dst(%arg11 : memref<2000xi32, #tpu.memory_space<vmem>>)
            tpu.yield
          }) : () -> ()
          "tpu.region"() ({
            %run_scoped3A_259 = tpu.sem_alloc : memref<!tpu.dma_semaphore, #tpu.memory_space<semaphore_mem>>
            %dma_start3A = tpu.memref_slice %arg3[%add3A_252] : memref<320000xi32, #tpu.memory_space<hbm>> -> memref<2000xi32, #tpu.memory_space<hbm>>
            %dma_start3A_260 = tpu.memref_slice %arg3[%add3A_252] : memref<320000xi32, #tpu.memory_space<hbm>> -> memref<2000xi32, #tpu.memory_space<hbm>>
            tpu.enqueue_dma source(%dma_start3A_260 : memref<2000xi32, #tpu.memory_space<hbm>>) target(%arg12 : memref<2000xi32, #tpu.memory_space<vmem>>) target_semaphore(%run_scoped3A_259 : memref<!tpu.dma_semaphore, #tpu.memory_space<semaphore_mem>>)
            %dma_wait3A = tpu.memref_slice %arg3[%add3A_252] : memref<320000xi32, #tpu.memory_space<hbm>> -> memref<2000xi32, #tpu.memory_space<hbm>>
            %dma_wait3A_261 = tpu.memref_slice %arg3[%add3A_252] : memref<320000xi32, #tpu.memory_space<hbm>> -> memref<2000xi32, #tpu.memory_space<hbm>>
            tpu.wait_dma2 semaphore(%run_scoped3A_259 : memref<!tpu.dma_semaphore, #tpu.memory_space<semaphore_mem>>) src(%dma_wait3A_261 : memref<2000xi32, #tpu.memory_space<hbm>>) dst(%arg12 : memref<2000xi32, #tpu.memory_space<vmem>>)
            tpu.yield
          }) : () -> ()
          "tpu.region"() ({
            %run_scoped3A_259 = tpu.sem_alloc : memref<!tpu.dma_semaphore, #tpu.memory_space<semaphore_mem>>
            %dma_start3A = tpu.memref_slice %arg4[%add3A_252] : memref<320000xi32, #tpu.memory_space<hbm>> -> memref<2000xi32, #tpu.memory_space<hbm>>
            %dma_start3A_260 = tpu.memref_slice %arg4[%add3A_252] : memref<320000xi32, #tpu.memory_space<hbm>> -> memref<2000xi32, #tpu.memory_space<hbm>>
            tpu.enqueue_dma source(%dma_start3A_260 : memref<2000xi32, #tpu.memory_space<hbm>>) target(%arg13 : memref<2000xi32, #tpu.memory_space<vmem>>) target_semaphore(%run_scoped3A_259 : memref<!tpu.dma_semaphore, #tpu.memory_space<semaphore_mem>>)
            %dma_wait3A = tpu.memref_slice %arg4[%add3A_252] : memref<320000xi32, #tpu.memory_space<hbm>> -> memref<2000xi32, #tpu.memory_space<hbm>>
            %dma_wait3A_261 = tpu.memref_slice %arg4[%add3A_252] : memref<320000xi32, #tpu.memory_space<hbm>> -> memref<2000xi32, #tpu.memory_space<hbm>>
            tpu.wait_dma2 semaphore(%run_scoped3A_259 : memref<!tpu.dma_semaphore, #tpu.memory_space<semaphore_mem>>) src(%dma_wait3A_261 : memref<2000xi32, #tpu.memory_space<hbm>>) dst(%arg13 : memref<2000xi32, #tpu.memory_space<vmem>>)
            tpu.yield
          }) : () -> ()
          %scan3A_253 = arith.constant 0 : i32
          %scan3A_254 = arith.constant 125 : i32
          %scan3A_255 = arith.addi %scan3A_253, %scan3A_254 : i32
          %scan3A_256 = arith.constant 1 : i32
          %scan3A_257 = scf.for %scan3A_259 = %scan3A_253 to %scan3A_255 step %scan3A_256 iter_args(%scan3A_260 = %scan3A_247) -> (vector<16xi32>)  : i32 {
            %mul3A_261 = arith.constant 16 : i32
            %mul3A_262 = arith.muli %scan3A_259, %mul3A_261 : i32
            %get3A_263 = arith.index_cast %mul3A_262 : i32 to index
            %get3A_264 = tpu.vector_load %arg11[%get3A_263] {strides = array<i32>} : memref<2000xi32, #tpu.memory_space<vmem>>, vector<16xi32>,
            %mul3A_265 = arith.constant 16 : i32
            %mul3A_266 = arith.muli %scan3A_259, %mul3A_265 : i32
            %get3A_267 = arith.index_cast %mul3A_266 : i32 to index
            %get3A_268 = tpu.vector_load %arg12[%get3A_267] {strides = array<i32>} : memref<2000xi32, #tpu.memory_space<vmem>>, vector<16xi32>,
            %mul3A_269 = arith.constant 16 : i32
            %mul3A_270 = arith.muli %scan3A_259, %mul3A_269 : i32
            %get3A_271 = arith.index_cast %mul3A_270 : i32 to index
            %get3A_272 = tpu.vector_load %arg13[%get3A_271] {strides = array<i32>} : memref<2000xi32, #tpu.memory_space<vmem>>, vector<16xi32>,
            %gather3A = tpu.vector_load_idx %arg8[%get3A_264] : memref<10240xi32, #tpu.memory_space<vmem>>[vector<16xi32>], vector<16xi32>,
            %gather3A_273 = tpu.vector_load_idx %arg8[%get3A_268] : memref<10240xi32, #tpu.memory_space<vmem>>[vector<16xi32>], vector<16xi32>,
            %max3A = arith.maxsi %gather3A, %gather3A_273 : vector<16xi32>
            %min3A = arith.minsi %gather3A, %gather3A_273 : vector<16xi32>
            %gt3A = arith.constant 0 : i32
            %gt3A_274 = vector.broadcast %gt3A : i32 to vector<16xi32>
            %gt3A_275 = arith.cmpi sgt, %get3A_272, %gt3A_274 : vector<16xi32>
            %ne3A = arith.cmpi ne, %max3A, %min3A : vector<16xi32>
            %and3A = arith.andi %gt3A_275, %ne3A : vector<16xi1>
            %gather3A_276 = tpu.vector_load_idx %arg8[%max3A] : memref<10240xi32, #tpu.memory_space<vmem>>[vector<16xi32>], vector<16xi32>,
            %min3A_277 = arith.minsi %gather3A_276, %min3A : vector<16xi32>
            tpu.vector_store_idx %arg8[%max3A], %min3A_277 masked %and3A : memref<10240xi32, #tpu.memory_space<vmem>>[vector<16xi32>], vector<16xi32>, vector<16xi1>
            %jit3A = arith.constant 1 : i32
            %jit3A_278 = arith.constant 0 : i32
            %broadcast_in_dim3A_279 = vector.broadcast %jit3A : i32 to vector<16xi32>
            %broadcast_in_dim3A_280 = vector.broadcast %jit3A_278 : i32 to vector<16xi32>
            %select_n3A = arith.select %and3A, %broadcast_in_dim3A_279, %broadcast_in_dim3A_280 : vector<16xi1>, vector<16xi32>
            %add3A_281 = arith.addi %scan3A_260, %select_n3A : vector<16xi32>
            scf.yield %add3A_281 : vector<16xi32>
          }
          %scan3A_258 = arith.constant 125 : i32
          scf.yield %scan3A_257 : vector<16xi32>
        }
        %scan3A_27 = arith.constant 10 : i32
        "tpu.region"() ({
          %run_scoped3A_246 = tpu.sem_alloc : memref<!tpu.dma_semaphore, #tpu.memory_space<semaphore_mem>>
          %dma_start3A = arith.constant 0 : i32
          %dma_start3A_247 = tpu.memref_slice %arg18[%arg1, %dma_start3A] : memref<16x10240xi32, #tpu.memory_space<vmem_shared>> -> memref<1x10240xi32, #tpu.memory_space<vmem_shared>>
          %dma_start3A_248 = tpu.memref_squeeze %dma_start3A_247 : memref<1x10240xi32, #tpu.memory_space<vmem_shared>> -> memref<10240xi32, #tpu.memory_space<vmem_shared>>
          %dma_start3A_249 = arith.constant 0 : i32
          %dma_start3A_250 = tpu.memref_slice %arg18[%arg1, %dma_start3A_249] : memref<16x10240xi32, #tpu.memory_space<vmem_shared>> -> memref<1x10240xi32, #tpu.memory_space<vmem_shared>>
          %dma_start3A_251 = tpu.memref_squeeze %dma_start3A_250 : memref<1x10240xi32, #tpu.memory_space<vmem_shared>> -> memref<10240xi32, #tpu.memory_space<vmem_shared>>
          tpu.enqueue_dma source(%arg8 : memref<10240xi32, #tpu.memory_space<vmem>>) target(%dma_start3A_251 : memref<10240xi32, #tpu.memory_space<vmem_shared>>) target_semaphore(%run_scoped3A_246 : memref<!tpu.dma_semaphore, #tpu.memory_space<semaphore_mem>>)
          %dma_wait3A = arith.constant 0 : i32
          %dma_wait3A_252 = tpu.memref_slice %arg18[%arg1, %dma_wait3A] : memref<16x10240xi32, #tpu.memory_space<vmem_shared>> -> memref<1x10240xi32, #tpu.memory_space<vmem_shared>>
          %dma_wait3A_253 = tpu.memref_squeeze %dma_wait3A_252 : memref<1x10240xi32, #tpu.memory_space<vmem_shared>> -> memref<10240xi32, #tpu.memory_space<vmem_shared>>
          %dma_wait3A_254 = arith.constant 0 : i32
          %dma_wait3A_255 = tpu.memref_slice %arg18[%arg1, %dma_wait3A_254] : memref<16x10240xi32, #tpu.memory_space<vmem_shared>> -> memref<1x10240xi32, #tpu.memory_space<vmem_shared>>
          %dma_wait3A_256 = tpu.memref_squeeze %dma_wait3A_255 : memref<1x10240xi32, #tpu.memory_space<vmem_shared>> -> memref<10240xi32, #tpu.memory_space<vmem_shared>>
          tpu.wait_dma2 semaphore(%run_scoped3A_246 : memref<!tpu.dma_semaphore, #tpu.memory_space<semaphore_mem>>) src(%arg8 : memref<10240xi32, #tpu.memory_space<vmem>>) dst(%dma_wait3A_256 : memref<10240xi32, #tpu.memory_space<vmem_shared>>)
          tpu.yield
        }) : () -> ()
        %swap3A = arith.constant 0 : index
        %swap3A_28 = tpu.vector_load %arg16[%swap3A] {strides = array<i32>} : memref<16xi32, #tpu.memory_space<vmem>>, vector<16xi32>,
        tpu.vector_store %arg16[%swap3A], %scan3A_26 {strides = array<i32>} : memref<16xi32, #tpu.memory_space<vmem>>, vector<16xi32>,
        "tpu.region"() ({
          %run_scoped3A_246 = tpu.sem_alloc : memref<!tpu.dma_semaphore, #tpu.memory_space<semaphore_mem>>
          %dma_start3A = arith.constant 0 : i32
          %dma_start3A_247 = tpu.memref_slice %arg20[%arg1, %dma_start3A] : memref<16x16xi32, #tpu.memory_space<vmem_shared>> -> memref<1x16xi32, #tpu.memory_space<vmem_shared>>
          %dma_start3A_248 = tpu.memref_squeeze %dma_start3A_247 : memref<1x16xi32, #tpu.memory_space<vmem_shared>> -> memref<16xi32, #tpu.memory_space<vmem_shared>>
          %dma_start3A_249 = arith.constant 0 : i32
          %dma_start3A_250 = tpu.memref_slice %arg20[%arg1, %dma_start3A_249] : memref<16x16xi32, #tpu.memory_space<vmem_shared>> -> memref<1x16xi32, #tpu.memory_space<vmem_shared>>
          %dma_start3A_251 = tpu.memref_squeeze %dma_start3A_250 : memref<1x16xi32, #tpu.memory_space<vmem_shared>> -> memref<16xi32, #tpu.memory_space<vmem_shared>>
          tpu.enqueue_dma source(%arg16 : memref<16xi32, #tpu.memory_space<vmem>>) target(%dma_start3A_251 : memref<16xi32, #tpu.memory_space<vmem_shared>>) target_semaphore(%run_scoped3A_246 : memref<!tpu.dma_semaphore, #tpu.memory_space<semaphore_mem>>)
          %dma_wait3A = arith.constant 0 : i32
          %dma_wait3A_252 = tpu.memref_slice %arg20[%arg1, %dma_wait3A] : memref<16x16xi32, #tpu.memory_space<vmem_shared>> -> memref<1x16xi32, #tpu.memory_space<vmem_shared>>
          %dma_wait3A_253 = tpu.memref_squeeze %dma_wait3A_252 : memref<1x16xi32, #tpu.memory_space<vmem_shared>> -> memref<16xi32, #tpu.memory_space<vmem_shared>>
          %dma_wait3A_254 = arith.constant 0 : i32
          %dma_wait3A_255 = tpu.memref_slice %arg20[%arg1, %dma_wait3A_254] : memref<16x16xi32, #tpu.memory_space<vmem_shared>> -> memref<1x16xi32, #tpu.memory_space<vmem_shared>>
          %dma_wait3A_256 = tpu.memref_squeeze %dma_wait3A_255 : memref<1x16xi32, #tpu.memory_space<vmem_shared>> -> memref<16xi32, #tpu.memory_space<vmem_shared>>
          tpu.wait_dma2 semaphore(%run_scoped3A_246 : memref<!tpu.dma_semaphore, #tpu.memory_space<semaphore_mem>>) src(%arg16 : memref<16xi32, #tpu.memory_space<vmem>>) dst(%dma_wait3A_256 : memref<16xi32, #tpu.memory_space<vmem_shared>>)
          tpu.yield
        }) : () -> ()
        %barrier3A_29 = arith.constant 0 : index
        tpu.barrier barrier_id(%barrier3A_29)
        %mul3A_30 = arith.constant 640 : i32
        %mul3A_31 = arith.muli %arg1, %mul3A_30 : i32
        %run_scoped3A = arith.constant 0 : i32
        "tpu.region"() ({
          %run_scoped3A_246 = tpu.sem_alloc : memref<!tpu.dma_semaphore, #tpu.memory_space<semaphore_mem>>
          %dma_start3A = tpu.memref_slice %arg18[%run_scoped3A, %mul3A_31] : memref<16x10240xi32, #tpu.memory_space<vmem_shared>> -> memref<1x640xi32, #tpu.memory_space<vmem_shared>>
          %dma_start3A_247 = tpu.memref_squeeze %dma_start3A : memref<1x640xi32, #tpu.memory_space<vmem_shared>> -> memref<640xi32, #tpu.memory_space<vmem_shared>>
          %dma_start3A_248 = tpu.memref_slice %arg18[%run_scoped3A, %mul3A_31] : memref<16x10240xi32, #tpu.memory_space<vmem_shared>> -> memref<1x640xi32, #tpu.memory_space<vmem_shared>>
          %dma_start3A_249 = tpu.memref_squeeze %dma_start3A_248 : memref<1x640xi32, #tpu.memory_space<vmem_shared>> -> memref<640xi32, #tpu.memory_space<vmem_shared>>
          tpu.enqueue_dma source(%dma_start3A_249 : memref<640xi32, #tpu.memory_space<vmem_shared>>) target(%arg9 : memref<640xi32, #tpu.memory_space<vmem>>) target_semaphore(%run_scoped3A_246 : memref<!tpu.dma_semaphore, #tpu.memory_space<semaphore_mem>>)
          %dma_wait3A = tpu.memref_slice %arg18[%run_scoped3A, %mul3A_31] : memref<16x10240xi32, #tpu.memory_space<vmem_shared>> -> memref<1x640xi32, #tpu.memory_space<vmem_shared>>
          %dma_wait3A_250 = tpu.memref_squeeze %dma_wait3A : memref<1x640xi32, #tpu.memory_space<vmem_shared>> -> memref<640xi32, #tpu.memory_space<vmem_shared>>
          %dma_wait3A_251 = tpu.memref_slice %arg18[%run_scoped3A, %mul3A_31] : memref<16x10240xi32, #tpu.memory_space<vmem_shared>> -> memref<1x640xi32, #tpu.memory_space<vmem_shared>>
          %dma_wait3A_252 = tpu.memref_squeeze %dma_wait3A_251 : memref<1x640xi32, #tpu.memory_space<vmem_shared>> -> memref<640xi32, #tpu.memory_space<vmem_shared>>
          tpu.wait_dma2 semaphore(%run_scoped3A_246 : memref<!tpu.dma_semaphore, #tpu.memory_space<semaphore_mem>>) src(%dma_wait3A_252 : memref<640xi32, #tpu.memory_space<vmem_shared>>) dst(%arg9 : memref<640xi32, #tpu.memory_space<vmem>>)
          tpu.yield
        }) : () -> ()
        %mul3A_32 = arith.constant 640 : i32
        %mul3A_33 = arith.muli %arg1, %mul3A_32 : i32
        %run_scoped3A_34 = arith.constant 1 : i32
        "tpu.region"() ({
          %run_scoped3A_246 = tpu.sem_alloc : memref<!tpu.dma_semaphore, #tpu.memory_space<semaphore_mem>>
          %dma_start3A = tpu.memref_slice %arg18[%run_scoped3A_34, %mul3A_33] : memref<16x10240xi32, #tpu.memory_space<vmem_shared>> -> memref<1x640xi32, #tpu.memory_space<vmem_shared>>
          %dma_start3A_247 = tpu.memref_squeeze %dma_start3A : memref<1x640xi32, #tpu.memory_space<vmem_shared>> -> memref<640xi32, #tpu.memory_space<vmem_shared>>
          %dma_start3A_248 = tpu.memref_slice %arg18[%run_scoped3A_34, %mul3A_33] : memref<16x10240xi32, #tpu.memory_space<vmem_shared>> -> memref<1x640xi32, #tpu.memory_space<vmem_shared>>
          %dma_start3A_249 = tpu.memref_squeeze %dma_start3A_248 : memref<1x640xi32, #tpu.memory_space<vmem_shared>> -> memref<640xi32, #tpu.memory_space<vmem_shared>>
          tpu.enqueue_dma source(%dma_start3A_249 : memref<640xi32, #tpu.memory_space<vmem_shared>>) target(%arg10 : memref<640xi32, #tpu.memory_space<vmem>>) target_semaphore(%run_scoped3A_246 : memref<!tpu.dma_semaphore, #tpu.memory_space<semaphore_mem>>)
          %dma_wait3A = tpu.memref_slice %arg18[%run_scoped3A_34, %mul3A_33] : memref<16x10240xi32, #tpu.memory_space<vmem_shared>> -> memref<1x640xi32, #tpu.memory_space<vmem_shared>>
          %dma_wait3A_250 = tpu.memref_squeeze %dma_wait3A : memref<1x640xi32, #tpu.memory_space<vmem_shared>> -> memref<640xi32, #tpu.memory_space<vmem_shared>>
          %dma_wait3A_251 = tpu.memref_slice %arg18[%run_scoped3A_34, %mul3A_33] : memref<16x10240xi32, #tpu.memory_space<vmem_shared>> -> memref<1x640xi32, #tpu.memory_space<vmem_shared>>
          %dma_wait3A_252 = tpu.memref_squeeze %dma_wait3A_251 : memref<1x640xi32, #tpu.memory_space<vmem_shared>> -> memref<640xi32, #tpu.memory_space<vmem_shared>>
          tpu.wait_dma2 semaphore(%run_scoped3A_246 : memref<!tpu.dma_semaphore, #tpu.memory_space<semaphore_mem>>) src(%dma_wait3A_252 : memref<640xi32, #tpu.memory_space<vmem_shared>>) dst(%arg10 : memref<640xi32, #tpu.memory_space<vmem>>)
          tpu.yield
        }) : () -> ()
        %scan3A_35 = arith.constant 0 : i32
        %scan3A_36 = arith.constant 40 : i32
        %scan3A_37 = arith.addi %scan3A_35, %scan3A_36 : i32
        %scan3A_38 = arith.constant 1 : i32
        scf.for %scan3A_246 = %scan3A_35 to %scan3A_37 step %scan3A_38  : i32 {
          %mul3A_247 = arith.constant 1 : i32
          %mul3A_248 = arith.muli %scan3A_246, %mul3A_247 : i32
          %add3A_249 = arith.constant 0 : i32
          %add3A_250 = arith.addi %add3A_249, %mul3A_248 : i32
          %mul3A_251 = arith.constant 16 : i32
          %mul3A_252 = arith.muli %add3A_250, %mul3A_251 : i32
          %get3A_253 = arith.index_cast %mul3A_252 : i32 to index
          %get3A_254 = tpu.vector_load %arg9[%get3A_253] {strides = array<i32>} : memref<640xi32, #tpu.memory_space<vmem>>, vector<16xi32>,
          %mul3A_255 = arith.constant 16 : i32
          %mul3A_256 = arith.muli %add3A_250, %mul3A_255 : i32
          %get3A_257 = arith.index_cast %mul3A_256 : i32 to index
          %get3A_258 = tpu.vector_load %arg10[%get3A_257] {strides = array<i32>} : memref<640xi32, #tpu.memory_space<vmem>>, vector<16xi32>,
          %min3A = arith.minsi %get3A_254, %get3A_258 : vector<16xi32>
          %mul3A_259 = arith.constant 16 : i32
          %mul3A_260 = arith.muli %add3A_250, %mul3A_259 : i32
          %swap3A_261 = arith.index_cast %mul3A_260 : i32 to index
          %swap3A_262 = tpu.vector_load %arg9[%swap3A_261] {strides = array<i32>} : memref<640xi32, #tpu.memory_space<vmem>>, vector<16xi32>,
          tpu.vector_store %arg9[%swap3A_261], %min3A {strides = array<i32>} : memref<640xi32, #tpu.memory_space<vmem>>, vector<16xi32>,
        }
        %scan3A_39 = arith.constant 40 : i32
        %mul3A_40 = arith.constant 640 : i32
        %mul3A_41 = arith.muli %arg1, %mul3A_40 : i32
        %run_scoped3A_42 = arith.constant 2 : i32
        "tpu.region"() ({
          %run_scoped3A_246 = tpu.sem_alloc : memref<!tpu.dma_semaphore, #tpu.memory_space<semaphore_mem>>
          %dma_start3A = tpu.memref_slice %arg18[%run_scoped3A_42, %mul3A_41] : memref<16x10240xi32, #tpu.memory_space<vmem_shared>> -> memref<1x640xi32, #tpu.memory_space<vmem_shared>>
          %dma_start3A_247 = tpu.memref_squeeze %dma_start3A : memref<1x640xi32, #tpu.memory_space<vmem_shared>> -> memref<640xi32, #tpu.memory_space<vmem_shared>>
          %dma_start3A_248 = tpu.memref_slice %arg18[%run_scoped3A_42, %mul3A_41] : memref<16x10240xi32, #tpu.memory_space<vmem_shared>> -> memref<1x640xi32, #tpu.memory_space<vmem_shared>>
          %dma_start3A_249 = tpu.memref_squeeze %dma_start3A_248 : memref<1x640xi32, #tpu.memory_space<vmem_shared>> -> memref<640xi32, #tpu.memory_space<vmem_shared>>
          tpu.enqueue_dma source(%dma_start3A_249 : memref<640xi32, #tpu.memory_space<vmem_shared>>) target(%arg10 : memref<640xi32, #tpu.memory_space<vmem>>) target_semaphore(%run_scoped3A_246 : memref<!tpu.dma_semaphore, #tpu.memory_space<semaphore_mem>>)
          %dma_wait3A = tpu.memref_slice %arg18[%run_scoped3A_42, %mul3A_41] : memref<16x10240xi32, #tpu.memory_space<vmem_shared>> -> memref<1x640xi32, #tpu.memory_space<vmem_shared>>
          %dma_wait3A_250 = tpu.memref_squeeze %dma_wait3A : memref<1x640xi32, #tpu.memory_space<vmem_shared>> -> memref<640xi32, #tpu.memory_space<vmem_shared>>
          %dma_wait3A_251 = tpu.memref_slice %arg18[%run_scoped3A_42, %mul3A_41] : memref<16x10240xi32, #tpu.memory_space<vmem_shared>> -> memref<1x640xi32, #tpu.memory_space<vmem_shared>>
          %dma_wait3A_252 = tpu.memref_squeeze %dma_wait3A_251 : memref<1x640xi32, #tpu.memory_space<vmem_shared>> -> memref<640xi32, #tpu.memory_space<vmem_shared>>
          tpu.wait_dma2 semaphore(%run_scoped3A_246 : memref<!tpu.dma_semaphore, #tpu.memory_space<semaphore_mem>>) src(%dma_wait3A_252 : memref<640xi32, #tpu.memory_space<vmem_shared>>) dst(%arg10 : memref<640xi32, #tpu.memory_space<vmem>>)
          tpu.yield
        }) : () -> ()
        %scan3A_43 = arith.constant 0 : i32
        %scan3A_44 = arith.constant 40 : i32
        %scan3A_45 = arith.addi %scan3A_43, %scan3A_44 : i32
        %scan3A_46 = arith.constant 1 : i32
        scf.for %scan3A_246 = %scan3A_43 to %scan3A_45 step %scan3A_46  : i32 {
          %mul3A_247 = arith.constant 1 : i32
          %mul3A_248 = arith.muli %scan3A_246, %mul3A_247 : i32
          %add3A_249 = arith.constant 0 : i32
          %add3A_250 = arith.addi %add3A_249, %mul3A_248 : i32
          %mul3A_251 = arith.constant 16 : i32
          %mul3A_252 = arith.muli %add3A_250, %mul3A_251 : i32
          %get3A_253 = arith.index_cast %mul3A_252 : i32 to index
          %get3A_254 = tpu.vector_load %arg9[%get3A_253] {strides = array<i32>} : memref<640xi32, #tpu.memory_space<vmem>>, vector<16xi32>,
          %mul3A_255 = arith.constant 16 : i32
          %mul3A_256 = arith.muli %add3A_250, %mul3A_255 : i32
          %get3A_257 = arith.index_cast %mul3A_256 : i32 to index
          %get3A_258 = tpu.vector_load %arg10[%get3A_257] {strides = array<i32>} : memref<640xi32, #tpu.memory_space<vmem>>, vector<16xi32>,
          %min3A = arith.minsi %get3A_254, %get3A_258 : vector<16xi32>
          %mul3A_259 = arith.constant 16 : i32
          %mul3A_260 = arith.muli %add3A_250, %mul3A_259 : i32
          %swap3A_261 = arith.index_cast %mul3A_260 : i32 to index
          %swap3A_262 = tpu.vector_load %arg9[%swap3A_261] {strides = array<i32>} : memref<640xi32, #tpu.memory_space<vmem>>, vector<16xi32>,
          tpu.vector_store %arg9[%swap3A_261], %min3A {strides = array<i32>} : memref<640xi32, #tpu.memory_space<vmem>>, vector<16xi32>,
        }
        %scan3A_47 = arith.constant 40 : i32
        %mul3A_48 = arith.constant 640 : i32
        %mul3A_49 = arith.muli %arg1, %mul3A_48 : i32
        %run_scoped3A_50 = arith.constant 3 : i32
        "tpu.region"() ({
          %run_scoped3A_246 = tpu.sem_alloc : memref<!tpu.dma_semaphore, #tpu.memory_space<semaphore_mem>>
          %dma_start3A = tpu.memref_slice %arg18[%run_scoped3A_50, %mul3A_49] : memref<16x10240xi32, #tpu.memory_space<vmem_shared>> -> memref<1x640xi32, #tpu.memory_space<vmem_shared>>
          %dma_start3A_247 = tpu.memref_squeeze %dma_start3A : memref<1x640xi32, #tpu.memory_space<vmem_shared>> -> memref<640xi32, #tpu.memory_space<vmem_shared>>
          %dma_start3A_248 = tpu.memref_slice %arg18[%run_scoped3A_50, %mul3A_49] : memref<16x10240xi32, #tpu.memory_space<vmem_shared>> -> memref<1x640xi32, #tpu.memory_space<vmem_shared>>
          %dma_start3A_249 = tpu.memref_squeeze %dma_start3A_248 : memref<1x640xi32, #tpu.memory_space<vmem_shared>> -> memref<640xi32, #tpu.memory_space<vmem_shared>>
          tpu.enqueue_dma source(%dma_start3A_249 : memref<640xi32, #tpu.memory_space<vmem_shared>>) target(%arg10 : memref<640xi32, #tpu.memory_space<vmem>>) target_semaphore(%run_scoped3A_246 : memref<!tpu.dma_semaphore, #tpu.memory_space<semaphore_mem>>)
          %dma_wait3A = tpu.memref_slice %arg18[%run_scoped3A_50, %mul3A_49] : memref<16x10240xi32, #tpu.memory_space<vmem_shared>> -> memref<1x640xi32, #tpu.memory_space<vmem_shared>>
          %dma_wait3A_250 = tpu.memref_squeeze %dma_wait3A : memref<1x640xi32, #tpu.memory_space<vmem_shared>> -> memref<640xi32, #tpu.memory_space<vmem_shared>>
          %dma_wait3A_251 = tpu.memref_slice %arg18[%run_scoped3A_50, %mul3A_49] : memref<16x10240xi32, #tpu.memory_space<vmem_shared>> -> memref<1x640xi32, #tpu.memory_space<vmem_shared>>
          %dma_wait3A_252 = tpu.memref_squeeze %dma_wait3A_251 : memref<1x640xi32, #tpu.memory_space<vmem_shared>> -> memref<640xi32, #tpu.memory_space<vmem_shared>>
          tpu.wait_dma2 semaphore(%run_scoped3A_246 : memref<!tpu.dma_semaphore, #tpu.memory_space<semaphore_mem>>) src(%dma_wait3A_252 : memref<640xi32, #tpu.memory_space<vmem_shared>>) dst(%arg10 : memref<640xi32, #tpu.memory_space<vmem>>)
          tpu.yield
        }) : () -> ()
        %scan3A_51 = arith.constant 0 : i32
        %scan3A_52 = arith.constant 40 : i32
        %scan3A_53 = arith.addi %scan3A_51, %scan3A_52 : i32
        %scan3A_54 = arith.constant 1 : i32
        scf.for %scan3A_246 = %scan3A_51 to %scan3A_53 step %scan3A_54  : i32 {
          %mul3A_247 = arith.constant 1 : i32
          %mul3A_248 = arith.muli %scan3A_246, %mul3A_247 : i32
          %add3A_249 = arith.constant 0 : i32
          %add3A_250 = arith.addi %add3A_249, %mul3A_248 : i32
          %mul3A_251 = arith.constant 16 : i32
          %mul3A_252 = arith.muli %add3A_250, %mul3A_251 : i32
          %get3A_253 = arith.index_cast %mul3A_252 : i32 to index
          %get3A_254 = tpu.vector_load %arg9[%get3A_253] {strides = array<i32>} : memref<640xi32, #tpu.memory_space<vmem>>, vector<16xi32>,
          %mul3A_255 = arith.constant 16 : i32
          %mul3A_256 = arith.muli %add3A_250, %mul3A_255 : i32
          %get3A_257 = arith.index_cast %mul3A_256 : i32 to index
          %get3A_258 = tpu.vector_load %arg10[%get3A_257] {strides = array<i32>} : memref<640xi32, #tpu.memory_space<vmem>>, vector<16xi32>,
          %min3A = arith.minsi %get3A_254, %get3A_258 : vector<16xi32>
          %mul3A_259 = arith.constant 16 : i32
          %mul3A_260 = arith.muli %add3A_250, %mul3A_259 : i32
          %swap3A_261 = arith.index_cast %mul3A_260 : i32 to index
          %swap3A_262 = tpu.vector_load %arg9[%swap3A_261] {strides = array<i32>} : memref<640xi32, #tpu.memory_space<vmem>>, vector<16xi32>,
          tpu.vector_store %arg9[%swap3A_261], %min3A {strides = array<i32>} : memref<640xi32, #tpu.memory_space<vmem>>, vector<16xi32>,
        }
        %scan3A_55 = arith.constant 40 : i32
        %mul3A_56 = arith.constant 640 : i32
        %mul3A_57 = arith.muli %arg1, %mul3A_56 : i32
        %run_scoped3A_58 = arith.constant 4 : i32
        "tpu.region"() ({
          %run_scoped3A_246 = tpu.sem_alloc : memref<!tpu.dma_semaphore, #tpu.memory_space<semaphore_mem>>
          %dma_start3A = tpu.memref_slice %arg18[%run_scoped3A_58, %mul3A_57] : memref<16x10240xi32, #tpu.memory_space<vmem_shared>> -> memref<1x640xi32, #tpu.memory_space<vmem_shared>>
          %dma_start3A_247 = tpu.memref_squeeze %dma_start3A : memref<1x640xi32, #tpu.memory_space<vmem_shared>> -> memref<640xi32, #tpu.memory_space<vmem_shared>>
          %dma_start3A_248 = tpu.memref_slice %arg18[%run_scoped3A_58, %mul3A_57] : memref<16x10240xi32, #tpu.memory_space<vmem_shared>> -> memref<1x640xi32, #tpu.memory_space<vmem_shared>>
          %dma_start3A_249 = tpu.memref_squeeze %dma_start3A_248 : memref<1x640xi32, #tpu.memory_space<vmem_shared>> -> memref<640xi32, #tpu.memory_space<vmem_shared>>
          tpu.enqueue_dma source(%dma_start3A_249 : memref<640xi32, #tpu.memory_space<vmem_shared>>) target(%arg10 : memref<640xi32, #tpu.memory_space<vmem>>) target_semaphore(%run_scoped3A_246 : memref<!tpu.dma_semaphore, #tpu.memory_space<semaphore_mem>>)
          %dma_wait3A = tpu.memref_slice %arg18[%run_scoped3A_58, %mul3A_57] : memref<16x10240xi32, #tpu.memory_space<vmem_shared>> -> memref<1x640xi32, #tpu.memory_space<vmem_shared>>
          %dma_wait3A_250 = tpu.memref_squeeze %dma_wait3A : memref<1x640xi32, #tpu.memory_space<vmem_shared>> -> memref<640xi32, #tpu.memory_space<vmem_shared>>
          %dma_wait3A_251 = tpu.memref_slice %arg18[%run_scoped3A_58, %mul3A_57] : memref<16x10240xi32, #tpu.memory_space<vmem_shared>> -> memref<1x640xi32, #tpu.memory_space<vmem_shared>>
          %dma_wait3A_252 = tpu.memref_squeeze %dma_wait3A_251 : memref<1x640xi32, #tpu.memory_space<vmem_shared>> -> memref<640xi32, #tpu.memory_space<vmem_shared>>
          tpu.wait_dma2 semaphore(%run_scoped3A_246 : memref<!tpu.dma_semaphore, #tpu.memory_space<semaphore_mem>>) src(%dma_wait3A_252 : memref<640xi32, #tpu.memory_space<vmem_shared>>) dst(%arg10 : memref<640xi32, #tpu.memory_space<vmem>>)
          tpu.yield
        }) : () -> ()
        %scan3A_59 = arith.constant 0 : i32
        %scan3A_60 = arith.constant 40 : i32
        %scan3A_61 = arith.addi %scan3A_59, %scan3A_60 : i32
        %scan3A_62 = arith.constant 1 : i32
        scf.for %scan3A_246 = %scan3A_59 to %scan3A_61 step %scan3A_62  : i32 {
          %mul3A_247 = arith.constant 1 : i32
          %mul3A_248 = arith.muli %scan3A_246, %mul3A_247 : i32
          %add3A_249 = arith.constant 0 : i32
          %add3A_250 = arith.addi %add3A_249, %mul3A_248 : i32
          %mul3A_251 = arith.constant 16 : i32
          %mul3A_252 = arith.muli %add3A_250, %mul3A_251 : i32
          %get3A_253 = arith.index_cast %mul3A_252 : i32 to index
          %get3A_254 = tpu.vector_load %arg9[%get3A_253] {strides = array<i32>} : memref<640xi32, #tpu.memory_space<vmem>>, vector<16xi32>,
          %mul3A_255 = arith.constant 16 : i32
          %mul3A_256 = arith.muli %add3A_250, %mul3A_255 : i32
          %get3A_257 = arith.index_cast %mul3A_256 : i32 to index
          %get3A_258 = tpu.vector_load %arg10[%get3A_257] {strides = array<i32>} : memref<640xi32, #tpu.memory_space<vmem>>, vector<16xi32>,
          %min3A = arith.minsi %get3A_254, %get3A_258 : vector<16xi32>
          %mul3A_259 = arith.constant 16 : i32
          %mul3A_260 = arith.muli %add3A_250, %mul3A_259 : i32
          %swap3A_261 = arith.index_cast %mul3A_260 : i32 to index
          %swap3A_262 = tpu.vector_load %arg9[%swap3A_261] {strides = array<i32>} : memref<640xi32, #tpu.memory_space<vmem>>, vector<16xi32>,
          tpu.vector_store %arg9[%swap3A_261], %min3A {strides = array<i32>} : memref<640xi32, #tpu.memory_space<vmem>>, vector<16xi32>,
        }
        %scan3A_63 = arith.constant 40 : i32
        %mul3A_64 = arith.constant 640 : i32
        %mul3A_65 = arith.muli %arg1, %mul3A_64 : i32
        %run_scoped3A_66 = arith.constant 5 : i32
        "tpu.region"() ({
          %run_scoped3A_246 = tpu.sem_alloc : memref<!tpu.dma_semaphore, #tpu.memory_space<semaphore_mem>>
          %dma_start3A = tpu.memref_slice %arg18[%run_scoped3A_66, %mul3A_65] : memref<16x10240xi32, #tpu.memory_space<vmem_shared>> -> memref<1x640xi32, #tpu.memory_space<vmem_shared>>
          %dma_start3A_247 = tpu.memref_squeeze %dma_start3A : memref<1x640xi32, #tpu.memory_space<vmem_shared>> -> memref<640xi32, #tpu.memory_space<vmem_shared>>
          %dma_start3A_248 = tpu.memref_slice %arg18[%run_scoped3A_66, %mul3A_65] : memref<16x10240xi32, #tpu.memory_space<vmem_shared>> -> memref<1x640xi32, #tpu.memory_space<vmem_shared>>
          %dma_start3A_249 = tpu.memref_squeeze %dma_start3A_248 : memref<1x640xi32, #tpu.memory_space<vmem_shared>> -> memref<640xi32, #tpu.memory_space<vmem_shared>>
          tpu.enqueue_dma source(%dma_start3A_249 : memref<640xi32, #tpu.memory_space<vmem_shared>>) target(%arg10 : memref<640xi32, #tpu.memory_space<vmem>>) target_semaphore(%run_scoped3A_246 : memref<!tpu.dma_semaphore, #tpu.memory_space<semaphore_mem>>)
          %dma_wait3A = tpu.memref_slice %arg18[%run_scoped3A_66, %mul3A_65] : memref<16x10240xi32, #tpu.memory_space<vmem_shared>> -> memref<1x640xi32, #tpu.memory_space<vmem_shared>>
          %dma_wait3A_250 = tpu.memref_squeeze %dma_wait3A : memref<1x640xi32, #tpu.memory_space<vmem_shared>> -> memref<640xi32, #tpu.memory_space<vmem_shared>>
          %dma_wait3A_251 = tpu.memref_slice %arg18[%run_scoped3A_66, %mul3A_65] : memref<16x10240xi32, #tpu.memory_space<vmem_shared>> -> memref<1x640xi32, #tpu.memory_space<vmem_shared>>
          %dma_wait3A_252 = tpu.memref_squeeze %dma_wait3A_251 : memref<1x640xi32, #tpu.memory_space<vmem_shared>> -> memref<640xi32, #tpu.memory_space<vmem_shared>>
          tpu.wait_dma2 semaphore(%run_scoped3A_246 : memref<!tpu.dma_semaphore, #tpu.memory_space<semaphore_mem>>) src(%dma_wait3A_252 : memref<640xi32, #tpu.memory_space<vmem_shared>>) dst(%arg10 : memref<640xi32, #tpu.memory_space<vmem>>)
          tpu.yield
        }) : () -> ()
        %scan3A_67 = arith.constant 0 : i32
        %scan3A_68 = arith.constant 40 : i32
        %scan3A_69 = arith.addi %scan3A_67, %scan3A_68 : i32
        %scan3A_70 = arith.constant 1 : i32
        scf.for %scan3A_246 = %scan3A_67 to %scan3A_69 step %scan3A_70  : i32 {
          %mul3A_247 = arith.constant 1 : i32
          %mul3A_248 = arith.muli %scan3A_246, %mul3A_247 : i32
          %add3A_249 = arith.constant 0 : i32
          %add3A_250 = arith.addi %add3A_249, %mul3A_248 : i32
          %mul3A_251 = arith.constant 16 : i32
          %mul3A_252 = arith.muli %add3A_250, %mul3A_251 : i32
          %get3A_253 = arith.index_cast %mul3A_252 : i32 to index
          %get3A_254 = tpu.vector_load %arg9[%get3A_253] {strides = array<i32>} : memref<640xi32, #tpu.memory_space<vmem>>, vector<16xi32>,
          %mul3A_255 = arith.constant 16 : i32
          %mul3A_256 = arith.muli %add3A_250, %mul3A_255 : i32
          %get3A_257 = arith.index_cast %mul3A_256 : i32 to index
          %get3A_258 = tpu.vector_load %arg10[%get3A_257] {strides = array<i32>} : memref<640xi32, #tpu.memory_space<vmem>>, vector<16xi32>,
          %min3A = arith.minsi %get3A_254, %get3A_258 : vector<16xi32>
          %mul3A_259 = arith.constant 16 : i32
          %mul3A_260 = arith.muli %add3A_250, %mul3A_259 : i32
          %swap3A_261 = arith.index_cast %mul3A_260 : i32 to index
          %swap3A_262 = tpu.vector_load %arg9[%swap3A_261] {strides = array<i32>} : memref<640xi32, #tpu.memory_space<vmem>>, vector<16xi32>,
          tpu.vector_store %arg9[%swap3A_261], %min3A {strides = array<i32>} : memref<640xi32, #tpu.memory_space<vmem>>, vector<16xi32>,
        }
        %scan3A_71 = arith.constant 40 : i32
        %mul3A_72 = arith.constant 640 : i32
        %mul3A_73 = arith.muli %arg1, %mul3A_72 : i32
        %run_scoped3A_74 = arith.constant 6 : i32
        "tpu.region"() ({
          %run_scoped3A_246 = tpu.sem_alloc : memref<!tpu.dma_semaphore, #tpu.memory_space<semaphore_mem>>
          %dma_start3A = tpu.memref_slice %arg18[%run_scoped3A_74, %mul3A_73] : memref<16x10240xi32, #tpu.memory_space<vmem_shared>> -> memref<1x640xi32, #tpu.memory_space<vmem_shared>>
          %dma_start3A_247 = tpu.memref_squeeze %dma_start3A : memref<1x640xi32, #tpu.memory_space<vmem_shared>> -> memref<640xi32, #tpu.memory_space<vmem_shared>>
          %dma_start3A_248 = tpu.memref_slice %arg18[%run_scoped3A_74, %mul3A_73] : memref<16x10240xi32, #tpu.memory_space<vmem_shared>> -> memref<1x640xi32, #tpu.memory_space<vmem_shared>>
          %dma_start3A_249 = tpu.memref_squeeze %dma_start3A_248 : memref<1x640xi32, #tpu.memory_space<vmem_shared>> -> memref<640xi32, #tpu.memory_space<vmem_shared>>
          tpu.enqueue_dma source(%dma_start3A_249 : memref<640xi32, #tpu.memory_space<vmem_shared>>) target(%arg10 : memref<640xi32, #tpu.memory_space<vmem>>) target_semaphore(%run_scoped3A_246 : memref<!tpu.dma_semaphore, #tpu.memory_space<semaphore_mem>>)
          %dma_wait3A = tpu.memref_slice %arg18[%run_scoped3A_74, %mul3A_73] : memref<16x10240xi32, #tpu.memory_space<vmem_shared>> -> memref<1x640xi32, #tpu.memory_space<vmem_shared>>
          %dma_wait3A_250 = tpu.memref_squeeze %dma_wait3A : memref<1x640xi32, #tpu.memory_space<vmem_shared>> -> memref<640xi32, #tpu.memory_space<vmem_shared>>
          %dma_wait3A_251 = tpu.memref_slice %arg18[%run_scoped3A_74, %mul3A_73] : memref<16x10240xi32, #tpu.memory_space<vmem_shared>> -> memref<1x640xi32, #tpu.memory_space<vmem_shared>>
          %dma_wait3A_252 = tpu.memref_squeeze %dma_wait3A_251 : memref<1x640xi32, #tpu.memory_space<vmem_shared>> -> memref<640xi32, #tpu.memory_space<vmem_shared>>
          tpu.wait_dma2 semaphore(%run_scoped3A_246 : memref<!tpu.dma_semaphore, #tpu.memory_space<semaphore_mem>>) src(%dma_wait3A_252 : memref<640xi32, #tpu.memory_space<vmem_shared>>) dst(%arg10 : memref<640xi32, #tpu.memory_space<vmem>>)
          tpu.yield
        }) : () -> ()
        %scan3A_75 = arith.constant 0 : i32
        %scan3A_76 = arith.constant 40 : i32
        %scan3A_77 = arith.addi %scan3A_75, %scan3A_76 : i32
        %scan3A_78 = arith.constant 1 : i32
        scf.for %scan3A_246 = %scan3A_75 to %scan3A_77 step %scan3A_78  : i32 {
          %mul3A_247 = arith.constant 1 : i32
          %mul3A_248 = arith.muli %scan3A_246, %mul3A_247 : i32
          %add3A_249 = arith.constant 0 : i32
          %add3A_250 = arith.addi %add3A_249, %mul3A_248 : i32
          %mul3A_251 = arith.constant 16 : i32
          %mul3A_252 = arith.muli %add3A_250, %mul3A_251 : i32
          %get3A_253 = arith.index_cast %mul3A_252 : i32 to index
          %get3A_254 = tpu.vector_load %arg9[%get3A_253] {strides = array<i32>} : memref<640xi32, #tpu.memory_space<vmem>>, vector<16xi32>,
          %mul3A_255 = arith.constant 16 : i32
          %mul3A_256 = arith.muli %add3A_250, %mul3A_255 : i32
          %get3A_257 = arith.index_cast %mul3A_256 : i32 to index
          %get3A_258 = tpu.vector_load %arg10[%get3A_257] {strides = array<i32>} : memref<640xi32, #tpu.memory_space<vmem>>, vector<16xi32>,
          %min3A = arith.minsi %get3A_254, %get3A_258 : vector<16xi32>
          %mul3A_259 = arith.constant 16 : i32
          %mul3A_260 = arith.muli %add3A_250, %mul3A_259 : i32
          %swap3A_261 = arith.index_cast %mul3A_260 : i32 to index
          %swap3A_262 = tpu.vector_load %arg9[%swap3A_261] {strides = array<i32>} : memref<640xi32, #tpu.memory_space<vmem>>, vector<16xi32>,
          tpu.vector_store %arg9[%swap3A_261], %min3A {strides = array<i32>} : memref<640xi32, #tpu.memory_space<vmem>>, vector<16xi32>,
        }
        %scan3A_79 = arith.constant 40 : i32
        %mul3A_80 = arith.constant 640 : i32
        %mul3A_81 = arith.muli %arg1, %mul3A_80 : i32
        %run_scoped3A_82 = arith.constant 7 : i32
        "tpu.region"() ({
          %run_scoped3A_246 = tpu.sem_alloc : memref<!tpu.dma_semaphore, #tpu.memory_space<semaphore_mem>>
          %dma_start3A = tpu.memref_slice %arg18[%run_scoped3A_82, %mul3A_81] : memref<16x10240xi32, #tpu.memory_space<vmem_shared>> -> memref<1x640xi32, #tpu.memory_space<vmem_shared>>
          %dma_start3A_247 = tpu.memref_squeeze %dma_start3A : memref<1x640xi32, #tpu.memory_space<vmem_shared>> -> memref<640xi32, #tpu.memory_space<vmem_shared>>
          %dma_start3A_248 = tpu.memref_slice %arg18[%run_scoped3A_82, %mul3A_81] : memref<16x10240xi32, #tpu.memory_space<vmem_shared>> -> memref<1x640xi32, #tpu.memory_space<vmem_shared>>
          %dma_start3A_249 = tpu.memref_squeeze %dma_start3A_248 : memref<1x640xi32, #tpu.memory_space<vmem_shared>> -> memref<640xi32, #tpu.memory_space<vmem_shared>>
          tpu.enqueue_dma source(%dma_start3A_249 : memref<640xi32, #tpu.memory_space<vmem_shared>>) target(%arg10 : memref<640xi32, #tpu.memory_space<vmem>>) target_semaphore(%run_scoped3A_246 : memref<!tpu.dma_semaphore, #tpu.memory_space<semaphore_mem>>)
          %dma_wait3A = tpu.memref_slice %arg18[%run_scoped3A_82, %mul3A_81] : memref<16x10240xi32, #tpu.memory_space<vmem_shared>> -> memref<1x640xi32, #tpu.memory_space<vmem_shared>>
          %dma_wait3A_250 = tpu.memref_squeeze %dma_wait3A : memref<1x640xi32, #tpu.memory_space<vmem_shared>> -> memref<640xi32, #tpu.memory_space<vmem_shared>>
          %dma_wait3A_251 = tpu.memref_slice %arg18[%run_scoped3A_82, %mul3A_81] : memref<16x10240xi32, #tpu.memory_space<vmem_shared>> -> memref<1x640xi32, #tpu.memory_space<vmem_shared>>
          %dma_wait3A_252 = tpu.memref_squeeze %dma_wait3A_251 : memref<1x640xi32, #tpu.memory_space<vmem_shared>> -> memref<640xi32, #tpu.memory_space<vmem_shared>>
          tpu.wait_dma2 semaphore(%run_scoped3A_246 : memref<!tpu.dma_semaphore, #tpu.memory_space<semaphore_mem>>) src(%dma_wait3A_252 : memref<640xi32, #tpu.memory_space<vmem_shared>>) dst(%arg10 : memref<640xi32, #tpu.memory_space<vmem>>)
          tpu.yield
        }) : () -> ()
        %scan3A_83 = arith.constant 0 : i32
        %scan3A_84 = arith.constant 40 : i32
        %scan3A_85 = arith.addi %scan3A_83, %scan3A_84 : i32
        %scan3A_86 = arith.constant 1 : i32
        scf.for %scan3A_246 = %scan3A_83 to %scan3A_85 step %scan3A_86  : i32 {
          %mul3A_247 = arith.constant 1 : i32
          %mul3A_248 = arith.muli %scan3A_246, %mul3A_247 : i32
          %add3A_249 = arith.constant 0 : i32
          %add3A_250 = arith.addi %add3A_249, %mul3A_248 : i32
          %mul3A_251 = arith.constant 16 : i32
          %mul3A_252 = arith.muli %add3A_250, %mul3A_251 : i32
          %get3A_253 = arith.index_cast %mul3A_252 : i32 to index
          %get3A_254 = tpu.vector_load %arg9[%get3A_253] {strides = array<i32>} : memref<640xi32, #tpu.memory_space<vmem>>, vector<16xi32>,
          %mul3A_255 = arith.constant 16 : i32
          %mul3A_256 = arith.muli %add3A_250, %mul3A_255 : i32
          %get3A_257 = arith.index_cast %mul3A_256 : i32 to index
          %get3A_258 = tpu.vector_load %arg10[%get3A_257] {strides = array<i32>} : memref<640xi32, #tpu.memory_space<vmem>>, vector<16xi32>,
          %min3A = arith.minsi %get3A_254, %get3A_258 : vector<16xi32>
          %mul3A_259 = arith.constant 16 : i32
          %mul3A_260 = arith.muli %add3A_250, %mul3A_259 : i32
          %swap3A_261 = arith.index_cast %mul3A_260 : i32 to index
          %swap3A_262 = tpu.vector_load %arg9[%swap3A_261] {strides = array<i32>} : memref<640xi32, #tpu.memory_space<vmem>>, vector<16xi32>,
          tpu.vector_store %arg9[%swap3A_261], %min3A {strides = array<i32>} : memref<640xi32, #tpu.memory_space<vmem>>, vector<16xi32>,
        }
        %scan3A_87 = arith.constant 40 : i32
        %mul3A_88 = arith.constant 640 : i32
        %mul3A_89 = arith.muli %arg1, %mul3A_88 : i32
        %run_scoped3A_90 = arith.constant 8 : i32
        "tpu.region"() ({
          %run_scoped3A_246 = tpu.sem_alloc : memref<!tpu.dma_semaphore, #tpu.memory_space<semaphore_mem>>
          %dma_start3A = tpu.memref_slice %arg18[%run_scoped3A_90, %mul3A_89] : memref<16x10240xi32, #tpu.memory_space<vmem_shared>> -> memref<1x640xi32, #tpu.memory_space<vmem_shared>>
          %dma_start3A_247 = tpu.memref_squeeze %dma_start3A : memref<1x640xi32, #tpu.memory_space<vmem_shared>> -> memref<640xi32, #tpu.memory_space<vmem_shared>>
          %dma_start3A_248 = tpu.memref_slice %arg18[%run_scoped3A_90, %mul3A_89] : memref<16x10240xi32, #tpu.memory_space<vmem_shared>> -> memref<1x640xi32, #tpu.memory_space<vmem_shared>>
          %dma_start3A_249 = tpu.memref_squeeze %dma_start3A_248 : memref<1x640xi32, #tpu.memory_space<vmem_shared>> -> memref<640xi32, #tpu.memory_space<vmem_shared>>
          tpu.enqueue_dma source(%dma_start3A_249 : memref<640xi32, #tpu.memory_space<vmem_shared>>) target(%arg10 : memref<640xi32, #tpu.memory_space<vmem>>) target_semaphore(%run_scoped3A_246 : memref<!tpu.dma_semaphore, #tpu.memory_space<semaphore_mem>>)
          %dma_wait3A = tpu.memref_slice %arg18[%run_scoped3A_90, %mul3A_89] : memref<16x10240xi32, #tpu.memory_space<vmem_shared>> -> memref<1x640xi32, #tpu.memory_space<vmem_shared>>
          %dma_wait3A_250 = tpu.memref_squeeze %dma_wait3A : memref<1x640xi32, #tpu.memory_space<vmem_shared>> -> memref<640xi32, #tpu.memory_space<vmem_shared>>
          %dma_wait3A_251 = tpu.memref_slice %arg18[%run_scoped3A_90, %mul3A_89] : memref<16x10240xi32, #tpu.memory_space<vmem_shared>> -> memref<1x640xi32, #tpu.memory_space<vmem_shared>>
          %dma_wait3A_252 = tpu.memref_squeeze %dma_wait3A_251 : memref<1x640xi32, #tpu.memory_space<vmem_shared>> -> memref<640xi32, #tpu.memory_space<vmem_shared>>
          tpu.wait_dma2 semaphore(%run_scoped3A_246 : memref<!tpu.dma_semaphore, #tpu.memory_space<semaphore_mem>>) src(%dma_wait3A_252 : memref<640xi32, #tpu.memory_space<vmem_shared>>) dst(%arg10 : memref<640xi32, #tpu.memory_space<vmem>>)
          tpu.yield
        }) : () -> ()
        %scan3A_91 = arith.constant 0 : i32
        %scan3A_92 = arith.constant 40 : i32
        %scan3A_93 = arith.addi %scan3A_91, %scan3A_92 : i32
        %scan3A_94 = arith.constant 1 : i32
        scf.for %scan3A_246 = %scan3A_91 to %scan3A_93 step %scan3A_94  : i32 {
          %mul3A_247 = arith.constant 1 : i32
          %mul3A_248 = arith.muli %scan3A_246, %mul3A_247 : i32
          %add3A_249 = arith.constant 0 : i32
          %add3A_250 = arith.addi %add3A_249, %mul3A_248 : i32
          %mul3A_251 = arith.constant 16 : i32
          %mul3A_252 = arith.muli %add3A_250, %mul3A_251 : i32
          %get3A_253 = arith.index_cast %mul3A_252 : i32 to index
          %get3A_254 = tpu.vector_load %arg9[%get3A_253] {strides = array<i32>} : memref<640xi32, #tpu.memory_space<vmem>>, vector<16xi32>,
          %mul3A_255 = arith.constant 16 : i32
          %mul3A_256 = arith.muli %add3A_250, %mul3A_255 : i32
          %get3A_257 = arith.index_cast %mul3A_256 : i32 to index
          %get3A_258 = tpu.vector_load %arg10[%get3A_257] {strides = array<i32>} : memref<640xi32, #tpu.memory_space<vmem>>, vector<16xi32>,
          %min3A = arith.minsi %get3A_254, %get3A_258 : vector<16xi32>
          %mul3A_259 = arith.constant 16 : i32
          %mul3A_260 = arith.muli %add3A_250, %mul3A_259 : i32
          %swap3A_261 = arith.index_cast %mul3A_260 : i32 to index
          %swap3A_262 = tpu.vector_load %arg9[%swap3A_261] {strides = array<i32>} : memref<640xi32, #tpu.memory_space<vmem>>, vector<16xi32>,
          tpu.vector_store %arg9[%swap3A_261], %min3A {strides = array<i32>} : memref<640xi32, #tpu.memory_space<vmem>>, vector<16xi32>,
        }
        %scan3A_95 = arith.constant 40 : i32
        %mul3A_96 = arith.constant 640 : i32
        %mul3A_97 = arith.muli %arg1, %mul3A_96 : i32
        %run_scoped3A_98 = arith.constant 9 : i32
        "tpu.region"() ({
          %run_scoped3A_246 = tpu.sem_alloc : memref<!tpu.dma_semaphore, #tpu.memory_space<semaphore_mem>>
          %dma_start3A = tpu.memref_slice %arg18[%run_scoped3A_98, %mul3A_97] : memref<16x10240xi32, #tpu.memory_space<vmem_shared>> -> memref<1x640xi32, #tpu.memory_space<vmem_shared>>
          %dma_start3A_247 = tpu.memref_squeeze %dma_start3A : memref<1x640xi32, #tpu.memory_space<vmem_shared>> -> memref<640xi32, #tpu.memory_space<vmem_shared>>
          %dma_start3A_248 = tpu.memref_slice %arg18[%run_scoped3A_98, %mul3A_97] : memref<16x10240xi32, #tpu.memory_space<vmem_shared>> -> memref<1x640xi32, #tpu.memory_space<vmem_shared>>
          %dma_start3A_249 = tpu.memref_squeeze %dma_start3A_248 : memref<1x640xi32, #tpu.memory_space<vmem_shared>> -> memref<640xi32, #tpu.memory_space<vmem_shared>>
          tpu.enqueue_dma source(%dma_start3A_249 : memref<640xi32, #tpu.memory_space<vmem_shared>>) target(%arg10 : memref<640xi32, #tpu.memory_space<vmem>>) target_semaphore(%run_scoped3A_246 : memref<!tpu.dma_semaphore, #tpu.memory_space<semaphore_mem>>)
          %dma_wait3A = tpu.memref_slice %arg18[%run_scoped3A_98, %mul3A_97] : memref<16x10240xi32, #tpu.memory_space<vmem_shared>> -> memref<1x640xi32, #tpu.memory_space<vmem_shared>>
          %dma_wait3A_250 = tpu.memref_squeeze %dma_wait3A : memref<1x640xi32, #tpu.memory_space<vmem_shared>> -> memref<640xi32, #tpu.memory_space<vmem_shared>>
          %dma_wait3A_251 = tpu.memref_slice %arg18[%run_scoped3A_98, %mul3A_97] : memref<16x10240xi32, #tpu.memory_space<vmem_shared>> -> memref<1x640xi32, #tpu.memory_space<vmem_shared>>
          %dma_wait3A_252 = tpu.memref_squeeze %dma_wait3A_251 : memref<1x640xi32, #tpu.memory_space<vmem_shared>> -> memref<640xi32, #tpu.memory_space<vmem_shared>>
          tpu.wait_dma2 semaphore(%run_scoped3A_246 : memref<!tpu.dma_semaphore, #tpu.memory_space<semaphore_mem>>) src(%dma_wait3A_252 : memref<640xi32, #tpu.memory_space<vmem_shared>>) dst(%arg10 : memref<640xi32, #tpu.memory_space<vmem>>)
          tpu.yield
        }) : () -> ()
        %scan3A_99 = arith.constant 0 : i32
        %scan3A_100 = arith.constant 40 : i32
        %scan3A_101 = arith.addi %scan3A_99, %scan3A_100 : i32
        %scan3A_102 = arith.constant 1 : i32
        scf.for %scan3A_246 = %scan3A_99 to %scan3A_101 step %scan3A_102  : i32 {
          %mul3A_247 = arith.constant 1 : i32
          %mul3A_248 = arith.muli %scan3A_246, %mul3A_247 : i32
          %add3A_249 = arith.constant 0 : i32
          %add3A_250 = arith.addi %add3A_249, %mul3A_248 : i32
          %mul3A_251 = arith.constant 16 : i32
          %mul3A_252 = arith.muli %add3A_250, %mul3A_251 : i32
          %get3A_253 = arith.index_cast %mul3A_252 : i32 to index
          %get3A_254 = tpu.vector_load %arg9[%get3A_253] {strides = array<i32>} : memref<640xi32, #tpu.memory_space<vmem>>, vector<16xi32>,
          %mul3A_255 = arith.constant 16 : i32
          %mul3A_256 = arith.muli %add3A_250, %mul3A_255 : i32
          %get3A_257 = arith.index_cast %mul3A_256 : i32 to index
          %get3A_258 = tpu.vector_load %arg10[%get3A_257] {strides = array<i32>} : memref<640xi32, #tpu.memory_space<vmem>>, vector<16xi32>,
          %min3A = arith.minsi %get3A_254, %get3A_258 : vector<16xi32>
          %mul3A_259 = arith.constant 16 : i32
          %mul3A_260 = arith.muli %add3A_250, %mul3A_259 : i32
          %swap3A_261 = arith.index_cast %mul3A_260 : i32 to index
          %swap3A_262 = tpu.vector_load %arg9[%swap3A_261] {strides = array<i32>} : memref<640xi32, #tpu.memory_space<vmem>>, vector<16xi32>,
          tpu.vector_store %arg9[%swap3A_261], %min3A {strides = array<i32>} : memref<640xi32, #tpu.memory_space<vmem>>, vector<16xi32>,
        }
        %scan3A_103 = arith.constant 40 : i32
        %mul3A_104 = arith.constant 640 : i32
        %mul3A_105 = arith.muli %arg1, %mul3A_104 : i32
        %run_scoped3A_106 = arith.constant 10 : i32
        "tpu.region"() ({
          %run_scoped3A_246 = tpu.sem_alloc : memref<!tpu.dma_semaphore, #tpu.memory_space<semaphore_mem>>
          %dma_start3A = tpu.memref_slice %arg18[%run_scoped3A_106, %mul3A_105] : memref<16x10240xi32, #tpu.memory_space<vmem_shared>> -> memref<1x640xi32, #tpu.memory_space<vmem_shared>>
          %dma_start3A_247 = tpu.memref_squeeze %dma_start3A : memref<1x640xi32, #tpu.memory_space<vmem_shared>> -> memref<640xi32, #tpu.memory_space<vmem_shared>>
          %dma_start3A_248 = tpu.memref_slice %arg18[%run_scoped3A_106, %mul3A_105] : memref<16x10240xi32, #tpu.memory_space<vmem_shared>> -> memref<1x640xi32, #tpu.memory_space<vmem_shared>>
          %dma_start3A_249 = tpu.memref_squeeze %dma_start3A_248 : memref<1x640xi32, #tpu.memory_space<vmem_shared>> -> memref<640xi32, #tpu.memory_space<vmem_shared>>
          tpu.enqueue_dma source(%dma_start3A_249 : memref<640xi32, #tpu.memory_space<vmem_shared>>) target(%arg10 : memref<640xi32, #tpu.memory_space<vmem>>) target_semaphore(%run_scoped3A_246 : memref<!tpu.dma_semaphore, #tpu.memory_space<semaphore_mem>>)
          %dma_wait3A = tpu.memref_slice %arg18[%run_scoped3A_106, %mul3A_105] : memref<16x10240xi32, #tpu.memory_space<vmem_shared>> -> memref<1x640xi32, #tpu.memory_space<vmem_shared>>
          %dma_wait3A_250 = tpu.memref_squeeze %dma_wait3A : memref<1x640xi32, #tpu.memory_space<vmem_shared>> -> memref<640xi32, #tpu.memory_space<vmem_shared>>
          %dma_wait3A_251 = tpu.memref_slice %arg18[%run_scoped3A_106, %mul3A_105] : memref<16x10240xi32, #tpu.memory_space<vmem_shared>> -> memref<1x640xi32, #tpu.memory_space<vmem_shared>>
          %dma_wait3A_252 = tpu.memref_squeeze %dma_wait3A_251 : memref<1x640xi32, #tpu.memory_space<vmem_shared>> -> memref<640xi32, #tpu.memory_space<vmem_shared>>
          tpu.wait_dma2 semaphore(%run_scoped3A_246 : memref<!tpu.dma_semaphore, #tpu.memory_space<semaphore_mem>>) src(%dma_wait3A_252 : memref<640xi32, #tpu.memory_space<vmem_shared>>) dst(%arg10 : memref<640xi32, #tpu.memory_space<vmem>>)
          tpu.yield
        }) : () -> ()
        %scan3A_107 = arith.constant 0 : i32
        %scan3A_108 = arith.constant 40 : i32
        %scan3A_109 = arith.addi %scan3A_107, %scan3A_108 : i32
        %scan3A_110 = arith.constant 1 : i32
        scf.for %scan3A_246 = %scan3A_107 to %scan3A_109 step %scan3A_110  : i32 {
          %mul3A_247 = arith.constant 1 : i32
          %mul3A_248 = arith.muli %scan3A_246, %mul3A_247 : i32
          %add3A_249 = arith.constant 0 : i32
          %add3A_250 = arith.addi %add3A_249, %mul3A_248 : i32
          %mul3A_251 = arith.constant 16 : i32
          %mul3A_252 = arith.muli %add3A_250, %mul3A_251 : i32
          %get3A_253 = arith.index_cast %mul3A_252 : i32 to index
          %get3A_254 = tpu.vector_load %arg9[%get3A_253] {strides = array<i32>} : memref<640xi32, #tpu.memory_space<vmem>>, vector<16xi32>,
          %mul3A_255 = arith.constant 16 : i32
          %mul3A_256 = arith.muli %add3A_250, %mul3A_255 : i32
          %get3A_257 = arith.index_cast %mul3A_256 : i32 to index
          %get3A_258 = tpu.vector_load %arg10[%get3A_257] {strides = array<i32>} : memref<640xi32, #tpu.memory_space<vmem>>, vector<16xi32>,
          %min3A = arith.minsi %get3A_254, %get3A_258 : vector<16xi32>
          %mul3A_259 = arith.constant 16 : i32
          %mul3A_260 = arith.muli %add3A_250, %mul3A_259 : i32
          %swap3A_261 = arith.index_cast %mul3A_260 : i32 to index
          %swap3A_262 = tpu.vector_load %arg9[%swap3A_261] {strides = array<i32>} : memref<640xi32, #tpu.memory_space<vmem>>, vector<16xi32>,
          tpu.vector_store %arg9[%swap3A_261], %min3A {strides = array<i32>} : memref<640xi32, #tpu.memory_space<vmem>>, vector<16xi32>,
        }
        %scan3A_111 = arith.constant 40 : i32
        %mul3A_112 = arith.constant 640 : i32
        %mul3A_113 = arith.muli %arg1, %mul3A_112 : i32
        %run_scoped3A_114 = arith.constant 11 : i32
        "tpu.region"() ({
          %run_scoped3A_246 = tpu.sem_alloc : memref<!tpu.dma_semaphore, #tpu.memory_space<semaphore_mem>>
          %dma_start3A = tpu.memref_slice %arg18[%run_scoped3A_114, %mul3A_113] : memref<16x10240xi32, #tpu.memory_space<vmem_shared>> -> memref<1x640xi32, #tpu.memory_space<vmem_shared>>
          %dma_start3A_247 = tpu.memref_squeeze %dma_start3A : memref<1x640xi32, #tpu.memory_space<vmem_shared>> -> memref<640xi32, #tpu.memory_space<vmem_shared>>
          %dma_start3A_248 = tpu.memref_slice %arg18[%run_scoped3A_114, %mul3A_113] : memref<16x10240xi32, #tpu.memory_space<vmem_shared>> -> memref<1x640xi32, #tpu.memory_space<vmem_shared>>
          %dma_start3A_249 = tpu.memref_squeeze %dma_start3A_248 : memref<1x640xi32, #tpu.memory_space<vmem_shared>> -> memref<640xi32, #tpu.memory_space<vmem_shared>>
          tpu.enqueue_dma source(%dma_start3A_249 : memref<640xi32, #tpu.memory_space<vmem_shared>>) target(%arg10 : memref<640xi32, #tpu.memory_space<vmem>>) target_semaphore(%run_scoped3A_246 : memref<!tpu.dma_semaphore, #tpu.memory_space<semaphore_mem>>)
          %dma_wait3A = tpu.memref_slice %arg18[%run_scoped3A_114, %mul3A_113] : memref<16x10240xi32, #tpu.memory_space<vmem_shared>> -> memref<1x640xi32, #tpu.memory_space<vmem_shared>>
          %dma_wait3A_250 = tpu.memref_squeeze %dma_wait3A : memref<1x640xi32, #tpu.memory_space<vmem_shared>> -> memref<640xi32, #tpu.memory_space<vmem_shared>>
          %dma_wait3A_251 = tpu.memref_slice %arg18[%run_scoped3A_114, %mul3A_113] : memref<16x10240xi32, #tpu.memory_space<vmem_shared>> -> memref<1x640xi32, #tpu.memory_space<vmem_shared>>
          %dma_wait3A_252 = tpu.memref_squeeze %dma_wait3A_251 : memref<1x640xi32, #tpu.memory_space<vmem_shared>> -> memref<640xi32, #tpu.memory_space<vmem_shared>>
          tpu.wait_dma2 semaphore(%run_scoped3A_246 : memref<!tpu.dma_semaphore, #tpu.memory_space<semaphore_mem>>) src(%dma_wait3A_252 : memref<640xi32, #tpu.memory_space<vmem_shared>>) dst(%arg10 : memref<640xi32, #tpu.memory_space<vmem>>)
          tpu.yield
        }) : () -> ()
        %scan3A_115 = arith.constant 0 : i32
        %scan3A_116 = arith.constant 40 : i32
        %scan3A_117 = arith.addi %scan3A_115, %scan3A_116 : i32
        %scan3A_118 = arith.constant 1 : i32
        scf.for %scan3A_246 = %scan3A_115 to %scan3A_117 step %scan3A_118  : i32 {
          %mul3A_247 = arith.constant 1 : i32
          %mul3A_248 = arith.muli %scan3A_246, %mul3A_247 : i32
          %add3A_249 = arith.constant 0 : i32
          %add3A_250 = arith.addi %add3A_249, %mul3A_248 : i32
          %mul3A_251 = arith.constant 16 : i32
          %mul3A_252 = arith.muli %add3A_250, %mul3A_251 : i32
          %get3A_253 = arith.index_cast %mul3A_252 : i32 to index
          %get3A_254 = tpu.vector_load %arg9[%get3A_253] {strides = array<i32>} : memref<640xi32, #tpu.memory_space<vmem>>, vector<16xi32>,
          %mul3A_255 = arith.constant 16 : i32
          %mul3A_256 = arith.muli %add3A_250, %mul3A_255 : i32
          %get3A_257 = arith.index_cast %mul3A_256 : i32 to index
          %get3A_258 = tpu.vector_load %arg10[%get3A_257] {strides = array<i32>} : memref<640xi32, #tpu.memory_space<vmem>>, vector<16xi32>,
          %min3A = arith.minsi %get3A_254, %get3A_258 : vector<16xi32>
          %mul3A_259 = arith.constant 16 : i32
          %mul3A_260 = arith.muli %add3A_250, %mul3A_259 : i32
          %swap3A_261 = arith.index_cast %mul3A_260 : i32 to index
          %swap3A_262 = tpu.vector_load %arg9[%swap3A_261] {strides = array<i32>} : memref<640xi32, #tpu.memory_space<vmem>>, vector<16xi32>,
          tpu.vector_store %arg9[%swap3A_261], %min3A {strides = array<i32>} : memref<640xi32, #tpu.memory_space<vmem>>, vector<16xi32>,
        }
        %scan3A_119 = arith.constant 40 : i32
        %mul3A_120 = arith.constant 640 : i32
        %mul3A_121 = arith.muli %arg1, %mul3A_120 : i32
        %run_scoped3A_122 = arith.constant 12 : i32
        "tpu.region"() ({
          %run_scoped3A_246 = tpu.sem_alloc : memref<!tpu.dma_semaphore, #tpu.memory_space<semaphore_mem>>
          %dma_start3A = tpu.memref_slice %arg18[%run_scoped3A_122, %mul3A_121] : memref<16x10240xi32, #tpu.memory_space<vmem_shared>> -> memref<1x640xi32, #tpu.memory_space<vmem_shared>>
          %dma_start3A_247 = tpu.memref_squeeze %dma_start3A : memref<1x640xi32, #tpu.memory_space<vmem_shared>> -> memref<640xi32, #tpu.memory_space<vmem_shared>>
          %dma_start3A_248 = tpu.memref_slice %arg18[%run_scoped3A_122, %mul3A_121] : memref<16x10240xi32, #tpu.memory_space<vmem_shared>> -> memref<1x640xi32, #tpu.memory_space<vmem_shared>>
          %dma_start3A_249 = tpu.memref_squeeze %dma_start3A_248 : memref<1x640xi32, #tpu.memory_space<vmem_shared>> -> memref<640xi32, #tpu.memory_space<vmem_shared>>
          tpu.enqueue_dma source(%dma_start3A_249 : memref<640xi32, #tpu.memory_space<vmem_shared>>) target(%arg10 : memref<640xi32, #tpu.memory_space<vmem>>) target_semaphore(%run_scoped3A_246 : memref<!tpu.dma_semaphore, #tpu.memory_space<semaphore_mem>>)
          %dma_wait3A = tpu.memref_slice %arg18[%run_scoped3A_122, %mul3A_121] : memref<16x10240xi32, #tpu.memory_space<vmem_shared>> -> memref<1x640xi32, #tpu.memory_space<vmem_shared>>
          %dma_wait3A_250 = tpu.memref_squeeze %dma_wait3A : memref<1x640xi32, #tpu.memory_space<vmem_shared>> -> memref<640xi32, #tpu.memory_space<vmem_shared>>
          %dma_wait3A_251 = tpu.memref_slice %arg18[%run_scoped3A_122, %mul3A_121] : memref<16x10240xi32, #tpu.memory_space<vmem_shared>> -> memref<1x640xi32, #tpu.memory_space<vmem_shared>>
          %dma_wait3A_252 = tpu.memref_squeeze %dma_wait3A_251 : memref<1x640xi32, #tpu.memory_space<vmem_shared>> -> memref<640xi32, #tpu.memory_space<vmem_shared>>
          tpu.wait_dma2 semaphore(%run_scoped3A_246 : memref<!tpu.dma_semaphore, #tpu.memory_space<semaphore_mem>>) src(%dma_wait3A_252 : memref<640xi32, #tpu.memory_space<vmem_shared>>) dst(%arg10 : memref<640xi32, #tpu.memory_space<vmem>>)
          tpu.yield
        }) : () -> ()
        %scan3A_123 = arith.constant 0 : i32
        %scan3A_124 = arith.constant 40 : i32
        %scan3A_125 = arith.addi %scan3A_123, %scan3A_124 : i32
        %scan3A_126 = arith.constant 1 : i32
        scf.for %scan3A_246 = %scan3A_123 to %scan3A_125 step %scan3A_126  : i32 {
          %mul3A_247 = arith.constant 1 : i32
          %mul3A_248 = arith.muli %scan3A_246, %mul3A_247 : i32
          %add3A_249 = arith.constant 0 : i32
          %add3A_250 = arith.addi %add3A_249, %mul3A_248 : i32
          %mul3A_251 = arith.constant 16 : i32
          %mul3A_252 = arith.muli %add3A_250, %mul3A_251 : i32
          %get3A_253 = arith.index_cast %mul3A_252 : i32 to index
          %get3A_254 = tpu.vector_load %arg9[%get3A_253] {strides = array<i32>} : memref<640xi32, #tpu.memory_space<vmem>>, vector<16xi32>,
          %mul3A_255 = arith.constant 16 : i32
          %mul3A_256 = arith.muli %add3A_250, %mul3A_255 : i32
          %get3A_257 = arith.index_cast %mul3A_256 : i32 to index
          %get3A_258 = tpu.vector_load %arg10[%get3A_257] {strides = array<i32>} : memref<640xi32, #tpu.memory_space<vmem>>, vector<16xi32>,
          %min3A = arith.minsi %get3A_254, %get3A_258 : vector<16xi32>
          %mul3A_259 = arith.constant 16 : i32
          %mul3A_260 = arith.muli %add3A_250, %mul3A_259 : i32
          %swap3A_261 = arith.index_cast %mul3A_260 : i32 to index
          %swap3A_262 = tpu.vector_load %arg9[%swap3A_261] {strides = array<i32>} : memref<640xi32, #tpu.memory_space<vmem>>, vector<16xi32>,
          tpu.vector_store %arg9[%swap3A_261], %min3A {strides = array<i32>} : memref<640xi32, #tpu.memory_space<vmem>>, vector<16xi32>,
        }
        %scan3A_127 = arith.constant 40 : i32
        %mul3A_128 = arith.constant 640 : i32
        %mul3A_129 = arith.muli %arg1, %mul3A_128 : i32
        %run_scoped3A_130 = arith.constant 13 : i32
        "tpu.region"() ({
          %run_scoped3A_246 = tpu.sem_alloc : memref<!tpu.dma_semaphore, #tpu.memory_space<semaphore_mem>>
          %dma_start3A = tpu.memref_slice %arg18[%run_scoped3A_130, %mul3A_129] : memref<16x10240xi32, #tpu.memory_space<vmem_shared>> -> memref<1x640xi32, #tpu.memory_space<vmem_shared>>
          %dma_start3A_247 = tpu.memref_squeeze %dma_start3A : memref<1x640xi32, #tpu.memory_space<vmem_shared>> -> memref<640xi32, #tpu.memory_space<vmem_shared>>
          %dma_start3A_248 = tpu.memref_slice %arg18[%run_scoped3A_130, %mul3A_129] : memref<16x10240xi32, #tpu.memory_space<vmem_shared>> -> memref<1x640xi32, #tpu.memory_space<vmem_shared>>
          %dma_start3A_249 = tpu.memref_squeeze %dma_start3A_248 : memref<1x640xi32, #tpu.memory_space<vmem_shared>> -> memref<640xi32, #tpu.memory_space<vmem_shared>>
          tpu.enqueue_dma source(%dma_start3A_249 : memref<640xi32, #tpu.memory_space<vmem_shared>>) target(%arg10 : memref<640xi32, #tpu.memory_space<vmem>>) target_semaphore(%run_scoped3A_246 : memref<!tpu.dma_semaphore, #tpu.memory_space<semaphore_mem>>)
          %dma_wait3A = tpu.memref_slice %arg18[%run_scoped3A_130, %mul3A_129] : memref<16x10240xi32, #tpu.memory_space<vmem_shared>> -> memref<1x640xi32, #tpu.memory_space<vmem_shared>>
          %dma_wait3A_250 = tpu.memref_squeeze %dma_wait3A : memref<1x640xi32, #tpu.memory_space<vmem_shared>> -> memref<640xi32, #tpu.memory_space<vmem_shared>>
          %dma_wait3A_251 = tpu.memref_slice %arg18[%run_scoped3A_130, %mul3A_129] : memref<16x10240xi32, #tpu.memory_space<vmem_shared>> -> memref<1x640xi32, #tpu.memory_space<vmem_shared>>
          %dma_wait3A_252 = tpu.memref_squeeze %dma_wait3A_251 : memref<1x640xi32, #tpu.memory_space<vmem_shared>> -> memref<640xi32, #tpu.memory_space<vmem_shared>>
          tpu.wait_dma2 semaphore(%run_scoped3A_246 : memref<!tpu.dma_semaphore, #tpu.memory_space<semaphore_mem>>) src(%dma_wait3A_252 : memref<640xi32, #tpu.memory_space<vmem_shared>>) dst(%arg10 : memref<640xi32, #tpu.memory_space<vmem>>)
          tpu.yield
        }) : () -> ()
        %scan3A_131 = arith.constant 0 : i32
        %scan3A_132 = arith.constant 40 : i32
        %scan3A_133 = arith.addi %scan3A_131, %scan3A_132 : i32
        %scan3A_134 = arith.constant 1 : i32
        scf.for %scan3A_246 = %scan3A_131 to %scan3A_133 step %scan3A_134  : i32 {
          %mul3A_247 = arith.constant 1 : i32
          %mul3A_248 = arith.muli %scan3A_246, %mul3A_247 : i32
          %add3A_249 = arith.constant 0 : i32
          %add3A_250 = arith.addi %add3A_249, %mul3A_248 : i32
          %mul3A_251 = arith.constant 16 : i32
          %mul3A_252 = arith.muli %add3A_250, %mul3A_251 : i32
          %get3A_253 = arith.index_cast %mul3A_252 : i32 to index
          %get3A_254 = tpu.vector_load %arg9[%get3A_253] {strides = array<i32>} : memref<640xi32, #tpu.memory_space<vmem>>, vector<16xi32>,
          %mul3A_255 = arith.constant 16 : i32
          %mul3A_256 = arith.muli %add3A_250, %mul3A_255 : i32
          %get3A_257 = arith.index_cast %mul3A_256 : i32 to index
          %get3A_258 = tpu.vector_load %arg10[%get3A_257] {strides = array<i32>} : memref<640xi32, #tpu.memory_space<vmem>>, vector<16xi32>,
          %min3A = arith.minsi %get3A_254, %get3A_258 : vector<16xi32>
          %mul3A_259 = arith.constant 16 : i32
          %mul3A_260 = arith.muli %add3A_250, %mul3A_259 : i32
          %swap3A_261 = arith.index_cast %mul3A_260 : i32 to index
          %swap3A_262 = tpu.vector_load %arg9[%swap3A_261] {strides = array<i32>} : memref<640xi32, #tpu.memory_space<vmem>>, vector<16xi32>,
          tpu.vector_store %arg9[%swap3A_261], %min3A {strides = array<i32>} : memref<640xi32, #tpu.memory_space<vmem>>, vector<16xi32>,
        }
        %scan3A_135 = arith.constant 40 : i32
        %mul3A_136 = arith.constant 640 : i32
        %mul3A_137 = arith.muli %arg1, %mul3A_136 : i32
        %run_scoped3A_138 = arith.constant 14 : i32
        "tpu.region"() ({
          %run_scoped3A_246 = tpu.sem_alloc : memref<!tpu.dma_semaphore, #tpu.memory_space<semaphore_mem>>
          %dma_start3A = tpu.memref_slice %arg18[%run_scoped3A_138, %mul3A_137] : memref<16x10240xi32, #tpu.memory_space<vmem_shared>> -> memref<1x640xi32, #tpu.memory_space<vmem_shared>>
          %dma_start3A_247 = tpu.memref_squeeze %dma_start3A : memref<1x640xi32, #tpu.memory_space<vmem_shared>> -> memref<640xi32, #tpu.memory_space<vmem_shared>>
          %dma_start3A_248 = tpu.memref_slice %arg18[%run_scoped3A_138, %mul3A_137] : memref<16x10240xi32, #tpu.memory_space<vmem_shared>> -> memref<1x640xi32, #tpu.memory_space<vmem_shared>>
          %dma_start3A_249 = tpu.memref_squeeze %dma_start3A_248 : memref<1x640xi32, #tpu.memory_space<vmem_shared>> -> memref<640xi32, #tpu.memory_space<vmem_shared>>
          tpu.enqueue_dma source(%dma_start3A_249 : memref<640xi32, #tpu.memory_space<vmem_shared>>) target(%arg10 : memref<640xi32, #tpu.memory_space<vmem>>) target_semaphore(%run_scoped3A_246 : memref<!tpu.dma_semaphore, #tpu.memory_space<semaphore_mem>>)
          %dma_wait3A = tpu.memref_slice %arg18[%run_scoped3A_138, %mul3A_137] : memref<16x10240xi32, #tpu.memory_space<vmem_shared>> -> memref<1x640xi32, #tpu.memory_space<vmem_shared>>
          %dma_wait3A_250 = tpu.memref_squeeze %dma_wait3A : memref<1x640xi32, #tpu.memory_space<vmem_shared>> -> memref<640xi32, #tpu.memory_space<vmem_shared>>
          %dma_wait3A_251 = tpu.memref_slice %arg18[%run_scoped3A_138, %mul3A_137] : memref<16x10240xi32, #tpu.memory_space<vmem_shared>> -> memref<1x640xi32, #tpu.memory_space<vmem_shared>>
          %dma_wait3A_252 = tpu.memref_squeeze %dma_wait3A_251 : memref<1x640xi32, #tpu.memory_space<vmem_shared>> -> memref<640xi32, #tpu.memory_space<vmem_shared>>
          tpu.wait_dma2 semaphore(%run_scoped3A_246 : memref<!tpu.dma_semaphore, #tpu.memory_space<semaphore_mem>>) src(%dma_wait3A_252 : memref<640xi32, #tpu.memory_space<vmem_shared>>) dst(%arg10 : memref<640xi32, #tpu.memory_space<vmem>>)
          tpu.yield
        }) : () -> ()
        %scan3A_139 = arith.constant 0 : i32
        %scan3A_140 = arith.constant 40 : i32
        %scan3A_141 = arith.addi %scan3A_139, %scan3A_140 : i32
        %scan3A_142 = arith.constant 1 : i32
        scf.for %scan3A_246 = %scan3A_139 to %scan3A_141 step %scan3A_142  : i32 {
          %mul3A_247 = arith.constant 1 : i32
          %mul3A_248 = arith.muli %scan3A_246, %mul3A_247 : i32
          %add3A_249 = arith.constant 0 : i32
          %add3A_250 = arith.addi %add3A_249, %mul3A_248 : i32
          %mul3A_251 = arith.constant 16 : i32
          %mul3A_252 = arith.muli %add3A_250, %mul3A_251 : i32
          %get3A_253 = arith.index_cast %mul3A_252 : i32 to index
          %get3A_254 = tpu.vector_load %arg9[%get3A_253] {strides = array<i32>} : memref<640xi32, #tpu.memory_space<vmem>>, vector<16xi32>,
          %mul3A_255 = arith.constant 16 : i32
          %mul3A_256 = arith.muli %add3A_250, %mul3A_255 : i32
          %get3A_257 = arith.index_cast %mul3A_256 : i32 to index
          %get3A_258 = tpu.vector_load %arg10[%get3A_257] {strides = array<i32>} : memref<640xi32, #tpu.memory_space<vmem>>, vector<16xi32>,
          %min3A = arith.minsi %get3A_254, %get3A_258 : vector<16xi32>
          %mul3A_259 = arith.constant 16 : i32
          %mul3A_260 = arith.muli %add3A_250, %mul3A_259 : i32
          %swap3A_261 = arith.index_cast %mul3A_260 : i32 to index
          %swap3A_262 = tpu.vector_load %arg9[%swap3A_261] {strides = array<i32>} : memref<640xi32, #tpu.memory_space<vmem>>, vector<16xi32>,
          tpu.vector_store %arg9[%swap3A_261], %min3A {strides = array<i32>} : memref<640xi32, #tpu.memory_space<vmem>>, vector<16xi32>,
        }
        %scan3A_143 = arith.constant 40 : i32
        %mul3A_144 = arith.constant 640 : i32
        %mul3A_145 = arith.muli %arg1, %mul3A_144 : i32
        %run_scoped3A_146 = arith.constant 15 : i32
        "tpu.region"() ({
          %run_scoped3A_246 = tpu.sem_alloc : memref<!tpu.dma_semaphore, #tpu.memory_space<semaphore_mem>>
          %dma_start3A = tpu.memref_slice %arg18[%run_scoped3A_146, %mul3A_145] : memref<16x10240xi32, #tpu.memory_space<vmem_shared>> -> memref<1x640xi32, #tpu.memory_space<vmem_shared>>
          %dma_start3A_247 = tpu.memref_squeeze %dma_start3A : memref<1x640xi32, #tpu.memory_space<vmem_shared>> -> memref<640xi32, #tpu.memory_space<vmem_shared>>
          %dma_start3A_248 = tpu.memref_slice %arg18[%run_scoped3A_146, %mul3A_145] : memref<16x10240xi32, #tpu.memory_space<vmem_shared>> -> memref<1x640xi32, #tpu.memory_space<vmem_shared>>
          %dma_start3A_249 = tpu.memref_squeeze %dma_start3A_248 : memref<1x640xi32, #tpu.memory_space<vmem_shared>> -> memref<640xi32, #tpu.memory_space<vmem_shared>>
          tpu.enqueue_dma source(%dma_start3A_249 : memref<640xi32, #tpu.memory_space<vmem_shared>>) target(%arg10 : memref<640xi32, #tpu.memory_space<vmem>>) target_semaphore(%run_scoped3A_246 : memref<!tpu.dma_semaphore, #tpu.memory_space<semaphore_mem>>)
          %dma_wait3A = tpu.memref_slice %arg18[%run_scoped3A_146, %mul3A_145] : memref<16x10240xi32, #tpu.memory_space<vmem_shared>> -> memref<1x640xi32, #tpu.memory_space<vmem_shared>>
          %dma_wait3A_250 = tpu.memref_squeeze %dma_wait3A : memref<1x640xi32, #tpu.memory_space<vmem_shared>> -> memref<640xi32, #tpu.memory_space<vmem_shared>>
          %dma_wait3A_251 = tpu.memref_slice %arg18[%run_scoped3A_146, %mul3A_145] : memref<16x10240xi32, #tpu.memory_space<vmem_shared>> -> memref<1x640xi32, #tpu.memory_space<vmem_shared>>
          %dma_wait3A_252 = tpu.memref_squeeze %dma_wait3A_251 : memref<1x640xi32, #tpu.memory_space<vmem_shared>> -> memref<640xi32, #tpu.memory_space<vmem_shared>>
          tpu.wait_dma2 semaphore(%run_scoped3A_246 : memref<!tpu.dma_semaphore, #tpu.memory_space<semaphore_mem>>) src(%dma_wait3A_252 : memref<640xi32, #tpu.memory_space<vmem_shared>>) dst(%arg10 : memref<640xi32, #tpu.memory_space<vmem>>)
          tpu.yield
        }) : () -> ()
        %scan3A_147 = arith.constant 0 : i32
        %scan3A_148 = arith.constant 40 : i32
        %scan3A_149 = arith.addi %scan3A_147, %scan3A_148 : i32
        %scan3A_150 = arith.constant 1 : i32
        scf.for %scan3A_246 = %scan3A_147 to %scan3A_149 step %scan3A_150  : i32 {
          %mul3A_247 = arith.constant 1 : i32
          %mul3A_248 = arith.muli %scan3A_246, %mul3A_247 : i32
          %add3A_249 = arith.constant 0 : i32
          %add3A_250 = arith.addi %add3A_249, %mul3A_248 : i32
          %mul3A_251 = arith.constant 16 : i32
          %mul3A_252 = arith.muli %add3A_250, %mul3A_251 : i32
          %get3A_253 = arith.index_cast %mul3A_252 : i32 to index
          %get3A_254 = tpu.vector_load %arg9[%get3A_253] {strides = array<i32>} : memref<640xi32, #tpu.memory_space<vmem>>, vector<16xi32>,
          %mul3A_255 = arith.constant 16 : i32
          %mul3A_256 = arith.muli %add3A_250, %mul3A_255 : i32
          %get3A_257 = arith.index_cast %mul3A_256 : i32 to index
          %get3A_258 = tpu.vector_load %arg10[%get3A_257] {strides = array<i32>} : memref<640xi32, #tpu.memory_space<vmem>>, vector<16xi32>,
          %min3A = arith.minsi %get3A_254, %get3A_258 : vector<16xi32>
          %mul3A_259 = arith.constant 16 : i32
          %mul3A_260 = arith.muli %add3A_250, %mul3A_259 : i32
          %swap3A_261 = arith.index_cast %mul3A_260 : i32 to index
          %swap3A_262 = tpu.vector_load %arg9[%swap3A_261] {strides = array<i32>} : memref<640xi32, #tpu.memory_space<vmem>>, vector<16xi32>,
          tpu.vector_store %arg9[%swap3A_261], %min3A {strides = array<i32>} : memref<640xi32, #tpu.memory_space<vmem>>, vector<16xi32>,
        }
        %scan3A_151 = arith.constant 40 : i32
        "tpu.region"() ({
          %run_scoped3A_246 = tpu.sem_alloc : memref<!tpu.dma_semaphore, #tpu.memory_space<semaphore_mem>>
          tpu.enqueue_dma source(%arg20 : memref<16x16xi32, #tpu.memory_space<vmem_shared>>) target(%arg17 : memref<16x16xi32, #tpu.memory_space<vmem>>) target_semaphore(%run_scoped3A_246 : memref<!tpu.dma_semaphore, #tpu.memory_space<semaphore_mem>>)
          tpu.wait_dma2 semaphore(%run_scoped3A_246 : memref<!tpu.dma_semaphore, #tpu.memory_space<semaphore_mem>>) src(%arg20 : memref<16x16xi32, #tpu.memory_space<vmem_shared>>) dst(%arg17 : memref<16x16xi32, #tpu.memory_space<vmem>>)
          tpu.yield
        }) : () -> ()
        %broadcast_in_dim3A_152 = arith.constant 0 : i32
        %broadcast_in_dim3A_153 = vector.broadcast %broadcast_in_dim3A_152 : i32 to vector<16xi32>
        %get3A = arith.constant 0 : i32
        %get3A_154 = arith.index_cast %get3A : i32 to index
        %get3A_155 = arith.constant 0 : index
        %get3A_156 = tpu.vector_load %arg17[%get3A_154, %get3A_155] {strides = array<i32>} : memref<16x16xi32, #tpu.memory_space<vmem>>, vector<16xi32>,
        %add3A = arith.addi %broadcast_in_dim3A_153, %get3A_156 : vector<16xi32>
        %get3A_157 = arith.constant 1 : i32
        %get3A_158 = arith.index_cast %get3A_157 : i32 to index
        %get3A_159 = arith.constant 0 : index
        %get3A_160 = tpu.vector_load %arg17[%get3A_158, %get3A_159] {strides = array<i32>} : memref<16x16xi32, #tpu.memory_space<vmem>>, vector<16xi32>,
        %add3A_161 = arith.addi %add3A, %get3A_160 : vector<16xi32>
        %get3A_162 = arith.constant 2 : i32
        %get3A_163 = arith.index_cast %get3A_162 : i32 to index
        %get3A_164 = arith.constant 0 : index
        %get3A_165 = tpu.vector_load %arg17[%get3A_163, %get3A_164] {strides = array<i32>} : memref<16x16xi32, #tpu.memory_space<vmem>>, vector<16xi32>,
        %add3A_166 = arith.addi %add3A_161, %get3A_165 : vector<16xi32>
        %get3A_167 = arith.constant 3 : i32
        %get3A_168 = arith.index_cast %get3A_167 : i32 to index
        %get3A_169 = arith.constant 0 : index
        %get3A_170 = tpu.vector_load %arg17[%get3A_168, %get3A_169] {strides = array<i32>} : memref<16x16xi32, #tpu.memory_space<vmem>>, vector<16xi32>,
        %add3A_171 = arith.addi %add3A_166, %get3A_170 : vector<16xi32>
        %get3A_172 = arith.constant 4 : i32
        %get3A_173 = arith.index_cast %get3A_172 : i32 to index
        %get3A_174 = arith.constant 0 : index
        %get3A_175 = tpu.vector_load %arg17[%get3A_173, %get3A_174] {strides = array<i32>} : memref<16x16xi32, #tpu.memory_space<vmem>>, vector<16xi32>,
        %add3A_176 = arith.addi %add3A_171, %get3A_175 : vector<16xi32>
        %get3A_177 = arith.constant 5 : i32
        %get3A_178 = arith.index_cast %get3A_177 : i32 to index
        %get3A_179 = arith.constant 0 : index
        %get3A_180 = tpu.vector_load %arg17[%get3A_178, %get3A_179] {strides = array<i32>} : memref<16x16xi32, #tpu.memory_space<vmem>>, vector<16xi32>,
        %add3A_181 = arith.addi %add3A_176, %get3A_180 : vector<16xi32>
        %get3A_182 = arith.constant 6 : i32
        %get3A_183 = arith.index_cast %get3A_182 : i32 to index
        %get3A_184 = arith.constant 0 : index
        %get3A_185 = tpu.vector_load %arg17[%get3A_183, %get3A_184] {strides = array<i32>} : memref<16x16xi32, #tpu.memory_space<vmem>>, vector<16xi32>,
        %add3A_186 = arith.addi %add3A_181, %get3A_185 : vector<16xi32>
        %get3A_187 = arith.constant 7 : i32
        %get3A_188 = arith.index_cast %get3A_187 : i32 to index
        %get3A_189 = arith.constant 0 : index
        %get3A_190 = tpu.vector_load %arg17[%get3A_188, %get3A_189] {strides = array<i32>} : memref<16x16xi32, #tpu.memory_space<vmem>>, vector<16xi32>,
        %add3A_191 = arith.addi %add3A_186, %get3A_190 : vector<16xi32>
        %get3A_192 = arith.constant 8 : i32
        %get3A_193 = arith.index_cast %get3A_192 : i32 to index
        %get3A_194 = arith.constant 0 : index
        %get3A_195 = tpu.vector_load %arg17[%get3A_193, %get3A_194] {strides = array<i32>} : memref<16x16xi32, #tpu.memory_space<vmem>>, vector<16xi32>,
        %add3A_196 = arith.addi %add3A_191, %get3A_195 : vector<16xi32>
        %get3A_197 = arith.constant 9 : i32
        %get3A_198 = arith.index_cast %get3A_197 : i32 to index
        %get3A_199 = arith.constant 0 : index
        %get3A_200 = tpu.vector_load %arg17[%get3A_198, %get3A_199] {strides = array<i32>} : memref<16x16xi32, #tpu.memory_space<vmem>>, vector<16xi32>,
        %add3A_201 = arith.addi %add3A_196, %get3A_200 : vector<16xi32>
        %get3A_202 = arith.constant 10 : i32
        %get3A_203 = arith.index_cast %get3A_202 : i32 to index
        %get3A_204 = arith.constant 0 : index
        %get3A_205 = tpu.vector_load %arg17[%get3A_203, %get3A_204] {strides = array<i32>} : memref<16x16xi32, #tpu.memory_space<vmem>>, vector<16xi32>,
        %add3A_206 = arith.addi %add3A_201, %get3A_205 : vector<16xi32>
        %get3A_207 = arith.constant 11 : i32
        %get3A_208 = arith.index_cast %get3A_207 : i32 to index
        %get3A_209 = arith.constant 0 : index
        %get3A_210 = tpu.vector_load %arg17[%get3A_208, %get3A_209] {strides = array<i32>} : memref<16x16xi32, #tpu.memory_space<vmem>>, vector<16xi32>,
        %add3A_211 = arith.addi %add3A_206, %get3A_210 : vector<16xi32>
        %get3A_212 = arith.constant 12 : i32
        %get3A_213 = arith.index_cast %get3A_212 : i32 to index
        %get3A_214 = arith.constant 0 : index
        %get3A_215 = tpu.vector_load %arg17[%get3A_213, %get3A_214] {strides = array<i32>} : memref<16x16xi32, #tpu.memory_space<vmem>>, vector<16xi32>,
        %add3A_216 = arith.addi %add3A_211, %get3A_215 : vector<16xi32>
        %get3A_217 = arith.constant 13 : i32
        %get3A_218 = arith.index_cast %get3A_217 : i32 to index
        %get3A_219 = arith.constant 0 : index
        %get3A_220 = tpu.vector_load %arg17[%get3A_218, %get3A_219] {strides = array<i32>} : memref<16x16xi32, #tpu.memory_space<vmem>>, vector<16xi32>,
        %add3A_221 = arith.addi %add3A_216, %get3A_220 : vector<16xi32>
        %get3A_222 = arith.constant 14 : i32
        %get3A_223 = arith.index_cast %get3A_222 : i32 to index
        %get3A_224 = arith.constant 0 : index
        %get3A_225 = tpu.vector_load %arg17[%get3A_223, %get3A_224] {strides = array<i32>} : memref<16x16xi32, #tpu.memory_space<vmem>>, vector<16xi32>,
        %add3A_226 = arith.addi %add3A_221, %get3A_225 : vector<16xi32>
        %get3A_227 = arith.constant 15 : i32
        %get3A_228 = arith.index_cast %get3A_227 : i32 to index
        %get3A_229 = arith.constant 0 : index
        %get3A_230 = tpu.vector_load %arg17[%get3A_228, %get3A_229] {strides = array<i32>} : memref<16x16xi32, #tpu.memory_space<vmem>>, vector<16xi32>,
        %add3A_231 = arith.addi %add3A_226, %get3A_230 : vector<16xi32>
        %reduce_sum3A = arith.constant true
        %reduce_sum3A_232 = vector.broadcast %reduce_sum3A : i1 to vector<16xi1>
        %reduce_sum3A_233 = tpu.scan <sum>, %add3A_231 masked %reduce_sum3A_232 : vector<16xi32>, vector<16xi1> -> vector<16xi32>
        %reduce_sum3A_234 = vector.extract %reduce_sum3A_233[15] : i32 from vector<16xi32>
        %mul3A_235 = arith.constant 640 : i32
        %mul3A_236 = arith.muli %arg1, %mul3A_235 : i32
        "tpu.region"() ({
          %run_scoped3A_246 = tpu.sem_alloc : memref<!tpu.dma_semaphore, #tpu.memory_space<semaphore_mem>>
          %dma_start3A = tpu.memref_slice %arg19[%mul3A_236] : memref<10240xi32, #tpu.memory_space<vmem_shared>> -> memref<640xi32, #tpu.memory_space<vmem_shared>>
          %dma_start3A_247 = tpu.memref_slice %arg19[%mul3A_236] : memref<10240xi32, #tpu.memory_space<vmem_shared>> -> memref<640xi32, #tpu.memory_space<vmem_shared>>
          tpu.enqueue_dma source(%arg9 : memref<640xi32, #tpu.memory_space<vmem>>) target(%dma_start3A_247 : memref<640xi32, #tpu.memory_space<vmem_shared>>) target_semaphore(%run_scoped3A_246 : memref<!tpu.dma_semaphore, #tpu.memory_space<semaphore_mem>>)
          %dma_wait3A = tpu.memref_slice %arg19[%mul3A_236] : memref<10240xi32, #tpu.memory_space<vmem_shared>> -> memref<640xi32, #tpu.memory_space<vmem_shared>>
          %dma_wait3A_248 = tpu.memref_slice %arg19[%mul3A_236] : memref<10240xi32, #tpu.memory_space<vmem_shared>> -> memref<640xi32, #tpu.memory_space<vmem_shared>>
          tpu.wait_dma2 semaphore(%run_scoped3A_246 : memref<!tpu.dma_semaphore, #tpu.memory_space<semaphore_mem>>) src(%arg9 : memref<640xi32, #tpu.memory_space<vmem>>) dst(%dma_wait3A_248 : memref<640xi32, #tpu.memory_space<vmem_shared>>)
          tpu.yield
        }) : () -> ()
        %barrier3A_237 = arith.constant 0 : index
        tpu.barrier barrier_id(%barrier3A_237)
        "tpu.region"() ({
          %run_scoped3A_246 = tpu.sem_alloc : memref<!tpu.dma_semaphore, #tpu.memory_space<semaphore_mem>>
          tpu.enqueue_dma source(%arg19 : memref<10240xi32, #tpu.memory_space<vmem_shared>>) target(%arg8 : memref<10240xi32, #tpu.memory_space<vmem>>) target_semaphore(%run_scoped3A_246 : memref<!tpu.dma_semaphore, #tpu.memory_space<semaphore_mem>>)
          tpu.wait_dma2 semaphore(%run_scoped3A_246 : memref<!tpu.dma_semaphore, #tpu.memory_space<semaphore_mem>>) src(%arg19 : memref<10240xi32, #tpu.memory_space<vmem_shared>>) dst(%arg8 : memref<10240xi32, #tpu.memory_space<vmem>>)
          tpu.yield
        }) : () -> ()
        %scan3A_238 = arith.constant 0 : i32
        %scan3A_239 = arith.constant 40 : i32
        %scan3A_240 = arith.addi %scan3A_238, %scan3A_239 : i32
        %scan3A_241 = arith.constant 1 : i32
        scf.for %scan3A_246 = %scan3A_238 to %scan3A_240 step %scan3A_241  : i32 {
          %mul3A_247 = arith.constant 1 : i32
          %mul3A_248 = arith.muli %scan3A_246, %mul3A_247 : i32
          %add3A_249 = arith.constant 0 : i32
          %add3A_250 = arith.addi %add3A_249, %mul3A_248 : i32
          %mul3A_251 = arith.constant 16 : i32
          %mul3A_252 = arith.muli %add3A_250, %mul3A_251 : i32
          %get3A_253 = arith.index_cast %mul3A_252 : i32 to index
          %get3A_254 = tpu.vector_load %arg9[%get3A_253] {strides = array<i32>} : memref<640xi32, #tpu.memory_space<vmem>>, vector<16xi32>,
          %gather3A = tpu.vector_load_idx %arg8[%get3A_254] : memref<10240xi32, #tpu.memory_space<vmem>>[vector<16xi32>], vector<16xi32>,
          %gather3A_255 = tpu.vector_load_idx %arg8[%gather3A] : memref<10240xi32, #tpu.memory_space<vmem>>[vector<16xi32>], vector<16xi32>,
          %gather3A_256 = tpu.vector_load_idx %arg8[%gather3A_255] : memref<10240xi32, #tpu.memory_space<vmem>>[vector<16xi32>], vector<16xi32>,
          %gather3A_257 = tpu.vector_load_idx %arg8[%gather3A_256] : memref<10240xi32, #tpu.memory_space<vmem>>[vector<16xi32>], vector<16xi32>,
          %gather3A_258 = tpu.vector_load_idx %arg8[%gather3A_257] : memref<10240xi32, #tpu.memory_space<vmem>>[vector<16xi32>], vector<16xi32>,
          %gather3A_259 = tpu.vector_load_idx %arg8[%gather3A_258] : memref<10240xi32, #tpu.memory_space<vmem>>[vector<16xi32>], vector<16xi32>,
          %gather3A_260 = tpu.vector_load_idx %arg8[%gather3A_259] : memref<10240xi32, #tpu.memory_space<vmem>>[vector<16xi32>], vector<16xi32>,
          %gather3A_261 = tpu.vector_load_idx %arg8[%gather3A_260] : memref<10240xi32, #tpu.memory_space<vmem>>[vector<16xi32>], vector<16xi32>,
          %gather3A_262 = tpu.vector_load_idx %arg8[%gather3A_261] : memref<10240xi32, #tpu.memory_space<vmem>>[vector<16xi32>], vector<16xi32>,
          %gather3A_263 = tpu.vector_load_idx %arg8[%gather3A_262] : memref<10240xi32, #tpu.memory_space<vmem>>[vector<16xi32>], vector<16xi32>,
          %gather3A_264 = tpu.vector_load_idx %arg8[%gather3A_263] : memref<10240xi32, #tpu.memory_space<vmem>>[vector<16xi32>], vector<16xi32>,
          %gather3A_265 = tpu.vector_load_idx %arg8[%gather3A_264] : memref<10240xi32, #tpu.memory_space<vmem>>[vector<16xi32>], vector<16xi32>,
          %gather3A_266 = tpu.vector_load_idx %arg8[%gather3A_265] : memref<10240xi32, #tpu.memory_space<vmem>>[vector<16xi32>], vector<16xi32>,
          %gather3A_267 = tpu.vector_load_idx %arg8[%gather3A_266] : memref<10240xi32, #tpu.memory_space<vmem>>[vector<16xi32>], vector<16xi32>,
          %mul3A_268 = arith.constant 16 : i32
          %mul3A_269 = arith.muli %add3A_250, %mul3A_268 : i32
          %swap3A_270 = arith.index_cast %mul3A_269 : i32 to index
          %swap3A_271 = tpu.vector_load %arg9[%swap3A_270] {strides = array<i32>} : memref<640xi32, #tpu.memory_space<vmem>>, vector<16xi32>,
          tpu.vector_store %arg9[%swap3A_270], %gather3A_267 {strides = array<i32>} : memref<640xi32, #tpu.memory_space<vmem>>, vector<16xi32>,
        }
        %scan3A_242 = arith.constant 40 : i32
        %mul3A_243 = arith.constant 640 : i32
        %mul3A_244 = arith.muli %arg1, %mul3A_243 : i32
        "tpu.region"() ({
          %run_scoped3A_246 = tpu.sem_alloc : memref<!tpu.dma_semaphore, #tpu.memory_space<semaphore_mem>>
          %dma_start3A = tpu.memref_slice %arg19[%mul3A_244] : memref<10240xi32, #tpu.memory_space<vmem_shared>> -> memref<640xi32, #tpu.memory_space<vmem_shared>>
          %dma_start3A_247 = tpu.memref_slice %arg19[%mul3A_244] : memref<10240xi32, #tpu.memory_space<vmem_shared>> -> memref<640xi32, #tpu.memory_space<vmem_shared>>
          tpu.enqueue_dma source(%arg9 : memref<640xi32, #tpu.memory_space<vmem>>) target(%dma_start3A_247 : memref<640xi32, #tpu.memory_space<vmem_shared>>) target_semaphore(%run_scoped3A_246 : memref<!tpu.dma_semaphore, #tpu.memory_space<semaphore_mem>>)
          %dma_wait3A = tpu.memref_slice %arg19[%mul3A_244] : memref<10240xi32, #tpu.memory_space<vmem_shared>> -> memref<640xi32, #tpu.memory_space<vmem_shared>>
          %dma_wait3A_248 = tpu.memref_slice %arg19[%mul3A_244] : memref<10240xi32, #tpu.memory_space<vmem_shared>> -> memref<640xi32, #tpu.memory_space<vmem_shared>>
          tpu.wait_dma2 semaphore(%run_scoped3A_246 : memref<!tpu.dma_semaphore, #tpu.memory_space<semaphore_mem>>) src(%arg9 : memref<640xi32, #tpu.memory_space<vmem>>) dst(%dma_wait3A_248 : memref<640xi32, #tpu.memory_space<vmem_shared>>)
          tpu.yield
        }) : () -> ()
        %barrier3A_245 = arith.constant 0 : index
        tpu.barrier barrier_id(%barrier3A_245)
        "tpu.region"() ({
          %run_scoped3A_246 = tpu.sem_alloc : memref<!tpu.dma_semaphore, #tpu.memory_space<semaphore_mem>>
          tpu.enqueue_dma source(%arg19 : memref<10240xi32, #tpu.memory_space<vmem_shared>>) target(%arg8 : memref<10240xi32, #tpu.memory_space<vmem>>) target_semaphore(%run_scoped3A_246 : memref<!tpu.dma_semaphore, #tpu.memory_space<semaphore_mem>>)
          tpu.wait_dma2 semaphore(%run_scoped3A_246 : memref<!tpu.dma_semaphore, #tpu.memory_space<semaphore_mem>>) src(%arg19 : memref<10240xi32, #tpu.memory_space<vmem_shared>>) dst(%arg8 : memref<10240xi32, #tpu.memory_space<vmem>>)
          tpu.yield
        }) : () -> ()
        scf.yield %reduce_sum3A_234 : i32
      }
      %eq3A_10 = arith.constant 0 : i32
      %eq3A_11 = arith.cmpi eq, %arg1, %eq3A_10 : i32
      %convert_element_type3A_12 = arith.extui %eq3A_11 : i1 to i32
      %cond3A_13 = arith.constant 0 : i32
      %cond3A_14 = arith.cmpi ne, %convert_element_type3A_12, %cond3A_13 : i32
      scf.if %cond3A_14 {
        "tpu.region"() ({
          %run_scoped3A = tpu.sem_alloc : memref<!tpu.dma_semaphore, #tpu.memory_space<semaphore_mem>>
          tpu.enqueue_dma source(%arg8 : memref<10240xi32, #tpu.memory_space<vmem>>) target(%arg5 : memref<10240xi32, #tpu.memory_space<hbm>>) target_semaphore(%run_scoped3A : memref<!tpu.dma_semaphore, #tpu.memory_space<semaphore_mem>>)
          tpu.wait_dma2 semaphore(%run_scoped3A : memref<!tpu.dma_semaphore, #tpu.memory_space<semaphore_mem>>) src(%arg8 : memref<10240xi32, #tpu.memory_space<vmem>>) dst(%arg5 : memref<10240xi32, #tpu.memory_space<hbm>>)
          tpu.yield
        }) : () -> ()
      } else {
      }
      %scan3A_15 = arith.constant 0 : i32
      %scan3A_16 = arith.constant 10 : i32
      %scan3A_17 = arith.addi %scan3A_15, %scan3A_16 : i32
      %scan3A_18 = arith.constant 1 : i32
      scf.for %scan3A_20 = %scan3A_15 to %scan3A_17 step %scan3A_18  : i32 {
        %mul3A_21 = arith.constant 1 : i32
        %mul3A_22 = arith.muli %scan3A_20, %mul3A_21 : i32
        %add3A = arith.constant 0 : i32
        %add3A_23 = arith.addi %add3A, %mul3A_22 : i32
        %mul3A_24 = arith.constant 20000 : i32
        %mul3A_25 = arith.muli %arg1, %mul3A_24 : i32
        %mul3A_26 = arith.constant 2000 : i32
        %mul3A_27 = arith.muli %add3A_23, %mul3A_26 : i32
        %add3A_28 = arith.addi %mul3A_25, %mul3A_27 : i32
        "tpu.region"() ({
          %run_scoped3A = tpu.sem_alloc : memref<!tpu.dma_semaphore, #tpu.memory_space<semaphore_mem>>
          %dma_start3A = tpu.memref_slice %arg2[%add3A_28] : memref<320000xi32, #tpu.memory_space<hbm>> -> memref<2000xi32, #tpu.memory_space<hbm>>
          %dma_start3A_34 = tpu.memref_slice %arg2[%add3A_28] : memref<320000xi32, #tpu.memory_space<hbm>> -> memref<2000xi32, #tpu.memory_space<hbm>>
          tpu.enqueue_dma source(%dma_start3A_34 : memref<2000xi32, #tpu.memory_space<hbm>>) target(%arg11 : memref<2000xi32, #tpu.memory_space<vmem>>) target_semaphore(%run_scoped3A : memref<!tpu.dma_semaphore, #tpu.memory_space<semaphore_mem>>)
          %dma_wait3A = tpu.memref_slice %arg2[%add3A_28] : memref<320000xi32, #tpu.memory_space<hbm>> -> memref<2000xi32, #tpu.memory_space<hbm>>
          %dma_wait3A_35 = tpu.memref_slice %arg2[%add3A_28] : memref<320000xi32, #tpu.memory_space<hbm>> -> memref<2000xi32, #tpu.memory_space<hbm>>
          tpu.wait_dma2 semaphore(%run_scoped3A : memref<!tpu.dma_semaphore, #tpu.memory_space<semaphore_mem>>) src(%dma_wait3A_35 : memref<2000xi32, #tpu.memory_space<hbm>>) dst(%arg11 : memref<2000xi32, #tpu.memory_space<vmem>>)
          tpu.yield
        }) : () -> ()
        "tpu.region"() ({
          %run_scoped3A = tpu.sem_alloc : memref<!tpu.dma_semaphore, #tpu.memory_space<semaphore_mem>>
          %dma_start3A = tpu.memref_slice %arg3[%add3A_28] : memref<320000xi32, #tpu.memory_space<hbm>> -> memref<2000xi32, #tpu.memory_space<hbm>>
          %dma_start3A_34 = tpu.memref_slice %arg3[%add3A_28] : memref<320000xi32, #tpu.memory_space<hbm>> -> memref<2000xi32, #tpu.memory_space<hbm>>
          tpu.enqueue_dma source(%dma_start3A_34 : memref<2000xi32, #tpu.memory_space<hbm>>) target(%arg12 : memref<2000xi32, #tpu.memory_space<vmem>>) target_semaphore(%run_scoped3A : memref<!tpu.dma_semaphore, #tpu.memory_space<semaphore_mem>>)
          %dma_wait3A = tpu.memref_slice %arg3[%add3A_28] : memref<320000xi32, #tpu.memory_space<hbm>> -> memref<2000xi32, #tpu.memory_space<hbm>>
          %dma_wait3A_35 = tpu.memref_slice %arg3[%add3A_28] : memref<320000xi32, #tpu.memory_space<hbm>> -> memref<2000xi32, #tpu.memory_space<hbm>>
          tpu.wait_dma2 semaphore(%run_scoped3A : memref<!tpu.dma_semaphore, #tpu.memory_space<semaphore_mem>>) src(%dma_wait3A_35 : memref<2000xi32, #tpu.memory_space<hbm>>) dst(%arg12 : memref<2000xi32, #tpu.memory_space<vmem>>)
          tpu.yield
        }) : () -> ()
        %scan3A_29 = arith.constant 0 : i32
        %scan3A_30 = arith.constant 125 : i32
        %scan3A_31 = arith.addi %scan3A_29, %scan3A_30 : i32
        %scan3A_32 = arith.constant 1 : i32
        scf.for %scan3A_34 = %scan3A_29 to %scan3A_31 step %scan3A_32  : i32 {
          %mul3A_35 = arith.constant 1 : i32
          %mul3A_36 = arith.muli %scan3A_34, %mul3A_35 : i32
          %add3A_37 = arith.constant 0 : i32
          %add3A_38 = arith.addi %add3A_37, %mul3A_36 : i32
          %mul3A_39 = arith.constant 16 : i32
          %mul3A_40 = arith.muli %add3A_38, %mul3A_39 : i32
          %get3A = arith.index_cast %mul3A_40 : i32 to index
          %get3A_41 = tpu.vector_load %arg11[%get3A] {strides = array<i32>} : memref<2000xi32, #tpu.memory_space<vmem>>, vector<16xi32>,
          %mul3A_42 = arith.constant 16 : i32
          %mul3A_43 = arith.muli %add3A_38, %mul3A_42 : i32
          %get3A_44 = arith.index_cast %mul3A_43 : i32 to index
          %get3A_45 = tpu.vector_load %arg12[%get3A_44] {strides = array<i32>} : memref<2000xi32, #tpu.memory_space<vmem>>, vector<16xi32>,
          %gather3A = tpu.vector_load_idx %arg8[%get3A_41] : memref<10240xi32, #tpu.memory_space<vmem>>[vector<16xi32>], vector<16xi32>,
          %mul3A_46 = arith.constant 16 : i32
          %mul3A_47 = arith.muli %add3A_38, %mul3A_46 : i32
          %swap3A = arith.index_cast %mul3A_47 : i32 to index
          %swap3A_48 = tpu.vector_load %arg14[%swap3A] {strides = array<i32>} : memref<2000xi32, #tpu.memory_space<vmem>>, vector<16xi32>,
          tpu.vector_store %arg14[%swap3A], %gather3A {strides = array<i32>} : memref<2000xi32, #tpu.memory_space<vmem>>, vector<16xi32>,
          %gather3A_49 = tpu.vector_load_idx %arg8[%get3A_45] : memref<10240xi32, #tpu.memory_space<vmem>>[vector<16xi32>], vector<16xi32>,
          %mul3A_50 = arith.constant 16 : i32
          %mul3A_51 = arith.muli %add3A_38, %mul3A_50 : i32
          %swap3A_52 = arith.index_cast %mul3A_51 : i32 to index
          %swap3A_53 = tpu.vector_load %arg15[%swap3A_52] {strides = array<i32>} : memref<2000xi32, #tpu.memory_space<vmem>>, vector<16xi32>,
          tpu.vector_store %arg15[%swap3A_52], %gather3A_49 {strides = array<i32>} : memref<2000xi32, #tpu.memory_space<vmem>>, vector<16xi32>,
        }
        %scan3A_33 = arith.constant 125 : i32
        "tpu.region"() ({
          %run_scoped3A = tpu.sem_alloc : memref<!tpu.dma_semaphore, #tpu.memory_space<semaphore_mem>>
          %dma_start3A = tpu.memref_slice %arg6[%add3A_28] : memref<320000xi32, #tpu.memory_space<hbm>> -> memref<2000xi32, #tpu.memory_space<hbm>>
          %dma_start3A_34 = tpu.memref_slice %arg6[%add3A_28] : memref<320000xi32, #tpu.memory_space<hbm>> -> memref<2000xi32, #tpu.memory_space<hbm>>
          tpu.enqueue_dma source(%arg14 : memref<2000xi32, #tpu.memory_space<vmem>>) target(%dma_start3A_34 : memref<2000xi32, #tpu.memory_space<hbm>>) target_semaphore(%run_scoped3A : memref<!tpu.dma_semaphore, #tpu.memory_space<semaphore_mem>>)
          %dma_wait3A = tpu.memref_slice %arg6[%add3A_28] : memref<320000xi32, #tpu.memory_space<hbm>> -> memref<2000xi32, #tpu.memory_space<hbm>>
          %dma_wait3A_35 = tpu.memref_slice %arg6[%add3A_28] : memref<320000xi32, #tpu.memory_space<hbm>> -> memref<2000xi32, #tpu.memory_space<hbm>>
          tpu.wait_dma2 semaphore(%run_scoped3A : memref<!tpu.dma_semaphore, #tpu.memory_space<semaphore_mem>>) src(%arg14 : memref<2000xi32, #tpu.memory_space<vmem>>) dst(%dma_wait3A_35 : memref<2000xi32, #tpu.memory_space<hbm>>)
          tpu.yield
        }) : () -> ()
        "tpu.region"() ({
          %run_scoped3A = tpu.sem_alloc : memref<!tpu.dma_semaphore, #tpu.memory_space<semaphore_mem>>
          %dma_start3A = tpu.memref_slice %arg7[%add3A_28] : memref<320000xi32, #tpu.memory_space<hbm>> -> memref<2000xi32, #tpu.memory_space<hbm>>
          %dma_start3A_34 = tpu.memref_slice %arg7[%add3A_28] : memref<320000xi32, #tpu.memory_space<hbm>> -> memref<2000xi32, #tpu.memory_space<hbm>>
          tpu.enqueue_dma source(%arg15 : memref<2000xi32, #tpu.memory_space<vmem>>) target(%dma_start3A_34 : memref<2000xi32, #tpu.memory_space<hbm>>) target_semaphore(%run_scoped3A : memref<!tpu.dma_semaphore, #tpu.memory_space<semaphore_mem>>)
          %dma_wait3A = tpu.memref_slice %arg7[%add3A_28] : memref<320000xi32, #tpu.memory_space<hbm>> -> memref<2000xi32, #tpu.memory_space<hbm>>
          %dma_wait3A_35 = tpu.memref_slice %arg7[%add3A_28] : memref<320000xi32, #tpu.memory_space<hbm>> -> memref<2000xi32, #tpu.memory_space<hbm>>
          tpu.wait_dma2 semaphore(%run_scoped3A : memref<!tpu.dma_semaphore, #tpu.memory_space<semaphore_mem>>) src(%arg15 : memref<2000xi32, #tpu.memory_space<vmem>>) dst(%dma_wait3A_35 : memref<2000xi32, #tpu.memory_space<hbm>>)
          tpu.yield
        }) : () -> ()
      }
      %scan3A_19 = arith.constant 10 : i32
    } else {
    }
    return
  }
}

#map = affine_map<(d0, d1) -> (0, 0)>
#map1 = affine_map<(d0, d1) -> (0)>
#map2 = affine_map<(d0, d1) -> (0, 0, 0)>
module attributes {stable_mosaic.version = 14 : i64} {
  func.func @body(%arg0: i32, %arg1: i32, %arg2: memref<10000x32xf32, #tpu.memory_space<hbm>>, %arg3: memref<320000xi32, #tpu.memory_space<hbm>>, %arg4: memref<320000xi32, #tpu.memory_space<hbm>>, %arg5: memref<320000xf32, #tpu.memory_space<hbm>>, %arg6: memref<10240x32xf32, #tpu.memory_space<hbm>>, %arg7: memref<10240xi32, #tpu.memory_space<hbm>>, %arg8: memref<2x10240x32xf32, #tpu.memory_space<hbm>>, %arg9: memref<1000xi32, #tpu.memory_space<vmem>>, %arg10: memref<1000xi32, #tpu.memory_space<vmem>>, %arg11: memref<1000xf32, #tpu.memory_space<vmem>>, %arg12: memref<1000x32xf32, #tpu.memory_space<vmem>>, %arg13: memref<640x32xf32, #tpu.memory_space<vmem>>, %arg14: memref<10000x32xf32, #tpu.memory_space<vmem_shared>>, %arg15: memref<10240x32xf32, #tpu.memory_space<vmem_shared>>, %arg16: memref<!tpu.dma_semaphore, #tpu.memory_space<semaphore_mem>>, %arg17: memref<320xi32, #tpu.memory_space<vmem>>, %arg18: memref<320x32xf32, #tpu.memory_space<vmem>>) attributes {dimension_semantics = [#tpu.dimension_semantics<core_parallel>, #tpu.dimension_semantics<subcore_parallel>], iteration_bounds = array<i64: 2, 16>, scalar_prefetch = 0 : i64, scratch_operands = 10 : i64, tpu.core_type = #tpu.core_type<sc_vector_subcore>, window_params = [{transform_indices = #map}, {transform_indices = #map1}, {transform_indices = #map1}, {transform_indices = #map1}, {transform_indices = #map}, {transform_indices = #map1}, {transform_indices = #map2}]} {
    %scan3A = arith.constant 0 : i32
    %scan3A_0 = arith.constant 640 : i32
    %scan3A_1 = arith.addi %scan3A, %scan3A_0 : i32
    %scan3A_2 = arith.constant 1 : i32
    scf.for %scan3A_27 = %scan3A to %scan3A_1 step %scan3A_2  : i32 {
      %mul3A_28 = arith.constant 1 : i32
      %mul3A_29 = arith.muli %scan3A_27, %mul3A_28 : i32
      %add3A_30 = arith.constant 0 : i32
      %add3A_31 = arith.addi %add3A_30, %mul3A_29 : i32
      %broadcast_in_dim3A = arith.constant 0.000000e+00 : f32
      %broadcast_in_dim3A_32 = vector.broadcast %broadcast_in_dim3A : f32 to vector<16xf32>
      %swap3A = arith.index_cast %add3A_31 : i32 to index
      %swap3A_33 = arith.constant 0 : index
      %swap3A_34 = tpu.vector_load %arg13[%swap3A, %swap3A_33] {strides = array<i32>} : memref<640x32xf32, #tpu.memory_space<vmem>>, vector<16xf32>,
      tpu.vector_store %arg13[%swap3A, %swap3A_33], %broadcast_in_dim3A_32 {strides = array<i32>} : memref<640x32xf32, #tpu.memory_space<vmem>>, vector<16xf32>,
      %broadcast_in_dim3A_35 = arith.constant 0.000000e+00 : f32
      %broadcast_in_dim3A_36 = vector.broadcast %broadcast_in_dim3A_35 : f32 to vector<16xf32>
      %swap3A_37 = arith.index_cast %add3A_31 : i32 to index
      %swap3A_38 = arith.constant 16 : index
      %swap3A_39 = tpu.vector_load %arg13[%swap3A_37, %swap3A_38] {strides = array<i32>} : memref<640x32xf32, #tpu.memory_space<vmem>>, vector<16xf32>,
      tpu.vector_store %arg13[%swap3A_37, %swap3A_38], %broadcast_in_dim3A_36 {strides = array<i32>} : memref<640x32xf32, #tpu.memory_space<vmem>>, vector<16xf32>,
    }
    %scan3A_3 = arith.constant 640 : i32
    %mul3A = arith.constant 640 : i32
    %mul3A_4 = arith.muli %arg1, %mul3A : i32
    "tpu.region"() ({
      %run_scoped3A = tpu.sem_alloc : memref<!tpu.dma_semaphore, #tpu.memory_space<semaphore_mem>>
      %dma_start3A = arith.constant 0 : i32
      %dma_start3A_27 = tpu.memref_slice %arg15[%mul3A_4, %dma_start3A] : memref<10240x32xf32, #tpu.memory_space<vmem_shared>> -> memref<640x32xf32, #tpu.memory_space<vmem_shared>>
      %dma_start3A_28 = arith.constant 0 : i32
      %dma_start3A_29 = tpu.memref_slice %arg15[%mul3A_4, %dma_start3A_28] : memref<10240x32xf32, #tpu.memory_space<vmem_shared>> -> memref<640x32xf32, #tpu.memory_space<vmem_shared>>
      tpu.enqueue_dma source(%arg13 : memref<640x32xf32, #tpu.memory_space<vmem>>) target(%dma_start3A_29 : memref<640x32xf32, #tpu.memory_space<vmem_shared>>) target_semaphore(%run_scoped3A : memref<!tpu.dma_semaphore, #tpu.memory_space<semaphore_mem>>)
      %dma_wait3A = arith.constant 0 : i32
      %dma_wait3A_30 = tpu.memref_slice %arg15[%mul3A_4, %dma_wait3A] : memref<10240x32xf32, #tpu.memory_space<vmem_shared>> -> memref<640x32xf32, #tpu.memory_space<vmem_shared>>
      %dma_wait3A_31 = arith.constant 0 : i32
      %dma_wait3A_32 = tpu.memref_slice %arg15[%mul3A_4, %dma_wait3A_31] : memref<10240x32xf32, #tpu.memory_space<vmem_shared>> -> memref<640x32xf32, #tpu.memory_space<vmem_shared>>
      tpu.wait_dma2 semaphore(%run_scoped3A : memref<!tpu.dma_semaphore, #tpu.memory_space<semaphore_mem>>) src(%arg13 : memref<640x32xf32, #tpu.memory_space<vmem>>) dst(%dma_wait3A_32 : memref<640x32xf32, #tpu.memory_space<vmem_shared>>)
      tpu.yield
    }) : () -> ()
    %eq3A = arith.constant 0 : i32
    %eq3A_5 = arith.cmpi eq, %arg1, %eq3A : i32
    %convert_element_type3A = arith.extui %eq3A_5 : i1 to i32
    %cond3A = arith.constant 0 : i32
    %cond3A_6 = arith.cmpi ne, %convert_element_type3A, %cond3A : i32
    scf.if %cond3A_6 {
      "tpu.region"() ({
        %run_scoped3A = tpu.sem_alloc : memref<!tpu.dma_semaphore, #tpu.memory_space<semaphore_mem>>
        tpu.enqueue_dma source(%arg2 : memref<10000x32xf32, #tpu.memory_space<hbm>>) target(%arg14 : memref<10000x32xf32, #tpu.memory_space<vmem_shared>>) target_semaphore(%run_scoped3A : memref<!tpu.dma_semaphore, #tpu.memory_space<semaphore_mem>>)
        tpu.wait_dma2 semaphore(%run_scoped3A : memref<!tpu.dma_semaphore, #tpu.memory_space<semaphore_mem>>) src(%arg2 : memref<10000x32xf32, #tpu.memory_space<hbm>>) dst(%arg14 : memref<10000x32xf32, #tpu.memory_space<vmem_shared>>)
        tpu.yield
      }) : () -> ()
    } else {
    }
    %barrier3A = arith.constant 0 : index
    tpu.barrier barrier_id(%barrier3A)
    %mul3A_7 = arith.constant 16 : i32
    %mul3A_8 = arith.muli %arg0, %mul3A_7 : i32
    %add3A = arith.addi %mul3A_8, %arg1 : i32
    %mul3A_9 = arith.constant 10000 : i32
    %mul3A_10 = arith.muli %add3A, %mul3A_9 : i32
    %scan3A_11 = arith.constant 0 : i32
    %scan3A_12 = arith.constant 10 : i32
    %scan3A_13 = arith.addi %scan3A_11, %scan3A_12 : i32
    %scan3A_14 = arith.constant 1 : i32
    scf.for %scan3A_27 = %scan3A_11 to %scan3A_13 step %scan3A_14  : i32 {
      %mul3A_28 = arith.constant 1 : i32
      %mul3A_29 = arith.muli %scan3A_27, %mul3A_28 : i32
      %add3A_30 = arith.constant 0 : i32
      %add3A_31 = arith.addi %add3A_30, %mul3A_29 : i32
      %mul3A_32 = arith.constant 1000 : i32
      %mul3A_33 = arith.muli %add3A_31, %mul3A_32 : i32
      %add3A_34 = arith.addi %mul3A_10, %mul3A_33 : i32
      "tpu.region"() ({
        %run_scoped3A = tpu.sem_alloc : memref<!tpu.dma_semaphore, #tpu.memory_space<semaphore_mem>>
        %dma_start3A_44 = tpu.memref_slice %arg3[%add3A_34] : memref<320000xi32, #tpu.memory_space<hbm>> -> memref<1000xi32, #tpu.memory_space<hbm>>
        %dma_start3A_45 = tpu.memref_slice %arg3[%add3A_34] : memref<320000xi32, #tpu.memory_space<hbm>> -> memref<1000xi32, #tpu.memory_space<hbm>>
        tpu.enqueue_dma source(%dma_start3A_45 : memref<1000xi32, #tpu.memory_space<hbm>>) target(%arg9 : memref<1000xi32, #tpu.memory_space<vmem>>) target_semaphore(%run_scoped3A : memref<!tpu.dma_semaphore, #tpu.memory_space<semaphore_mem>>)
        %dma_wait3A_46 = tpu.memref_slice %arg3[%add3A_34] : memref<320000xi32, #tpu.memory_space<hbm>> -> memref<1000xi32, #tpu.memory_space<hbm>>
        %dma_wait3A_47 = tpu.memref_slice %arg3[%add3A_34] : memref<320000xi32, #tpu.memory_space<hbm>> -> memref<1000xi32, #tpu.memory_space<hbm>>
        tpu.wait_dma2 semaphore(%run_scoped3A : memref<!tpu.dma_semaphore, #tpu.memory_space<semaphore_mem>>) src(%dma_wait3A_47 : memref<1000xi32, #tpu.memory_space<hbm>>) dst(%arg9 : memref<1000xi32, #tpu.memory_space<vmem>>)
        tpu.yield
      }) : () -> ()
      "tpu.region"() ({
        %run_scoped3A = tpu.sem_alloc : memref<!tpu.dma_semaphore, #tpu.memory_space<semaphore_mem>>
        %dma_start3A_44 = tpu.memref_slice %arg4[%add3A_34] : memref<320000xi32, #tpu.memory_space<hbm>> -> memref<1000xi32, #tpu.memory_space<hbm>>
        %dma_start3A_45 = tpu.memref_slice %arg4[%add3A_34] : memref<320000xi32, #tpu.memory_space<hbm>> -> memref<1000xi32, #tpu.memory_space<hbm>>
        tpu.enqueue_dma source(%dma_start3A_45 : memref<1000xi32, #tpu.memory_space<hbm>>) target(%arg10 : memref<1000xi32, #tpu.memory_space<vmem>>) target_semaphore(%run_scoped3A : memref<!tpu.dma_semaphore, #tpu.memory_space<semaphore_mem>>)
        %dma_wait3A_46 = tpu.memref_slice %arg4[%add3A_34] : memref<320000xi32, #tpu.memory_space<hbm>> -> memref<1000xi32, #tpu.memory_space<hbm>>
        %dma_wait3A_47 = tpu.memref_slice %arg4[%add3A_34] : memref<320000xi32, #tpu.memory_space<hbm>> -> memref<1000xi32, #tpu.memory_space<hbm>>
        tpu.wait_dma2 semaphore(%run_scoped3A : memref<!tpu.dma_semaphore, #tpu.memory_space<semaphore_mem>>) src(%dma_wait3A_47 : memref<1000xi32, #tpu.memory_space<hbm>>) dst(%arg10 : memref<1000xi32, #tpu.memory_space<vmem>>)
        tpu.yield
      }) : () -> ()
      "tpu.region"() ({
        %run_scoped3A = tpu.sem_alloc : memref<!tpu.dma_semaphore, #tpu.memory_space<semaphore_mem>>
        %dma_start3A_44 = tpu.memref_slice %arg5[%add3A_34] : memref<320000xf32, #tpu.memory_space<hbm>> -> memref<1000xf32, #tpu.memory_space<hbm>>
        %dma_start3A_45 = tpu.memref_slice %arg5[%add3A_34] : memref<320000xf32, #tpu.memory_space<hbm>> -> memref<1000xf32, #tpu.memory_space<hbm>>
        tpu.enqueue_dma source(%dma_start3A_45 : memref<1000xf32, #tpu.memory_space<hbm>>) target(%arg11 : memref<1000xf32, #tpu.memory_space<vmem>>) target_semaphore(%run_scoped3A : memref<!tpu.dma_semaphore, #tpu.memory_space<semaphore_mem>>)
        %dma_wait3A_46 = tpu.memref_slice %arg5[%add3A_34] : memref<320000xf32, #tpu.memory_space<hbm>> -> memref<1000xf32, #tpu.memory_space<hbm>>
        %dma_wait3A_47 = tpu.memref_slice %arg5[%add3A_34] : memref<320000xf32, #tpu.memory_space<hbm>> -> memref<1000xf32, #tpu.memory_space<hbm>>
        tpu.wait_dma2 semaphore(%run_scoped3A : memref<!tpu.dma_semaphore, #tpu.memory_space<semaphore_mem>>) src(%dma_wait3A_47 : memref<1000xf32, #tpu.memory_space<hbm>>) dst(%arg11 : memref<1000xf32, #tpu.memory_space<vmem>>)
        tpu.yield
      }) : () -> ()
      %dma_start3A = arith.constant 0 : i32
      %dma_start3A_35 = arith.constant 0 : i32
      %dma_start3A_36 = tpu.memref_slice %arg14[%dma_start3A, %dma_start3A_35] : memref<10000x32xf32, #tpu.memory_space<vmem_shared>> -> memref<10000x32xf32, #tpu.memory_space<vmem_shared>>
      tpu.enqueue_indirect_dma source(%dma_start3A_36 : memref<10000x32xf32, #tpu.memory_space<vmem_shared>>) target(%arg12 : memref<1000x32xf32, #tpu.memory_space<vmem>>) offsets(%arg9 : memref<1000xi32, #tpu.memory_space<vmem>>) semaphore(%arg16 : memref<!tpu.dma_semaphore, #tpu.memory_space<semaphore_mem>>)
      %dma_wait3A = arith.constant 0 : i32
      %dma_wait3A_37 = arith.constant 0 : i32
      %dma_wait3A_38 = tpu.memref_slice %arg14[%dma_wait3A, %dma_wait3A_37] : memref<10000x32xf32, #tpu.memory_space<vmem_shared>> -> memref<10000x32xf32, #tpu.memory_space<vmem_shared>>
      tpu.wait_indirect_dma semaphore(%arg16 : memref<!tpu.dma_semaphore, #tpu.memory_space<semaphore_mem>>) src(%dma_wait3A_38 : memref<10000x32xf32, #tpu.memory_space<vmem_shared>>) dst(%arg12 : memref<1000x32xf32, #tpu.memory_space<vmem>>)
      %scan3A_39 = arith.constant 0 : i32
      %scan3A_40 = arith.constant 1000 : i32
      %scan3A_41 = arith.addi %scan3A_39, %scan3A_40 : i32
      %scan3A_42 = arith.constant 4 : i32
      scf.for %scan3A_44 = %scan3A_39 to %scan3A_41 step %scan3A_42  : i32 {
        %mul3A_45 = arith.constant 1 : i32
        %mul3A_46 = arith.muli %scan3A_44, %mul3A_45 : i32
        %add3A_47 = arith.constant 0 : i32
        %add3A_48 = arith.addi %add3A_47, %mul3A_46 : i32
        %broadcast_in_dim3A = vector.broadcast %add3A_48 : i32 to vector<16xi32>
        %gather3A = tpu.vector_load_idx %arg11[%broadcast_in_dim3A] : memref<1000xf32, #tpu.memory_space<vmem>>[vector<16xi32>], vector<16xf32>,
        %get3A = arith.index_cast %add3A_48 : i32 to index
        %get3A_49 = arith.constant 0 : index
        %get3A_50 = tpu.vector_load %arg12[%get3A, %get3A_49] {strides = array<i32>} : memref<1000x32xf32, #tpu.memory_space<vmem>>, vector<16xf32>,
        %mul3A_51 = arith.mulf %get3A_50, %gather3A : vector<16xf32>
        %swap3A = arith.index_cast %add3A_48 : i32 to index
        %swap3A_52 = arith.constant 0 : index
        %swap3A_53 = tpu.vector_load %arg12[%swap3A, %swap3A_52] {strides = array<i32>} : memref<1000x32xf32, #tpu.memory_space<vmem>>, vector<16xf32>,
        tpu.vector_store %arg12[%swap3A, %swap3A_52], %mul3A_51 {strides = array<i32>} : memref<1000x32xf32, #tpu.memory_space<vmem>>, vector<16xf32>,
        %get3A_54 = arith.index_cast %add3A_48 : i32 to index
        %get3A_55 = arith.constant 16 : index
        %get3A_56 = tpu.vector_load %arg12[%get3A_54, %get3A_55] {strides = array<i32>} : memref<1000x32xf32, #tpu.memory_space<vmem>>, vector<16xf32>,
        %mul3A_57 = arith.mulf %get3A_56, %gather3A : vector<16xf32>
        %swap3A_58 = arith.index_cast %add3A_48 : i32 to index
        %swap3A_59 = arith.constant 16 : index
        %swap3A_60 = tpu.vector_load %arg12[%swap3A_58, %swap3A_59] {strides = array<i32>} : memref<1000x32xf32, #tpu.memory_space<vmem>>, vector<16xf32>,
        tpu.vector_store %arg12[%swap3A_58, %swap3A_59], %mul3A_57 {strides = array<i32>} : memref<1000x32xf32, #tpu.memory_space<vmem>>, vector<16xf32>,
        %scan3A_61 = arith.constant 1 : i32
        %scan3A_62 = arith.addi %scan3A_44, %scan3A_61 : i32
        %mul3A_63 = arith.constant 1 : i32
        %mul3A_64 = arith.muli %scan3A_62, %mul3A_63 : i32
        %add3A_65 = arith.constant 0 : i32
        %add3A_66 = arith.addi %add3A_65, %mul3A_64 : i32
        %broadcast_in_dim3A_67 = vector.broadcast %add3A_66 : i32 to vector<16xi32>
        %gather3A_68 = tpu.vector_load_idx %arg11[%broadcast_in_dim3A_67] : memref<1000xf32, #tpu.memory_space<vmem>>[vector<16xi32>], vector<16xf32>,
        %get3A_69 = arith.index_cast %add3A_66 : i32 to index
        %get3A_70 = arith.constant 0 : index
        %get3A_71 = tpu.vector_load %arg12[%get3A_69, %get3A_70] {strides = array<i32>} : memref<1000x32xf32, #tpu.memory_space<vmem>>, vector<16xf32>,
        %mul3A_72 = arith.mulf %get3A_71, %gather3A_68 : vector<16xf32>
        %swap3A_73 = arith.index_cast %add3A_66 : i32 to index
        %swap3A_74 = arith.constant 0 : index
        %swap3A_75 = tpu.vector_load %arg12[%swap3A_73, %swap3A_74] {strides = array<i32>} : memref<1000x32xf32, #tpu.memory_space<vmem>>, vector<16xf32>,
        tpu.vector_store %arg12[%swap3A_73, %swap3A_74], %mul3A_72 {strides = array<i32>} : memref<1000x32xf32, #tpu.memory_space<vmem>>, vector<16xf32>,
        %get3A_76 = arith.index_cast %add3A_66 : i32 to index
        %get3A_77 = arith.constant 16 : index
        %get3A_78 = tpu.vector_load %arg12[%get3A_76, %get3A_77] {strides = array<i32>} : memref<1000x32xf32, #tpu.memory_space<vmem>>, vector<16xf32>,
        %mul3A_79 = arith.mulf %get3A_78, %gather3A_68 : vector<16xf32>
        %swap3A_80 = arith.index_cast %add3A_66 : i32 to index
        %swap3A_81 = arith.constant 16 : index
        %swap3A_82 = tpu.vector_load %arg12[%swap3A_80, %swap3A_81] {strides = array<i32>} : memref<1000x32xf32, #tpu.memory_space<vmem>>, vector<16xf32>,
        tpu.vector_store %arg12[%swap3A_80, %swap3A_81], %mul3A_79 {strides = array<i32>} : memref<1000x32xf32, #tpu.memory_space<vmem>>, vector<16xf32>,
        %scan3A_83 = arith.constant 2 : i32
        %scan3A_84 = arith.addi %scan3A_44, %scan3A_83 : i32
        %mul3A_85 = arith.constant 1 : i32
        %mul3A_86 = arith.muli %scan3A_84, %mul3A_85 : i32
        %add3A_87 = arith.constant 0 : i32
        %add3A_88 = arith.addi %add3A_87, %mul3A_86 : i32
        %broadcast_in_dim3A_89 = vector.broadcast %add3A_88 : i32 to vector<16xi32>
        %gather3A_90 = tpu.vector_load_idx %arg11[%broadcast_in_dim3A_89] : memref<1000xf32, #tpu.memory_space<vmem>>[vector<16xi32>], vector<16xf32>,
        %get3A_91 = arith.index_cast %add3A_88 : i32 to index
        %get3A_92 = arith.constant 0 : index
        %get3A_93 = tpu.vector_load %arg12[%get3A_91, %get3A_92] {strides = array<i32>} : memref<1000x32xf32, #tpu.memory_space<vmem>>, vector<16xf32>,
        %mul3A_94 = arith.mulf %get3A_93, %gather3A_90 : vector<16xf32>
        %swap3A_95 = arith.index_cast %add3A_88 : i32 to index
        %swap3A_96 = arith.constant 0 : index
        %swap3A_97 = tpu.vector_load %arg12[%swap3A_95, %swap3A_96] {strides = array<i32>} : memref<1000x32xf32, #tpu.memory_space<vmem>>, vector<16xf32>,
        tpu.vector_store %arg12[%swap3A_95, %swap3A_96], %mul3A_94 {strides = array<i32>} : memref<1000x32xf32, #tpu.memory_space<vmem>>, vector<16xf32>,
        %get3A_98 = arith.index_cast %add3A_88 : i32 to index
        %get3A_99 = arith.constant 16 : index
        %get3A_100 = tpu.vector_load %arg12[%get3A_98, %get3A_99] {strides = array<i32>} : memref<1000x32xf32, #tpu.memory_space<vmem>>, vector<16xf32>,
        %mul3A_101 = arith.mulf %get3A_100, %gather3A_90 : vector<16xf32>
        %swap3A_102 = arith.index_cast %add3A_88 : i32 to index
        %swap3A_103 = arith.constant 16 : index
        %swap3A_104 = tpu.vector_load %arg12[%swap3A_102, %swap3A_103] {strides = array<i32>} : memref<1000x32xf32, #tpu.memory_space<vmem>>, vector<16xf32>,
        tpu.vector_store %arg12[%swap3A_102, %swap3A_103], %mul3A_101 {strides = array<i32>} : memref<1000x32xf32, #tpu.memory_space<vmem>>, vector<16xf32>,
        %scan3A_105 = arith.constant 3 : i32
        %scan3A_106 = arith.addi %scan3A_44, %scan3A_105 : i32
        %mul3A_107 = arith.constant 1 : i32
        %mul3A_108 = arith.muli %scan3A_106, %mul3A_107 : i32
        %add3A_109 = arith.constant 0 : i32
        %add3A_110 = arith.addi %add3A_109, %mul3A_108 : i32
        %broadcast_in_dim3A_111 = vector.broadcast %add3A_110 : i32 to vector<16xi32>
        %gather3A_112 = tpu.vector_load_idx %arg11[%broadcast_in_dim3A_111] : memref<1000xf32, #tpu.memory_space<vmem>>[vector<16xi32>], vector<16xf32>,
        %get3A_113 = arith.index_cast %add3A_110 : i32 to index
        %get3A_114 = arith.constant 0 : index
        %get3A_115 = tpu.vector_load %arg12[%get3A_113, %get3A_114] {strides = array<i32>} : memref<1000x32xf32, #tpu.memory_space<vmem>>, vector<16xf32>,
        %mul3A_116 = arith.mulf %get3A_115, %gather3A_112 : vector<16xf32>
        %swap3A_117 = arith.index_cast %add3A_110 : i32 to index
        %swap3A_118 = arith.constant 0 : index
        %swap3A_119 = tpu.vector_load %arg12[%swap3A_117, %swap3A_118] {strides = array<i32>} : memref<1000x32xf32, #tpu.memory_space<vmem>>, vector<16xf32>,
        tpu.vector_store %arg12[%swap3A_117, %swap3A_118], %mul3A_116 {strides = array<i32>} : memref<1000x32xf32, #tpu.memory_space<vmem>>, vector<16xf32>,
        %get3A_120 = arith.index_cast %add3A_110 : i32 to index
        %get3A_121 = arith.constant 16 : index
        %get3A_122 = tpu.vector_load %arg12[%get3A_120, %get3A_121] {strides = array<i32>} : memref<1000x32xf32, #tpu.memory_space<vmem>>, vector<16xf32>,
        %mul3A_123 = arith.mulf %get3A_122, %gather3A_112 : vector<16xf32>
        %swap3A_124 = arith.index_cast %add3A_110 : i32 to index
        %swap3A_125 = arith.constant 16 : index
        %swap3A_126 = tpu.vector_load %arg12[%swap3A_124, %swap3A_125] {strides = array<i32>} : memref<1000x32xf32, #tpu.memory_space<vmem>>, vector<16xf32>,
        tpu.vector_store %arg12[%swap3A_124, %swap3A_125], %mul3A_123 {strides = array<i32>} : memref<1000x32xf32, #tpu.memory_space<vmem>>, vector<16xf32>,
      }
      %scan3A_43 = arith.constant 1000 : i32
      "tpu.region"() ({
        %run_scoped3A = tpu.sem_alloc : memref<!tpu.dma_semaphore, #tpu.memory_space<semaphore_mem>>
        %dma_start3A_44 = arith.constant 0 : i32
        %dma_start3A_45 = arith.constant 0 : i32
        %dma_start3A_46 = tpu.memref_slice %arg15[%dma_start3A_44, %dma_start3A_45] : memref<10240x32xf32, #tpu.memory_space<vmem_shared>> -> memref<10240x32xf32, #tpu.memory_space<vmem_shared>>
        tpu.enqueue_indirect_dma source(%arg12 : memref<1000x32xf32, #tpu.memory_space<vmem>>) target(%dma_start3A_46 : memref<10240x32xf32, #tpu.memory_space<vmem_shared>>) offsets(%arg10 : memref<1000xi32, #tpu.memory_space<vmem>>) semaphore(%run_scoped3A : memref<!tpu.dma_semaphore, #tpu.memory_space<semaphore_mem>>) {add = true}
        %dma_wait3A_47 = arith.constant 0 : i32
        %dma_wait3A_48 = arith.constant 0 : i32
        %dma_wait3A_49 = tpu.memref_slice %arg15[%dma_wait3A_47, %dma_wait3A_48] : memref<10240x32xf32, #tpu.memory_space<vmem_shared>> -> memref<10240x32xf32, #tpu.memory_space<vmem_shared>>
        tpu.wait_indirect_dma semaphore(%run_scoped3A : memref<!tpu.dma_semaphore, #tpu.memory_space<semaphore_mem>>) src(%arg12 : memref<1000x32xf32, #tpu.memory_space<vmem>>) dst(%dma_wait3A_49 : memref<10240x32xf32, #tpu.memory_space<vmem_shared>>)
        tpu.yield
      }) : () -> ()
    }
    %scan3A_15 = arith.constant 10 : i32
    %mul3A_16 = arith.constant 16 : i32
    %mul3A_17 = arith.muli %arg0, %mul3A_16 : i32
    %add3A_18 = arith.addi %mul3A_17, %arg1 : i32
    %mul3A_19 = arith.constant 320 : i32
    %mul3A_20 = arith.muli %add3A_18, %mul3A_19 : i32
    "tpu.region"() ({
      %run_scoped3A = tpu.sem_alloc : memref<!tpu.dma_semaphore, #tpu.memory_space<semaphore_mem>>
      %dma_start3A = arith.constant 0 : i32
      %dma_start3A_27 = tpu.memref_slice %arg6[%mul3A_20, %dma_start3A] : memref<10240x32xf32, #tpu.memory_space<hbm>> -> memref<320x32xf32, #tpu.memory_space<hbm>>
      %dma_start3A_28 = arith.constant 0 : i32
      %dma_start3A_29 = tpu.memref_slice %arg6[%mul3A_20, %dma_start3A_28] : memref<10240x32xf32, #tpu.memory_space<hbm>> -> memref<320x32xf32, #tpu.memory_space<hbm>>
      tpu.enqueue_dma source(%dma_start3A_29 : memref<320x32xf32, #tpu.memory_space<hbm>>) target(%arg18 : memref<320x32xf32, #tpu.memory_space<vmem>>) target_semaphore(%run_scoped3A : memref<!tpu.dma_semaphore, #tpu.memory_space<semaphore_mem>>)
      %dma_wait3A = arith.constant 0 : i32
      %dma_wait3A_30 = tpu.memref_slice %arg6[%mul3A_20, %dma_wait3A] : memref<10240x32xf32, #tpu.memory_space<hbm>> -> memref<320x32xf32, #tpu.memory_space<hbm>>
      %dma_wait3A_31 = arith.constant 0 : i32
      %dma_wait3A_32 = tpu.memref_slice %arg6[%mul3A_20, %dma_wait3A_31] : memref<10240x32xf32, #tpu.memory_space<hbm>> -> memref<320x32xf32, #tpu.memory_space<hbm>>
      tpu.wait_dma2 semaphore(%run_scoped3A : memref<!tpu.dma_semaphore, #tpu.memory_space<semaphore_mem>>) src(%dma_wait3A_32 : memref<320x32xf32, #tpu.memory_space<hbm>>) dst(%arg18 : memref<320x32xf32, #tpu.memory_space<vmem>>)
      tpu.yield
    }) : () -> ()
    "tpu.region"() ({
      %run_scoped3A = tpu.sem_alloc : memref<!tpu.dma_semaphore, #tpu.memory_space<semaphore_mem>>
      %dma_start3A = tpu.memref_slice %arg7[%mul3A_20] : memref<10240xi32, #tpu.memory_space<hbm>> -> memref<320xi32, #tpu.memory_space<hbm>>
      %dma_start3A_27 = tpu.memref_slice %arg7[%mul3A_20] : memref<10240xi32, #tpu.memory_space<hbm>> -> memref<320xi32, #tpu.memory_space<hbm>>
      tpu.enqueue_dma source(%dma_start3A_27 : memref<320xi32, #tpu.memory_space<hbm>>) target(%arg17 : memref<320xi32, #tpu.memory_space<vmem>>) target_semaphore(%run_scoped3A : memref<!tpu.dma_semaphore, #tpu.memory_space<semaphore_mem>>)
      %dma_wait3A = tpu.memref_slice %arg7[%mul3A_20] : memref<10240xi32, #tpu.memory_space<hbm>> -> memref<320xi32, #tpu.memory_space<hbm>>
      %dma_wait3A_28 = tpu.memref_slice %arg7[%mul3A_20] : memref<10240xi32, #tpu.memory_space<hbm>> -> memref<320xi32, #tpu.memory_space<hbm>>
      tpu.wait_dma2 semaphore(%run_scoped3A : memref<!tpu.dma_semaphore, #tpu.memory_space<semaphore_mem>>) src(%dma_wait3A_28 : memref<320xi32, #tpu.memory_space<hbm>>) dst(%arg17 : memref<320xi32, #tpu.memory_space<vmem>>)
      tpu.yield
    }) : () -> ()
    "tpu.region"() ({
      %run_scoped3A = tpu.sem_alloc : memref<!tpu.dma_semaphore, #tpu.memory_space<semaphore_mem>>
      %dma_start3A = arith.constant 0 : i32
      %dma_start3A_27 = arith.constant 0 : i32
      %dma_start3A_28 = tpu.memref_slice %arg15[%dma_start3A, %dma_start3A_27] : memref<10240x32xf32, #tpu.memory_space<vmem_shared>> -> memref<10240x32xf32, #tpu.memory_space<vmem_shared>>
      tpu.enqueue_indirect_dma source(%arg18 : memref<320x32xf32, #tpu.memory_space<vmem>>) target(%dma_start3A_28 : memref<10240x32xf32, #tpu.memory_space<vmem_shared>>) offsets(%arg17 : memref<320xi32, #tpu.memory_space<vmem>>) semaphore(%run_scoped3A : memref<!tpu.dma_semaphore, #tpu.memory_space<semaphore_mem>>) {add = true}
      %dma_wait3A = arith.constant 0 : i32
      %dma_wait3A_29 = arith.constant 0 : i32
      %dma_wait3A_30 = tpu.memref_slice %arg15[%dma_wait3A, %dma_wait3A_29] : memref<10240x32xf32, #tpu.memory_space<vmem_shared>> -> memref<10240x32xf32, #tpu.memory_space<vmem_shared>>
      tpu.wait_indirect_dma semaphore(%run_scoped3A : memref<!tpu.dma_semaphore, #tpu.memory_space<semaphore_mem>>) src(%arg18 : memref<320x32xf32, #tpu.memory_space<vmem>>) dst(%dma_wait3A_30 : memref<10240x32xf32, #tpu.memory_space<vmem_shared>>)
      tpu.yield
    }) : () -> ()
    %barrier3A_21 = arith.constant 0 : index
    tpu.barrier barrier_id(%barrier3A_21)
    %eq3A_22 = arith.constant 0 : i32
    %eq3A_23 = arith.cmpi eq, %arg1, %eq3A_22 : i32
    %convert_element_type3A_24 = arith.extui %eq3A_23 : i1 to i32
    %cond3A_25 = arith.constant 0 : i32
    %cond3A_26 = arith.cmpi ne, %convert_element_type3A_24, %cond3A_25 : i32
    scf.if %cond3A_26 {
      "tpu.region"() ({
        %run_scoped3A = tpu.sem_alloc : memref<!tpu.dma_semaphore, #tpu.memory_space<semaphore_mem>>
        %dma_start3A = arith.constant 0 : i32
        %dma_start3A_27 = arith.constant 0 : i32
        %dma_start3A_28 = tpu.memref_slice %arg8[%arg0, %dma_start3A, %dma_start3A_27] : memref<2x10240x32xf32, #tpu.memory_space<hbm>> -> memref<1x10240x32xf32, #tpu.memory_space<hbm>>
        %dma_start3A_29 = tpu.memref_squeeze %dma_start3A_28 : memref<1x10240x32xf32, #tpu.memory_space<hbm>> -> memref<10240x32xf32, #tpu.memory_space<hbm>>
        tpu.enqueue_dma source(%arg15 : memref<10240x32xf32, #tpu.memory_space<vmem_shared>>) target(%dma_start3A_29 : memref<10240x32xf32, #tpu.memory_space<hbm>>) target_semaphore(%run_scoped3A : memref<!tpu.dma_semaphore, #tpu.memory_space<semaphore_mem>>)
        %dma_wait3A = arith.constant 0 : i32
        %dma_wait3A_30 = arith.constant 0 : i32
        %dma_wait3A_31 = tpu.memref_slice %arg8[%arg0, %dma_wait3A, %dma_wait3A_30] : memref<2x10240x32xf32, #tpu.memory_space<hbm>> -> memref<1x10240x32xf32, #tpu.memory_space<hbm>>
        %dma_wait3A_32 = tpu.memref_squeeze %dma_wait3A_31 : memref<1x10240x32xf32, #tpu.memory_space<hbm>> -> memref<10240x32xf32, #tpu.memory_space<hbm>>
        tpu.wait_dma2 semaphore(%run_scoped3A : memref<!tpu.dma_semaphore, #tpu.memory_space<semaphore_mem>>) src(%arg15 : memref<10240x32xf32, #tpu.memory_space<vmem_shared>>) dst(%dma_wait3A_32 : memref<10240x32xf32, #tpu.memory_space<hbm>>)
        tpu.yield
      }) : () -> ()
    } else {
    }
    return
  }
}

#map = affine_map<(d0, d1) -> (0, 0)>
#map1 = affine_map<(d0, d1) -> (0)>
#map2 = affine_map<(d0, d1) -> (0, 0, 0)>
module attributes {stable_mosaic.version = 14 : i64} {
  func.func @body(%arg0: i32, %arg1: i32, %arg2: memref<10000x32xf32, #tpu.memory_space<hbm>>, %arg3: memref<320000xi32, #tpu.memory_space<hbm>>, %arg4: memref<320000xi32, #tpu.memory_space<hbm>>, %arg5: memref<320000xf32, #tpu.memory_space<hbm>>, %arg6: memref<2x10240x32xf32, #tpu.memory_space<hbm>>, %arg7: memref<1000xi32, #tpu.memory_space<vmem>>, %arg8: memref<1000xi32, #tpu.memory_space<vmem>>, %arg9: memref<1000xf32, #tpu.memory_space<vmem>>, %arg10: memref<1000x32xf32, #tpu.memory_space<vmem>>, %arg11: memref<640x32xf32, #tpu.memory_space<vmem>>, %arg12: memref<10000x32xf32, #tpu.memory_space<vmem_shared>>, %arg13: memref<10240x32xf32, #tpu.memory_space<vmem_shared>>, %arg14: memref<!tpu.dma_semaphore, #tpu.memory_space<semaphore_mem>>) attributes {dimension_semantics = [#tpu.dimension_semantics<core_parallel>, #tpu.dimension_semantics<subcore_parallel>], iteration_bounds = array<i64: 2, 16>, scalar_prefetch = 0 : i64, scratch_operands = 8 : i64, tpu.core_type = #tpu.core_type<sc_vector_subcore>, window_params = [{transform_indices = #map}, {transform_indices = #map1}, {transform_indices = #map1}, {transform_indices = #map1}, {transform_indices = #map2}]} {
    %scan3A = arith.constant 0 : i32
    %scan3A_0 = arith.constant 640 : i32
    %scan3A_1 = arith.addi %scan3A, %scan3A_0 : i32
    %scan3A_2 = arith.constant 1 : i32
    scf.for %scan3A_22 = %scan3A to %scan3A_1 step %scan3A_2  : i32 {
      %mul3A_23 = arith.constant 1 : i32
      %mul3A_24 = arith.muli %scan3A_22, %mul3A_23 : i32
      %add3A_25 = arith.constant 0 : i32
      %add3A_26 = arith.addi %add3A_25, %mul3A_24 : i32
      %broadcast_in_dim3A = arith.constant 0.000000e+00 : f32
      %broadcast_in_dim3A_27 = vector.broadcast %broadcast_in_dim3A : f32 to vector<16xf32>
      %swap3A = arith.index_cast %add3A_26 : i32 to index
      %swap3A_28 = arith.constant 0 : index
      %swap3A_29 = tpu.vector_load %arg11[%swap3A, %swap3A_28] {strides = array<i32>} : memref<640x32xf32, #tpu.memory_space<vmem>>, vector<16xf32>,
      tpu.vector_store %arg11[%swap3A, %swap3A_28], %broadcast_in_dim3A_27 {strides = array<i32>} : memref<640x32xf32, #tpu.memory_space<vmem>>, vector<16xf32>,
      %broadcast_in_dim3A_30 = arith.constant 0.000000e+00 : f32
      %broadcast_in_dim3A_31 = vector.broadcast %broadcast_in_dim3A_30 : f32 to vector<16xf32>
      %swap3A_32 = arith.index_cast %add3A_26 : i32 to index
      %swap3A_33 = arith.constant 16 : index
      %swap3A_34 = tpu.vector_load %arg11[%swap3A_32, %swap3A_33] {strides = array<i32>} : memref<640x32xf32, #tpu.memory_space<vmem>>, vector<16xf32>,
      tpu.vector_store %arg11[%swap3A_32, %swap3A_33], %broadcast_in_dim3A_31 {strides = array<i32>} : memref<640x32xf32, #tpu.memory_space<vmem>>, vector<16xf32>,
    }
    %scan3A_3 = arith.constant 640 : i32
    %mul3A = arith.constant 640 : i32
    %mul3A_4 = arith.muli %arg1, %mul3A : i32
    "tpu.region"() ({
      %run_scoped3A = tpu.sem_alloc : memref<!tpu.dma_semaphore, #tpu.memory_space<semaphore_mem>>
      %dma_start3A = arith.constant 0 : i32
      %dma_start3A_22 = tpu.memref_slice %arg13[%mul3A_4, %dma_start3A] : memref<10240x32xf32, #tpu.memory_space<vmem_shared>> -> memref<640x32xf32, #tpu.memory_space<vmem_shared>>
      %dma_start3A_23 = arith.constant 0 : i32
      %dma_start3A_24 = tpu.memref_slice %arg13[%mul3A_4, %dma_start3A_23] : memref<10240x32xf32, #tpu.memory_space<vmem_shared>> -> memref<640x32xf32, #tpu.memory_space<vmem_shared>>
      tpu.enqueue_dma source(%arg11 : memref<640x32xf32, #tpu.memory_space<vmem>>) target(%dma_start3A_24 : memref<640x32xf32, #tpu.memory_space<vmem_shared>>) target_semaphore(%run_scoped3A : memref<!tpu.dma_semaphore, #tpu.memory_space<semaphore_mem>>)
      %dma_wait3A = arith.constant 0 : i32
      %dma_wait3A_25 = tpu.memref_slice %arg13[%mul3A_4, %dma_wait3A] : memref<10240x32xf32, #tpu.memory_space<vmem_shared>> -> memref<640x32xf32, #tpu.memory_space<vmem_shared>>
      %dma_wait3A_26 = arith.constant 0 : i32
      %dma_wait3A_27 = tpu.memref_slice %arg13[%mul3A_4, %dma_wait3A_26] : memref<10240x32xf32, #tpu.memory_space<vmem_shared>> -> memref<640x32xf32, #tpu.memory_space<vmem_shared>>
      tpu.wait_dma2 semaphore(%run_scoped3A : memref<!tpu.dma_semaphore, #tpu.memory_space<semaphore_mem>>) src(%arg11 : memref<640x32xf32, #tpu.memory_space<vmem>>) dst(%dma_wait3A_27 : memref<640x32xf32, #tpu.memory_space<vmem_shared>>)
      tpu.yield
    }) : () -> ()
    %eq3A = arith.constant 0 : i32
    %eq3A_5 = arith.cmpi eq, %arg1, %eq3A : i32
    %convert_element_type3A = arith.extui %eq3A_5 : i1 to i32
    %cond3A = arith.constant 0 : i32
    %cond3A_6 = arith.cmpi ne, %convert_element_type3A, %cond3A : i32
    scf.if %cond3A_6 {
      "tpu.region"() ({
        %run_scoped3A = tpu.sem_alloc : memref<!tpu.dma_semaphore, #tpu.memory_space<semaphore_mem>>
        tpu.enqueue_dma source(%arg2 : memref<10000x32xf32, #tpu.memory_space<hbm>>) target(%arg12 : memref<10000x32xf32, #tpu.memory_space<vmem_shared>>) target_semaphore(%run_scoped3A : memref<!tpu.dma_semaphore, #tpu.memory_space<semaphore_mem>>)
        tpu.wait_dma2 semaphore(%run_scoped3A : memref<!tpu.dma_semaphore, #tpu.memory_space<semaphore_mem>>) src(%arg2 : memref<10000x32xf32, #tpu.memory_space<hbm>>) dst(%arg12 : memref<10000x32xf32, #tpu.memory_space<vmem_shared>>)
        tpu.yield
      }) : () -> ()
    } else {
    }
    %barrier3A = arith.constant 0 : index
    tpu.barrier barrier_id(%barrier3A)
    %mul3A_7 = arith.constant 16 : i32
    %mul3A_8 = arith.muli %arg0, %mul3A_7 : i32
    %add3A = arith.addi %mul3A_8, %arg1 : i32
    %mul3A_9 = arith.constant 10000 : i32
    %mul3A_10 = arith.muli %add3A, %mul3A_9 : i32
    %scan3A_11 = arith.constant 0 : i32
    %scan3A_12 = arith.constant 10 : i32
    %scan3A_13 = arith.addi %scan3A_11, %scan3A_12 : i32
    %scan3A_14 = arith.constant 1 : i32
    scf.for %scan3A_22 = %scan3A_11 to %scan3A_13 step %scan3A_14  : i32 {
      %mul3A_23 = arith.constant 1 : i32
      %mul3A_24 = arith.muli %scan3A_22, %mul3A_23 : i32
      %add3A_25 = arith.constant 0 : i32
      %add3A_26 = arith.addi %add3A_25, %mul3A_24 : i32
      %mul3A_27 = arith.constant 1000 : i32
      %mul3A_28 = arith.muli %add3A_26, %mul3A_27 : i32
      %add3A_29 = arith.addi %mul3A_10, %mul3A_28 : i32
      "tpu.region"() ({
        %run_scoped3A = tpu.sem_alloc : memref<!tpu.dma_semaphore, #tpu.memory_space<semaphore_mem>>
        %dma_start3A_39 = tpu.memref_slice %arg3[%add3A_29] : memref<320000xi32, #tpu.memory_space<hbm>> -> memref<1000xi32, #tpu.memory_space<hbm>>
        %dma_start3A_40 = tpu.memref_slice %arg3[%add3A_29] : memref<320000xi32, #tpu.memory_space<hbm>> -> memref<1000xi32, #tpu.memory_space<hbm>>
        tpu.enqueue_dma source(%dma_start3A_40 : memref<1000xi32, #tpu.memory_space<hbm>>) target(%arg7 : memref<1000xi32, #tpu.memory_space<vmem>>) target_semaphore(%run_scoped3A : memref<!tpu.dma_semaphore, #tpu.memory_space<semaphore_mem>>)
        %dma_wait3A_41 = tpu.memref_slice %arg3[%add3A_29] : memref<320000xi32, #tpu.memory_space<hbm>> -> memref<1000xi32, #tpu.memory_space<hbm>>
        %dma_wait3A_42 = tpu.memref_slice %arg3[%add3A_29] : memref<320000xi32, #tpu.memory_space<hbm>> -> memref<1000xi32, #tpu.memory_space<hbm>>
        tpu.wait_dma2 semaphore(%run_scoped3A : memref<!tpu.dma_semaphore, #tpu.memory_space<semaphore_mem>>) src(%dma_wait3A_42 : memref<1000xi32, #tpu.memory_space<hbm>>) dst(%arg7 : memref<1000xi32, #tpu.memory_space<vmem>>)
        tpu.yield
      }) : () -> ()
      "tpu.region"() ({
        %run_scoped3A = tpu.sem_alloc : memref<!tpu.dma_semaphore, #tpu.memory_space<semaphore_mem>>
        %dma_start3A_39 = tpu.memref_slice %arg4[%add3A_29] : memref<320000xi32, #tpu.memory_space<hbm>> -> memref<1000xi32, #tpu.memory_space<hbm>>
        %dma_start3A_40 = tpu.memref_slice %arg4[%add3A_29] : memref<320000xi32, #tpu.memory_space<hbm>> -> memref<1000xi32, #tpu.memory_space<hbm>>
        tpu.enqueue_dma source(%dma_start3A_40 : memref<1000xi32, #tpu.memory_space<hbm>>) target(%arg8 : memref<1000xi32, #tpu.memory_space<vmem>>) target_semaphore(%run_scoped3A : memref<!tpu.dma_semaphore, #tpu.memory_space<semaphore_mem>>)
        %dma_wait3A_41 = tpu.memref_slice %arg4[%add3A_29] : memref<320000xi32, #tpu.memory_space<hbm>> -> memref<1000xi32, #tpu.memory_space<hbm>>
        %dma_wait3A_42 = tpu.memref_slice %arg4[%add3A_29] : memref<320000xi32, #tpu.memory_space<hbm>> -> memref<1000xi32, #tpu.memory_space<hbm>>
        tpu.wait_dma2 semaphore(%run_scoped3A : memref<!tpu.dma_semaphore, #tpu.memory_space<semaphore_mem>>) src(%dma_wait3A_42 : memref<1000xi32, #tpu.memory_space<hbm>>) dst(%arg8 : memref<1000xi32, #tpu.memory_space<vmem>>)
        tpu.yield
      }) : () -> ()
      "tpu.region"() ({
        %run_scoped3A = tpu.sem_alloc : memref<!tpu.dma_semaphore, #tpu.memory_space<semaphore_mem>>
        %dma_start3A_39 = tpu.memref_slice %arg5[%add3A_29] : memref<320000xf32, #tpu.memory_space<hbm>> -> memref<1000xf32, #tpu.memory_space<hbm>>
        %dma_start3A_40 = tpu.memref_slice %arg5[%add3A_29] : memref<320000xf32, #tpu.memory_space<hbm>> -> memref<1000xf32, #tpu.memory_space<hbm>>
        tpu.enqueue_dma source(%dma_start3A_40 : memref<1000xf32, #tpu.memory_space<hbm>>) target(%arg9 : memref<1000xf32, #tpu.memory_space<vmem>>) target_semaphore(%run_scoped3A : memref<!tpu.dma_semaphore, #tpu.memory_space<semaphore_mem>>)
        %dma_wait3A_41 = tpu.memref_slice %arg5[%add3A_29] : memref<320000xf32, #tpu.memory_space<hbm>> -> memref<1000xf32, #tpu.memory_space<hbm>>
        %dma_wait3A_42 = tpu.memref_slice %arg5[%add3A_29] : memref<320000xf32, #tpu.memory_space<hbm>> -> memref<1000xf32, #tpu.memory_space<hbm>>
        tpu.wait_dma2 semaphore(%run_scoped3A : memref<!tpu.dma_semaphore, #tpu.memory_space<semaphore_mem>>) src(%dma_wait3A_42 : memref<1000xf32, #tpu.memory_space<hbm>>) dst(%arg9 : memref<1000xf32, #tpu.memory_space<vmem>>)
        tpu.yield
      }) : () -> ()
      %dma_start3A = arith.constant 0 : i32
      %dma_start3A_30 = arith.constant 0 : i32
      %dma_start3A_31 = tpu.memref_slice %arg12[%dma_start3A, %dma_start3A_30] : memref<10000x32xf32, #tpu.memory_space<vmem_shared>> -> memref<10000x32xf32, #tpu.memory_space<vmem_shared>>
      tpu.enqueue_indirect_dma source(%dma_start3A_31 : memref<10000x32xf32, #tpu.memory_space<vmem_shared>>) target(%arg10 : memref<1000x32xf32, #tpu.memory_space<vmem>>) offsets(%arg7 : memref<1000xi32, #tpu.memory_space<vmem>>) semaphore(%arg14 : memref<!tpu.dma_semaphore, #tpu.memory_space<semaphore_mem>>)
      %dma_wait3A = arith.constant 0 : i32
      %dma_wait3A_32 = arith.constant 0 : i32
      %dma_wait3A_33 = tpu.memref_slice %arg12[%dma_wait3A, %dma_wait3A_32] : memref<10000x32xf32, #tpu.memory_space<vmem_shared>> -> memref<10000x32xf32, #tpu.memory_space<vmem_shared>>
      tpu.wait_indirect_dma semaphore(%arg14 : memref<!tpu.dma_semaphore, #tpu.memory_space<semaphore_mem>>) src(%dma_wait3A_33 : memref<10000x32xf32, #tpu.memory_space<vmem_shared>>) dst(%arg10 : memref<1000x32xf32, #tpu.memory_space<vmem>>)
      %scan3A_34 = arith.constant 0 : i32
      %scan3A_35 = arith.constant 1000 : i32
      %scan3A_36 = arith.addi %scan3A_34, %scan3A_35 : i32
      %scan3A_37 = arith.constant 4 : i32
      scf.for %scan3A_39 = %scan3A_34 to %scan3A_36 step %scan3A_37  : i32 {
        %mul3A_40 = arith.constant 1 : i32
        %mul3A_41 = arith.muli %scan3A_39, %mul3A_40 : i32
        %add3A_42 = arith.constant 0 : i32
        %add3A_43 = arith.addi %add3A_42, %mul3A_41 : i32
        %broadcast_in_dim3A = vector.broadcast %add3A_43 : i32 to vector<16xi32>
        %gather3A = tpu.vector_load_idx %arg9[%broadcast_in_dim3A] : memref<1000xf32, #tpu.memory_space<vmem>>[vector<16xi32>], vector<16xf32>,
        %get3A = arith.index_cast %add3A_43 : i32 to index
        %get3A_44 = arith.constant 0 : index
        %get3A_45 = tpu.vector_load %arg10[%get3A, %get3A_44] {strides = array<i32>} : memref<1000x32xf32, #tpu.memory_space<vmem>>, vector<16xf32>,
        %mul3A_46 = arith.mulf %get3A_45, %gather3A : vector<16xf32>
        %swap3A = arith.index_cast %add3A_43 : i32 to index
        %swap3A_47 = arith.constant 0 : index
        %swap3A_48 = tpu.vector_load %arg10[%swap3A, %swap3A_47] {strides = array<i32>} : memref<1000x32xf32, #tpu.memory_space<vmem>>, vector<16xf32>,
        tpu.vector_store %arg10[%swap3A, %swap3A_47], %mul3A_46 {strides = array<i32>} : memref<1000x32xf32, #tpu.memory_space<vmem>>, vector<16xf32>,
        %get3A_49 = arith.index_cast %add3A_43 : i32 to index
        %get3A_50 = arith.constant 16 : index
        %get3A_51 = tpu.vector_load %arg10[%get3A_49, %get3A_50] {strides = array<i32>} : memref<1000x32xf32, #tpu.memory_space<vmem>>, vector<16xf32>,
        %mul3A_52 = arith.mulf %get3A_51, %gather3A : vector<16xf32>
        %swap3A_53 = arith.index_cast %add3A_43 : i32 to index
        %swap3A_54 = arith.constant 16 : index
        %swap3A_55 = tpu.vector_load %arg10[%swap3A_53, %swap3A_54] {strides = array<i32>} : memref<1000x32xf32, #tpu.memory_space<vmem>>, vector<16xf32>,
        tpu.vector_store %arg10[%swap3A_53, %swap3A_54], %mul3A_52 {strides = array<i32>} : memref<1000x32xf32, #tpu.memory_space<vmem>>, vector<16xf32>,
        %scan3A_56 = arith.constant 1 : i32
        %scan3A_57 = arith.addi %scan3A_39, %scan3A_56 : i32
        %mul3A_58 = arith.constant 1 : i32
        %mul3A_59 = arith.muli %scan3A_57, %mul3A_58 : i32
        %add3A_60 = arith.constant 0 : i32
        %add3A_61 = arith.addi %add3A_60, %mul3A_59 : i32
        %broadcast_in_dim3A_62 = vector.broadcast %add3A_61 : i32 to vector<16xi32>
        %gather3A_63 = tpu.vector_load_idx %arg9[%broadcast_in_dim3A_62] : memref<1000xf32, #tpu.memory_space<vmem>>[vector<16xi32>], vector<16xf32>,
        %get3A_64 = arith.index_cast %add3A_61 : i32 to index
        %get3A_65 = arith.constant 0 : index
        %get3A_66 = tpu.vector_load %arg10[%get3A_64, %get3A_65] {strides = array<i32>} : memref<1000x32xf32, #tpu.memory_space<vmem>>, vector<16xf32>,
        %mul3A_67 = arith.mulf %get3A_66, %gather3A_63 : vector<16xf32>
        %swap3A_68 = arith.index_cast %add3A_61 : i32 to index
        %swap3A_69 = arith.constant 0 : index
        %swap3A_70 = tpu.vector_load %arg10[%swap3A_68, %swap3A_69] {strides = array<i32>} : memref<1000x32xf32, #tpu.memory_space<vmem>>, vector<16xf32>,
        tpu.vector_store %arg10[%swap3A_68, %swap3A_69], %mul3A_67 {strides = array<i32>} : memref<1000x32xf32, #tpu.memory_space<vmem>>, vector<16xf32>,
        %get3A_71 = arith.index_cast %add3A_61 : i32 to index
        %get3A_72 = arith.constant 16 : index
        %get3A_73 = tpu.vector_load %arg10[%get3A_71, %get3A_72] {strides = array<i32>} : memref<1000x32xf32, #tpu.memory_space<vmem>>, vector<16xf32>,
        %mul3A_74 = arith.mulf %get3A_73, %gather3A_63 : vector<16xf32>
        %swap3A_75 = arith.index_cast %add3A_61 : i32 to index
        %swap3A_76 = arith.constant 16 : index
        %swap3A_77 = tpu.vector_load %arg10[%swap3A_75, %swap3A_76] {strides = array<i32>} : memref<1000x32xf32, #tpu.memory_space<vmem>>, vector<16xf32>,
        tpu.vector_store %arg10[%swap3A_75, %swap3A_76], %mul3A_74 {strides = array<i32>} : memref<1000x32xf32, #tpu.memory_space<vmem>>, vector<16xf32>,
        %scan3A_78 = arith.constant 2 : i32
        %scan3A_79 = arith.addi %scan3A_39, %scan3A_78 : i32
        %mul3A_80 = arith.constant 1 : i32
        %mul3A_81 = arith.muli %scan3A_79, %mul3A_80 : i32
        %add3A_82 = arith.constant 0 : i32
        %add3A_83 = arith.addi %add3A_82, %mul3A_81 : i32
        %broadcast_in_dim3A_84 = vector.broadcast %add3A_83 : i32 to vector<16xi32>
        %gather3A_85 = tpu.vector_load_idx %arg9[%broadcast_in_dim3A_84] : memref<1000xf32, #tpu.memory_space<vmem>>[vector<16xi32>], vector<16xf32>,
        %get3A_86 = arith.index_cast %add3A_83 : i32 to index
        %get3A_87 = arith.constant 0 : index
        %get3A_88 = tpu.vector_load %arg10[%get3A_86, %get3A_87] {strides = array<i32>} : memref<1000x32xf32, #tpu.memory_space<vmem>>, vector<16xf32>,
        %mul3A_89 = arith.mulf %get3A_88, %gather3A_85 : vector<16xf32>
        %swap3A_90 = arith.index_cast %add3A_83 : i32 to index
        %swap3A_91 = arith.constant 0 : index
        %swap3A_92 = tpu.vector_load %arg10[%swap3A_90, %swap3A_91] {strides = array<i32>} : memref<1000x32xf32, #tpu.memory_space<vmem>>, vector<16xf32>,
        tpu.vector_store %arg10[%swap3A_90, %swap3A_91], %mul3A_89 {strides = array<i32>} : memref<1000x32xf32, #tpu.memory_space<vmem>>, vector<16xf32>,
        %get3A_93 = arith.index_cast %add3A_83 : i32 to index
        %get3A_94 = arith.constant 16 : index
        %get3A_95 = tpu.vector_load %arg10[%get3A_93, %get3A_94] {strides = array<i32>} : memref<1000x32xf32, #tpu.memory_space<vmem>>, vector<16xf32>,
        %mul3A_96 = arith.mulf %get3A_95, %gather3A_85 : vector<16xf32>
        %swap3A_97 = arith.index_cast %add3A_83 : i32 to index
        %swap3A_98 = arith.constant 16 : index
        %swap3A_99 = tpu.vector_load %arg10[%swap3A_97, %swap3A_98] {strides = array<i32>} : memref<1000x32xf32, #tpu.memory_space<vmem>>, vector<16xf32>,
        tpu.vector_store %arg10[%swap3A_97, %swap3A_98], %mul3A_96 {strides = array<i32>} : memref<1000x32xf32, #tpu.memory_space<vmem>>, vector<16xf32>,
        %scan3A_100 = arith.constant 3 : i32
        %scan3A_101 = arith.addi %scan3A_39, %scan3A_100 : i32
        %mul3A_102 = arith.constant 1 : i32
        %mul3A_103 = arith.muli %scan3A_101, %mul3A_102 : i32
        %add3A_104 = arith.constant 0 : i32
        %add3A_105 = arith.addi %add3A_104, %mul3A_103 : i32
        %broadcast_in_dim3A_106 = vector.broadcast %add3A_105 : i32 to vector<16xi32>
        %gather3A_107 = tpu.vector_load_idx %arg9[%broadcast_in_dim3A_106] : memref<1000xf32, #tpu.memory_space<vmem>>[vector<16xi32>], vector<16xf32>,
        %get3A_108 = arith.index_cast %add3A_105 : i32 to index
        %get3A_109 = arith.constant 0 : index
        %get3A_110 = tpu.vector_load %arg10[%get3A_108, %get3A_109] {strides = array<i32>} : memref<1000x32xf32, #tpu.memory_space<vmem>>, vector<16xf32>,
        %mul3A_111 = arith.mulf %get3A_110, %gather3A_107 : vector<16xf32>
        %swap3A_112 = arith.index_cast %add3A_105 : i32 to index
        %swap3A_113 = arith.constant 0 : index
        %swap3A_114 = tpu.vector_load %arg10[%swap3A_112, %swap3A_113] {strides = array<i32>} : memref<1000x32xf32, #tpu.memory_space<vmem>>, vector<16xf32>,
        tpu.vector_store %arg10[%swap3A_112, %swap3A_113], %mul3A_111 {strides = array<i32>} : memref<1000x32xf32, #tpu.memory_space<vmem>>, vector<16xf32>,
        %get3A_115 = arith.index_cast %add3A_105 : i32 to index
        %get3A_116 = arith.constant 16 : index
        %get3A_117 = tpu.vector_load %arg10[%get3A_115, %get3A_116] {strides = array<i32>} : memref<1000x32xf32, #tpu.memory_space<vmem>>, vector<16xf32>,
        %mul3A_118 = arith.mulf %get3A_117, %gather3A_107 : vector<16xf32>
        %swap3A_119 = arith.index_cast %add3A_105 : i32 to index
        %swap3A_120 = arith.constant 16 : index
        %swap3A_121 = tpu.vector_load %arg10[%swap3A_119, %swap3A_120] {strides = array<i32>} : memref<1000x32xf32, #tpu.memory_space<vmem>>, vector<16xf32>,
        tpu.vector_store %arg10[%swap3A_119, %swap3A_120], %mul3A_118 {strides = array<i32>} : memref<1000x32xf32, #tpu.memory_space<vmem>>, vector<16xf32>,
      }
      %scan3A_38 = arith.constant 1000 : i32
      "tpu.region"() ({
        %run_scoped3A = tpu.sem_alloc : memref<!tpu.dma_semaphore, #tpu.memory_space<semaphore_mem>>
        %dma_start3A_39 = arith.constant 0 : i32
        %dma_start3A_40 = arith.constant 0 : i32
        %dma_start3A_41 = tpu.memref_slice %arg13[%dma_start3A_39, %dma_start3A_40] : memref<10240x32xf32, #tpu.memory_space<vmem_shared>> -> memref<10240x32xf32, #tpu.memory_space<vmem_shared>>
        tpu.enqueue_indirect_dma source(%arg10 : memref<1000x32xf32, #tpu.memory_space<vmem>>) target(%dma_start3A_41 : memref<10240x32xf32, #tpu.memory_space<vmem_shared>>) offsets(%arg8 : memref<1000xi32, #tpu.memory_space<vmem>>) semaphore(%run_scoped3A : memref<!tpu.dma_semaphore, #tpu.memory_space<semaphore_mem>>) {add = true}
        %dma_wait3A_42 = arith.constant 0 : i32
        %dma_wait3A_43 = arith.constant 0 : i32
        %dma_wait3A_44 = tpu.memref_slice %arg13[%dma_wait3A_42, %dma_wait3A_43] : memref<10240x32xf32, #tpu.memory_space<vmem_shared>> -> memref<10240x32xf32, #tpu.memory_space<vmem_shared>>
        tpu.wait_indirect_dma semaphore(%run_scoped3A : memref<!tpu.dma_semaphore, #tpu.memory_space<semaphore_mem>>) src(%arg10 : memref<1000x32xf32, #tpu.memory_space<vmem>>) dst(%dma_wait3A_44 : memref<10240x32xf32, #tpu.memory_space<vmem_shared>>)
        tpu.yield
      }) : () -> ()
    }
    %scan3A_15 = arith.constant 10 : i32
    %barrier3A_16 = arith.constant 0 : index
    tpu.barrier barrier_id(%barrier3A_16)
    %eq3A_17 = arith.constant 0 : i32
    %eq3A_18 = arith.cmpi eq, %arg1, %eq3A_17 : i32
    %convert_element_type3A_19 = arith.extui %eq3A_18 : i1 to i32
    %cond3A_20 = arith.constant 0 : i32
    %cond3A_21 = arith.cmpi ne, %convert_element_type3A_19, %cond3A_20 : i32
    scf.if %cond3A_21 {
      "tpu.region"() ({
        %run_scoped3A = tpu.sem_alloc : memref<!tpu.dma_semaphore, #tpu.memory_space<semaphore_mem>>
        %dma_start3A = arith.constant 0 : i32
        %dma_start3A_22 = arith.constant 0 : i32
        %dma_start3A_23 = tpu.memref_slice %arg6[%arg0, %dma_start3A, %dma_start3A_22] : memref<2x10240x32xf32, #tpu.memory_space<hbm>> -> memref<1x10240x32xf32, #tpu.memory_space<hbm>>
        %dma_start3A_24 = tpu.memref_squeeze %dma_start3A_23 : memref<1x10240x32xf32, #tpu.memory_space<hbm>> -> memref<10240x32xf32, #tpu.memory_space<hbm>>
        tpu.enqueue_dma source(%arg13 : memref<10240x32xf32, #tpu.memory_space<vmem_shared>>) target(%dma_start3A_24 : memref<10240x32xf32, #tpu.memory_space<hbm>>) target_semaphore(%run_scoped3A : memref<!tpu.dma_semaphore, #tpu.memory_space<semaphore_mem>>)
        %dma_wait3A = arith.constant 0 : i32
        %dma_wait3A_25 = arith.constant 0 : i32
        %dma_wait3A_26 = tpu.memref_slice %arg6[%arg0, %dma_wait3A, %dma_wait3A_25] : memref<2x10240x32xf32, #tpu.memory_space<hbm>> -> memref<1x10240x32xf32, #tpu.memory_space<hbm>>
        %dma_wait3A_27 = tpu.memref_squeeze %dma_wait3A_26 : memref<1x10240x32xf32, #tpu.memory_space<hbm>> -> memref<10240x32xf32, #tpu.memory_space<hbm>>
        tpu.wait_dma2 semaphore(%run_scoped3A : memref<!tpu.dma_semaphore, #tpu.memory_space<semaphore_mem>>) src(%arg13 : memref<10240x32xf32, #tpu.memory_space<vmem_shared>>) dst(%dma_wait3A_27 : memref<10240x32xf32, #tpu.memory_space<hbm>>)
        tpu.yield
      }) : () -> ()
    } else {
    }
    return
  }
}

module attributes {stable_mosaic.version = 14 : i64} {
  func.func @_mm_kernel(%arg0: memref<10000x128xf32, #tpu.memory_space<vmem>>, %arg1: memref<128x32xf32, #tpu.memory_space<vmem>>, %arg2: memref<10000x32xf32, #tpu.memory_space<vmem>>) attributes {dimension_semantics = [], scalar_prefetch = 0 : i64, scratch_operands = 0 : i64, tpu.core_type = #tpu.core_type<tc>} {
    %get3A = arith.constant 0 : index
    %get3A_0 = arith.constant 0 : index
    %get3A_1 = vector.load %arg0[%get3A, %get3A_0] : memref<10000x128xf32, #tpu.memory_space<vmem>>, vector<10000x128xf32>
    %get3A_2 = arith.constant 0 : index
    %get3A_3 = arith.constant 0 : index
    %get3A_4 = vector.load %arg1[%get3A_2, %get3A_3] : memref<128x32xf32, #tpu.memory_space<vmem>>, vector<128x32xf32>
    %dot_general3A = arith.constant dense<0.000000e+00> : vector<10000x32xf32>
    %dot_general3A_5 = tpu.matmul %get3A_1, %get3A_4, %dot_general3A {dimension_numbers = #tpu.dot_dimension_numbers<[1], [0], [0], [1], [0, 0, 1, 1], [], []>, transpose_lhs_hint = false} : vector<10000x128xf32>, vector<128x32xf32>, vector<10000x32xf32> -> vector<10000x32xf32>
    %swap3A = arith.constant 0 : index
    %swap3A_6 = arith.constant 0 : index
    %swap3A_7 = vector.load %arg2[%swap3A, %swap3A_6] : memref<10000x32xf32, #tpu.memory_space<vmem>>, vector<10000x32xf32>
    tpu.vector_store %arg2[%swap3A, %swap3A_6], %dot_general3A_5 {strides = array<i32>} : memref<10000x32xf32, #tpu.memory_space<vmem>>, vector<10000x32xf32>,
    return
  }
}

module attributes {stable_mosaic.version = 14 : i64} {
  func.func @_mm_kernel(%arg0: memref<10000x32xf32, #tpu.memory_space<vmem>>, %arg1: memref<32x2xf32, #tpu.memory_space<vmem>>, %arg2: memref<10000x2xf32, #tpu.memory_space<vmem>>) attributes {dimension_semantics = [], scalar_prefetch = 0 : i64, scratch_operands = 0 : i64, tpu.core_type = #tpu.core_type<tc>} {
    %get3A = arith.constant 0 : index
    %get3A_0 = arith.constant 0 : index
    %get3A_1 = vector.load %arg0[%get3A, %get3A_0] : memref<10000x32xf32, #tpu.memory_space<vmem>>, vector<10000x32xf32>
    %get3A_2 = arith.constant 0 : index
    %get3A_3 = arith.constant 0 : index
    %get3A_4 = vector.load %arg1[%get3A_2, %get3A_3] : memref<32x2xf32, #tpu.memory_space<vmem>>, vector<32x2xf32>
    %dot_general3A = arith.constant dense<0.000000e+00> : vector<10000x2xf32>
    %dot_general3A_5 = tpu.matmul %get3A_1, %get3A_4, %dot_general3A {dimension_numbers = #tpu.dot_dimension_numbers<[1], [0], [0], [1], [0, 0, 1, 1], [], []>, transpose_lhs_hint = false} : vector<10000x32xf32>, vector<32x2xf32>, vector<10000x2xf32> -> vector<10000x2xf32>
    %swap3A = arith.constant 0 : index
    %swap3A_6 = arith.constant 0 : index
    %swap3A_7 = vector.load %arg2[%swap3A, %swap3A_6] : memref<10000x2xf32, #tpu.memory_space<vmem>>, vector<10000x2xf32>
    tpu.vector_store %arg2[%swap3A, %swap3A_6], %dot_general3A_5 {strides = array<i32>} : memref<10000x2xf32, #tpu.memory_space<vmem>>, vector<10000x2xf32>,
    return
  }
}

module attributes {stable_mosaic.version = 14 : i64} {
  func.func @_mm_kernel(%arg0: memref<10000x32xf32, #tpu.memory_space<vmem>>, %arg1: memref<32x32xf32, #tpu.memory_space<vmem>>, %arg2: memref<10000x32xf32, #tpu.memory_space<vmem>>) attributes {dimension_semantics = [], scalar_prefetch = 0 : i64, scratch_operands = 0 : i64, tpu.core_type = #tpu.core_type<tc>} {
    %get3A = arith.constant 0 : index
    %get3A_0 = arith.constant 0 : index
    %get3A_1 = vector.load %arg0[%get3A, %get3A_0] : memref<10000x32xf32, #tpu.memory_space<vmem>>, vector<10000x32xf32>
    %get3A_2 = arith.constant 0 : index
    %get3A_3 = arith.constant 0 : index
    %get3A_4 = vector.load %arg1[%get3A_2, %get3A_3] : memref<32x32xf32, #tpu.memory_space<vmem>>, vector<32x32xf32>
    %dot_general3A = arith.constant dense<0.000000e+00> : vector<10000x32xf32>
    %dot_general3A_5 = tpu.matmul %get3A_1, %get3A_4, %dot_general3A {dimension_numbers = #tpu.dot_dimension_numbers<[1], [0], [0], [1], [0, 0, 1, 1], [], []>, transpose_lhs_hint = false} : vector<10000x32xf32>, vector<32x32xf32>, vector<10000x32xf32> -> vector<10000x32xf32>
    %swap3A = arith.constant 0 : index
    %swap3A_6 = arith.constant 0 : index
    %swap3A_7 = vector.load %arg2[%swap3A, %swap3A_6] : memref<10000x32xf32, #tpu.memory_space<vmem>>, vector<10000x32xf32>
    tpu.vector_store %arg2[%swap3A, %swap3A_6], %dot_general3A_5 {strides = array<i32>} : memref<10000x32xf32, #tpu.memory_space<vmem>>, vector<10000x32xf32>,
    return
  }
}

</mosaic_0001>

<sc_bundles>
// kernel: kernel.11.cloned.1.call-start
scs
__scs_entry_jumppad:
0x0: {  	(pc) =	sbr.rel $0x88, $3  }
0x1: {  	(tag) =	ssettag $0x0;
	lr =	simm.s32 $0x1  }
0x2: {  	[smem:$0x3F97] =	sst lr;
	_ =	strace $0xD0000000  }
0x3: {  	_ = 	snop  }
0x4: {  	_ = 	snop  }
0x5: {  	_ = 	snop  }
0x6: {  	_ = 	snop  }
0x7: {  	_ = 	snop  }
__scs_overlays_trampoline_lowered:
0x8: {  	[smem:$0x3FA6] =	sst s0  }
0x9: {  	[smem:$0x3FA7] =	sst s1  }
0xa: {  	[smem:$0x3FA8] =	sst s2  }
0xb: {  	[smem:$0x3FA9] =	sst s3  }
0xc: {  	[smem:$0x3FAA] =	sst s4  }
0xd: {  	[smem:$0x3FAB] =	sst s5  }
0xe: {  	[smem:$0x3FAC] =	sst s6  }
0xf: {  	[smem:$0x3FAD] =	sst s7  }
0x10: {  	[smem:$0x3FAE] =	sst s8  }
0x11: {  	[smem:$0x3FAF] =	sst s9;
	s0 =	simm.s32 @!p0 $0x0  }
0x12: {  	s1 =	sld [smem:$0x3F95];
	s0 =	simm.s32 @p0 $0x1  }
0x13: {  	[smem:$0x3FB0] =	sst s0;
	s0 =	simm.s32 @!p1 $0x0  }
0x14: {  	s2 =	sld [smem:$0x3F94];
	s0 =	simm.s32 @p1 $0x1  }
0x15: {  	[smem:$0x3FB1] =	sst s0;
	s0 =	simm.s32 @!p2 $0x0  }
0x16: {  	s3 =	sld [smem:$0x3FDB];
	s0 =	simm.s32 @p2 $0x1  }
0x17: {  	s4 =	simm.s32 $0x1BF5;
	[smem:$0x3FB3] =	sst s0  }
0x18: {  	s0 =	sld [smem:$0x3F96];
	_ =	swait.ge [sflag:s4], $0x0  }
0x19: {  	s7 =	sld [smem:$0x3F97]  }
0x1a: {  	s8 =	sadd.s32 $0xFFFFE003, lr  }
0x1b: {  	s9 =	sadd.s32 $0xFFFFFEF7, lr;
	s5 =	simm.s32 $0xFFFFFFFF;
	p2 =	slt.u32 s8, $0xFFFFF086  }
0x1c: {  	p1 =	slt.u32 s9, $0xF7A;
	s5 =	simm.s32 @!p2 $0x0  }
0x1d: {  	s5 =	simm.s32 @p1 $0x1;
	p0 =	seq.s32 s7, s2  }
0x1e: {  	s7 =	smul.u32 @!p0 $0xF7A, s2;
	p2 =	seq.s32 @!p0 s5, $0x0  }
0x1f: {  	s9 =	smul.u32 $0xF7A, s1;
	s8 =	simm.s32 @!p0 $0x1BF5;
	p2 =	por !p2, p0  }
0x20: {  	[sflag:s8] =	ssyncset.s32 @!p0 $0xFFFFF086;
	s6 =	sadd.s32 @!p0 s3, s7;
	s7 =	simm.s32 @!p0 $0x108  }
0x21: {  	s3 =	sadd.s32 s3, s9;
	s6 =	sadd.s32 @!p0 $0x88, s6;
	s7 =	simm.s32 @p2 $0x1082  }
0x22: {  	[simem:s7], [sflag:s8] =	dma.local @!p0 [hbm:s6], $0xF7A  }
0x23: {  	s9 =	sor.u32 $0xD0000000, s2;
	s6 =	simm.s32 $0x108;
	_ =	swait.ge @!p0 [sflag:s8], $0x0  }
0x24: {  	s3 =	sadd.s32 $0x88, s3;
	s6 =	simm.s32 @!p1 $0x1082;
	[sflag:s4] =	ssyncset.s32 $0xFFFFF086  }
0x25: {  	[simem:s6], [sflag:s4] =	dma.local [hbm:s3], $0xF7A  }
0x26: {  	[smem:$0x3F97] =	sst s1;
	(tag) =	ssettag s2;
	_ =	strace s9  }
0x27: {  	s1 =	sld [smem:$0x3FA7]  }
0x28: {  	s2 =	sld [smem:$0x3FA8]  }
0x29: {  	s4 =	sld [smem:$0x3FAA]  }
0x2a: {  	p0 =	seq.s32 s5, $0x0;
	s5 =	sld [smem:$0x3FAB]  }
0x2b: {  	s6 =	sld [smem:$0x3FAC]  }
0x2c: {  	s7 =	sld [smem:$0x3FAD]  }
0x2d: {  	s3 =	simm.s32 $0x108;
	s8 =	sld [smem:$0x3FAE]  }
0x2e: {  	s3 =	simm.s32 @!p0 $0x1082;
	s9 =	sld [smem:$0x3FAF]  }
0x2f: {  	lr =	sadd.s32 s0, s3;
	s0 =	sld [smem:$0x3FA6]  }
0x30: {  	s3 =	sld [smem:$0x3FA9]  }
0x31: {  	[smem:$0x3FB2] =	sst s10  }
0x32: {  	s10 =	sld [smem:$0x3FB0];
	_ =	sdelay $0x3  }
0x33: {  	p0 =	seq.s32 s10, $0x1;
	s10 =	sld [smem:$0x3FB2];
	_ =	sdelay $0x3  }
0x34: {  	[smem:$0x3FB2] =	sst s10  }
0x35: {  	s10 =	sld [smem:$0x3FB1];
	_ =	sdelay $0x3  }
0x36: {  	p1 =	seq.s32 s10, $0x1;
	s10 =	sld [smem:$0x3FB2];
	_ =	sdelay $0x3  }
0x37: {  	[smem:$0x3FB2] =	sst s10  }
0x38: {  	s10 =	sld [smem:$0x3FB3]  }
0x39: {  	_ = 	snop;
	(pc) =	sbr.ind lr, $3  }
0x3a: {  	_ = 	snop  }
0x3b: {  	_ = 	snop  }
0x3c: {  	p2 =	seq.s32 s10, $0x1;
	s10 =	sld [smem:$0x3FB2]  }
0x3d: {  	_ =	shalt  }
0x3e: {  	_ =	shalt  }
0x3f: {  	_ =	shalt  }
0x40: {  	_ =	shalt  }
0x41: {  	_ =	shalt  }
0x42: {  	_ =	shalt  }
0x43: {  	_ =	shalt  }
0x44: {  	_ =	shalt  }
0x45: {  	_ =	shalt  }
0x46: {  	_ =	shalt  }
0x47: {  	_ =	shalt  }
0x48: {  	_ =	shalt  }
0x49: {  	_ =	shalt  }
0x4a: {  	_ =	shalt  }
0x4b: {  	_ =	shalt  }
0x4c: {  	_ =	shalt  }
0x4d: {  	_ =	shalt  }
0x4e: {  	_ =	shalt  }
0x4f: {  	_ =	shalt  }
0x50: {  	_ =	shalt  }
0x51: {  	_ =	shalt  }
0x52: {  	_ =	shalt  }
0x53: {  	_ =	shalt  }
0x54: {  	_ =	shalt  }
0x55: {  	_ =	shalt  }
0x56: {  	_ =	shalt  }
0x57: {  	_ =	shalt  }
0x58: {  	_ =	shalt  }
0x59: {  	_ =	shalt  }
0x5a: {  	_ =	shalt  }
0x5b: {  	_ =	shalt  }
0x5c: {  	_ =	shalt  }
0x5d: {  	_ =	shalt  }
0x5e: {  	_ =	shalt  }
0x5f: {  	_ =	shalt  }
0x60: {  	_ =	shalt  }
0x61: {  	_ =	shalt  }
0x62: {  	_ =	shalt  }
0x63: {  	_ =	shalt  }
0x64: {  	_ =	shalt  }
0x65: {  	_ =	shalt  }
0x66: {  	_ =	shalt  }
0x67: {  	_ =	shalt  }
0x68: {  	_ =	shalt  }
0x69: {  	_ =	shalt  }
0x6a: {  	_ =	shalt  }
0x6b: {  	_ =	shalt  }
0x6c: {  	_ =	shalt  }
0x6d: {  	_ =	shalt  }
0x6e: {  	_ =	shalt  }
0x6f: {  	_ =	shalt  }
0x70: {  	_ =	shalt  }
0x71: {  	_ =	shalt  }
0x72: {  	_ =	shalt  }
0x73: {  	_ =	shalt  }
0x74: {  	_ =	shalt  }
0x75: {  	_ =	shalt  }
0x76: {  	_ =	shalt  }
0x77: {  	_ =	shalt  }
0x78: {  	_ =	shalt  }
0x79: {  	_ =	shalt  }
0x7a: {  	_ =	shalt  }
0x7b: {  	_ =	shalt  }
0x7c: {  	_ =	shalt  }
0x7d: {  	_ =	shalt  }
0x7e: {  	_ =	shalt  }
0x7f: {  	_ =	shalt  }
0x80: {  	_ =	shalt  }
0x81: {  	_ =	shalt  }
0x82: {  	_ =	shalt  }
0x83: {  	_ =	shalt  }
0x84: {  	_ =	shalt  }
0x85: {  	_ =	shalt  }
0x86: {  	_ =	shalt  }
0x87: {  	_ =	shalt  }
.Lfunc_end0:
.L_simem_size_0:
called_computation.1_lowered:
.L_overlay_start_0:
0x88: {  	s2 =	sld [smem:$0x3FD9]  }
0x89: {  	s3 =	sld [smem:$0x3FFE];
	_ =	sdelay $0x1  }
0x8a: {  	s1 =	srdreg.scid  }
0x8b: {  	s0 =	sand.u32 $0x1, s1  }
0x8c: {  	s16 =	sshll.u32 s0, $0xA;
	s2 =	sadd.s32 s3, s2  }
0x8d: {  	s2 =	sadd.s32 s2, s16  }
0x8e: {  	[smem:$0x3FBE] =	sst s2  }
0x8f: {  	_ = 	snop  }
0x90: {  	(tm) =	ssettm $0x1  }
0x91: {  	s17 =	sld [smem:$0x3FFB];
	_ =	sdelay $0x3  }
0x92: {  	_ =	strace s17  }
0x93: {  	s2 =	sld [smem:$0x3FFC];
	_ =	sdelay $0x3  }
0x94: {  	_ =	strace s2  }
0x95: {  	s2 =	sld [smem:$0x3FFD];
	_ =	sdelay $0x3  }
0x96: {  	_ =	strace s2  }
0x97: {  	_ =	strace $0x8FFFFFFF  }
0x98: {  	s18 =	sld [smem:$0x3FDB];
	_ =	sdelay $0x1  }
0x99: {  	s19 =	simm.s32 $_scs_section_size  }
0x9a: {  	s4 =	simm.s32 $_size__tile_overlayer_lowered;
	s5 =	simm.s32 $_tile_overlayer_lowered  }
0x9b: {  	s22 =	simm.s32 $0x1BFF;
	s21 =	sshll.u32 s5, $0x1;
	s2 =	sadd.s32 s19, s18  }
0x9c: {  	s6 =	simm.s32 $0x0;
	s20 =	sshll.u32 s4, $0x1;
	s4 =	sadd.s32 s21, s2  }
0x9d: {  	[timem:s6], [sflag:s22] =	dma.local [hbm:s4], s20  }
0x9e: {  	_ =	swait.ge [sflag:s22], s20  }
0x9f: {  	s3 =	ssub.s32 $0x0, s20;
	[sflag:s22] =	ssyncset.done $0x0  }
0xa0: {  	[sflag:s22] =	ssyncadd.s32 s3;
	_ =	sdelay $0x1  }
0xa1: {  	s23 =	simm.s32 $0x1B8B  }
0xa2: {  	_ =	swait.ge [sflag:s23], $0x1  }
0xa3: {  	[sflag:s23] =	ssyncset.done $0x0  }
0xa4: {  	s25 =	simm.s32 $0x1B8E;
	s24 =	sld [smem:$0x3FFE];
	[sflag:s23] =	ssyncadd.s32 $0xFFFFFFFF  }
0xa5: {  	s26 =	simm.s32 $execute0_lowered;
	[smem:$0x3FD2] =	sst s25  }
0xa6: {  	s4 =	sshll.u32 s26, $0x1;
	_ =	strace $0x80000046;
	[dreg:$0x1] =	wrdreg $0xFFFFFFFF  }
0xa7: {  	s28 =	simm.s32 $_size_execute0_lowered;
	s2 =	sadd.s32 s2, s4;
	[dreg:$0x0] =	wrdreg $0x0  }
0xa8: {  	s4 =	sshll.u32 s28, $0x1;
	[dreg:$0x2] =	wrdreg s2  }
0xa9: {  	[dreg:$0x3] =	wrdreg s4  }
0xaa: {  	[dreg:$0x4] =	wrdreg $0xC0  }
0xab: {  	_ =	task [dreg:s6], $0x5FFFF  }
0xac: {  	[dreg:$0x1] =	wrdreg $0xFFFFFFFF  }
0xad: {  	[dreg:$0x0] =	wrdreg $0x60  }
0xae: {  	[dreg:$0x2] =	wrdreg s24  }
0xaf: {  	[dreg:$0x3] =	wrdreg $0x50A00  }
0xb0: {  	[dreg:$0x4] =	wrdreg $0x9  }
0xb1: {  	_ =	task.clear_ibuf [dreg:s6], $0x5FFFF;
	_ =	strace $0x90000046  }
0xb2: {  	s29 =	simm.s32 $0x9;
	_ =	strace $0x80000048  }
0xb3: {  	_ =	swait.ge [sflag:s29], $0x1  }
0xb4: {  	[sflag:s29] =	ssyncadd.s32 $0xFFFFFFFF  }
0xb5: {  	_ =	strace $0x90000048  }
0xb6: {  	_ =	sfence  }
0xb7: {  	s30 =	sld [smem:$0x0];
	_ =	sdelay $0x2  }
0xb8: {  	s31 =	sshll.u32 s1, $0xD;
	s1 =	sshrl.u32 s1, $0x2  }
0xb9: {  	s3 =	sand.u32 $0x4000, s31;
	s1 =	sadd.s32 s1, s30  }
0xba: {  	s0 =	sor.u32 s3, s0;
	s1 =	sshll.u32 s1, $0x11  }
0xbb: {  	s0 =	sor.u32 s1, s0  }
0xbc: {  	s0 =	sadd.s32 $0x8F2B, s0  }
0xbd: {  	[sflag:s0] =	ssyncadd.remote.s32 $0x1  }
0xbe: {  	_ =	sfence.sel $0xFFFF  }
0xbf: {  	[dreg:$0x0] =	wrdreg $0xFFFFFFFF;
	(pc) =	sbr.abs _section_cstart, $3  }
0xc0: {  	[dreg:$0x1] =	wrdreg $0xFFFFFFFF  }
0xc1: {  	_ =	task.clear_ibuf [dreg:s6], $0x2FFFF;
	_ =	strace $0x9FFFFFFF  }
0xc2: {  	(tm) =	ssettm $0x7FFFFFFF  }
0xc3: {  	_ =	shalt  }
tec
execute0_lowered:
.L_overlay_start_1:
0x0: {  	(tag) =	ssettag $0x1  }
0x1: {  	s4 =	rddreg [dreg:$0x0]  }
0x2: {  	s1 =	rddreg [dreg:$0x1]  }
0x3: {  	s0 =	rddreg [dreg:$0x2];
	s2 =	simm.s32 $0x0;
	s3 =	srdreg.scid  }
0x4: {  	s9 =	stileid.u32;
	s11 =	simm.s32 $0x0;
	[smem:$0x7FF] =	sst s2  }
0x5: {  	s3 =	sand.u32 $0x1, s3;
	s5 =	smul.u32 $0xA00, s9;
	p0 =	sne.s32 s9, $0x0  }
0x6: {  	_ =	strace $0x80000047;
	s6 =	sshll.u32 s3, $0x4;
	s7 =	smul.u32 $0x500, s3  }
0x7: {  	s3 =	ssub.s32 $0x2, s3;
	s10 =	sshrl.u32 @!p0 s1, $0x3;
	s6 =	sor.u32 s9, s6  }
0x8: {  	s8 =	sshrl.u32 s3, $0x1;
	s5 =	sshrl.u32 s5, $0x2;
	s9 =	simm.s32 $0x2710  }
0x9: {  	s6 =	smul.u32 $0x4E2, s6;
	s7 =	sadd.s32 s7, s4;
	s8 =	ssub.s32 s3, s8  }
0xa: {  	s3 =	sadd.s32 s5, s1;
	s5 =	sadd.s32 $0x13C00, s7;
	s7 =	simm.s32 $0x4E20  }
0xb: {  	v0 =	vimm.f32 $0.0e+00;
	v1 =	vimm.f32 $1.000000000e+00;
	s4 =	sadd.s32 s4, s6;
	s6 =	smax.u32 s8, $0x1;
	s8 =	simm.s32 $0x1  }
.LBB2_1:
0xc: {  	[tilespmem:$0x4E20] =	vst v0  }
0xd: {  	[tilespmem:$0x4E30] =	vst v0  }
0xe: {  	[tilespmem:$0x4E40] =	vst v0  }
0xf: {  	[tilespmem:$0x4E50] =	vst v0  }
0x10: {  	[tilespmem:$0x4E60] =	vst v0  }
0x11: {  	[tilespmem:$0x4E70] =	vst v0  }
0x12: {  	[tilespmem:$0x4E80] =	vst v0  }
0x13: {  	[tilespmem:$0x4E90] =	vst v0  }
0x14: {  	[tilespmem:$0x4EA0] =	vst v0  }
0x15: {  	[tilespmem:$0x4EB0] =	vst v0  }
0x16: {  	[tilespmem:$0x4EC0] =	vst v0  }
0x17: {  	[tilespmem:$0x4ED0] =	vst v0  }
0x18: {  	[tilespmem:$0x4EE0] =	vst v0  }
0x19: {  	[tilespmem:$0x4EF0] =	vst v0  }
0x1a: {  	[tilespmem:$0x4F00] =	vst v0  }
0x1b: {  	[tilespmem:$0x4F10] =	vst v0  }
0x1c: {  	[tilespmem:$0x4F20] =	vst v0  }
0x1d: {  	[tilespmem:$0x4F30] =	vst v0  }
0x1e: {  	[tilespmem:$0x4F40] =	vst v0  }
0x1f: {  	[tilespmem:$0x4F50] =	vst v0  }
0x20: {  	[tilespmem:$0x4F60] =	vst v0  }
0x21: {  	[tilespmem:$0x4F70] =	vst v0  }
0x22: {  	[tilespmem:$0x4F80] =	vst v0  }
0x23: {  	[tilespmem:$0x4F90] =	vst v0  }
0x24: {  	[tilespmem:$0x4FA0] =	vst v0  }
0x25: {  	[tilespmem:$0x4FB0] =	vst v0  }
0x26: {  	[tilespmem:$0x4FC0] =	vst v0  }
0x27: {  	[tilespmem:$0x4FD0] =	vst v0  }
0x28: {  	[tilespmem:$0x4FE0] =	vst v0  }
0x29: {  	[tilespmem:$0x4FF0] =	vst v0  }
0x2a: {  	[tilespmem:$0x5000] =	vst v0  }
0x2b: {  	[tilespmem:$0x5010] =	vst v0  }
0x2c: {  	[tilespmem:$0x5020] =	vst v0  }
0x2d: {  	[tilespmem:$0x5030] =	vst v0  }
0x2e: {  	[tilespmem:$0x5040] =	vst v0  }
0x2f: {  	[tilespmem:$0x5050] =	vst v0  }
0x30: {  	[tilespmem:$0x5060] =	vst v0  }
0x31: {  	[tilespmem:$0x5070] =	vst v0  }
0x32: {  	[tilespmem:$0x5080] =	vst v0  }
0x33: {  	[tilespmem:$0x5090] =	vst v0  }
0x34: {  	[spmem:s3] =	stream.linear.scatter [tilespmem:s7], [sflag:$0x1], $0x280, $0x38;
	[tilespmem:$0x5320] =	vst v63  }
0x35: {  	_ =	swait.ge [sflag:s8], $0x280  }
0x36: {  	[sflag:s8] =	ssyncset.done $0x0  }
0x37: {  	s12 =	simm.s32 $0x40;
	s13 =	simm.s32 $0x0;
	[sflag:s8] =	ssyncadd.s32 $0xFFFFFD80  }
.LBB2_2:
0x38: {  	p1 =	sne.s32 s12, $0x9C00;
	[tilespmem:s13+$0x2710] =	vst v1;
	s13 =	smov.u32 s12;
	s12 =	sadd.s32 $0x40, s12  }
.Ltmp0:
0x39: {  	(pc) =	sbr.rel @p1 .LBB2_2-.Ltmp0, $2  }
0x3a: {  	_ =	sdelay $0x2  }
0x3b: {  	s13 =	sshra.s32 s13, $0x2  }
0x3c: {  	[tilespmem:s13+$0x2710] =	vst v1  }
0x3d: {  	[bflag:$0x0] =	sbarrier.arrive $0xFFFF  }
0x3e: {  	[tilespmem:s2], [sflag:$0x1] =	stream.linear.gather [hbm4b:s4+s2], $0x2710, $0x38;
	[tilespmem:$0x5320] =	vst v63  }
0x3f: {  	_ =	swait.ge [sflag:s8], $0x2710  }
0x40: {  	[sflag:s8] =	ssyncset.done $0x0  }
0x41: {  	[sflag:s8] =	ssyncadd.s32 $0xFFFFD8F0  }
0x42: {  	[spmem:s1] =	stream.indirect.scatter.add.f32 [tilespmem:s9], [sflag:$0x1], $0x1, s2, s9, $0xb8;
	[tilespmem:$0x5320] =	vst v63  }
0x43: {  	_ =	swait.ge [sflag:s8], $0x2710  }
0x44: {  	[sflag:s8] =	ssyncset.done $0x0  }
0x45: {  	s11 =	sadd.s32 $0x1, s11;
	[sflag:s8] =	ssyncadd.s32 $0xFFFFD8F0  }
0x46: {  	s12 =	simm.s32 @!p0 $0x1C01;
	p1 =	sne.s32 s11, s6;
	[bflag:$0x0] =	sbarrier.arrive $0xFFFF  }
0x47: {  	[hbm:s5], [sflag:s12] =	dma.local @!p0 [spmem:s10], $0x500  }
.Ltmp1:
0x48: {  	_ = 	snop;
	(pc) =	sbr.rel @p1 .LBB2_1-.Ltmp1, $4  }
0x49: {  	s12 =	simm.s32 @!p0 $0x1  }
0x4a: {  	_ =	swait.ge @!p0 [sflag:s12], $0x500  }
0x4b: {  	[sflag:s12] =	ssyncset.done @!p0 $0x0  }
0x4c: {  	[sflag:s12] =	ssyncadd.s32 @!p0 $0xFFFFFB00  }
0x4d: {  	_ =	sfence.sel $0x180000  }
0x4e: {  	[bflag:$0x0] =	sbarrier.arrive $0xFFFF  }
0x4f: {  	_ =	strace $0x90000047  }
0x50: {  	s0 =	sadd.s32 @!p0 $0x100000, s0;
	[bflag:$0x2] =	sbarrier.arrive $0xFFFF  }
0x51: {  	[sflag:s0] =	ssyncadd.tile.s32 @!p0 $0x1;
	_ =	shalt  }
.Lfunc_end2:
_tile_overlayer_lowered:
.L_overlay_start_2:
0x52: {  	(tag) =	ssettag $0x2  }
0x53: {  	s0 =	rddreg [dreg:$0x0];
	s2 =	stileid.u32  }
0x54: {  	s1 =	rddreg [dreg:$0x1];
	p0 =	sne.s32 s2, $0x0  }
0x55: {  	s3 =	rddreg [dreg:$0x2];
	[bflag:$0x3] =	sbarrier.arrive $0xFFFF;
	s2 =	simm.s32 @!p0 $0x1C01  }
0x56: {  	[timem:s3], [sflag:s2] =	dma.local @!p0 [hbm:s0], s1  }
0x57: {  	s0 =	simm.s32 @!p0 $0x1  }
0x58: {  	_ =	swait.ge @!p0 [sflag:s0], s1  }
0x59: {  	s1 =	ssub.s32 @!p0 $0x0, s1;
	[sflag:s0] =	ssyncset.done @!p0 $0x0  }
0x5a: {  	[sflag:s0] =	ssyncadd.s32 @!p0 s1  }
0x5b: {  	[bflag:$0x3] =	sbarrier.arrive $0xFFFF  }
0x5c: {  	_ =	shalt  }

// kernel: kernel.14.cloned.1.call-start
scs
__scs_entry_jumppad:
0x0: {  	(pc) =	sbr.rel $0x88, $3  }
0x1: {  	(tag) =	ssettag $0x0;
	lr =	simm.s32 $0x1  }
0x2: {  	[smem:$0x3F97] =	sst lr;
	_ =	strace $0xD0000000  }
0x3: {  	_ = 	snop  }
0x4: {  	_ = 	snop  }
0x5: {  	_ = 	snop  }
0x6: {  	_ = 	snop  }
0x7: {  	_ = 	snop  }
__scs_overlays_trampoline_lowered:
0x8: {  	[smem:$0x3FA6] =	sst s0  }
0x9: {  	[smem:$0x3FA7] =	sst s1  }
0xa: {  	[smem:$0x3FA8] =	sst s2  }
0xb: {  	[smem:$0x3FA9] =	sst s3  }
0xc: {  	[smem:$0x3FAA] =	sst s4  }
0xd: {  	[smem:$0x3FAB] =	sst s5  }
0xe: {  	[smem:$0x3FAC] =	sst s6  }
0xf: {  	[smem:$0x3FAD] =	sst s7  }
0x10: {  	[smem:$0x3FAE] =	sst s8  }
0x11: {  	[smem:$0x3FAF] =	sst s9;
	s0 =	simm.s32 @!p0 $0x0  }
0x12: {  	s1 =	sld [smem:$0x3F95];
	s0 =	simm.s32 @p0 $0x1  }
0x13: {  	[smem:$0x3FB0] =	sst s0;
	s0 =	simm.s32 @!p1 $0x0  }
0x14: {  	s2 =	sld [smem:$0x3F94];
	s0 =	simm.s32 @p1 $0x1  }
0x15: {  	[smem:$0x3FB1] =	sst s0;
	s0 =	simm.s32 @!p2 $0x0  }
0x16: {  	s3 =	sld [smem:$0x3FDB];
	s0 =	simm.s32 @p2 $0x1  }
0x17: {  	s4 =	simm.s32 $0x1BF5;
	[smem:$0x3FB3] =	sst s0  }
0x18: {  	s0 =	sld [smem:$0x3F96];
	_ =	swait.ge [sflag:s4], $0x0  }
0x19: {  	s7 =	sld [smem:$0x3F97]  }
0x1a: {  	s8 =	sadd.s32 $0xFFFFE003, lr  }
0x1b: {  	s9 =	sadd.s32 $0xFFFFFEF7, lr;
	s5 =	simm.s32 $0xFFFFFFFF;
	p2 =	slt.u32 s8, $0xFFFFF086  }
0x1c: {  	p1 =	slt.u32 s9, $0xF7A;
	s5 =	simm.s32 @!p2 $0x0  }
0x1d: {  	s5 =	simm.s32 @p1 $0x1;
	p0 =	seq.s32 s7, s2  }
0x1e: {  	s7 =	smul.u32 @!p0 $0xF7A, s2;
	p2 =	seq.s32 @!p0 s5, $0x0  }
0x1f: {  	s9 =	smul.u32 $0xF7A, s1;
	s8 =	simm.s32 @!p0 $0x1BF5;
	p2 =	por !p2, p0  }
0x20: {  	[sflag:s8] =	ssyncset.s32 @!p0 $0xFFFFF086;
	s6 =	sadd.s32 @!p0 s3, s7;
	s7 =	simm.s32 @!p0 $0x108  }
0x21: {  	s3 =	sadd.s32 s3, s9;
	s6 =	sadd.s32 @!p0 $0x88, s6;
	s7 =	simm.s32 @p2 $0x1082  }
0x22: {  	[simem:s7], [sflag:s8] =	dma.local @!p0 [hbm:s6], $0xF7A  }
0x23: {  	s9 =	sor.u32 $0xD0000000, s2;
	s6 =	simm.s32 $0x108;
	_ =	swait.ge @!p0 [sflag:s8], $0x0  }
0x24: {  	s3 =	sadd.s32 $0x88, s3;
	s6 =	simm.s32 @!p1 $0x1082;
	[sflag:s4] =	ssyncset.s32 $0xFFFFF086  }
0x25: {  	[simem:s6], [sflag:s4] =	dma.local [hbm:s3], $0xF7A  }
0x26: {  	[smem:$0x3F97] =	sst s1;
	(tag) =	ssettag s2;
	_ =	strace s9  }
0x27: {  	s1 =	sld [smem:$0x3FA7]  }
0x28: {  	s2 =	sld [smem:$0x3FA8]  }
0x29: {  	s4 =	sld [smem:$0x3FAA]  }
0x2a: {  	p0 =	seq.s32 s5, $0x0;
	s5 =	sld [smem:$0x3FAB]  }
0x2b: {  	s6 =	sld [smem:$0x3FAC]  }
0x2c: {  	s7 =	sld [smem:$0x3FAD]  }
0x2d: {  	s3 =	simm.s32 $0x108;
	s8 =	sld [smem:$0x3FAE]  }
0x2e: {  	s3 =	simm.s32 @!p0 $0x1082;
	s9 =	sld [smem:$0x3FAF]  }
0x2f: {  	lr =	sadd.s32 s0, s3;
	s0 =	sld [smem:$0x3FA6]  }
0x30: {  	s3 =	sld [smem:$0x3FA9]  }
0x31: {  	[smem:$0x3FB2] =	sst s10  }
0x32: {  	s10 =	sld [smem:$0x3FB0];
	_ =	sdelay $0x3  }
0x33: {  	p0 =	seq.s32 s10, $0x1;
	s10 =	sld [smem:$0x3FB2];
	_ =	sdelay $0x3  }
0x34: {  	[smem:$0x3FB2] =	sst s10  }
0x35: {  	s10 =	sld [smem:$0x3FB1];
	_ =	sdelay $0x3  }
0x36: {  	p1 =	seq.s32 s10, $0x1;
	s10 =	sld [smem:$0x3FB2];
	_ =	sdelay $0x3  }
0x37: {  	[smem:$0x3FB2] =	sst s10  }
0x38: {  	s10 =	sld [smem:$0x3FB3]  }
0x39: {  	_ = 	snop;
	(pc) =	sbr.ind lr, $3  }
0x3a: {  	_ = 	snop  }
0x3b: {  	_ = 	snop  }
0x3c: {  	p2 =	seq.s32 s10, $0x1;
	s10 =	sld [smem:$0x3FB2]  }
0x3d: {  	_ =	shalt  }
0x3e: {  	_ =	shalt  }
0x3f: {  	_ =	shalt  }
0x40: {  	_ =	shalt  }
0x41: {  	_ =	shalt  }
0x42: {  	_ =	shalt  }
0x43: {  	_ =	shalt  }
0x44: {  	_ =	shalt  }
0x45: {  	_ =	shalt  }
0x46: {  	_ =	shalt  }
0x47: {  	_ =	shalt  }
0x48: {  	_ =	shalt  }
0x49: {  	_ =	shalt  }
0x4a: {  	_ =	shalt  }
0x4b: {  	_ =	shalt  }
0x4c: {  	_ =	shalt  }
0x4d: {  	_ =	shalt  }
0x4e: {  	_ =	shalt  }
0x4f: {  	_ =	shalt  }
0x50: {  	_ =	shalt  }
0x51: {  	_ =	shalt  }
0x52: {  	_ =	shalt  }
0x53: {  	_ =	shalt  }
0x54: {  	_ =	shalt  }
0x55: {  	_ =	shalt  }
0x56: {  	_ =	shalt  }
0x57: {  	_ =	shalt  }
0x58: {  	_ =	shalt  }
0x59: {  	_ =	shalt  }
0x5a: {  	_ =	shalt  }
0x5b: {  	_ =	shalt  }
0x5c: {  	_ =	shalt  }
0x5d: {  	_ =	shalt  }
0x5e: {  	_ =	shalt  }
0x5f: {  	_ =	shalt  }
0x60: {  	_ =	shalt  }
0x61: {  	_ =	shalt  }
0x62: {  	_ =	shalt  }
0x63: {  	_ =	shalt  }
0x64: {  	_ =	shalt  }
0x65: {  	_ =	shalt  }
0x66: {  	_ =	shalt  }
0x67: {  	_ =	shalt  }
0x68: {  	_ =	shalt  }
0x69: {  	_ =	shalt  }
0x6a: {  	_ =	shalt  }
0x6b: {  	_ =	shalt  }
0x6c: {  	_ =	shalt  }
0x6d: {  	_ =	shalt  }
0x6e: {  	_ =	shalt  }
0x6f: {  	_ =	shalt  }
0x70: {  	_ =	shalt  }
0x71: {  	_ =	shalt  }
0x72: {  	_ =	shalt  }
0x73: {  	_ =	shalt  }
0x74: {  	_ =	shalt  }
0x75: {  	_ =	shalt  }
0x76: {  	_ =	shalt  }
0x77: {  	_ =	shalt  }
0x78: {  	_ =	shalt  }
0x79: {  	_ =	shalt  }
0x7a: {  	_ =	shalt  }
0x7b: {  	_ =	shalt  }
0x7c: {  	_ =	shalt  }
0x7d: {  	_ =	shalt  }
0x7e: {  	_ =	shalt  }
0x7f: {  	_ =	shalt  }
0x80: {  	_ =	shalt  }
0x81: {  	_ =	shalt  }
0x82: {  	_ =	shalt  }
0x83: {  	_ =	shalt  }
0x84: {  	_ =	shalt  }
0x85: {  	_ =	shalt  }
0x86: {  	_ =	shalt  }
0x87: {  	_ =	shalt  }
.Lfunc_end0:
.L_simem_size_0:
called_computation.2_lowered:
.L_overlay_start_0:
0x88: {  	s2 =	sld [smem:$0x3FD9]  }
0x89: {  	s3 =	sld [smem:$0x3FFE];
	_ =	sdelay $0x1  }
0x8a: {  	s1 =	srdreg.scid  }
0x8b: {  	s0 =	sand.u32 $0x1, s1  }
0x8c: {  	s16 =	sshll.u32 s0, $0xA;
	s2 =	sadd.s32 s3, s2  }
0x8d: {  	s2 =	sadd.s32 s2, s16  }
0x8e: {  	[smem:$0x3FBE] =	sst s2  }
0x8f: {  	_ = 	snop  }
0x90: {  	(tm) =	ssettm $0x1  }
0x91: {  	s17 =	sld [smem:$0x3FFB];
	_ =	sdelay $0x3  }
0x92: {  	_ =	strace s17  }
0x93: {  	s2 =	sld [smem:$0x3FFC];
	_ =	sdelay $0x3  }
0x94: {  	_ =	strace s2  }
0x95: {  	s2 =	sld [smem:$0x3FFD];
	_ =	sdelay $0x3  }
0x96: {  	_ =	strace s2  }
0x97: {  	_ =	strace $0x8FFFFFFF  }
0x98: {  	s18 =	sld [smem:$0x3FDB];
	_ =	sdelay $0x1  }
0x99: {  	s19 =	simm.s32 $_scs_section_size  }
0x9a: {  	s4 =	simm.s32 $_size__tile_overlayer_lowered;
	s5 =	simm.s32 $_tile_overlayer_lowered  }
0x9b: {  	s22 =	simm.s32 $0x1BFF;
	s21 =	sshll.u32 s5, $0x1;
	s2 =	sadd.s32 s19, s18  }
0x9c: {  	s6 =	simm.s32 $0x0;
	s20 =	sshll.u32 s4, $0x1;
	s4 =	sadd.s32 s21, s2  }
0x9d: {  	[timem:s6], [sflag:s22] =	dma.local [hbm:s4], s20  }
0x9e: {  	_ =	swait.ge [sflag:s22], s20  }
0x9f: {  	s3 =	ssub.s32 $0x0, s20;
	[sflag:s22] =	ssyncset.done $0x0  }
0xa0: {  	[sflag:s22] =	ssyncadd.s32 s3;
	_ =	sdelay $0x1  }
0xa1: {  	s23 =	simm.s32 $0x1B8B  }
0xa2: {  	_ =	swait.ge [sflag:s23], $0x1  }
0xa3: {  	[sflag:s23] =	ssyncset.done $0x0  }
0xa4: {  	s25 =	simm.s32 $0x1B8E;
	s24 =	sld [smem:$0x3FFE];
	[sflag:s23] =	ssyncadd.s32 $0xFFFFFFFF  }
0xa5: {  	s26 =	simm.s32 $execute0_lowered;
	[smem:$0x3FD2] =	sst s25  }
0xa6: {  	s4 =	sshll.u32 s26, $0x1;
	_ =	strace $0x80000049;
	[dreg:$0x1] =	wrdreg $0xFFFFFFFF  }
0xa7: {  	s28 =	simm.s32 $_size_execute0_lowered;
	s2 =	sadd.s32 s2, s4;
	[dreg:$0x0] =	wrdreg $0x0  }
0xa8: {  	s4 =	sshll.u32 s28, $0x1;
	[dreg:$0x2] =	wrdreg s2  }
0xa9: {  	[dreg:$0x3] =	wrdreg s4  }
0xaa: {  	[dreg:$0x4] =	wrdreg $0xC0  }
0xab: {  	_ =	task [dreg:s6], $0x5FFFF  }
0xac: {  	[dreg:$0x1] =	wrdreg $0xFFFFFFFF  }
0xad: {  	[dreg:$0x0] =	wrdreg $0x60  }
0xae: {  	[dreg:$0x2] =	wrdreg s24  }
0xaf: {  	[dreg:$0x3] =	wrdreg $0x122F00  }
0xb0: {  	[dreg:$0x4] =	wrdreg $0xD4D00  }
0xb1: {  	[dreg:$0x5] =	wrdreg $0x9  }
0xb2: {  	_ =	task.clear_ibuf [dreg:s6], $0x6FFFF;
	_ =	strace $0x90000049  }
0xb3: {  	s29 =	simm.s32 $0x9;
	_ =	strace $0x8000004B  }
0xb4: {  	_ =	swait.ge [sflag:s29], $0x1  }
0xb5: {  	[sflag:s29] =	ssyncadd.s32 $0xFFFFFFFF  }
0xb6: {  	_ =	strace $0x9000004B  }
0xb7: {  	_ =	sfence  }
0xb8: {  	s30 =	sld [smem:$0x0];
	_ =	sdelay $0x2  }
0xb9: {  	s31 =	sshll.u32 s1, $0xD;
	s1 =	sshrl.u32 s1, $0x2  }
0xba: {  	s3 =	sand.u32 $0x4000, s31;
	s1 =	sadd.s32 s1, s30  }
0xbb: {  	s0 =	sor.u32 s3, s0;
	s1 =	sshll.u32 s1, $0x11  }
0xbc: {  	s0 =	sor.u32 s1, s0  }
0xbd: {  	s0 =	sadd.s32 $0x8F2B, s0  }
0xbe: {  	[sflag:s0] =	ssyncadd.remote.s32 $0x1  }
0xbf: {  	_ =	sfence.sel $0xFFFF  }
0xc0: {  	[dreg:$0x0] =	wrdreg $0xFFFFFFFF;
	(pc) =	sbr.abs _section_cstart, $3  }
0xc1: {  	[dreg:$0x1] =	wrdreg $0xFFFFFFFF  }
0xc2: {  	_ =	task.clear_ibuf [dreg:s6], $0x2FFFF;
	_ =	strace $0x9FFFFFFF  }
0xc3: {  	(tm) =	ssettm $0x7FFFFFFF  }
tec
execute0_lowered:
.L_overlay_start_1:
0x0: {  	(tag) =	ssettag $0x1  }
0x1: {  	s6 =	rddreg [dreg:$0x0]  }
0x2: {  	s1 =	rddreg [dreg:$0x1];
	s0 =	srdreg.scid  }
0x3: {  	s2 =	rddreg [dreg:$0x2];
	s3 =	simm.s32 $0x0;
	s10 =	stileid.u32  }
0x4: {  	s13 =	simm.s32 $0x3E8;
	s14 =	simm.s32 $0x7D0;
	s15 =	simm.s32 $0x1  }
0x5: {  	s5 =	sand.u32 $0x1, s0;
	s0 =	rddreg [dreg:$0x3];
	s9 =	smul.u32 $0x2710, s10  }
0x6: {  	s17 =	simm.s32 $0x0;
	[smem:$0x7FF] =	sst s3;
	s11 =	smul.u32 $0x14000, s10  }
0x7: {  	s4 =	sadd.s32 $0x13C00, s6;
	p0 =	sne.s32 s10, $0x0;
	s7 =	smul.u32 $0xA000, s5  }
0x8: {  	s10 =	simm.s32 $0x84D0;
	s8 =	smul.u32 $0x27100, s5;
	_ =	strace $0x8000004A  }
0x9: {  	s5 =	ssub.s32 $0x2, s5;
	s12 =	sshrl.u32 @!p0 s2, $0x3;
	s16 =	sshrl.u32 @!p0 s1, $0x3  }
0xa: {  	s31 =	sshrl.u32 s5, $0x1;
	s11 =	sshrl.u32 s11, $0x2;
	s8 =	sadd.s32 s9, s8  }
0xb: {  	s7 =	sadd.s32 s7, s6;
	s9 =	ssub.s32 s5, s31;
	s8 =	sshrl.u32 s8, $0x3  }
0xc: {  	s5 =	sadd.s32 s11, s1;
	s11 =	simm.s32 $0x2;
	s6 =	sadd.s32 s8, s6  }
0xd: {  	v0 =	vimm.f32 $0.0e+00;
	s7 =	sadd.s32 $0x1DA00, s7;
	s8 =	smax.u32 s9, $0x1;
	s9 =	sadd.s32 $0x9E00, s6  }
.LBB2_1:
0xe: {  	s18 =	simm.s32 $0x80;
	s19 =	simm.s32 $0x0  }
.LBB2_2:
0xf: {  	p1 =	sne.s32 s18, $0x13F80;
	[tilespmem:s19+$0x84D0] =	vst v0;
	s20 =	smov.u32 s18;
	s18 =	sadd.s32 $0x80, s18  }
.Ltmp0:
0x10: {  	[tilespmem:s19+$0x84E0] =	vst v0;
	(pc) =	sbr.rel @p1 .LBB2_2-.Ltmp0, $2  }
0x11: {  	_ =	sdelay $0x2  }
0x12: {  	s19 =	sshra.s32 s20, $0x2  }
0x13: {  	[tilespmem:s19+$0x84D0] =	vst v0  }
0x14: {  	[tilespmem:s19+$0x84E0] =	vst v0  }
0x15: {  	[spmem:s5] =	stream.linear.scatter [tilespmem:s10], [sflag:$0x2], $0x5000, $0x38;
	[tilespmem:$0x172F0] =	vst v63  }
0x16: {  	_ =	swait.ge [sflag:s11], $0x5000  }
0x17: {  	[sflag:s11] =	ssyncset.done $0x0  }
0x18: {  	s18 =	simm.s32 @!p0 $0x1C02;
	[sflag:s11] =	ssyncadd.s32 $0xFFFFB000  }
0x19: {  	[spmem:s12], [sflag:s18] =	dma.local @!p0 [hbm:s4], $0x9C40  }
0x1a: {  	s18 =	simm.s32 @!p0 $0x2  }
0x1b: {  	_ =	swait.ge @!p0 [sflag:s18], $0x9C40  }
0x1c: {  	[sflag:s18] =	ssyncset.done @!p0 $0x0  }
0x1d: {  	[sflag:s18] =	ssyncadd.s32 @!p0 $0xFFFF63C0  }
0x1e: {  	s30 =	sadd.s32 $0x0, s9;
	[bflag:$0x0] =	sbarrier.arrive $0xFFFF  }
0x1f: {  	[tilespmem:s3], [sflag:$0x2] =	stream.linear.gather [hbm4b:s30+s3], $0x3E8, $0x38;
	[tilespmem:$0x172F0] =	vst v63  }
0x20: {  	_ =	swait.ge [sflag:s11], $0x3E8  }
0x21: {  	[sflag:s11] =	ssyncset.done $0x0  }
0x22: {  	s31 =	sadd.s32 $0x0, s6;
	[sflag:s11] =	ssyncadd.s32 $0xFFFFFC18  }
0x23: {  	[tilespmem:s13], [sflag:$0x2] =	stream.linear.gather [hbm4b:s31+s3], $0x3E8, $0x38;
	[tilespmem:$0x172F0] =	vst v63  }
0x24: {  	_ =	swait.ge [sflag:s11], $0x3E8  }
0x25: {  	[sflag:s11] =	ssyncset.done $0x0  }
0x26: {  	[sflag:s11] =	ssyncadd.s32 $0xFFFFFC18  }
0x27: {  	[tilespmem:s14], [sflag:$0x1] =	stream.indirect.gather [spmem:s2], $0x20, s3, s13, $0xb8;
	[tilespmem:$0x172F0] =	vst v63  }
0x28: {  	_ =	swait.ge [sflag:s15], $0x7D00  }
0x29: {  	[sflag:s15] =	ssyncset.done $0x0  }
0x2a: {  	[sflag:s15] =	ssyncadd.s32 $0xFFFF8300  }
0x2b: {  	[spmem:s1] =	stream.indirect.scatter.add.f32 [tilespmem:s14], [sflag:$0x2], $0x20, s13, s13, $0xb8;
	[tilespmem:$0x172F0] =	vst v63  }
0x2c: {  	_ =	swait.ge [sflag:s11], $0x7D00  }
0x2d: {  	s19 =	simm.s32 $0xFA;
	s18 =	simm.s32 $0x7D;
	[sflag:s11] =	ssyncset.done $0x0  }
.LBB2_4:
0x2e: {  	s20 =	sadd.s32 s18, s9  }
0x2f: {  	[sflag:s11] =	ssyncadd.s32 $0xFFFF8300;
	s21 =	smov.u32 s19;
	s22 =	sadd.s32 $0x7D, s19  }
0x30: {  	[tilespmem:s3], [sflag:$0x2] =	stream.linear.gather [hbm4b:s20+s3], $0x3E8, $0x38;
	[tilespmem:$0x172F0] =	vst v63  }
0x31: {  	p1 =	sne.s32 s19, $0x465;
	_ =	swait.ge [sflag:s11], $0x3E8  }
0x32: {  	[sflag:s11] =	ssyncset.done $0x0  }
0x33: {  	s19 =	sadd.s32 s18, s6;
	s18 =	smov.u32 s21;
	[sflag:s11] =	ssyncadd.s32 $0xFFFFFC18  }
0x34: {  	[tilespmem:s13], [sflag:$0x2] =	stream.linear.gather [hbm4b:s19+s3], $0x3E8, $0x38;
	[tilespmem:$0x172F0] =	vst v63  }
0x35: {  	_ =	swait.ge [sflag:s11], $0x3E8  }
0x36: {  	[sflag:s11] =	ssyncset.done $0x0  }
0x37: {  	[sflag:s11] =	ssyncadd.s32 $0xFFFFFC18  }
0x38: {  	[tilespmem:s14], [sflag:$0x1] =	stream.indirect.gather [spmem:s2], $0x20, s3, s13, $0xb8;
	[tilespmem:$0x172F0] =	vst v63  }
0x39: {  	_ =	swait.ge [sflag:s15], $0x7D00  }
.Ltmp1:
0x3a: {  	[sflag:s15] =	ssyncset.done $0x0;
	(pc) =	sbr.rel @p1 .LBB2_4-.Ltmp1, $4  }
0x3b: {  	[sflag:s15] =	ssyncadd.s32 $0xFFFF8300  }
0x3c: {  	[spmem:s1] =	stream.indirect.scatter.add.f32 [tilespmem:s14], [sflag:$0x2], $0x20, s13, s13, $0xb8;
	[tilespmem:$0x172F0] =	vst v63  }
0x3d: {  	_ =	swait.ge [sflag:s11], $0x7D00  }
0x3e: {  	s19 =	smov.u32 s22;
	[sflag:s11] =	ssyncset.done $0x0  }
0x3f: {  	s19 =	sadd.s32 s18, s9;
	[sflag:s11] =	ssyncadd.s32 $0xFFFF8300  }
0x40: {  	[tilespmem:s3], [sflag:$0x2] =	stream.linear.gather [hbm4b:s19+s3], $0x3E8, $0x38;
	[tilespmem:$0x172F0] =	vst v63  }
0x41: {  	_ =	swait.ge [sflag:s11], $0x3E8  }
0x42: {  	[sflag:s11] =	ssyncset.done $0x0  }
0x43: {  	s31 =	sadd.s32 s18, s6;
	[sflag:s11] =	ssyncadd.s32 $0xFFFFFC18  }
0x44: {  	[tilespmem:s13], [sflag:$0x2] =	stream.linear.gather [hbm4b:s31+s3], $0x3E8, $0x38;
	[tilespmem:$0x172F0] =	vst v63  }
0x45: {  	_ =	swait.ge [sflag:s11], $0x3E8  }
0x46: {  	[sflag:s11] =	ssyncset.done $0x0  }
0x47: {  	[sflag:s11] =	ssyncadd.s32 $0xFFFFFC18  }
0x48: {  	[tilespmem:s14], [sflag:$0x1] =	stream.indirect.gather [spmem:s2], $0x20, s3, s13, $0xb8;
	[tilespmem:$0x172F0] =	vst v63  }
0x49: {  	_ =	swait.ge [sflag:s15], $0x7D00  }
0x4a: {  	[sflag:s15] =	ssyncset.done $0x0  }
0x4b: {  	[sflag:s15] =	ssyncadd.s32 $0xFFFF8300  }
0x4c: {  	[spmem:s1] =	stream.indirect.scatter.add.f32 [tilespmem:s14], [sflag:$0x2], $0x20, s13, s13, $0xb8;
	[tilespmem:$0x172F0] =	vst v63  }
0x4d: {  	_ =	swait.ge [sflag:s11], $0x7D00  }
0x4e: {  	[sflag:s11] =	ssyncset.done $0x0  }
0x4f: {  	s17 =	sadd.s32 $0x1, s17;
	[sflag:s11] =	ssyncadd.s32 $0xFFFF8300  }
0x50: {  	s18 =	simm.s32 @!p0 $0x1C02;
	p1 =	sne.s32 s17, s8;
	[bflag:$0x0] =	sbarrier.arrive $0xFFFF  }
0x51: {  	[hbm:s7], [sflag:s18] =	dma.local @!p0 [spmem:s16], $0xA000  }
.Ltmp2:
0x52: {  	_ = 	snop;
	(pc) =	sbr.rel @p1 .LBB2_1-.Ltmp2, $4  }
0x53: {  	s18 =	simm.s32 @!p0 $0x2  }
0x54: {  	_ =	swait.ge @!p0 [sflag:s18], $0xA000  }
0x55: {  	[sflag:s18] =	ssyncset.done @!p0 $0x0  }
0x56: {  	[sflag:s18] =	ssyncadd.s32 @!p0 $0xFFFF6000  }
0x57: {  	_ =	sfence.sel $0x180000  }
0x58: {  	[bflag:$0x0] =	sbarrier.arrive $0xFFFF  }
0x59: {  	_ =	strace $0x9000004A  }
0x5a: {  	s0 =	sadd.s32 @!p0 $0x100000, s0;
	[bflag:$0x2] =	sbarrier.arrive $0xFFFF  }
0x5b: {  	[sflag:s0] =	ssyncadd.tile.s32 @!p0 $0x1;
	_ =	shalt  }
.Lfunc_end2:
_tile_overlayer_lowered:
.L_overlay_start_2:
0x5c: {  	(tag) =	ssettag $0x2  }
0x5d: {  	s0 =	rddreg [dreg:$0x0];
	s2 =	stileid.u32  }
0x5e: {  	s1 =	rddreg [dreg:$0x1];
	p0 =	sne.s32 s2, $0x0  }
0x5f: {  	s3 =	rddreg [dreg:$0x2];
	[bflag:$0x3] =	sbarrier.arrive $0xFFFF;
	s2 =	simm.s32 @!p0 $0x1C02  }
0x60: {  	[timem:s3], [sflag:s2] =	dma.local @!p0 [hbm:s0], s1  }
0x61: {  	s0 =	simm.s32 @!p0 $0x2  }
0x62: {  	_ =	swait.ge @!p0 [sflag:s0], s1  }
0x63: {  	s1 =	ssub.s32 @!p0 $0x0, s1;
	[sflag:s0] =	ssyncset.done @!p0 $0x0  }
0x64: {  	[sflag:s0] =	ssyncadd.s32 @!p0 s1  }
0x65: {  	[bflag:$0x3] =	sbarrier.arrive $0xFFFF  }
0x66: {  	_ =	shalt  }

// kernel: kernel.17.cloned.1.call-start
scs
__scs_entry_jumppad:
0x0: {  	(pc) =	sbr.rel $0x88, $3  }
0x1: {  	(tag) =	ssettag $0x0;
	lr =	simm.s32 $0x1  }
0x2: {  	[smem:$0x3F97] =	sst lr;
	_ =	strace $0xD0000000  }
0x3: {  	_ = 	snop  }
0x4: {  	_ = 	snop  }
0x5: {  	_ = 	snop  }
0x6: {  	_ = 	snop  }
0x7: {  	_ = 	snop  }
__scs_overlays_trampoline_lowered:
0x8: {  	[smem:$0x3FA6] =	sst s0  }
0x9: {  	[smem:$0x3FA7] =	sst s1  }
0xa: {  	[smem:$0x3FA8] =	sst s2  }
0xb: {  	[smem:$0x3FA9] =	sst s3  }
0xc: {  	[smem:$0x3FAA] =	sst s4  }
0xd: {  	[smem:$0x3FAB] =	sst s5  }
0xe: {  	[smem:$0x3FAC] =	sst s6  }
0xf: {  	[smem:$0x3FAD] =	sst s7  }
0x10: {  	[smem:$0x3FAE] =	sst s8  }
0x11: {  	[smem:$0x3FAF] =	sst s9;
	s0 =	simm.s32 @!p0 $0x0  }
0x12: {  	s1 =	sld [smem:$0x3F95];
	s0 =	simm.s32 @p0 $0x1  }
0x13: {  	[smem:$0x3FB0] =	sst s0;
	s0 =	simm.s32 @!p1 $0x0  }
0x14: {  	s2 =	sld [smem:$0x3F94];
	s0 =	simm.s32 @p1 $0x1  }
0x15: {  	[smem:$0x3FB1] =	sst s0;
	s0 =	simm.s32 @!p2 $0x0  }
0x16: {  	s3 =	sld [smem:$0x3FDB];
	s0 =	simm.s32 @p2 $0x1  }
0x17: {  	s4 =	simm.s32 $0x1BF5;
	[smem:$0x3FB3] =	sst s0  }
0x18: {  	s0 =	sld [smem:$0x3F96];
	_ =	swait.ge [sflag:s4], $0x0  }
0x19: {  	s7 =	sld [smem:$0x3F97]  }
0x1a: {  	s8 =	sadd.s32 $0xFFFFE003, lr  }
0x1b: {  	s9 =	sadd.s32 $0xFFFFFEF7, lr;
	s5 =	simm.s32 $0xFFFFFFFF;
	p2 =	slt.u32 s8, $0xFFFFF086  }
0x1c: {  	p1 =	slt.u32 s9, $0xF7A;
	s5 =	simm.s32 @!p2 $0x0  }
0x1d: {  	s5 =	simm.s32 @p1 $0x1;
	p0 =	seq.s32 s7, s2  }
0x1e: {  	s7 =	smul.u32 @!p0 $0xF7A, s2;
	p2 =	seq.s32 @!p0 s5, $0x0  }
0x1f: {  	s9 =	smul.u32 $0xF7A, s1;
	s8 =	simm.s32 @!p0 $0x1BF5;
	p2 =	por !p2, p0  }
0x20: {  	[sflag:s8] =	ssyncset.s32 @!p0 $0xFFFFF086;
	s6 =	sadd.s32 @!p0 s3, s7;
	s7 =	simm.s32 @!p0 $0x108  }
0x21: {  	s3 =	sadd.s32 s3, s9;
	s6 =	sadd.s32 @!p0 $0x88, s6;
	s7 =	simm.s32 @p2 $0x1082  }
0x22: {  	[simem:s7], [sflag:s8] =	dma.local @!p0 [hbm:s6], $0xF7A  }
0x23: {  	s9 =	sor.u32 $0xD0000000, s2;
	s6 =	simm.s32 $0x108;
	_ =	swait.ge @!p0 [sflag:s8], $0x0  }
0x24: {  	s3 =	sadd.s32 $0x88, s3;
	s6 =	simm.s32 @!p1 $0x1082;
	[sflag:s4] =	ssyncset.s32 $0xFFFFF086  }
0x25: {  	[simem:s6], [sflag:s4] =	dma.local [hbm:s3], $0xF7A  }
0x26: {  	[smem:$0x3F97] =	sst s1;
	(tag) =	ssettag s2;
	_ =	strace s9  }
0x27: {  	s1 =	sld [smem:$0x3FA7]  }
0x28: {  	s2 =	sld [smem:$0x3FA8]  }
0x29: {  	s4 =	sld [smem:$0x3FAA]  }
0x2a: {  	p0 =	seq.s32 s5, $0x0;
	s5 =	sld [smem:$0x3FAB]  }
0x2b: {  	s6 =	sld [smem:$0x3FAC]  }
0x2c: {  	s7 =	sld [smem:$0x3FAD]  }
0x2d: {  	s3 =	simm.s32 $0x108;
	s8 =	sld [smem:$0x3FAE]  }
0x2e: {  	s3 =	simm.s32 @!p0 $0x1082;
	s9 =	sld [smem:$0x3FAF]  }
0x2f: {  	lr =	sadd.s32 s0, s3;
	s0 =	sld [smem:$0x3FA6]  }
0x30: {  	s3 =	sld [smem:$0x3FA9]  }
0x31: {  	[smem:$0x3FB2] =	sst s10  }
0x32: {  	s10 =	sld [smem:$0x3FB0];
	_ =	sdelay $0x3  }
0x33: {  	p0 =	seq.s32 s10, $0x1;
	s10 =	sld [smem:$0x3FB2];
	_ =	sdelay $0x3  }
0x34: {  	[smem:$0x3FB2] =	sst s10  }
0x35: {  	s10 =	sld [smem:$0x3FB1];
	_ =	sdelay $0x3  }
0x36: {  	p1 =	seq.s32 s10, $0x1;
	s10 =	sld [smem:$0x3FB2];
	_ =	sdelay $0x3  }
0x37: {  	[smem:$0x3FB2] =	sst s10  }
0x38: {  	s10 =	sld [smem:$0x3FB3]  }
0x39: {  	_ = 	snop;
	(pc) =	sbr.ind lr, $3  }
0x3a: {  	_ = 	snop  }
0x3b: {  	_ = 	snop  }
0x3c: {  	p2 =	seq.s32 s10, $0x1;
	s10 =	sld [smem:$0x3FB2]  }
0x3d: {  	_ =	shalt  }
0x3e: {  	_ =	shalt  }
0x3f: {  	_ =	shalt  }
0x40: {  	_ =	shalt  }
0x41: {  	_ =	shalt  }
0x42: {  	_ =	shalt  }
0x43: {  	_ =	shalt  }
0x44: {  	_ =	shalt  }
0x45: {  	_ =	shalt  }
0x46: {  	_ =	shalt  }
0x47: {  	_ =	shalt  }
0x48: {  	_ =	shalt  }
0x49: {  	_ =	shalt  }
0x4a: {  	_ =	shalt  }
0x4b: {  	_ =	shalt  }
0x4c: {  	_ =	shalt  }
0x4d: {  	_ =	shalt  }
0x4e: {  	_ =	shalt  }
0x4f: {  	_ =	shalt  }
0x50: {  	_ =	shalt  }
0x51: {  	_ =	shalt  }
0x52: {  	_ =	shalt  }
0x53: {  	_ =	shalt  }
0x54: {  	_ =	shalt  }
0x55: {  	_ =	shalt  }
0x56: {  	_ =	shalt  }
0x57: {  	_ =	shalt  }
0x58: {  	_ =	shalt  }
0x59: {  	_ =	shalt  }
0x5a: {  	_ =	shalt  }
0x5b: {  	_ =	shalt  }
0x5c: {  	_ =	shalt  }
0x5d: {  	_ =	shalt  }
0x5e: {  	_ =	shalt  }
0x5f: {  	_ =	shalt  }
0x60: {  	_ =	shalt  }
0x61: {  	_ =	shalt  }
0x62: {  	_ =	shalt  }
0x63: {  	_ =	shalt  }
0x64: {  	_ =	shalt  }
0x65: {  	_ =	shalt  }
0x66: {  	_ =	shalt  }
0x67: {  	_ =	shalt  }
0x68: {  	_ =	shalt  }
0x69: {  	_ =	shalt  }
0x6a: {  	_ =	shalt  }
0x6b: {  	_ =	shalt  }
0x6c: {  	_ =	shalt  }
0x6d: {  	_ =	shalt  }
0x6e: {  	_ =	shalt  }
0x6f: {  	_ =	shalt  }
0x70: {  	_ =	shalt  }
0x71: {  	_ =	shalt  }
0x72: {  	_ =	shalt  }
0x73: {  	_ =	shalt  }
0x74: {  	_ =	shalt  }
0x75: {  	_ =	shalt  }
0x76: {  	_ =	shalt  }
0x77: {  	_ =	shalt  }
0x78: {  	_ =	shalt  }
0x79: {  	_ =	shalt  }
0x7a: {  	_ =	shalt  }
0x7b: {  	_ =	shalt  }
0x7c: {  	_ =	shalt  }
0x7d: {  	_ =	shalt  }
0x7e: {  	_ =	shalt  }
0x7f: {  	_ =	shalt  }
0x80: {  	_ =	shalt  }
0x81: {  	_ =	shalt  }
0x82: {  	_ =	shalt  }
0x83: {  	_ =	shalt  }
0x84: {  	_ =	shalt  }
0x85: {  	_ =	shalt  }
0x86: {  	_ =	shalt  }
0x87: {  	_ =	shalt  }
.Lfunc_end0:
.L_simem_size_0:
called_computation.3_lowered:
.L_overlay_start_0:
0x88: {  	s2 =	sld [smem:$0x3FD9]  }
0x89: {  	s3 =	sld [smem:$0x3FFE];
	_ =	sdelay $0x1  }
0x8a: {  	s1 =	srdreg.scid  }
0x8b: {  	s0 =	sand.u32 $0x1, s1  }
0x8c: {  	s16 =	sshll.u32 s0, $0xA;
	s2 =	sadd.s32 s3, s2  }
0x8d: {  	s2 =	sadd.s32 s2, s16  }
0x8e: {  	[smem:$0x3FBE] =	sst s2  }
0x8f: {  	_ = 	snop  }
0x90: {  	(tm) =	ssettm $0x1  }
0x91: {  	s17 =	sld [smem:$0x3FFB];
	_ =	sdelay $0x3  }
0x92: {  	_ =	strace s17  }
0x93: {  	s2 =	sld [smem:$0x3FFC];
	_ =	sdelay $0x3  }
0x94: {  	_ =	strace s2  }
0x95: {  	s2 =	sld [smem:$0x3FFD];
	_ =	sdelay $0x3  }
0x96: {  	_ =	strace s2  }
0x97: {  	_ =	strace $0x8FFFFFFF  }
0x98: {  	s18 =	sld [smem:$0x3FDB];
	_ =	sdelay $0x1  }
0x99: {  	s19 =	simm.s32 $_scs_section_size  }
0x9a: {  	s4 =	simm.s32 $_size__tile_overlayer_lowered;
	s5 =	simm.s32 $_tile_overlayer_lowered  }
0x9b: {  	s22 =	simm.s32 $0x1BFF;
	s21 =	sshll.u32 s5, $0x1;
	s2 =	sadd.s32 s19, s18  }
0x9c: {  	s6 =	simm.s32 $0x0;
	s20 =	sshll.u32 s4, $0x1;
	s4 =	sadd.s32 s21, s2  }
0x9d: {  	[timem:s6], [sflag:s22] =	dma.local [hbm:s4], s20  }
0x9e: {  	_ =	swait.ge [sflag:s22], s20  }
0x9f: {  	s3 =	ssub.s32 $0x0, s20;
	[sflag:s22] =	ssyncset.done $0x0  }
0xa0: {  	[sflag:s22] =	ssyncadd.s32 s3;
	_ =	sdelay $0x1  }
0xa1: {  	s23 =	simm.s32 $0x1B8B  }
0xa2: {  	_ =	swait.ge [sflag:s23], $0x1  }
0xa3: {  	[sflag:s23] =	ssyncset.done $0x0  }
0xa4: {  	s25 =	simm.s32 $0x1B8E;
	s24 =	sld [smem:$0x3FFE];
	[sflag:s23] =	ssyncadd.s32 $0xFFFFFFFF  }
0xa5: {  	s26 =	simm.s32 $execute0_lowered;
	[smem:$0x3FD2] =	sst s25  }
0xa6: {  	s4 =	sshll.u32 s26, $0x1;
	_ =	strace $0x8000004C;
	[dreg:$0x1] =	wrdreg $0xFFFFFFFF  }
0xa7: {  	s28 =	simm.s32 $_size_execute0_lowered;
	s2 =	sadd.s32 s2, s4;
	[dreg:$0x0] =	wrdreg $0x0  }
0xa8: {  	s4 =	sshll.u32 s28, $0x1;
	[dreg:$0x2] =	wrdreg s2  }
0xa9: {  	[dreg:$0x3] =	wrdreg s4  }
0xaa: {  	[dreg:$0x4] =	wrdreg $0xC0  }
0xab: {  	_ =	task [dreg:s6], $0x5FFFF  }
0xac: {  	[dreg:$0x1] =	wrdreg $0xFFFFFFFF  }
0xad: {  	[dreg:$0x0] =	wrdreg $0x60  }
0xae: {  	[dreg:$0x2] =	wrdreg s24  }
0xaf: {  	[dreg:$0x3] =	wrdreg $0x77B00  }
0xb0: {  	[dreg:$0x4] =	wrdreg $0x9  }
0xb1: {  	_ =	task.clear_ibuf [dreg:s6], $0x5FFFF;
	_ =	strace $0x9000004C  }
0xb2: {  	s29 =	simm.s32 $0x9;
	_ =	strace $0x8000004E  }
0xb3: {  	_ =	swait.ge [sflag:s29], $0x1  }
0xb4: {  	[sflag:s29] =	ssyncadd.s32 $0xFFFFFFFF  }
0xb5: {  	_ =	strace $0x9000004E  }
0xb6: {  	_ =	sfence  }
0xb7: {  	s30 =	sld [smem:$0x0];
	_ =	sdelay $0x2  }
0xb8: {  	s31 =	sshll.u32 s1, $0xD;
	s1 =	sshrl.u32 s1, $0x2  }
0xb9: {  	s3 =	sand.u32 $0x4000, s31;
	s1 =	sadd.s32 s1, s30  }
0xba: {  	s0 =	sor.u32 s3, s0;
	s1 =	sshll.u32 s1, $0x11  }
0xbb: {  	s0 =	sor.u32 s1, s0  }
0xbc: {  	s0 =	sadd.s32 $0x8F2B, s0  }
0xbd: {  	[sflag:s0] =	ssyncadd.remote.s32 $0x1  }
0xbe: {  	_ =	sfence.sel $0xFFFF  }
0xbf: {  	[dreg:$0x0] =	wrdreg $0xFFFFFFFF;
	(pc) =	sbr.abs _section_cstart, $3  }
0xc0: {  	[dreg:$0x1] =	wrdreg $0xFFFFFFFF  }
0xc1: {  	_ =	task.clear_ibuf [dreg:s6], $0x2FFFF;
	_ =	strace $0x9FFFFFFF  }
0xc2: {  	(tm) =	ssettm $0x7FFFFFFF  }
0xc3: {  	_ =	shalt  }
tec
execute0_lowered:
.L_overlay_start_1:
0x0: {  	(tag) =	ssettag $0x1  }
0x1: {  	s1 =	rddreg [dreg:$0x0]  }
0x2: {  	s2 =	rddreg [dreg:$0x1]  }
0x3: {  	s0 =	rddreg [dreg:$0x2]  }
0x4: {  	s3 =	simm.s32 $0x0;
	s5 =	srdreg.scid;
	s21 =	stileid.u32  }
0x5: {  	s15 =	simm.s32 $0x2710;
	s16 =	simm.s32 $0x4E20;
	s17 =	simm.s32 $0x55F0  }
0x6: {  	s18 =	simm.s32 $0x5DC0;
	s19 =	simm.s32 $0x6590;
	s20 =	simm.s32 $0x7D0  }
0x7: {  	s23 =	simm.s32 $0x0;
	[smem:$0x7FF] =	sst s3;
	s4 =	sadd.s32 $0x9E00, s1  }
0x8: {  	s9 =	sand.u32 $0x1, s5;
	s5 =	sadd.s32 $0x14200, s1;
	s6 =	sadd.s32 $0x13C00, s1  }
0x9: {  	s7 =	sadd.s32 $0x1F000, s1;
	s11 =	smul.u32 $0xA00, s21;
	s8 =	sadd.s32 $0x15200, s1  }
0xa: {  	p0 =	sne.s32 s21, $0x0;
	_ =	strace $0x8000004D;
	s10 =	smul.u32 $0x500, s9  }
0xb: {  	s30 =	ssub.s32 $0x2, s9;
	s14 =	sshll.u32 s9, $0x4;
	s22 =	sshrl.u32 @!p0 s2, $0x3  }
0xc: {  	s13 =	sshrl.u32 s30, $0x1;
	s11 =	sshrl.u32 s11, $0x2;
	s31 =	sor.u32 s21, s14  }
0xd: {  	s14 =	simm.s32 $0x1;
	s21 =	simm.s32 $0x6D60;
	s12 =	sadd.s32 s10, s1  }
0xe: {  	s13 =	ssub.s32 s30, s13;
	s9 =	sadd.s32 s11, s2;
	s10 =	smul.u32 $0x2710, s31  }
0xf: {  	v0 =	vimm.f32 $0.0e+00;
	v1 =	vimm.s32 $0x0;
	s11 =	sadd.s32 $0x14800, s12;
	s12 =	smax.u32 s13, $0x1;
	s13 =	simm.s32 $0x7530  }
.LBB2_1:
0x10: {  	[tilespmem:$0x7530] =	vst v0  }
0x11: {  	[tilespmem:$0x7540] =	vst v0  }
0x12: {  	[tilespmem:$0x7550] =	vst v0  }
0x13: {  	[tilespmem:$0x7560] =	vst v0  }
0x14: {  	[tilespmem:$0x7570] =	vst v0  }
0x15: {  	[tilespmem:$0x7580] =	vst v0  }
0x16: {  	[tilespmem:$0x7590] =	vst v0  }
0x17: {  	[tilespmem:$0x75A0] =	vst v0  }
0x18: {  	[tilespmem:$0x75B0] =	vst v0  }
0x19: {  	[tilespmem:$0x75C0] =	vst v0  }
0x1a: {  	[tilespmem:$0x75D0] =	vst v0  }
0x1b: {  	[tilespmem:$0x75E0] =	vst v0  }
0x1c: {  	[tilespmem:$0x75F0] =	vst v0  }
0x1d: {  	[tilespmem:$0x7600] =	vst v0  }
0x1e: {  	[tilespmem:$0x7610] =	vst v0  }
0x1f: {  	[tilespmem:$0x7620] =	vst v0  }
0x20: {  	[tilespmem:$0x7630] =	vst v0  }
0x21: {  	[tilespmem:$0x7640] =	vst v0  }
0x22: {  	[tilespmem:$0x7650] =	vst v0  }
0x23: {  	[tilespmem:$0x7660] =	vst v0  }
0x24: {  	[tilespmem:$0x7670] =	vst v0  }
0x25: {  	[tilespmem:$0x7680] =	vst v0  }
0x26: {  	[tilespmem:$0x7690] =	vst v0  }
0x27: {  	[tilespmem:$0x76A0] =	vst v0  }
0x28: {  	[tilespmem:$0x76B0] =	vst v0  }
0x29: {  	[tilespmem:$0x76C0] =	vst v0  }
0x2a: {  	[tilespmem:$0x76D0] =	vst v0  }
0x2b: {  	[tilespmem:$0x76E0] =	vst v0  }
0x2c: {  	[tilespmem:$0x76F0] =	vst v0  }
0x2d: {  	[tilespmem:$0x7700] =	vst v0  }
0x2e: {  	[tilespmem:$0x7710] =	vst v0  }
0x2f: {  	[tilespmem:$0x7720] =	vst v0  }
0x30: {  	[tilespmem:$0x7730] =	vst v0  }
0x31: {  	[tilespmem:$0x7740] =	vst v0  }
0x32: {  	[tilespmem:$0x7750] =	vst v0  }
0x33: {  	[tilespmem:$0x7760] =	vst v0  }
0x34: {  	[tilespmem:$0x7770] =	vst v0  }
0x35: {  	[tilespmem:$0x7780] =	vst v0  }
0x36: {  	[tilespmem:$0x7790] =	vst v0  }
0x37: {  	[tilespmem:$0x77A0] =	vst v0  }
0x38: {  	[spmem:s9] =	stream.linear.scatter [tilespmem:s13], [sflag:$0x1], $0x280, $0x38;
	[tilespmem:$0x7A30] =	vst v63  }
0x39: {  	_ =	swait.ge [sflag:s14], $0x280  }
0x3a: {  	[sflag:s14] =	ssyncset.done $0x0  }
0x3b: {  	[sflag:s14] =	ssyncadd.s32 $0xFFFFFD80  }
0x3c: {  	[tilespmem:s3], [sflag:$0x1] =	stream.linear.gather [hbm4b:s5+s3], $0x2710, $0x38;
	[tilespmem:$0x7A30] =	vst v63  }
0x3d: {  	_ =	swait.ge [sflag:s14], $0x2710  }
0x3e: {  	[sflag:s14] =	ssyncset.done $0x0  }
0x3f: {  	[sflag:s14] =	ssyncadd.s32 $0xFFFFD8F0  }
0x40: {  	[tilespmem:s15], [sflag:$0x1] =	stream.linear.gather [hbm4b:s6+s3], $0x2710, $0x38;
	[tilespmem:$0x7A30] =	vst v63  }
0x41: {  	_ =	swait.ge [sflag:s14], $0x2710  }
0x42: {  	[sflag:s14] =	ssyncset.done $0x0  }
0x43: {  	[sflag:s14] =	ssyncadd.s32 $0xFFFFD8F0  }
0x44: {  	s24 =	simm.s32 $0x0;
	[bflag:$0x0] =	sbarrier.arrive $0xFFFF  }
.LBB2_2:
0x45: {  	s25 =	smul.u32 $0x7D0, s24;
	_ =	sdelay $0x1  }
0x46: {  	s25 =	sadd.s32 s10, s25  }
0x47: {  	s25 =	sshrl.u32 s25, $0x3  }
0x48: {  	s28 =	simm.s32 $0x0;
	s26 =	sadd.s32 s4, s25  }
0x49: {  	[tilespmem:s16], [sflag:$0x1] =	stream.linear.gather [hbm4b:s26+s28], $0x7D0, $0x38;
	[tilespmem:$0x7A30] =	vst v63  }
0x4a: {  	_ =	swait.ge [sflag:s14], $0x7D0  }
0x4b: {  	[sflag:s14] =	ssyncset.done $0x0  }
0x4c: {  	s31 =	sadd.s32 s1, s25;
	[sflag:s14] =	ssyncadd.s32 $0xFFFFF830  }
0x4d: {  	[tilespmem:s17], [sflag:$0x1] =	stream.linear.gather [hbm4b:s31+s28], $0x7D0, $0x38;
	[tilespmem:$0x7A30] =	vst v63  }
0x4e: {  	_ =	swait.ge [sflag:s14], $0x7D0  }
0x4f: {  	[sflag:s14] =	ssyncset.done $0x0  }
0x50: {  	s26 =	simm.s32 $0x0;
	[sflag:s14] =	ssyncadd.s32 $0xFFFFF830  }
0x51: {  	v2 =	vld [tilespmem:s26+$0x55F0]  }
0x52: {  	v3 =	vld [tilespmem:s26+$0x4E20];
	_ =	sdelay $0x6  }
0x53: {  	v4 =	vld.idx.msk [tilespmem:v2+s15+$0x0], $0xffff  }
0x54: {  	v5 =	vld.idx.msk [tilespmem:v3+s3+$0x0], $0xffff;
	_ =	sdelay $0x4  }
0x55: {  	v4 =	vadd.f32 v4, v5;
	_ =	sdelay $0x1  }
0x56: {  	v5 =	vsub.f32 $0.0e+00, v4;
	_ =	sdelay $0x1  }
0x57: {  	v5 =	vmul.f32 $1.442695020e+00, v5;
	_ =	sdelay $0x1  }
0x58: {  	(erf) = vpow2.f32 v5;
	_ =	sdelay $0x6  }
0x59: {  	vm0 =	vne.s32 v3, v2;
	vm1 =	vgt.f32 v4, $0.0e+00  }
0x5a: {  	vm1 =	vmand vm0, vm1  }
0x5b: {  	v2 =	vsel vm1, $0x1, v1;
	v3 =	vpop (erf)  }
0x5c: {  	[tilespmem:s26+$0x6590] =	vst v2;
	v2 =	vadd.f32 $1.000000000e+00, v3;
	_ =	sdelay $0x1  }
0x5d: {  	(erf) = vrcp.f32 v2;
	_ =	sdelay $0x1  }
0x5e: {  	v63 =	vsel vm1, $0x3F800000, v0  }
0x5f: {  	s29 =	simm.s32 $0x10;
	[tilespmem:s26+$0x6D60] =	vst v63  }
0x60: {  	s28 =	simm.s32 $0x80;
	v2 =	vld [tilespmem:s29+$0x55F0]  }
.LBB2_3:
0x61: {  	p1 =	sne.s32 s28, $0x1F00;
	v3 =	vld [tilespmem:s29+$0x4E20];
	_ =	sdelay $0x3  }
0x62: {  	v4 =	vpop (erf)  }
0x63: {  	v4 =	vnsel vm0, $0x0, v4  }
0x64: {  	[tilespmem:s26+$0x5DC0] =	vst v4;
	s26 =	smov.u32 s29  }
0x65: {  	v4 =	vld.idx.msk [tilespmem:v2+s15+$0x0], $0xffff  }
0x66: {  	v5 =	vld.idx.msk [tilespmem:v3+s3+$0x0], $0xffff;
	_ =	sdelay $0x5  }
0x67: {  	v4 =	vadd.f32 v4, v5;
	_ =	sdelay $0x1  }
0x68: {  	vm0 =	vne.s32 v3, v2;
	v5 =	vsub.f32 $0.0e+00, v4;
	vm1 =	vgt.f32 v4, $0.0e+00  }
0x69: {  	vm1 =	vmand vm0, vm1  }
0x6a: {  	v2 =	vmul.f32 $1.442695020e+00, v5;
	v3 =	vsel vm1, $0x1, v1;
	v4 =	vsel vm1, $0x3F800000, v0  }
0x6b: {  	[tilespmem:s26+$0x6590] =	vst v3  }
0x6c: {  	[tilespmem:s26+$0x6D60] =	vst v4;
	(erf) = vpow2.f32 v2;
	_ =	sdelay $0x8  }
0x6d: {  	v2 =	vpop (erf)  }
0x6e: {  	v2 =	vadd.f32 $1.000000000e+00, v2;
	_ =	sdelay $0x1  }
.Ltmp0:
0x6f: {  	(erf) = vrcp.f32 v2;
	(pc) =	sbr.rel @p1 .LBB2_3-.Ltmp0, $3  }
0x70: {  	_ =	sdelay $0x1  }
0x71: {  	s29 =	sshra.s32 s28, $0x2  }
0x72: {  	s28 =	sadd.s32 $0x40, s28;
	v2 =	vld [tilespmem:s29+$0x55F0]  }
0x73: {  	_ = 	snop  }
0x74: {  	v3 =	vld [tilespmem:s29+$0x4E20];
	_ =	sdelay $0x3  }
0x75: {  	v4 =	vpop (erf)  }
0x76: {  	v4 =	vnsel vm0, $0x0, v4  }
0x77: {  	[tilespmem:s26+$0x5DC0] =	vst v4  }
0x78: {  	v4 =	vld.idx.msk [tilespmem:v2+s15+$0x0], $0xffff  }
0x79: {  	v5 =	vld.idx.msk [tilespmem:v3+s3+$0x0], $0xffff;
	_ =	sdelay $0x4  }
0x7a: {  	v4 =	vadd.f32 v4, v5;
	_ =	sdelay $0x1  }
0x7b: {  	v5 =	vsub.f32 $0.0e+00, v4;
	_ =	sdelay $0x1  }
0x7c: {  	v5 =	vmul.f32 $1.442695020e+00, v5;
	_ =	sdelay $0x1  }
0x7d: {  	(erf) = vpow2.f32 v5;
	_ =	sdelay $0x8  }
0x7e: {  	v5 =	vpop (erf)  }
0x7f: {  	v5 =	vadd.f32 $1.000000000e+00, v5;
	_ =	sdelay $0x1  }
0x80: {  	(erf) = vrcp.f32 v5;
	_ =	sdelay $0x3  }
0x81: {  	vm15 =	vne.s32 v3, v2;
	vm1 =	vgt.f32 v4, $0.0e+00  }
0x82: {  	vm1 =	vmand vm15, vm1  }
0x83: {  	v2 =	vsel vm1, $0x1, v1;
	_ =	sdelay $0x2  }
0x84: {  	v3 =	vsel vm1, $0x3F800000, v0;
	[tilespmem:s29+$0x6590] =	vst v2;
	v2 =	vpop (erf)  }
0x85: {  	[tilespmem:s29+$0x6D60] =	vst v3;
	v2 =	vnsel vm15, $0x0, v2  }
0x86: {  	s30 =	sadd.s32 s7, s25;
	[tilespmem:s29+$0x5DC0] =	vst v2  }
0x87: {  	[hbm4b:s30+s3] =	stream.linear.scatter [tilespmem:s18], [sflag:$0x1], $0x7D0, $0x38;
	[tilespmem:$0x7A30] =	vst v63  }
0x88: {  	_ =	swait.ge [sflag:s14], $0x7D0  }
0x89: {  	[sflag:s14] =	ssyncset.done $0x0  }
0x8a: {  	s31 =	sadd.s32 s8, s25;
	[sflag:s14] =	ssyncadd.s32 $0xFFFFF830  }
0x8b: {  	[hbm4b:s31+s3] =	stream.linear.scatter [tilespmem:s19], [sflag:$0x1], $0x7D0, $0x38;
	[tilespmem:$0x7A30] =	vst v63  }
0x8c: {  	_ =	swait.ge [sflag:s14], $0x7D0  }
0x8d: {  	[sflag:s14] =	ssyncset.done $0x0  }
0x8e: {  	[sflag:s14] =	ssyncadd.s32 $0xFFFFF830  }
0x8f: {  	[spmem:s2] =	stream.indirect.scatter.add.f32 [tilespmem:s21], [sflag:$0x1], $0x1, s16, s20, $0xb8;
	[tilespmem:$0x7A30] =	vst v63  }
0x90: {  	s24 =	sadd.s32 $0x1, s24;
	_ =	swait.ge [sflag:s14], $0x7D0  }
0x91: {  	p1 =	sne.s32 s24, $0x5;
	[sflag:s14] =	ssyncset.done $0x0  }
.Ltmp1:
0x92: {  	[sflag:s14] =	ssyncadd.s32 $0xFFFFF830;
	(pc) =	sbr.rel @p1 .LBB2_2-.Ltmp1, $4  }
0x93: {  	[spmem:s2] =	stream.indirect.scatter.add.f32 [tilespmem:s21], [sflag:$0x1], $0x1, s17, s20, $0xb8;
	[tilespmem:$0x7A30] =	vst v63  }
0x94: {  	_ =	swait.ge [sflag:s14], $0x7D0  }
0x95: {  	[sflag:s14] =	ssyncset.done $0x0  }
0x96: {  	[sflag:s14] =	ssyncadd.s32 $0xFFFFF830  }
0x97: {  	[bflag:$0x0] =	sbarrier.arrive $0xFFFF;
	s24 =	simm.s32 @!p0 $0x1C01;
	s23 =	sadd.s32 $0x1, s23  }
0x98: {  	[hbm:s11], [sflag:s24] =	dma.local @!p0 [spmem:s22], $0x500  }
0x99: {  	p1 =	sne.s32 s23, s12  }
.Ltmp2:
0x9a: {  	_ = 	snop;
	(pc) =	sbr.rel @p1 .LBB2_1-.Ltmp2, $4  }
0x9b: {  	s24 =	simm.s32 @!p0 $0x1  }
0x9c: {  	_ =	swait.ge @!p0 [sflag:s24], $0x500  }
0x9d: {  	[sflag:s24] =	ssyncset.done @!p0 $0x0  }
0x9e: {  	[sflag:s24] =	ssyncadd.s32 @!p0 $0xFFFFFB00  }
0x9f: {  	_ =	sfence.sel $0x180000  }
0xa0: {  	[bflag:$0x0] =	sbarrier.arrive $0xFFFF  }
0xa1: {  	_ =	strace $0x9000004D  }
0xa2: {  	s0 =	sadd.s32 @!p0 $0x100000, s0;
	[bflag:$0x2] =	sbarrier.arrive $0xFFFF  }
0xa3: {  	[sflag:s0] =	ssyncadd.tile.s32 @!p0 $0x1;
	_ =	shalt  }
.Lfunc_end2:
_tile_overlayer_lowered:
.L_overlay_start_2:
0xa4: {  	(tag) =	ssettag $0x2  }
0xa5: {  	s0 =	rddreg [dreg:$0x0];
	s2 =	stileid.u32  }
0xa6: {  	s1 =	rddreg [dreg:$0x1];
	p0 =	sne.s32 s2, $0x0  }
0xa7: {  	s3 =	rddreg [dreg:$0x2];
	[bflag:$0x3] =	sbarrier.arrive $0xFFFF;
	s2 =	simm.s32 @!p0 $0x1C01  }
0xa8: {  	[timem:s3], [sflag:s2] =	dma.local @!p0 [hbm:s0], s1  }
0xa9: {  	s0 =	simm.s32 @!p0 $0x1  }
0xaa: {  	_ =	swait.ge @!p0 [sflag:s0], s1  }
0xab: {  	s1 =	ssub.s32 @!p0 $0x0, s1;
	[sflag:s0] =	ssyncset.done @!p0 $0x0  }
0xac: {  	[sflag:s0] =	ssyncadd.s32 @!p0 s1  }
0xad: {  	[bflag:$0x3] =	sbarrier.arrive $0xFFFF  }
0xae: {  	_ =	shalt  }

// kernel: kernel.20.cloned.1.call-start
scs
__scs_entry_jumppad:
0x0: {  	(pc) =	sbr.rel $0x88, $3  }
0x1: {  	(tag) =	ssettag $0x0;
	lr =	simm.s32 $0x1  }
0x2: {  	[smem:$0x3F97] =	sst lr;
	_ =	strace $0xD0000000  }
0x3: {  	_ = 	snop  }
0x4: {  	_ = 	snop  }
0x5: {  	_ = 	snop  }
0x6: {  	_ = 	snop  }
0x7: {  	_ = 	snop  }
__scs_overlays_trampoline_lowered:
0x8: {  	[smem:$0x3FA6] =	sst s0  }
0x9: {  	[smem:$0x3FA7] =	sst s1  }
0xa: {  	[smem:$0x3FA8] =	sst s2  }
0xb: {  	[smem:$0x3FA9] =	sst s3  }
0xc: {  	[smem:$0x3FAA] =	sst s4  }
0xd: {  	[smem:$0x3FAB] =	sst s5  }
0xe: {  	[smem:$0x3FAC] =	sst s6  }
0xf: {  	[smem:$0x3FAD] =	sst s7  }
0x10: {  	[smem:$0x3FAE] =	sst s8  }
0x11: {  	[smem:$0x3FAF] =	sst s9;
	s0 =	simm.s32 @!p0 $0x0  }
0x12: {  	s1 =	sld [smem:$0x3F95];
	s0 =	simm.s32 @p0 $0x1  }
0x13: {  	[smem:$0x3FB0] =	sst s0;
	s0 =	simm.s32 @!p1 $0x0  }
0x14: {  	s2 =	sld [smem:$0x3F94];
	s0 =	simm.s32 @p1 $0x1  }
0x15: {  	[smem:$0x3FB1] =	sst s0;
	s0 =	simm.s32 @!p2 $0x0  }
0x16: {  	s3 =	sld [smem:$0x3FDB];
	s0 =	simm.s32 @p2 $0x1  }
0x17: {  	s4 =	simm.s32 $0x1BF5;
	[smem:$0x3FB3] =	sst s0  }
0x18: {  	s0 =	sld [smem:$0x3F96];
	_ =	swait.ge [sflag:s4], $0x0  }
0x19: {  	s7 =	sld [smem:$0x3F97]  }
0x1a: {  	s8 =	sadd.s32 $0xFFFFE003, lr  }
0x1b: {  	s9 =	sadd.s32 $0xFFFFFEF7, lr;
	s5 =	simm.s32 $0xFFFFFFFF;
	p2 =	slt.u32 s8, $0xFFFFF086  }
0x1c: {  	p1 =	slt.u32 s9, $0xF7A;
	s5 =	simm.s32 @!p2 $0x0  }
0x1d: {  	s5 =	simm.s32 @p1 $0x1;
	p0 =	seq.s32 s7, s2  }
0x1e: {  	s7 =	smul.u32 @!p0 $0xF7A, s2;
	p2 =	seq.s32 @!p0 s5, $0x0  }
0x1f: {  	s9 =	smul.u32 $0xF7A, s1;
	s8 =	simm.s32 @!p0 $0x1BF5;
	p2 =	por !p2, p0  }
0x20: {  	[sflag:s8] =	ssyncset.s32 @!p0 $0xFFFFF086;
	s6 =	sadd.s32 @!p0 s3, s7;
	s7 =	simm.s32 @!p0 $0x108  }
0x21: {  	s3 =	sadd.s32 s3, s9;
	s6 =	sadd.s32 @!p0 $0x88, s6;
	s7 =	simm.s32 @p2 $0x1082  }
0x22: {  	[simem:s7], [sflag:s8] =	dma.local @!p0 [hbm:s6], $0xF7A  }
0x23: {  	s9 =	sor.u32 $0xD0000000, s2;
	s6 =	simm.s32 $0x108;
	_ =	swait.ge @!p0 [sflag:s8], $0x0  }
0x24: {  	s3 =	sadd.s32 $0x88, s3;
	s6 =	simm.s32 @!p1 $0x1082;
	[sflag:s4] =	ssyncset.s32 $0xFFFFF086  }
0x25: {  	[simem:s6], [sflag:s4] =	dma.local [hbm:s3], $0xF7A  }
0x26: {  	[smem:$0x3F97] =	sst s1;
	(tag) =	ssettag s2;
	_ =	strace s9  }
0x27: {  	s1 =	sld [smem:$0x3FA7]  }
0x28: {  	s2 =	sld [smem:$0x3FA8]  }
0x29: {  	s4 =	sld [smem:$0x3FAA]  }
0x2a: {  	p0 =	seq.s32 s5, $0x0;
	s5 =	sld [smem:$0x3FAB]  }
0x2b: {  	s6 =	sld [smem:$0x3FAC]  }
0x2c: {  	s7 =	sld [smem:$0x3FAD]  }
0x2d: {  	s3 =	simm.s32 $0x108;
	s8 =	sld [smem:$0x3FAE]  }
0x2e: {  	s3 =	simm.s32 @!p0 $0x1082;
	s9 =	sld [smem:$0x3FAF]  }
0x2f: {  	lr =	sadd.s32 s0, s3;
	s0 =	sld [smem:$0x3FA6]  }
0x30: {  	s3 =	sld [smem:$0x3FA9]  }
0x31: {  	[smem:$0x3FB2] =	sst s10  }
0x32: {  	s10 =	sld [smem:$0x3FB0];
	_ =	sdelay $0x3  }
0x33: {  	p0 =	seq.s32 s10, $0x1;
	s10 =	sld [smem:$0x3FB2];
	_ =	sdelay $0x3  }
0x34: {  	[smem:$0x3FB2] =	sst s10  }
0x35: {  	s10 =	sld [smem:$0x3FB1];
	_ =	sdelay $0x3  }
0x36: {  	p1 =	seq.s32 s10, $0x1;
	s10 =	sld [smem:$0x3FB2];
	_ =	sdelay $0x3  }
0x37: {  	[smem:$0x3FB2] =	sst s10  }
0x38: {  	s10 =	sld [smem:$0x3FB3]  }
0x39: {  	_ = 	snop;
	(pc) =	sbr.ind lr, $3  }
0x3a: {  	_ = 	snop  }
0x3b: {  	_ = 	snop  }
0x3c: {  	p2 =	seq.s32 s10, $0x1;
	s10 =	sld [smem:$0x3FB2]  }
0x3d: {  	_ =	shalt  }
0x3e: {  	_ =	shalt  }
0x3f: {  	_ =	shalt  }
0x40: {  	_ =	shalt  }
0x41: {  	_ =	shalt  }
0x42: {  	_ =	shalt  }
0x43: {  	_ =	shalt  }
0x44: {  	_ =	shalt  }
0x45: {  	_ =	shalt  }
0x46: {  	_ =	shalt  }
0x47: {  	_ =	shalt  }
0x48: {  	_ =	shalt  }
0x49: {  	_ =	shalt  }
0x4a: {  	_ =	shalt  }
0x4b: {  	_ =	shalt  }
0x4c: {  	_ =	shalt  }
0x4d: {  	_ =	shalt  }
0x4e: {  	_ =	shalt  }
0x4f: {  	_ =	shalt  }
0x50: {  	_ =	shalt  }
0x51: {  	_ =	shalt  }
0x52: {  	_ =	shalt  }
0x53: {  	_ =	shalt  }
0x54: {  	_ =	shalt  }
0x55: {  	_ =	shalt  }
0x56: {  	_ =	shalt  }
0x57: {  	_ =	shalt  }
0x58: {  	_ =	shalt  }
0x59: {  	_ =	shalt  }
0x5a: {  	_ =	shalt  }
0x5b: {  	_ =	shalt  }
0x5c: {  	_ =	shalt  }
0x5d: {  	_ =	shalt  }
0x5e: {  	_ =	shalt  }
0x5f: {  	_ =	shalt  }
0x60: {  	_ =	shalt  }
0x61: {  	_ =	shalt  }
0x62: {  	_ =	shalt  }
0x63: {  	_ =	shalt  }
0x64: {  	_ =	shalt  }
0x65: {  	_ =	shalt  }
0x66: {  	_ =	shalt  }
0x67: {  	_ =	shalt  }
0x68: {  	_ =	shalt  }
0x69: {  	_ =	shalt  }
0x6a: {  	_ =	shalt  }
0x6b: {  	_ =	shalt  }
0x6c: {  	_ =	shalt  }
0x6d: {  	_ =	shalt  }
0x6e: {  	_ =	shalt  }
0x6f: {  	_ =	shalt  }
0x70: {  	_ =	shalt  }
0x71: {  	_ =	shalt  }
0x72: {  	_ =	shalt  }
0x73: {  	_ =	shalt  }
0x74: {  	_ =	shalt  }
0x75: {  	_ =	shalt  }
0x76: {  	_ =	shalt  }
0x77: {  	_ =	shalt  }
0x78: {  	_ =	shalt  }
0x79: {  	_ =	shalt  }
0x7a: {  	_ =	shalt  }
0x7b: {  	_ =	shalt  }
0x7c: {  	_ =	shalt  }
0x7d: {  	_ =	shalt  }
0x7e: {  	_ =	shalt  }
0x7f: {  	_ =	shalt  }
0x80: {  	_ =	shalt  }
0x81: {  	_ =	shalt  }
0x82: {  	_ =	shalt  }
0x83: {  	_ =	shalt  }
0x84: {  	_ =	shalt  }
0x85: {  	_ =	shalt  }
0x86: {  	_ =	shalt  }
0x87: {  	_ =	shalt  }
.Lfunc_end0:
.L_simem_size_0:
called_computation.4_lowered:
.L_overlay_start_0:
0x88: {  	s2 =	sld [smem:$0x3FD9]  }
0x89: {  	s3 =	sld [smem:$0x3FFE];
	_ =	sdelay $0x1  }
0x8a: {  	s1 =	srdreg.scid  }
0x8b: {  	s0 =	sand.u32 $0x1, s1  }
0x8c: {  	s16 =	sshll.u32 s0, $0xA;
	s2 =	sadd.s32 s3, s2  }
0x8d: {  	s2 =	sadd.s32 s2, s16  }
0x8e: {  	[smem:$0x3FBE] =	sst s2  }
0x8f: {  	_ = 	snop  }
0x90: {  	(tm) =	ssettm $0x1  }
0x91: {  	s17 =	sld [smem:$0x3FFB];
	_ =	sdelay $0x3  }
0x92: {  	_ =	strace s17  }
0x93: {  	s2 =	sld [smem:$0x3FFC];
	_ =	sdelay $0x3  }
0x94: {  	_ =	strace s2  }
0x95: {  	s2 =	sld [smem:$0x3FFD];
	_ =	sdelay $0x3  }
0x96: {  	_ =	strace s2  }
0x97: {  	_ =	strace $0x8FFFFFFF  }
0x98: {  	s18 =	sld [smem:$0x3FDB];
	_ =	sdelay $0x1  }
0x99: {  	s19 =	simm.s32 $_scs_section_size  }
0x9a: {  	s4 =	simm.s32 $_size__tile_overlayer_lowered;
	s5 =	simm.s32 $_tile_overlayer_lowered  }
0x9b: {  	s22 =	simm.s32 $0x1BFF;
	s21 =	sshll.u32 s5, $0x1;
	s2 =	sadd.s32 s19, s18  }
0x9c: {  	s6 =	simm.s32 $0x0;
	s20 =	sshll.u32 s4, $0x1;
	s4 =	sadd.s32 s21, s2  }
0x9d: {  	[timem:s6], [sflag:s22] =	dma.local [hbm:s4], s20  }
0x9e: {  	_ =	swait.ge [sflag:s22], s20  }
0x9f: {  	s3 =	ssub.s32 $0x0, s20;
	[sflag:s22] =	ssyncset.done $0x0  }
0xa0: {  	[sflag:s22] =	ssyncadd.s32 s3;
	_ =	sdelay $0x1  }
0xa1: {  	s23 =	simm.s32 $0x1B8B  }
0xa2: {  	_ =	swait.ge [sflag:s23], $0x1  }
0xa3: {  	[sflag:s23] =	ssyncset.done $0x0  }
0xa4: {  	s25 =	simm.s32 $0x1B8E;
	s24 =	sld [smem:$0x3FFE];
	[sflag:s23] =	ssyncadd.s32 $0xFFFFFFFF  }
0xa5: {  	s26 =	simm.s32 $execute0_lowered;
	[smem:$0x3FD2] =	sst s25  }
0xa6: {  	s4 =	sshll.u32 s26, $0x1;
	_ =	strace $0x8000004F;
	[dreg:$0x1] =	wrdreg $0xFFFFFFFF  }
0xa7: {  	s28 =	simm.s32 $_size_execute0_lowered;
	s2 =	sadd.s32 s2, s4;
	[dreg:$0x0] =	wrdreg $0x0  }
0xa8: {  	s4 =	sshll.u32 s28, $0x1;
	[dreg:$0x2] =	wrdreg s2  }
0xa9: {  	[dreg:$0x3] =	wrdreg s4  }
0xaa: {  	[dreg:$0x4] =	wrdreg $0xC0  }
0xab: {  	_ =	task [dreg:s6], $0x5FFFF  }
0xac: {  	[dreg:$0x1] =	wrdreg $0xFFFFFFFF  }
0xad: {  	[dreg:$0x0] =	wrdreg $0x60  }
0xae: {  	[dreg:$0x2] =	wrdreg s24  }
0xaf: {  	[dreg:$0x3] =	wrdreg $0x7D200  }
0xb0: {  	[dreg:$0x4] =	wrdreg $0x55200  }
0xb1: {  	[dreg:$0x5] =	wrdreg $0x7FA00  }
0xb2: {  	[dreg:$0x6] =	wrdreg $0x9  }
0xb3: {  	_ =	task.clear_ibuf [dreg:s6], $0x7FFFF;
	_ =	strace $0x9000004F  }
0xb4: {  	s29 =	simm.s32 $0x9;
	_ =	strace $0x80000051  }
0xb5: {  	_ =	swait.ge [sflag:s29], $0x1  }
0xb6: {  	[sflag:s29] =	ssyncadd.s32 $0xFFFFFFFF  }
0xb7: {  	_ =	strace $0x90000051  }
0xb8: {  	_ =	sfence  }
0xb9: {  	s30 =	sld [smem:$0x0];
	_ =	sdelay $0x2  }
0xba: {  	s31 =	sshll.u32 s1, $0xD;
	s1 =	sshrl.u32 s1, $0x2  }
0xbb: {  	s3 =	sand.u32 $0x4000, s31;
	s1 =	sadd.s32 s1, s30  }
0xbc: {  	s0 =	sor.u32 s3, s0;
	s1 =	sshll.u32 s1, $0x11  }
0xbd: {  	s0 =	sor.u32 s1, s0  }
0xbe: {  	s0 =	sadd.s32 $0x8F2B, s0  }
0xbf: {  	[sflag:s0] =	ssyncadd.remote.s32 $0x1  }
0xc0: {  	_ =	sfence.sel $0xFFFF  }
0xc1: {  	[dreg:$0x0] =	wrdreg $0xFFFFFFFF;
	(pc) =	sbr.abs _section_cstart, $3  }
0xc2: {  	[dreg:$0x1] =	wrdreg $0xFFFFFFFF  }
0xc3: {  	_ =	task.clear_ibuf [dreg:s6], $0x2FFFF;
	_ =	strace $0x9FFFFFFF  }
0xc4: {  	(tm) =	ssettm $0x7FFFFFFF  }
0xc5: {  	_ =	shalt  }
tec
execute0_lowered:
.L_overlay_start_1:
0x0: {  	(tag) =	ssettag $0x1  }
0x1: {  	s2 =	srdreg.scid  }
0x2: {  	s2 =	sand.u32 $0x1, s2  }
0x3: {  	s1 =	rddreg [dreg:$0x0];
	p0 =	seq.s32 s2, $0x1  }
.Ltmp0:
0x4: {  	s7 =	rddreg [dreg:$0x1];
	(pc) =	sbr.rel @p0 .LBB2_44-.Ltmp0, $4  }
0x5: {  	s4 =	rddreg [dreg:$0x2]  }
0x6: {  	s8 =	rddreg [dreg:$0x3];
	s0 =	simm.s32 $0x0  }
0x7: {  	[smem:$0x7FF] =	sst s0  }
0x8: {  	s14 =	rddreg [dreg:$0x4];
	s15 =	stileid.u32;
	_ =	strace $0x80000050  }
0x9: {  	s3 =	sadd.s32 $0x9E00, s1;
	s5 =	sadd.s32 $0x13C00, s1  }
0xa: {  	s10 =	sadd.s32 $0x15200, s1;
	s23 =	sadd.s32 $0x28E00, s1;
	[dreg:$0x7] =	wrdreg s5  }
0xb: {  	s2 =	smul.u32 $0x280, s15;
	s6 =	sadd.s32 $0x32C00, s1;
	[dreg:$0x5] =	wrdreg s23  }
0xc: {  	s24 =	smul.u32 $0xA000, s15;
	s25 =	sshll.u32 s15, $0x4;
	[dreg:$0x6] =	wrdreg s6  }
0xd: {  	s6 =	smul.u32 $0x4E20, s15;
	s31 =	sadd.s32 s25, s8;
	s11 =	sadd.s32 s2, s7  }
0xe: {  	s5 =	sshrl.u32 s24, $0x2;
	s12 =	sadd.s32 s2, s4;
	[dreg:$0x9] =	wrdreg s31  }
0xf: {  	s26 =	sadd.s32 s5, s4;
	s15 =	sadd.s32 $0x2800, s12;
	s16 =	sadd.s32 $0x5000, s12  }
0x10: {  	s17 =	sadd.s32 $0x7800, s12;
	s18 =	sadd.s32 $0xA000, s12;
	s19 =	sadd.s32 $0xC800, s12  }
0x11: {  	s20 =	sadd.s32 $0xF000, s12;
	s21 =	sadd.s32 $0x11800, s12;
	s22 =	sadd.s32 $0x14000, s12  }
0x12: {  	v0 =	vlaneseq.u32;
	s23 =	sadd.s32 $0x16800, s12;
	s24 =	sadd.s32 $0x19000, s12;
	s25 =	sadd.s32 $0x1B800, s12  }
0x13: {  	v1 =	vor.u32 s0, v0;
	s28 =	sadd.s32 $0x20800, s12;
	s29 =	sadd.s32 $0x23000, s12;
	s30 =	sadd.s32 $0x25800, s12  }
0x14: {  	[tilespmem:s0+$0x0] =	vst v1;
	s4 =	simm.s32 $0x10;
	[dreg:$0x8] =	wrdreg s26;
	s26 =	sadd.s32 $0x1E000, s12  }
.LBB2_2:
0x15: {  	p0 =	sne.s32 s4, $0x27F0  }
.Ltmp1:
0x16: {  	_ = 	snop;
	(pc) =	sbr.rel @p0 .LBB2_2-.Ltmp1, $3  }
0x17: {  	_ =	sdelay $0x1  }
0x18: {  	v1 =	vor.u32 s4, v0;
	s4 =	sadd.s32 $0x10, s4;
	s0 =	sadd.s32 $0x10, s0  }
0x19: {  	[tilespmem:s0+$0x0] =	vst v1  }
0x1a: {  	[spmem:s11] =	stream.linear.scatter [tilespmem:s2], [sflag:$0x1], $0x280, $0x38;
	[tilespmem:$0x7FB0] =	vst v63  }
0x1b: {  	s31 =	simm.s32 $0x1  }
0x1c: {  	s0 =	simm.s32 $0x0;
	_ =	swait.ge [sflag:s31], $0x280  }
0x1d: {  	s9 =	simm.s32 $0x2D00;
	s2 =	simm.s32 $0x34D0;
	[sflag:s31] =	ssyncset.done $0x0  }
0x1e: {  	s8 =	simm.s32 $0x3CA0;
	s4 =	simm.s32 $0x2800;
	[sflag:s31] =	ssyncadd.s32 $0xFFFFFD80  }
0x1f: {  	v0 =	vimm.s32 $0x0;
	s5 =	simm.s32 $0x2A80;
	v1 =	vimm.s32 $0x0;
	s7 =	simm.s32 $0x0;
	[bflag:$0x0] =	sbarrier.arrive $0xFFFF  }
.LBB2_4:
0x20: {  	s13 =	smul.u32 $0x7D0, s7;
	_ =	sdelay $0x1  }
0x21: {  	s13 =	sadd.s32 s6, s13  }
0x22: {  	s13 =	sshrl.u32 s13, $0x3  }
0x23: {  	s14 =	sadd.s32 s3, s13  }
0x24: {  	[tilespmem:s9], [sflag:$0x1] =	stream.linear.gather [hbm4b:s14+s0], $0x7D0, $0x38;
	[tilespmem:$0x7FB0] =	vst v63  }
0x25: {  	_ =	swait.ge [sflag:s31], $0x7D0  }
0x26: {  	[sflag:s31] =	ssyncset.done $0x0  }
0x27: {  	s14 =	sadd.s32 s1, s13;
	[sflag:s31] =	ssyncadd.s32 $0xFFFFF830  }
0x28: {  	[tilespmem:s2], [sflag:$0x1] =	stream.linear.gather [hbm4b:s14+s0], $0x7D0, $0x38;
	[tilespmem:$0x7FB0] =	vst v63  }
0x29: {  	_ =	swait.ge [sflag:s31], $0x7D0  }
0x2a: {  	[sflag:s31] =	ssyncset.done $0x0  }
0x2b: {  	s13 =	sadd.s32 s10, s13;
	[sflag:s31] =	ssyncadd.s32 $0xFFFFF830  }
0x2c: {  	[tilespmem:s8], [sflag:$0x1] =	stream.linear.gather [hbm4b:s13+s0], $0x7D0, $0x38;
	[tilespmem:$0x7FB0] =	vst v63  }
0x2d: {  	_ =	swait.ge [sflag:s31], $0x7D0  }
0x2e: {  	[sflag:s31] =	ssyncset.done $0x0  }
0x2f: {  	s13 =	simm.s32 $0x0;
	[sflag:s31] =	ssyncadd.s32 $0xFFFFF830  }
.LBB2_5:
0x30: {  	s14 =	sshra.s32 s13, $0x2  }
0x31: {  	v2 =	vld [tilespmem:s14+$0x2D00]  }
0x32: {  	v3 =	vld [tilespmem:s14+$0x34D0];
	_ =	sdelay $0x6  }
0x33: {  	v2 =	vld.idx.msk [tilespmem:v2+s0+$0x0], $0xffff  }
0x34: {  	v3 =	vld.idx.msk [tilespmem:v3+s0+$0x0], $0xffff;
	_ =	sdelay $0x4  }
0x35: {  	vm0 =	vlt.s32 v2, v3  }
0x36: {  	v4 =	vld [tilespmem:s14+$0x3CA0];
	v5 =	vsel vm0, v3, v2;
	_ =	sdelay $0x4  }
0x37: {  	vm1 =	vgt.s32 v4, $0x0;
	vm2 =	vne.s32 v2, v3;
	v63 =	vld.idx.msk [tilespmem:v5+s0+$0x0], $0xffff  }
0x38: {  	vm1 =	vmand vm1, vm2  }
0x39: {  	p0 =	sne.s32 s13, $0x1F00  }
.Ltmp2:
0x3a: {  	_ = 	snop;
	(pc) =	sbr.rel @p0 .LBB2_5-.Ltmp2, $4  }
0x3b: {  	v2 =	vsel vm0, v2, v3  }
0x3c: {  	vm0 =	vlt.s32 v63, v2  }
0x3d: {  	v3 =	vsel vm1, $0x1, v0;
	v2 =	vsel vm0, v63, v2  }
0x3e: {  	s13 =	sadd.s32 $0x40, s13;
	v1 =	vadd.s32 v3, v1;
	[tilespmem:v5+s0+$0x0] =	vst.idx.msk vm1, v2  }
0x3f: {  	s7 =	sadd.s32 $0x1, s7  }
0x40: {  	p0 =	sne.s32 s7, $0xA  }
.Ltmp3:
0x41: {  	_ = 	snop;
	(pc) =	sbr.rel @p0 .LBB2_4-.Ltmp3, $1  }
0x42: {  	_ =	sdelay $0x3  }
0x43: {  	s7 =	simm.s32 $0x0;
	s13 =	rddreg [dreg:$0x8]  }
0x44: {  	[spmem:s13] =	stream.linear.scatter [tilespmem:s7], [sflag:$0x1], $0x2800, $0x38;
	[tilespmem:$0x7FB0] =	vst v63  }
0x45: {  	_ =	swait.ge [sflag:s31], $0x2800  }
0x46: {  	[sflag:s31] =	ssyncset.done $0x0  }
0x47: {  	[sflag:s31] =	ssyncadd.s32 $0xFFFFD800  }
0x48: {  	s14 =	simm.s32 $0x5410;
	s13 =	rddreg [dreg:$0x9];
	[tilespmem:$0x5410] =	vst v1  }
0x49: {  	[spmem:s13] =	stream.linear.scatter [tilespmem:s14], [sflag:$0x1], $0x10, $0x38;
	[tilespmem:$0x7FB0] =	vst v63  }
0x4a: {  	_ =	swait.ge [sflag:s31], $0x10  }
0x4b: {  	[sflag:s31] =	ssyncset.done $0x0  }
0x4c: {  	[sflag:s31] =	ssyncadd.s32 $0xFFFFFFF0  }
0x4d: {  	[bflag:$0x0] =	sbarrier.arrive $0xFFFF  }
0x4e: {  	[tilespmem:s4], [sflag:$0x1] =	stream.linear.gather [spmem:s12], $0x280, $0x38;
	[tilespmem:$0x7FB0] =	vst v63  }
0x4f: {  	_ =	swait.ge [sflag:s31], $0x280  }
0x50: {  	[sflag:s31] =	ssyncset.done $0x0  }
0x51: {  	[sflag:s31] =	ssyncadd.s32 $0xFFFFFD80  }
0x52: {  	[tilespmem:s5], [sflag:$0x1] =	stream.linear.gather [spmem:s15], $0x280, $0x38;
	[tilespmem:$0x7FB0] =	vst v63  }
0x53: {  	_ =	swait.ge [sflag:s31], $0x280  }
0x54: {  	[sflag:s31] =	ssyncset.done $0x0  }
0x55: {  	s7 =	simm.s32 $0x0;
	[sflag:s31] =	ssyncadd.s32 $0xFFFFFD80  }
0x56: {  	s13 =	simm.s32 $0x40;
	v1 =	vld [tilespmem:s7+$0x2A80]  }
.LBB2_8:
0x57: {  	p0 =	sne.s32 s13, $0x9C0;
	v2 =	vld [tilespmem:s7+$0x2800];
	_ =	sdelay $0x2  }
.Ltmp4:
0x58: {  	(pc) =	sbr.rel @p0 .LBB2_8-.Ltmp4, $4  }
0x59: {  	_ = 	snop  }
0x5a: {  	vm0 =	vlt.s32 v2, v1  }
0x5b: {  	s14 =	sshra.s32 s13, $0x2;
	v2 =	vsel vm0, v2, v1  }
0x5c: {  	s13 =	sadd.s32 $0x40, s13;
	v1 =	vld [tilespmem:s14+$0x2A80];
	[tilespmem:s7+$0x2800] =	vst v2;
	s7 =	smov.u32 s14  }
0x5d: {  	v2 =	vld [tilespmem:s7+$0x2800];
	_ =	sdelay $0x4  }
0x5e: {  	vm0 =	vlt.s32 v2, v1  }
0x5f: {  	v1 =	vsel vm0, v2, v1  }
0x60: {  	[tilespmem:s7+$0x2800] =	vst v1  }
0x61: {  	[tilespmem:s5], [sflag:$0x1] =	stream.linear.gather [spmem:s16], $0x280, $0x38;
	[tilespmem:$0x7FB0] =	vst v63  }
0x62: {  	_ =	swait.ge [sflag:s31], $0x280  }
0x63: {  	[sflag:s31] =	ssyncset.done $0x0  }
0x64: {  	s7 =	simm.s32 $0x0;
	[sflag:s31] =	ssyncadd.s32 $0xFFFFFD80  }
0x65: {  	s13 =	simm.s32 $0x40;
	v1 =	vld [tilespmem:s7+$0x2A80]  }
.LBB2_10:
0x66: {  	p0 =	sne.s32 s13, $0x9C0;
	v2 =	vld [tilespmem:s7+$0x2800];
	_ =	sdelay $0x2  }
.Ltmp5:
0x67: {  	(pc) =	sbr.rel @p0 .LBB2_10-.Ltmp5, $4  }
0x68: {  	_ = 	snop  }
0x69: {  	vm0 =	vlt.s32 v2, v1  }
0x6a: {  	s14 =	sshra.s32 s13, $0x2;
	v2 =	vsel vm0, v2, v1  }
0x6b: {  	s13 =	sadd.s32 $0x40, s13;
	v1 =	vld [tilespmem:s14+$0x2A80];
	[tilespmem:s7+$0x2800] =	vst v2;
	s7 =	smov.u32 s14  }
0x6c: {  	v2 =	vld [tilespmem:s7+$0x2800];
	_ =	sdelay $0x4  }
0x6d: {  	vm0 =	vlt.s32 v2, v1  }
0x6e: {  	v1 =	vsel vm0, v2, v1  }
0x6f: {  	[tilespmem:s7+$0x2800] =	vst v1  }
0x70: {  	[tilespmem:s5], [sflag:$0x1] =	stream.linear.gather [spmem:s17], $0x280, $0x38;
	[tilespmem:$0x7FB0] =	vst v63  }
0x71: {  	_ =	swait.ge [sflag:s31], $0x280  }
0x72: {  	[sflag:s31] =	ssyncset.done $0x0  }
0x73: {  	s7 =	simm.s32 $0x0;
	[sflag:s31] =	ssyncadd.s32 $0xFFFFFD80  }
0x74: {  	s13 =	simm.s32 $0x40;
	v1 =	vld [tilespmem:s7+$0x2A80]  }
.LBB2_12:
0x75: {  	p0 =	sne.s32 s13, $0x9C0;
	v2 =	vld [tilespmem:s7+$0x2800];
	_ =	sdelay $0x2  }
.Ltmp6:
0x76: {  	(pc) =	sbr.rel @p0 .LBB2_12-.Ltmp6, $4  }
0x77: {  	_ = 	snop  }
0x78: {  	vm0 =	vlt.s32 v2, v1  }
0x79: {  	s14 =	sshra.s32 s13, $0x2;
	v2 =	vsel vm0, v2, v1  }
0x7a: {  	s13 =	sadd.s32 $0x40, s13;
	v1 =	vld [tilespmem:s14+$0x2A80];
	[tilespmem:s7+$0x2800] =	vst v2;
	s7 =	smov.u32 s14  }
0x7b: {  	v2 =	vld [tilespmem:s7+$0x2800];
	_ =	sdelay $0x4  }
0x7c: {  	vm0 =	vlt.s32 v2, v1  }
0x7d: {  	v1 =	vsel vm0, v2, v1  }
0x7e: {  	[tilespmem:s7+$0x2800] =	vst v1  }
0x7f: {  	[tilespmem:s5], [sflag:$0x1] =	stream.linear.gather [spmem:s18], $0x280, $0x38;
	[tilespmem:$0x7FB0] =	vst v63  }
0x80: {  	_ =	swait.ge [sflag:s31], $0x280  }
0x81: {  	[sflag:s31] =	ssyncset.done $0x0  }
0x82: {  	s7 =	simm.s32 $0x0;
	[sflag:s31] =	ssyncadd.s32 $0xFFFFFD80  }
0x83: {  	s13 =	simm.s32 $0x40;
	v1 =	vld [tilespmem:s7+$0x2A80]  }
.LBB2_14:
0x84: {  	p0 =	sne.s32 s13, $0x9C0;
	v2 =	vld [tilespmem:s7+$0x2800];
	_ =	sdelay $0x2  }
.Ltmp7:
0x85: {  	(pc) =	sbr.rel @p0 .LBB2_14-.Ltmp7, $4  }
0x86: {  	_ = 	snop  }
0x87: {  	vm0 =	vlt.s32 v2, v1  }
0x88: {  	s14 =	sshra.s32 s13, $0x2;
	v2 =	vsel vm0, v2, v1  }
0x89: {  	s13 =	sadd.s32 $0x40, s13;
	v1 =	vld [tilespmem:s14+$0x2A80];
	[tilespmem:s7+$0x2800] =	vst v2;
	s7 =	smov.u32 s14  }
0x8a: {  	v2 =	vld [tilespmem:s7+$0x2800];
	_ =	sdelay $0x4  }
0x8b: {  	vm0 =	vlt.s32 v2, v1  }
0x8c: {  	v1 =	vsel vm0, v2, v1  }
0x8d: {  	[tilespmem:s7+$0x2800] =	vst v1  }
0x8e: {  	[tilespmem:s5], [sflag:$0x1] =	stream.linear.gather [spmem:s19], $0x280, $0x38;
	[tilespmem:$0x7FB0] =	vst v63  }
0x8f: {  	_ =	swait.ge [sflag:s31], $0x280  }
0x90: {  	[sflag:s31] =	ssyncset.done $0x0  }
0x91: {  	s7 =	simm.s32 $0x0;
	[sflag:s31] =	ssyncadd.s32 $0xFFFFFD80  }
0x92: {  	s13 =	simm.s32 $0x40;
	v1 =	vld [tilespmem:s7+$0x2A80]  }
.LBB2_16:
0x93: {  	p0 =	sne.s32 s13, $0x9C0;
	v2 =	vld [tilespmem:s7+$0x2800];
	_ =	sdelay $0x2  }
.Ltmp8:
0x94: {  	(pc) =	sbr.rel @p0 .LBB2_16-.Ltmp8, $4  }
0x95: {  	_ = 	snop  }
0x96: {  	vm0 =	vlt.s32 v2, v1  }
0x97: {  	s14 =	sshra.s32 s13, $0x2;
	v2 =	vsel vm0, v2, v1  }
0x98: {  	s13 =	sadd.s32 $0x40, s13;
	v1 =	vld [tilespmem:s14+$0x2A80];
	[tilespmem:s7+$0x2800] =	vst v2;
	s7 =	smov.u32 s14  }
0x99: {  	v2 =	vld [tilespmem:s7+$0x2800];
	_ =	sdelay $0x4  }
0x9a: {  	vm0 =	vlt.s32 v2, v1  }
0x9b: {  	v1 =	vsel vm0, v2, v1  }
0x9c: {  	[tilespmem:s7+$0x2800] =	vst v1  }
0x9d: {  	[tilespmem:s5], [sflag:$0x1] =	stream.linear.gather [spmem:s20], $0x280, $0x38;
	[tilespmem:$0x7FB0] =	vst v63  }
0x9e: {  	_ =	swait.ge [sflag:s31], $0x280  }
0x9f: {  	[sflag:s31] =	ssyncset.done $0x0  }
0xa0: {  	s7 =	simm.s32 $0x0;
	[sflag:s31] =	ssyncadd.s32 $0xFFFFFD80  }
0xa1: {  	s13 =	simm.s32 $0x40;
	v1 =	vld [tilespmem:s7+$0x2A80]  }
.LBB2_18:
0xa2: {  	p0 =	sne.s32 s13, $0x9C0;
	v2 =	vld [tilespmem:s7+$0x2800];
	_ =	sdelay $0x2  }
.Ltmp9:
0xa3: {  	(pc) =	sbr.rel @p0 .LBB2_18-.Ltmp9, $4  }
0xa4: {  	_ = 	snop  }
0xa5: {  	vm0 =	vlt.s32 v2, v1  }
0xa6: {  	s14 =	sshra.s32 s13, $0x2;
	v2 =	vsel vm0, v2, v1  }
0xa7: {  	s13 =	sadd.s32 $0x40, s13;
	v1 =	vld [tilespmem:s14+$0x2A80];
	[tilespmem:s7+$0x2800] =	vst v2;
	s7 =	smov.u32 s14  }
0xa8: {  	v2 =	vld [tilespmem:s7+$0x2800];
	_ =	sdelay $0x4  }
0xa9: {  	vm0 =	vlt.s32 v2, v1  }
0xaa: {  	v1 =	vsel vm0, v2, v1  }
0xab: {  	[tilespmem:s7+$0x2800] =	vst v1  }
0xac: {  	[tilespmem:s5], [sflag:$0x1] =	stream.linear.gather [spmem:s21], $0x280, $0x38;
	[tilespmem:$0x7FB0] =	vst v63  }
0xad: {  	_ =	swait.ge [sflag:s31], $0x280  }
0xae: {  	[sflag:s31] =	ssyncset.done $0x0  }
0xaf: {  	s7 =	simm.s32 $0x0;
	[sflag:s31] =	ssyncadd.s32 $0xFFFFFD80  }
0xb0: {  	s13 =	simm.s32 $0x40;
	v1 =	vld [tilespmem:s7+$0x2A80]  }
.LBB2_20:
0xb1: {  	p0 =	sne.s32 s13, $0x9C0;
	v2 =	vld [tilespmem:s7+$0x2800];
	_ =	sdelay $0x2  }
.Ltmp10:
0xb2: {  	(pc) =	sbr.rel @p0 .LBB2_20-.Ltmp10, $4  }
0xb3: {  	_ = 	snop  }
0xb4: {  	vm0 =	vlt.s32 v2, v1  }
0xb5: {  	s14 =	sshra.s32 s13, $0x2;
	v2 =	vsel vm0, v2, v1  }
0xb6: {  	s13 =	sadd.s32 $0x40, s13;
	v1 =	vld [tilespmem:s14+$0x2A80];
	[tilespmem:s7+$0x2800] =	vst v2;
	s7 =	smov.u32 s14  }
0xb7: {  	v2 =	vld [tilespmem:s7+$0x2800];
	_ =	sdelay $0x4  }
0xb8: {  	vm0 =	vlt.s32 v2, v1  }
0xb9: {  	v1 =	vsel vm0, v2, v1  }
0xba: {  	[tilespmem:s7+$0x2800] =	vst v1  }
0xbb: {  	[tilespmem:s5], [sflag:$0x1] =	stream.linear.gather [spmem:s22], $0x280, $0x38;
	[tilespmem:$0x7FB0] =	vst v63  }
0xbc: {  	_ =	swait.ge [sflag:s31], $0x280  }
0xbd: {  	[sflag:s31] =	ssyncset.done $0x0  }
0xbe: {  	s7 =	simm.s32 $0x0;
	[sflag:s31] =	ssyncadd.s32 $0xFFFFFD80  }
0xbf: {  	s13 =	simm.s32 $0x40;
	v1 =	vld [tilespmem:s7+$0x2A80]  }
.LBB2_22:
0xc0: {  	p0 =	sne.s32 s13, $0x9C0;
	v2 =	vld [tilespmem:s7+$0x2800];
	_ =	sdelay $0x2  }
.Ltmp11:
0xc1: {  	(pc) =	sbr.rel @p0 .LBB2_22-.Ltmp11, $4  }
0xc2: {  	_ = 	snop  }
0xc3: {  	vm0 =	vlt.s32 v2, v1  }
0xc4: {  	s14 =	sshra.s32 s13, $0x2;
	v2 =	vsel vm0, v2, v1  }
0xc5: {  	s13 =	sadd.s32 $0x40, s13;
	v1 =	vld [tilespmem:s14+$0x2A80];
	[tilespmem:s7+$0x2800] =	vst v2;
	s7 =	smov.u32 s14  }
0xc6: {  	v2 =	vld [tilespmem:s7+$0x2800];
	_ =	sdelay $0x4  }
0xc7: {  	vm0 =	vlt.s32 v2, v1  }
0xc8: {  	v1 =	vsel vm0, v2, v1  }
0xc9: {  	[tilespmem:s7+$0x2800] =	vst v1  }
0xca: {  	[tilespmem:s5], [sflag:$0x1] =	stream.linear.gather [spmem:s23], $0x280, $0x38;
	[tilespmem:$0x7FB0] =	vst v63  }
0xcb: {  	_ =	swait.ge [sflag:s31], $0x280  }
0xcc: {  	[sflag:s31] =	ssyncset.done $0x0  }
0xcd: {  	s7 =	simm.s32 $0x0;
	[sflag:s31] =	ssyncadd.s32 $0xFFFFFD80  }
0xce: {  	s13 =	simm.s32 $0x40;
	v1 =	vld [tilespmem:s7+$0x2A80]  }
.LBB2_24:
0xcf: {  	p0 =	sne.s32 s13, $0x9C0;
	v2 =	vld [tilespmem:s7+$0x2800];
	_ =	sdelay $0x2  }
.Ltmp12:
0xd0: {  	(pc) =	sbr.rel @p0 .LBB2_24-.Ltmp12, $4  }
0xd1: {  	_ = 	snop  }
0xd2: {  	vm0 =	vlt.s32 v2, v1  }
0xd3: {  	s14 =	sshra.s32 s13, $0x2;
	v2 =	vsel vm0, v2, v1  }
0xd4: {  	s13 =	sadd.s32 $0x40, s13;
	v1 =	vld [tilespmem:s14+$0x2A80];
	[tilespmem:s7+$0x2800] =	vst v2;
	s7 =	smov.u32 s14  }
0xd5: {  	v2 =	vld [tilespmem:s7+$0x2800];
	_ =	sdelay $0x4  }
0xd6: {  	vm0 =	vlt.s32 v2, v1  }
0xd7: {  	v1 =	vsel vm0, v2, v1  }
0xd8: {  	[tilespmem:s7+$0x2800] =	vst v1  }
0xd9: {  	[tilespmem:s5], [sflag:$0x1] =	stream.linear.gather [spmem:s24], $0x280, $0x38;
	[tilespmem:$0x7FB0] =	vst v63  }
0xda: {  	_ =	swait.ge [sflag:s31], $0x280  }
0xdb: {  	[sflag:s31] =	ssyncset.done $0x0  }
0xdc: {  	s7 =	simm.s32 $0x0;
	[sflag:s31] =	ssyncadd.s32 $0xFFFFFD80  }
0xdd: {  	s13 =	simm.s32 $0x40;
	v1 =	vld [tilespmem:s7+$0x2A80]  }
.LBB2_26:
0xde: {  	p0 =	sne.s32 s13, $0x9C0;
	v2 =	vld [tilespmem:s7+$0x2800];
	_ =	sdelay $0x2  }
.Ltmp13:
0xdf: {  	(pc) =	sbr.rel @p0 .LBB2_26-.Ltmp13, $4  }
0xe0: {  	_ = 	snop  }
0xe1: {  	vm0 =	vlt.s32 v2, v1  }
0xe2: {  	s14 =	sshra.s32 s13, $0x2;
	v2 =	vsel vm0, v2, v1  }
0xe3: {  	s13 =	sadd.s32 $0x40, s13;
	v1 =	vld [tilespmem:s14+$0x2A80];
	[tilespmem:s7+$0x2800] =	vst v2;
	s7 =	smov.u32 s14  }
0xe4: {  	v2 =	vld [tilespmem:s7+$0x2800];
	_ =	sdelay $0x4  }
0xe5: {  	vm0 =	vlt.s32 v2, v1  }
0xe6: {  	v1 =	vsel vm0, v2, v1  }
0xe7: {  	[tilespmem:s7+$0x2800] =	vst v1  }
0xe8: {  	[tilespmem:s5], [sflag:$0x1] =	stream.linear.gather [spmem:s25], $0x280, $0x38;
	[tilespmem:$0x7FB0] =	vst v63  }
0xe9: {  	_ =	swait.ge [sflag:s31], $0x280  }
0xea: {  	[sflag:s31] =	ssyncset.done $0x0  }
0xeb: {  	s7 =	simm.s32 $0x0;
	[sflag:s31] =	ssyncadd.s32 $0xFFFFFD80  }
0xec: {  	s13 =	simm.s32 $0x40;
	v1 =	vld [tilespmem:s7+$0x2A80]  }
.LBB2_28:
0xed: {  	p0 =	sne.s32 s13, $0x9C0;
	v2 =	vld [tilespmem:s7+$0x2800];
	_ =	sdelay $0x2  }
.Ltmp14:
0xee: {  	(pc) =	sbr.rel @p0 .LBB2_28-.Ltmp14, $4  }
0xef: {  	_ = 	snop  }
0xf0: {  	vm0 =	vlt.s32 v2, v1  }
0xf1: {  	s14 =	sshra.s32 s13, $0x2;
	v2 =	vsel vm0, v2, v1  }
0xf2: {  	s13 =	sadd.s32 $0x40, s13;
	v1 =	vld [tilespmem:s14+$0x2A80];
	[tilespmem:s7+$0x2800] =	vst v2;
	s7 =	smov.u32 s14  }
0xf3: {  	v2 =	vld [tilespmem:s7+$0x2800];
	_ =	sdelay $0x4  }
0xf4: {  	vm0 =	vlt.s32 v2, v1  }
0xf5: {  	v1 =	vsel vm0, v2, v1  }
0xf6: {  	[tilespmem:s7+$0x2800] =	vst v1  }
0xf7: {  	[tilespmem:s5], [sflag:$0x1] =	stream.linear.gather [spmem:s26], $0x280, $0x38;
	[tilespmem:$0x7FB0] =	vst v63  }
0xf8: {  	_ =	swait.ge [sflag:s31], $0x280  }
0xf9: {  	[sflag:s31] =	ssyncset.done $0x0  }
0xfa: {  	s7 =	simm.s32 $0x0;
	[sflag:s31] =	ssyncadd.s32 $0xFFFFFD80  }
0xfb: {  	s13 =	simm.s32 $0x40;
	v1 =	vld [tilespmem:s7+$0x2A80]  }
.LBB2_30:
0xfc: {  	p0 =	sne.s32 s13, $0x9C0;
	v2 =	vld [tilespmem:s7+$0x2800];
	_ =	sdelay $0x2  }
.Ltmp15:
0xfd: {  	(pc) =	sbr.rel @p0 .LBB2_30-.Ltmp15, $4  }
0xfe: {  	_ = 	snop  }
0xff: {  	vm0 =	vlt.s32 v2, v1  }
0x100: {  	s14 =	sshra.s32 s13, $0x2;
	v2 =	vsel vm0, v2, v1  }
0x101: {  	s13 =	sadd.s32 $0x40, s13;
	v1 =	vld [tilespmem:s14+$0x2A80];
	[tilespmem:s7+$0x2800] =	vst v2;
	s7 =	smov.u32 s14  }
0x102: {  	v2 =	vld [tilespmem:s7+$0x2800];
	_ =	sdelay $0x4  }
0x103: {  	vm0 =	vlt.s32 v2, v1  }
0x104: {  	v1 =	vsel vm0, v2, v1  }
0x105: {  	[tilespmem:s7+$0x2800] =	vst v1  }
0x106: {  	[tilespmem:s5], [sflag:$0x1] =	stream.linear.gather [spmem:s28], $0x280, $0x38;
	[tilespmem:$0x7FB0] =	vst v63  }
0x107: {  	_ =	swait.ge [sflag:s31], $0x280  }
0x108: {  	[sflag:s31] =	ssyncset.done $0x0  }
0x109: {  	s7 =	simm.s32 $0x0;
	[sflag:s31] =	ssyncadd.s32 $0xFFFFFD80  }
0x10a: {  	s13 =	simm.s32 $0x40;
	v1 =	vld [tilespmem:s7+$0x2A80]  }
.LBB2_32:
0x10b: {  	p0 =	sne.s32 s13, $0x9C0;
	v2 =	vld [tilespmem:s7+$0x2800];
	_ =	sdelay $0x2  }
.Ltmp16:
0x10c: {  	(pc) =	sbr.rel @p0 .LBB2_32-.Ltmp16, $4  }
0x10d: {  	_ = 	snop  }
0x10e: {  	vm0 =	vlt.s32 v2, v1  }
0x10f: {  	s14 =	sshra.s32 s13, $0x2;
	v2 =	vsel vm0, v2, v1  }
0x110: {  	s13 =	sadd.s32 $0x40, s13;
	v1 =	vld [tilespmem:s14+$0x2A80];
	[tilespmem:s7+$0x2800] =	vst v2;
	s7 =	smov.u32 s14  }
0x111: {  	v2 =	vld [tilespmem:s7+$0x2800];
	_ =	sdelay $0x4  }
0x112: {  	vm0 =	vlt.s32 v2, v1  }
0x113: {  	v1 =	vsel vm0, v2, v1  }
0x114: {  	[tilespmem:s7+$0x2800] =	vst v1  }
0x115: {  	[tilespmem:s5], [sflag:$0x1] =	stream.linear.gather [spmem:s29], $0x280, $0x38;
	[tilespmem:$0x7FB0] =	vst v63  }
0x116: {  	_ =	swait.ge [sflag:s31], $0x280  }
0x117: {  	[sflag:s31] =	ssyncset.done $0x0  }
0x118: {  	s7 =	simm.s32 $0x0;
	[sflag:s31] =	ssyncadd.s32 $0xFFFFFD80  }
0x119: {  	s13 =	simm.s32 $0x40;
	v1 =	vld [tilespmem:s7+$0x2A80]  }
.LBB2_34:
0x11a: {  	p0 =	sne.s32 s13, $0x9C0;
	v2 =	vld [tilespmem:s7+$0x2800];
	_ =	sdelay $0x2  }
.Ltmp17:
0x11b: {  	(pc) =	sbr.rel @p0 .LBB2_34-.Ltmp17, $4  }
0x11c: {  	_ = 	snop  }
0x11d: {  	vm0 =	vlt.s32 v2, v1  }
0x11e: {  	s14 =	sshra.s32 s13, $0x2;
	v2 =	vsel vm0, v2, v1  }
0x11f: {  	s13 =	sadd.s32 $0x40, s13;
	v1 =	vld [tilespmem:s14+$0x2A80];
	[tilespmem:s7+$0x2800] =	vst v2;
	s7 =	smov.u32 s14  }
0x120: {  	v2 =	vld [tilespmem:s7+$0x2800];
	_ =	sdelay $0x4  }
0x121: {  	vm0 =	vlt.s32 v2, v1  }
0x122: {  	v1 =	vsel vm0, v2, v1  }
0x123: {  	[tilespmem:s7+$0x2800] =	vst v1  }
0x124: {  	[tilespmem:s5], [sflag:$0x1] =	stream.linear.gather [spmem:s30], $0x280, $0x38;
	[tilespmem:$0x7FB0] =	vst v63  }
0x125: {  	_ =	swait.ge [sflag:s31], $0x280  }
0x126: {  	[sflag:s31] =	ssyncset.done $0x0  }
0x127: {  	s7 =	simm.s32 $0x0;
	[sflag:s31] =	ssyncadd.s32 $0xFFFFFD80  }
0x128: {  	s13 =	simm.s32 $0x40;
	v1 =	vld [tilespmem:s7+$0x2A80]  }
.LBB2_36:
0x129: {  	p0 =	sne.s32 s13, $0x9C0;
	v2 =	vld [tilespmem:s7+$0x2800];
	_ =	sdelay $0x2  }
.Ltmp18:
0x12a: {  	(pc) =	sbr.rel @p0 .LBB2_36-.Ltmp18, $4  }
0x12b: {  	_ = 	snop  }
0x12c: {  	vm0 =	vlt.s32 v2, v1  }
0x12d: {  	s14 =	sshra.s32 s13, $0x2;
	v2 =	vsel vm0, v2, v1  }
0x12e: {  	s13 =	sadd.s32 $0x40, s13;
	v1 =	vld [tilespmem:s14+$0x2A80];
	[tilespmem:s7+$0x2800] =	vst v2;
	s7 =	smov.u32 s14  }
0x12f: {  	v2 =	vld [tilespmem:s7+$0x2800];
	_ =	sdelay $0x4  }
0x130: {  	vm0 =	vlt.s32 v2, v1  }
0x131: {  	v1 =	vsel vm0, v2, v1  }
0x132: {  	s14 =	rddreg [dreg:$0x3];
	s13 =	simm.s32 $0x5420;
	[tilespmem:s7+$0x2800] =	vst v1  }
0x133: {  	[tilespmem:s13], [sflag:$0x1] =	stream.linear.gather [spmem:s14], $0x100, $0x38;
	[tilespmem:$0x7FB0] =	vst v63  }
0x134: {  	_ =	swait.ge [sflag:s31], $0x100  }
0x135: {  	[sflag:s31] =	ssyncset.done $0x0  }
0x136: {  	[sflag:s31] =	ssyncadd.s32 $0xFFFFFF00  }
0x137: {  	v1 =	vld [tilespmem:$0x5420]  }
0x138: {  	v2 =	vld [tilespmem:$0x5430]  }
0x139: {  	v3 =	vld [tilespmem:$0x5440]  }
0x13a: {  	v4 =	vld [tilespmem:$0x5450]  }
0x13b: {  	v5 =	vld [tilespmem:$0x5460]  }
0x13c: {  	v6 =	vld [tilespmem:$0x5470]  }
0x13d: {  	v7 =	vld [tilespmem:$0x5480]  }
0x13e: {  	v8 =	vld [tilespmem:$0x5490]  }
0x13f: {  	v9 =	vld [tilespmem:$0x54A0]  }
0x140: {  	v10 =	vld [tilespmem:$0x54B0]  }
0x141: {  	v11 =	vld [tilespmem:$0x54C0]  }
0x142: {  	v12 =	vld [tilespmem:$0x54D0]  }
0x143: {  	v13 =	vld [tilespmem:$0x54E0]  }
0x144: {  	v14 =	vld [tilespmem:$0x54F0]  }
0x145: {  	v15 =	vld [tilespmem:$0x5500]  }
0x146: {  	v16 =	vld [tilespmem:$0x5510];
	[spmem:s11] =	stream.linear.scatter [tilespmem:s4], [sflag:$0x1], $0x280, $0x38  }
0x147: {  	_ =	swait.ge [sflag:s31], $0x280  }
0x148: {  	[sflag:s31] =	ssyncset.done $0x0  }
0x149: {  	[sflag:s31] =	ssyncadd.s32 $0xFFFFFD80  }
0x14a: {  	[bflag:$0x0] =	sbarrier.arrive $0xFFFF  }
0x14b: {  	s7 =	simm.s32 $0x0;
	s14 =	rddreg [dreg:$0x1]  }
0x14c: {  	[tilespmem:s7], [sflag:$0x1] =	stream.linear.gather [spmem:s14], $0x2800, $0x38;
	[tilespmem:$0x7FB0] =	vst v63  }
0x14d: {  	_ =	swait.ge [sflag:s31], $0x2800  }
0x14e: {  	[sflag:s31] =	ssyncset.done $0x0  }
0x14f: {  	[sflag:s31] =	ssyncadd.s32 $0xFFFFD800  }
.LBB2_38:
0x150: {  	s13 =	sshra.s32 s7, $0x2  }
0x151: {  	v17 =	vld [tilespmem:s13+$0x2800];
	_ =	sdelay $0x7  }
0x152: {  	v17 =	vld.idx.msk [tilespmem:v17+s0+$0x0], $0xffff;
	_ =	sdelay $0x7  }
0x153: {  	v17 =	vld.idx.msk [tilespmem:v17+s0+$0x0], $0xffff;
	_ =	sdelay $0x7  }
0x154: {  	v17 =	vld.idx.msk [tilespmem:v17+s0+$0x0], $0xffff;
	_ =	sdelay $0x7  }
0x155: {  	v17 =	vld.idx.msk [tilespmem:v17+s0+$0x0], $0xffff;
	_ =	sdelay $0x7  }
0x156: {  	v17 =	vld.idx.msk [tilespmem:v17+s0+$0x0], $0xffff;
	_ =	sdelay $0x7  }
0x157: {  	v17 =	vld.idx.msk [tilespmem:v17+s0+$0x0], $0xffff;
	_ =	sdelay $0x7  }
0x158: {  	v17 =	vld.idx.msk [tilespmem:v17+s0+$0x0], $0xffff;
	_ =	sdelay $0x7  }
0x159: {  	v17 =	vld.idx.msk [tilespmem:v17+s0+$0x0], $0xffff;
	_ =	sdelay $0x7  }
0x15a: {  	v17 =	vld.idx.msk [tilespmem:v17+s0+$0x0], $0xffff;
	_ =	sdelay $0x7  }
0x15b: {  	v17 =	vld.idx.msk [tilespmem:v17+s0+$0x0], $0xffff;
	_ =	sdelay $0x7  }
0x15c: {  	v17 =	vld.idx.msk [tilespmem:v17+s0+$0x0], $0xffff;
	_ =	sdelay $0x7  }
0x15d: {  	v17 =	vld.idx.msk [tilespmem:v17+s0+$0x0], $0xffff;
	_ =	sdelay $0x7  }
0x15e: {  	v17 =	vld.idx.msk [tilespmem:v17+s0+$0x0], $0xffff;
	_ =	sdelay $0x7  }
0x15f: {  	p0 =	sne.s32 s7, $0x9C0;
	v17 =	vld.idx.msk [tilespmem:v17+s0+$0x0], $0xffff  }
.Ltmp19:
0x160: {  	_ = 	snop;
	(pc) =	sbr.rel @p0 .LBB2_38-.Ltmp19, $2  }
0x161: {  	_ =	sdelay $0x2  }
0x162: {  	s7 =	sadd.s32 $0x40, s7;
	[tilespmem:s13+$0x2800] =	vst v17  }
0x163: {  	v1 =	vadd.s32 v1, v2  }
0x164: {  	v1 =	vadd.s32 v3, v1  }
0x165: {  	v1 =	vadd.s32 v4, v1  }
0x166: {  	v1 =	vadd.s32 v5, v1  }
0x167: {  	v1 =	vadd.s32 v6, v1  }
0x168: {  	v1 =	vadd.s32 v7, v1  }
0x169: {  	v1 =	vadd.s32 v8, v1  }
0x16a: {  	v1 =	vadd.s32 v9, v1  }
0x16b: {  	v1 =	vadd.s32 v10, v1  }
0x16c: {  	v1 =	vadd.s32 v11, v1  }
0x16d: {  	v1 =	vadd.s32 v12, v1  }
0x16e: {  	v1 =	vadd.s32 v13, v1  }
0x16f: {  	v1 =	vadd.s32 v14, v1  }
0x170: {  	v1 =	vadd.s32 v15, v1  }
0x171: {  	v1 =	vadd.s32 v16, v1  }
0x172: {  	(xrf0) =	vadd.scan.msk.s32 $0xffff, v1;
	_ =	sdelay $0x5  }
0x173: {  	v1, _, _ =	vpop (xrf0)  }
0x174: {  	(v2sf) =	vpush v1, $0xF;
	_ =	sdelay $0xd  }
0x175: {  	[spmem:s11] =	stream.linear.scatter [tilespmem:s4], [sflag:$0x1], $0x280, $0x38;
	[tilespmem:$0x7FB0] =	vst v63  }
0x176: {  	s13 =	spop (v2sf)  }
0x177: {  	_ =	swait.ge [sflag:s31], $0x280  }
0x178: {  	[sflag:s31] =	ssyncset.done $0x0  }
0x179: {  	p0 =	sgt.s32 s13, $0x0;
	[sflag:s31] =	ssyncadd.s32 $0xFFFFFD80  }
.Ltmp20:
0x17a: {  	s7 =	simm.s32 $0x0;
	[bflag:$0x0] =	sbarrier.arrive $0xFFFF;
	(pc) =	sbr.rel @p0 .LBB2_4-.Ltmp20, $4  }
0x17b: {  	[tilespmem:s7], [sflag:$0x1] =	stream.linear.gather [spmem:s14], $0x2800, $0x38;
	[tilespmem:$0x7FB0] =	vst v63  }
0x17c: {  	_ =	swait.ge [sflag:s31], $0x2800  }
0x17d: {  	[sflag:s31] =	ssyncset.done $0x0  }
0x17e: {  	v1 =	vimm.s32 $0x0;
	[sflag:s31] =	ssyncadd.s32 $0xFFFFD800  }
0x17f: {  	s15 =	stileid.u32  }
0x180: {  	p0 =	sne.s32 s15, $0x0  }
0x181: {  	s2 =	rddreg [dreg:$0x7];
	s0 =	simm.s32 @!p0 $0x0  }
0x182: {  	[hbm4b:s2+s0] =	stream.linear.scatter @!p0 [tilespmem:s0], [sflag:$0x1], $0x2800, $0x38;
	[tilespmem:$0x7FB0] =	vst v63  }
0x183: {  	s4 =	simm.s32 $0x1;
	s0 =	simm.s32 @!p0 $0x1  }
0x184: {  	s5 =	simm.s32 $0x34D0;
	s7 =	simm.s32 $0x4470;
	_ =	swait.ge @!p0 [sflag:s0], $0x2800  }
0x185: {  	s8 =	simm.s32 $0x4C40;
	[sflag:s0] =	ssyncset.done @!p0 $0x0;
	s16 =	rddreg [dreg:$0x5]  }
0x186: {  	s9 =	simm.s32 $0x0;
	s17 =	rddreg [dreg:$0x6];
	[sflag:s0] =	ssyncadd.s32 @!p0 $0xFFFFD800  }
0x187: {  	s2 =	simm.s32 $0x2D00;
	s0 =	simm.s32 $0x0;
	s14 =	rddreg [dreg:$0x4]  }
.LBB2_41:
0x188: {  	s10 =	smul.u32 $0x7D0, s9;
	_ =	sdelay $0x1  }
0x189: {  	s10 =	sadd.s32 s6, s10  }
0x18a: {  	s10 =	sshrl.u32 s10, $0x3  }
0x18b: {  	s11 =	sadd.s32 s3, s10  }
0x18c: {  	[tilespmem:s2], [sflag:$0x1] =	stream.linear.gather [hbm4b:s11+s0], $0x7D0, $0x38;
	[tilespmem:$0x7FB0] =	vst v63  }
0x18d: {  	_ =	swait.ge [sflag:s4], $0x7D0  }
0x18e: {  	[sflag:s4] =	ssyncset.done $0x0  }
0x18f: {  	s31 =	sadd.s32 s1, s10;
	[sflag:s4] =	ssyncadd.s32 $0xFFFFF830  }
0x190: {  	[tilespmem:s5], [sflag:$0x1] =	stream.linear.gather [hbm4b:s31+s0], $0x7D0, $0x38;
	[tilespmem:$0x7FB0] =	vst v63  }
0x191: {  	_ =	swait.ge [sflag:s4], $0x7D0  }
0x192: {  	[sflag:s4] =	ssyncset.done $0x0  }
0x193: {  	s11 =	simm.s32 $0x0;
	[sflag:s4] =	ssyncadd.s32 $0xFFFFF830  }
0x194: {  	v1 =	vld [tilespmem:s11+$0x2D00];
	_ =	sdelay $0x5  }
0x195: {  	v0 =	vld [tilespmem:s11+$0x34D0];
	_ =	sdelay $0x1  }
0x196: {  	v1 =	vld.idx.msk [tilespmem:v1+s0+$0x0], $0xffff;
	_ =	sdelay $0x3  }
0x197: {  	s12 =	simm.s32 $0x10;
	s13 =	simm.s32 $0x80  }
.LBB2_42:
0x198: {  	p0 =	sne.s32 s13, $0x1F00;
	v2 =	vld [tilespmem:s12+$0x2D00];
	[tilespmem:s11+$0x4470] =	vst v1  }
0x199: {  	v1 =	vld.idx.msk [tilespmem:v0+s0+$0x0], $0xffff;
	_ =	sdelay $0x5  }
0x19a: {  	v0 =	vld [tilespmem:s12+$0x34D0];
	[tilespmem:s11+$0x4C40] =	vst v1;
	s11 =	smov.u32 s12  }
0x19b: {  	v1 =	vld.idx.msk [tilespmem:v2+s0+$0x0], $0xffff  }
.Ltmp21:
0x19c: {  	(pc) =	sbr.rel @p0 .LBB2_42-.Ltmp21, $2  }
0x19d: {  	_ =	sdelay $0x2  }
0x19e: {  	s12 =	sshra.s32 s13, $0x2;
	s13 =	sadd.s32 $0x40, s13  }
0x19f: {  	_ =	sdelay $0x1  }
0x1a0: {  	v2 =	vld [tilespmem:s12+$0x2D00]  }
0x1a1: {  	[tilespmem:s11+$0x4470] =	vst v1  }
0x1a2: {  	v0 =	vld.idx.msk [tilespmem:v0+s0+$0x0], $0xffff;
	_ =	sdelay $0x3  }
0x1a3: {  	v1 =	vld [tilespmem:s12+$0x34D0]  }
0x1a4: {  	[tilespmem:s11+$0x4C40] =	vst v0  }
0x1a5: {  	v0 =	vld.idx.msk [tilespmem:v2+s0+$0x0], $0xffff;
	_ =	sdelay $0x4  }
0x1a6: {  	[tilespmem:s12+$0x4470] =	vst v0  }
0x1a7: {  	v0 =	vld.idx.msk [tilespmem:v1+s0+$0x0], $0xffff;
	_ =	sdelay $0x4  }
0x1a8: {  	s30 =	sadd.s32 s16, s10;
	[tilespmem:s12+$0x4C40] =	vst v0  }
0x1a9: {  	[hbm4b:s30+s0] =	stream.linear.scatter [tilespmem:s7], [sflag:$0x1], $0x7D0, $0x38;
	[tilespmem:$0x7FB0] =	vst v63  }
0x1aa: {  	s9 =	sadd.s32 $0x1, s9;
	_ =	swait.ge [sflag:s4], $0x7D0  }
0x1ab: {  	p0 =	sne.s32 s9, $0xA;
	[sflag:s4] =	ssyncset.done $0x0  }
.Ltmp22:
0x1ac: {  	s31 =	sadd.s32 s17, s10;
	[sflag:s4] =	ssyncadd.s32 $0xFFFFF830;
	(pc) =	sbr.rel @p0 .LBB2_41-.Ltmp22, $4  }
0x1ad: {  	[hbm4b:s31+s0] =	stream.linear.scatter [tilespmem:s8], [sflag:$0x1], $0x7D0, $0x38;
	[tilespmem:$0x7FB0] =	vst v63  }
0x1ae: {  	_ =	swait.ge [sflag:s4], $0x7D0  }
0x1af: {  	[sflag:s4] =	ssyncset.done $0x0  }
0x1b0: {  	[sflag:s4] =	ssyncadd.s32 $0xFFFFF830  }
.LBB2_44:
0x1b1: {  	_ =	sfence.sel $0x180000  }
0x1b2: {  	[bflag:$0x0] =	sbarrier.arrive $0xFFFF  }
0x1b3: {  	p0 =	sne.s32 s15, $0x0;
	_ =	strace $0x90000050  }
0x1b4: {  	s0 =	sadd.s32 @!p0 $0x100000, s14;
	[bflag:$0x2] =	sbarrier.arrive $0xFFFF  }
0x1b5: {  	[sflag:s0] =	ssyncadd.tile.s32 @!p0 $0x1;
	_ =	shalt  }
.Lfunc_end2:
_tile_overlayer_lowered:
.L_overlay_start_2:
0x1b6: {  	(tag) =	ssettag $0x2  }
0x1b7: {  	s0 =	rddreg [dreg:$0x0];
	s2 =	stileid.u32  }
0x1b8: {  	s1 =	rddreg [dreg:$0x1];
	p0 =	sne.s32 s2, $0x0  }
0x1b9: {  	s3 =	rddreg [dreg:$0x2];
	[bflag:$0x3] =	sbarrier.arrive $0xFFFF;
	s2 =	simm.s32 @!p0 $0x1C01  }
0x1ba: {  	[timem:s3], [sflag:s2] =	dma.local @!p0 [hbm:s0], s1  }
0x1bb: {  	s0 =	simm.s32 @!p0 $0x1  }
0x1bc: {  	_ =	swait.ge @!p0 [sflag:s0], s1  }
0x1bd: {  	s1 =	ssub.s32 @!p0 $0x0, s1;
	[sflag:s0] =	ssyncset.done @!p0 $0x0  }
0x1be: {  	[sflag:s0] =	ssyncadd.s32 @!p0 s1  }
0x1bf: {  	[bflag:$0x3] =	sbarrier.arrive $0xFFFF  }
0x1c0: {  	_ =	shalt  }

// kernel: kernel.23.cloned.1.call-start
scs
__scs_entry_jumppad:
0x0: {  	(pc) =	sbr.rel $0x88, $3  }
0x1: {  	(tag) =	ssettag $0x0;
	lr =	simm.s32 $0x1  }
0x2: {  	[smem:$0x3F97] =	sst lr;
	_ =	strace $0xD0000000  }
0x3: {  	_ = 	snop  }
0x4: {  	_ = 	snop  }
0x5: {  	_ = 	snop  }
0x6: {  	_ = 	snop  }
0x7: {  	_ = 	snop  }
__scs_overlays_trampoline_lowered:
0x8: {  	[smem:$0x3FA6] =	sst s0  }
0x9: {  	[smem:$0x3FA7] =	sst s1  }
0xa: {  	[smem:$0x3FA8] =	sst s2  }
0xb: {  	[smem:$0x3FA9] =	sst s3  }
0xc: {  	[smem:$0x3FAA] =	sst s4  }
0xd: {  	[smem:$0x3FAB] =	sst s5  }
0xe: {  	[smem:$0x3FAC] =	sst s6  }
0xf: {  	[smem:$0x3FAD] =	sst s7  }
0x10: {  	[smem:$0x3FAE] =	sst s8  }
0x11: {  	[smem:$0x3FAF] =	sst s9;
	s0 =	simm.s32 @!p0 $0x0  }
0x12: {  	s1 =	sld [smem:$0x3F95];
	s0 =	simm.s32 @p0 $0x1  }
0x13: {  	[smem:$0x3FB0] =	sst s0;
	s0 =	simm.s32 @!p1 $0x0  }
0x14: {  	s2 =	sld [smem:$0x3F94];
	s0 =	simm.s32 @p1 $0x1  }
0x15: {  	[smem:$0x3FB1] =	sst s0;
	s0 =	simm.s32 @!p2 $0x0  }
0x16: {  	s3 =	sld [smem:$0x3FDB];
	s0 =	simm.s32 @p2 $0x1  }
0x17: {  	s4 =	simm.s32 $0x1BF5;
	[smem:$0x3FB3] =	sst s0  }
0x18: {  	s0 =	sld [smem:$0x3F96];
	_ =	swait.ge [sflag:s4], $0x0  }
0x19: {  	s7 =	sld [smem:$0x3F97]  }
0x1a: {  	s8 =	sadd.s32 $0xFFFFE003, lr  }
0x1b: {  	s9 =	sadd.s32 $0xFFFFFEF7, lr;
	s5 =	simm.s32 $0xFFFFFFFF;
	p2 =	slt.u32 s8, $0xFFFFF086  }
0x1c: {  	p1 =	slt.u32 s9, $0xF7A;
	s5 =	simm.s32 @!p2 $0x0  }
0x1d: {  	s5 =	simm.s32 @p1 $0x1;
	p0 =	seq.s32 s7, s2  }
0x1e: {  	s7 =	smul.u32 @!p0 $0xF7A, s2;
	p2 =	seq.s32 @!p0 s5, $0x0  }
0x1f: {  	s9 =	smul.u32 $0xF7A, s1;
	s8 =	simm.s32 @!p0 $0x1BF5;
	p2 =	por !p2, p0  }
0x20: {  	[sflag:s8] =	ssyncset.s32 @!p0 $0xFFFFF086;
	s6 =	sadd.s32 @!p0 s3, s7;
	s7 =	simm.s32 @!p0 $0x108  }
0x21: {  	s3 =	sadd.s32 s3, s9;
	s6 =	sadd.s32 @!p0 $0x88, s6;
	s7 =	simm.s32 @p2 $0x1082  }
0x22: {  	[simem:s7], [sflag:s8] =	dma.local @!p0 [hbm:s6], $0xF7A  }
0x23: {  	s9 =	sor.u32 $0xD0000000, s2;
	s6 =	simm.s32 $0x108;
	_ =	swait.ge @!p0 [sflag:s8], $0x0  }
0x24: {  	s3 =	sadd.s32 $0x88, s3;
	s6 =	simm.s32 @!p1 $0x1082;
	[sflag:s4] =	ssyncset.s32 $0xFFFFF086  }
0x25: {  	[simem:s6], [sflag:s4] =	dma.local [hbm:s3], $0xF7A  }
0x26: {  	[smem:$0x3F97] =	sst s1;
	(tag) =	ssettag s2;
	_ =	strace s9  }
0x27: {  	s1 =	sld [smem:$0x3FA7]  }
0x28: {  	s2 =	sld [smem:$0x3FA8]  }
0x29: {  	s4 =	sld [smem:$0x3FAA]  }
0x2a: {  	p0 =	seq.s32 s5, $0x0;
	s5 =	sld [smem:$0x3FAB]  }
0x2b: {  	s6 =	sld [smem:$0x3FAC]  }
0x2c: {  	s7 =	sld [smem:$0x3FAD]  }
0x2d: {  	s3 =	simm.s32 $0x108;
	s8 =	sld [smem:$0x3FAE]  }
0x2e: {  	s3 =	simm.s32 @!p0 $0x1082;
	s9 =	sld [smem:$0x3FAF]  }
0x2f: {  	lr =	sadd.s32 s0, s3;
	s0 =	sld [smem:$0x3FA6]  }
0x30: {  	s3 =	sld [smem:$0x3FA9]  }
0x31: {  	[smem:$0x3FB2] =	sst s10  }
0x32: {  	s10 =	sld [smem:$0x3FB0];
	_ =	sdelay $0x3  }
0x33: {  	p0 =	seq.s32 s10, $0x1;
	s10 =	sld [smem:$0x3FB2];
	_ =	sdelay $0x3  }
0x34: {  	[smem:$0x3FB2] =	sst s10  }
0x35: {  	s10 =	sld [smem:$0x3FB1];
	_ =	sdelay $0x3  }
0x36: {  	p1 =	seq.s32 s10, $0x1;
	s10 =	sld [smem:$0x3FB2];
	_ =	sdelay $0x3  }
0x37: {  	[smem:$0x3FB2] =	sst s10  }
0x38: {  	s10 =	sld [smem:$0x3FB3]  }
0x39: {  	_ = 	snop;
	(pc) =	sbr.ind lr, $3  }
0x3a: {  	_ = 	snop  }
0x3b: {  	_ = 	snop  }
0x3c: {  	p2 =	seq.s32 s10, $0x1;
	s10 =	sld [smem:$0x3FB2]  }
0x3d: {  	_ =	shalt  }
0x3e: {  	_ =	shalt  }
0x3f: {  	_ =	shalt  }
0x40: {  	_ =	shalt  }
0x41: {  	_ =	shalt  }
0x42: {  	_ =	shalt  }
0x43: {  	_ =	shalt  }
0x44: {  	_ =	shalt  }
0x45: {  	_ =	shalt  }
0x46: {  	_ =	shalt  }
0x47: {  	_ =	shalt  }
0x48: {  	_ =	shalt  }
0x49: {  	_ =	shalt  }
0x4a: {  	_ =	shalt  }
0x4b: {  	_ =	shalt  }
0x4c: {  	_ =	shalt  }
0x4d: {  	_ =	shalt  }
0x4e: {  	_ =	shalt  }
0x4f: {  	_ =	shalt  }
0x50: {  	_ =	shalt  }
0x51: {  	_ =	shalt  }
0x52: {  	_ =	shalt  }
0x53: {  	_ =	shalt  }
0x54: {  	_ =	shalt  }
0x55: {  	_ =	shalt  }
0x56: {  	_ =	shalt  }
0x57: {  	_ =	shalt  }
0x58: {  	_ =	shalt  }
0x59: {  	_ =	shalt  }
0x5a: {  	_ =	shalt  }
0x5b: {  	_ =	shalt  }
0x5c: {  	_ =	shalt  }
0x5d: {  	_ =	shalt  }
0x5e: {  	_ =	shalt  }
0x5f: {  	_ =	shalt  }
0x60: {  	_ =	shalt  }
0x61: {  	_ =	shalt  }
0x62: {  	_ =	shalt  }
0x63: {  	_ =	shalt  }
0x64: {  	_ =	shalt  }
0x65: {  	_ =	shalt  }
0x66: {  	_ =	shalt  }
0x67: {  	_ =	shalt  }
0x68: {  	_ =	shalt  }
0x69: {  	_ =	shalt  }
0x6a: {  	_ =	shalt  }
0x6b: {  	_ =	shalt  }
0x6c: {  	_ =	shalt  }
0x6d: {  	_ =	shalt  }
0x6e: {  	_ =	shalt  }
0x6f: {  	_ =	shalt  }
0x70: {  	_ =	shalt  }
0x71: {  	_ =	shalt  }
0x72: {  	_ =	shalt  }
0x73: {  	_ =	shalt  }
0x74: {  	_ =	shalt  }
0x75: {  	_ =	shalt  }
0x76: {  	_ =	shalt  }
0x77: {  	_ =	shalt  }
0x78: {  	_ =	shalt  }
0x79: {  	_ =	shalt  }
0x7a: {  	_ =	shalt  }
0x7b: {  	_ =	shalt  }
0x7c: {  	_ =	shalt  }
0x7d: {  	_ =	shalt  }
0x7e: {  	_ =	shalt  }
0x7f: {  	_ =	shalt  }
0x80: {  	_ =	shalt  }
0x81: {  	_ =	shalt  }
0x82: {  	_ =	shalt  }
0x83: {  	_ =	shalt  }
0x84: {  	_ =	shalt  }
0x85: {  	_ =	shalt  }
0x86: {  	_ =	shalt  }
0x87: {  	_ =	shalt  }
.Lfunc_end0:
.L_simem_size_0:
called_computation.5_lowered:
.L_overlay_start_0:
0x88: {  	s2 =	sld [smem:$0x3FD9]  }
0x89: {  	s3 =	sld [smem:$0x3FFE];
	_ =	sdelay $0x1  }
0x8a: {  	s1 =	srdreg.scid  }
0x8b: {  	s0 =	sand.u32 $0x1, s1  }
0x8c: {  	s17 =	sshll.u32 s0, $0xA;
	s2 =	sadd.s32 s3, s2  }
0x8d: {  	s2 =	sadd.s32 s2, s17  }
0x8e: {  	[smem:$0x3FBE] =	sst s2  }
0x8f: {  	_ = 	snop  }
0x90: {  	(tm) =	ssettm $0x1  }
0x91: {  	s18 =	sld [smem:$0x3FFB];
	_ =	sdelay $0x3  }
0x92: {  	_ =	strace s18  }
0x93: {  	s2 =	sld [smem:$0x3FFC];
	_ =	sdelay $0x3  }
0x94: {  	_ =	strace s2  }
0x95: {  	s2 =	sld [smem:$0x3FFD];
	_ =	sdelay $0x3  }
0x96: {  	_ =	strace s2  }
0x97: {  	_ =	strace $0x8FFFFFFF  }
0x98: {  	s19 =	sld [smem:$0x3FDB];
	_ =	sdelay $0x1  }
0x99: {  	s20 =	simm.s32 $_scs_section_size  }
0x9a: {  	s4 =	simm.s32 $_size__tile_overlayer_lowered;
	s5 =	simm.s32 $_tile_overlayer_lowered  }
0x9b: {  	s6 =	simm.s32 $0x1BFF;
	s21 =	sshll.u32 s5, $0x1;
	s3 =	sadd.s32 s20, s19  }
0x9c: {  	s22 =	simm.s32 $0x0;
	s4 =	sshll.u32 s4, $0x1;
	s5 =	sadd.s32 s21, s3  }
0x9d: {  	[timem:s22], [sflag:s6] =	dma.local [hbm:s5], s4  }
0x9e: {  	_ =	swait.ge [sflag:s6], s4  }
0x9f: {  	s4 =	ssub.s32 $0x0, s4;
	[sflag:s6] =	ssyncset.done $0x0  }
0xa0: {  	[sflag:s6] =	ssyncadd.s32 s4;
	_ =	sdelay $0x1  }
0xa1: {  	s23 =	simm.s32 $0x1B8B  }
0xa2: {  	_ =	swait.ge [sflag:s23], $0x1  }
0xa3: {  	[sflag:s23] =	ssyncset.done $0x0  }
0xa4: {  	[sflag:s23] =	ssyncadd.s32 $0xFFFFFFFF  }
0xa5: {  	s4 =	sld [smem:$0x0]  }
0xa6: {  	s5 =	sand.u32 $0xFFFFFFFE, s1  }
0xa7: {  	p0 =	sne.s32 s1, s5  }
0xa8: {  	s5 =	sshll.u32 @p0 s5, $0xE  }
0xa9: {  	s5 =	sadd.s32 @p0 $0x11B8D, s5;
	s6 =	sshll.u32 @p0 s4, $0x11  }
0xaa: {  	s5 =	sor.u32 @p0 s6, s5  }
0xab: {  	[sflag:s5] =	ssyncadd.remote.s32 @p0 $0x1;
	_ =	sdelay $0x1  }
0xac: {  	s5 =	simm.s32 @p0 $0x1B8D  }
0xad: {  	_ =	swait.eq @p0 [sflag:s5], $0x1  }
0xae: {  	[sflag:s5] =	ssyncadd.s32 @p0 $0xFFFFFFFF  }
0xaf: {  	s6 =	sshll.u32 @!p0 s1, $0xE  }
0xb0: {  	s6 =	sor.u32 @!p0 $0x4000, s6;
	s5 =	simm.s32 @!p0 $0x1B8D  }
0xb1: {  	s4 =	sshll.u32 @!p0 s4, $0x11;
	s6 =	sadd.s32 @!p0 $0x11B8D, s6;
	_ =	swait.eq @!p0 [sflag:s5], $0x1  }
0xb2: {  	s4 =	sor.u32 @!p0 s4, s6;
	[sflag:s5] =	ssyncadd.s32 @!p0 $0xFFFFFFFF  }
0xb3: {  	s25 =	simm.s32 $0x1B8E;
	s24 =	sld [smem:$0x3FFE];
	[sflag:s4] =	ssyncadd.remote.s32 @!p0 $0x1  }
0xb4: {  	s26 =	simm.s32 $execute0_lowered;
	[smem:$0x3FD2] =	sst s25  }
0xb5: {  	s5 =	sshll.u32 s26, $0x1;
	_ =	strace $0x80000055;
	[dreg:$0x1] =	wrdreg $0xFFFFFFFF  }
0xb6: {  	s28 =	simm.s32 $_size_execute0_lowered;
	s3 =	sadd.s32 s3, s5;
	[dreg:$0x0] =	wrdreg $0x0  }
0xb7: {  	s5 =	sshll.u32 s28, $0x1;
	[dreg:$0x2] =	wrdreg s3  }
0xb8: {  	[dreg:$0x3] =	wrdreg s5  }
0xb9: {  	[dreg:$0x4] =	wrdreg $0xC0  }
0xba: {  	_ =	task [dreg:s22], $0x5FFFF  }
0xbb: {  	[dreg:$0x1] =	wrdreg $0xFFFFFFFF  }
0xbc: {  	[dreg:$0x0] =	wrdreg $0x60  }
0xbd: {  	[dreg:$0x2] =	wrdreg s24  }
0xbe: {  	[dreg:$0x3] =	wrdreg $0x126D80  }
0xbf: {  	[dreg:$0x4] =	wrdreg $0xD8B80  }
0xc0: {  	[dreg:$0x5] =	wrdreg $0xA  }
0xc1: {  	_ =	task.clear_ibuf [dreg:s22], $0x6FFFF;
	_ =	strace $0x90000055  }
0xc2: {  	s29 =	simm.s32 $0xA;
	_ =	strace $0x80000057  }
0xc3: {  	_ =	swait.ge [sflag:s29], $0x1  }
0xc4: {  	[sflag:s29] =	ssyncadd.s32 $0xFFFFFFFF  }
0xc5: {  	_ =	strace $0x90000057  }
0xc6: {  	_ =	sfence  }
0xc7: {  	s30 =	sld [smem:$0x0];
	_ =	sdelay $0x2  }
0xc8: {  	s31 =	sshll.u32 s1, $0xD;
	s1 =	sshrl.u32 s1, $0x2  }
0xc9: {  	s4 =	sand.u32 $0x4000, s31;
	s1 =	sadd.s32 s1, s30  }
0xca: {  	s0 =	sor.u32 s4, s0;
	s1 =	sshll.u32 s1, $0x11  }
0xcb: {  	s0 =	sor.u32 s1, s0  }
0xcc: {  	s0 =	sadd.s32 $0x8F2B, s0  }
0xcd: {  	[sflag:s0] =	ssyncadd.remote.s32 $0x1  }
0xce: {  	_ =	sfence.sel $0xFFFF  }
0xcf: {  	[dreg:$0x0] =	wrdreg $0xFFFFFFFF;
	(pc) =	sbr.abs _section_cstart, $3  }
0xd0: {  	[dreg:$0x1] =	wrdreg $0xFFFFFFFF  }
0xd1: {  	_ =	task.clear_ibuf [dreg:s22], $0x2FFFF;
	_ =	strace $0x9FFFFFFF  }
0xd2: {  	(tm) =	ssettm $0x7FFFFFFF  }
0xd3: {  	_ =	shalt  }
tec
execute0_lowered:
.L_overlay_start_1:
0x0: {  	(tag) =	ssettag $0x1  }
0x1: {  	s8 =	rddreg [dreg:$0x0]  }
0x2: {  	s0 =	srdreg.scid;
	s1 =	rddreg [dreg:$0x1]  }
0x3: {  	s2 =	rddreg [dreg:$0x2];
	s14 =	stileid.u32;
	s3 =	simm.s32 $0x0  }
0x4: {  	s17 =	simm.s32 $0x3E8;
	s18 =	simm.s32 $0x7D0;
	s19 =	simm.s32 $0xBB8  }
0x5: {  	s20 =	simm.s32 $0x1;
	s21 =	simm.s32 $0x17818;
	s22 =	simm.s32 $0x176D8  }
0x6: {  	s23 =	simm.s32 $0x140;
	s9 =	sand.u32 $0x1, s0;
	s0 =	rddreg [dreg:$0x3]  }
0x7: {  	s24 =	simm.s32 $0x0;
	[smem:$0x7FF] =	sst s3;
	s5 =	sadd.s32 $0x9E00, s8  }
0x8: {  	s6 =	sadd.s32 $0x32C00, s8;
	s7 =	sadd.s32 $0x1F000, s8;
	s15 =	smul.u32 $0x14000, s14  }
0x9: {  	p0 =	sne.s32 s14, $0x0;
	s4 =	sshll.u32 s9, $0x4;
	_ =	strace $0x80000056  }
0xa: {  	s13 =	smul.u32 $0xA000, s9;
	s9 =	ssub.s32 $0x2, s9;
	s10 =	sor.u32 s14, s4  }
0xb: {  	s4 =	sadd.s32 $0x3CA00, s8;
	s16 =	sshrl.u32 s9, $0x1;
	s11 =	smul.u32 $0x500, s10  }
0xc: {  	s31 =	sshrl.u32 s15, $0x2;
	s14 =	simm.s32 $0x88B8;
	s12 =	smul.u32 $0x28, s10  }
0xd: {  	s15 =	simm.s32 $0x2;
	s13 =	sadd.s32 s13, s8;
	s16 =	ssub.s32 s9, s16  }
0xe: {  	s9 =	smul.u32 $0x2710, s10;
	s11 =	sadd.s32 s11, s8;
	s12 =	sadd.s32 s12, s8  }
0xf: {  	s8 =	sadd.s32 s31, s1;
	s10 =	sadd.s32 $0x46800, s11;
	s11 =	sadd.s32 $0x13C00, s12  }
0x10: {  	v0 =	vimm.f32 $0.0e+00;
	s12 =	sadd.s32 $0x64400, s13;
	s13 =	smax.u32 s16, $0x1;
	s16 =	sshrl.u32 @!p0 s2, $0x3  }
.LBB2_1:
0x11: {  	s25 =	simm.s32 $0x80;
	s26 =	simm.s32 $0x0  }
.LBB2_2:
0x12: {  	p1 =	sne.s32 s25, $0x13F80;
	[tilespmem:s26+$0x88B8] =	vst v0;
	s28 =	smov.u32 s25;
	s25 =	sadd.s32 $0x80, s25  }
.Ltmp0:
0x13: {  	[tilespmem:s26+$0x88C8] =	vst v0;
	(pc) =	sbr.rel @p1 .LBB2_2-.Ltmp0, $2  }
0x14: {  	_ =	sdelay $0x2  }
0x15: {  	s26 =	sshra.s32 s28, $0x2  }
0x16: {  	[tilespmem:s26+$0x88B8] =	vst v0  }
0x17: {  	[tilespmem:s26+$0x88C8] =	vst v0  }
0x18: {  	[spmem:s8] =	stream.linear.scatter [tilespmem:s14], [sflag:$0x2], $0x5000, $0x38;
	[tilespmem:$0x1A018] =	vst v63  }
0x19: {  	_ =	swait.ge [sflag:s15], $0x5000  }
0x1a: {  	[sflag:s15] =	ssyncset.done $0x0  }
0x1b: {  	s25 =	simm.s32 @!p0 $0x1C02;
	[sflag:s15] =	ssyncadd.s32 $0xFFFFB000  }
0x1c: {  	[spmem:s16], [sflag:s25] =	dma.local @!p0 [hbm:s4], $0x9C40  }
0x1d: {  	s25 =	simm.s32 @!p0 $0x2  }
0x1e: {  	_ =	swait.ge @!p0 [sflag:s25], $0x9C40  }
0x1f: {  	[sflag:s25] =	ssyncset.done @!p0 $0x0  }
0x20: {  	[sflag:s25] =	ssyncadd.s32 @!p0 $0xFFFF63C0  }
0x21: {  	s26 =	simm.s32 $0x0;
	s25 =	simm.s32 $0x0;
	[bflag:$0x0] =	sbarrier.arrive $0xFFFF  }
.LBB2_4:
0x22: {  	s28 =	smul.u32 $0x3E8, s26;
	_ =	sdelay $0x1  }
0x23: {  	s28 =	sadd.s32 s9, s28  }
0x24: {  	s28 =	sshrl.u32 s28, $0x3  }
0x25: {  	s29 =	sadd.s32 s5, s28  }
0x26: {  	[tilespmem:s25], [sflag:$0x2] =	stream.linear.gather [hbm4b:s29+s25], $0x3E8, $0x38;
	[tilespmem:$0x1A018] =	vst v63  }
0x27: {  	_ =	swait.ge [sflag:s15], $0x3E8  }
0x28: {  	[sflag:s15] =	ssyncset.done $0x0  }
0x29: {  	s29 =	sadd.s32 s6, s28;
	[sflag:s15] =	ssyncadd.s32 $0xFFFFFC18  }
0x2a: {  	[tilespmem:s17], [sflag:$0x2] =	stream.linear.gather [hbm4b:s29+s25], $0x3E8, $0x38;
	[tilespmem:$0x1A018] =	vst v63  }
0x2b: {  	_ =	swait.ge [sflag:s15], $0x3E8  }
0x2c: {  	[sflag:s15] =	ssyncset.done $0x0  }
0x2d: {  	s28 =	sadd.s32 s7, s28;
	[sflag:s15] =	ssyncadd.s32 $0xFFFFFC18  }
0x2e: {  	v1 =	vmov s25;
	[tilespmem:s18], [sflag:$0x2] =	stream.linear.gather [hbm4b:s28+s25], $0x3E8, $0x38;
	[tilespmem:$0x1A018] =	vst v63  }
0x2f: {  	v1 =	vand.u32 $0xFFFFFFFC, v1;
	_ =	swait.ge [sflag:s15], $0x3E8  }
0x30: {  	v1 =	vbroadcast v1, $0x0;
	[sflag:s15] =	ssyncset.done $0x0  }
0x31: {  	[sflag:s15] =	ssyncadd.s32 $0xFFFFFC18  }
0x32: {  	[tilespmem:s19], [sflag:$0x1] =	stream.indirect.gather [spmem:s2], $0x20, s25, s17, $0xb8;
	[tilespmem:$0x1A018] =	vst v63  }
0x33: {  	_ =	swait.ge [sflag:s20], $0x7D00  }
0x34: {  	[sflag:s20] =	ssyncset.done $0x0  }
0x35: {  	[sflag:s20] =	ssyncadd.s32 $0xFFFF8300  }
0x36: {  	s28 =	simm.s32 $0xBF8;
	v1 =	vld.idx.msk [tilespmem:v1+s18+$0x0], $0xffff  }
0x37: {  	s29 =	simm.s32 $0x1;
	v2 =	vld [tilespmem:s28+$0xFFFFFFC0]  }
0x38: {  	v4 =	vmov s29;
	v3 =	vld [tilespmem:s28+$0xFFFFFFD0]  }
0x39: {  	v4 =	vand.u32 $0xFFFFFFFD, v4  }
0x3a: {  	v4 =	vbroadcast v4, $0x0;
	_ =	sdelay $0x1  }
0x3b: {  	v2 =	vmul.f32 v2, v1  }
0x3c: {  	v1 =	vmul.f32 v3, v1  }
0x3d: {  	[tilespmem:s28+$0xFFFFFFC0] =	vst v2  }
0x3e: {  	[tilespmem:s28+$0xFFFFFFD0] =	vst v1;
	v2 =	vld [tilespmem:s28+$0xFFFFFFE0]  }
0x3f: {  	s29 =	simm.s32 $0x2;
	v1 =	vld.idx.msk [tilespmem:v4+s18+$0x0], $0xffff  }
0x40: {  	v3 =	vld [tilespmem:s28+$0xFFFFFFF0];
	v4 =	vmov s29  }
0x41: {  	v4 =	vand.u32 $0xFFFFFFFE, v4  }
0x42: {  	v4 =	vbroadcast v4, $0x0;
	_ =	sdelay $0x1  }
0x43: {  	v2 =	vmul.f32 v2, v1  }
0x44: {  	v1 =	vmul.f32 v3, v1  }
0x45: {  	[tilespmem:s28+$0xFFFFFFE0] =	vst v2  }
0x46: {  	[tilespmem:s28+$0xFFFFFFF0] =	vst v1;
	v1 =	vld [tilespmem:s28+$0x10]  }
0x47: {  	v2 =	vld.idx.msk [tilespmem:v4+s18+$0x0], $0xffff  }
0x48: {  	v3 =	vld [tilespmem:s28+$0x0];
	_ =	sdelay $0x1  }
0x49: {  	s29 =	simm.s32 $0x3  }
0x4a: {  	v4 =	vmov s29  }
0x4b: {  	v1 =	vmul.f32 v1, v2  }
0x4c: {  	v2 =	vmul.f32 v3, v2  }
0x4d: {  	[tilespmem:s28+$0x10] =	vst v1  }
0x4e: {  	[tilespmem:s28+$0x0] =	vst v2;
	v1 =	vld [tilespmem:s28+$0x30]  }
0x4f: {  	v2 =	vld.idx.msk [tilespmem:v4+s18+$0x0], $0xffff  }
0x50: {  	s29 =	simm.s32 $0x4;
	v4 =	vld [tilespmem:s28+$0x20]  }
0x51: {  	v3 =	vmov s29  }
0x52: {  	v3 =	vand.u32 $0xFFFFFFFC, v3  }
0x53: {  	s30 =	simm.s32 $0x8;
	v3 =	vbroadcast v3, $0x0  }
.LBB2_5:
0x54: {  	p1 =	slt.u32 s30, $0x3E4  }
0x55: {  	v1 =	vmul.f32 v1, v2;
	v4 =	vmul.f32 v4, v2;
	_ =	sdelay $0x1  }
0x56: {  	[tilespmem:s28+$0x20] =	vst v4  }
0x57: {  	[tilespmem:s28+$0x30] =	vst v1  }
0x58: {  	s28 =	sadd.s32 $0x80, s28;
	v1 =	vld.idx.msk [tilespmem:v3+s18+$0x0], $0xffff  }
0x59: {  	s31 =	sadd.s32 $0x1, s29;
	v2 =	vld [tilespmem:s28+$0xFFFFFFC0]  }
0x5a: {  	v4 =	vmov s31;
	v3 =	vld [tilespmem:s28+$0xFFFFFFD0]  }
0x5b: {  	v4 =	vand.u32 $0xFFFFFFFD, v4  }
0x5c: {  	v4 =	vbroadcast v4, $0x0;
	_ =	sdelay $0x1  }
0x5d: {  	v2 =	vmul.f32 v2, v1  }
0x5e: {  	v1 =	vmul.f32 v3, v1  }
0x5f: {  	[tilespmem:s28+$0xFFFFFFC0] =	vst v2  }
0x60: {  	[tilespmem:s28+$0xFFFFFFD0] =	vst v1  }
0x61: {  	v1 =	vld.idx.msk [tilespmem:v4+s18+$0x0], $0xffff  }
0x62: {  	s31 =	sadd.s32 $0x2, s29;
	v2 =	vld [tilespmem:s28+$0xFFFFFFE0]  }
0x63: {  	v4 =	vmov s31;
	v3 =	vld [tilespmem:s28+$0xFFFFFFF0]  }
0x64: {  	v4 =	vand.u32 $0xFFFFFFFE, v4  }
0x65: {  	v4 =	vbroadcast v4, $0x0;
	_ =	sdelay $0x1  }
0x66: {  	v2 =	vmul.f32 v2, v1  }
0x67: {  	v1 =	vmul.f32 v3, v1  }
0x68: {  	[tilespmem:s28+$0xFFFFFFE0] =	vst v2  }
0x69: {  	[tilespmem:s28+$0xFFFFFFF0] =	vst v1;
	v1 =	vld [tilespmem:s28+$0x10]  }
0x6a: {  	v2 =	vld.idx.msk [tilespmem:v4+s18+$0x0], $0xffff  }
0x6b: {  	v3 =	vld [tilespmem:s28+$0x0];
	_ =	sdelay $0x2  }
0x6c: {  	s31 =	sadd.s32 $0x3, s29;
	s29 =	smov.u32 s30  }
0x6d: {  	v4 =	vmov s31  }
0x6e: {  	v1 =	vmul.f32 v1, v2;
	v3 =	vmul.f32 v3, v2;
	_ =	sdelay $0x1  }
0x6f: {  	[tilespmem:s28+$0x10] =	vst v1  }
0x70: {  	[tilespmem:s28+$0x0] =	vst v3;
	v1 =	vld [tilespmem:s28+$0x30]  }
.Ltmp1:
0x71: {  	v2 =	vld.idx.msk [tilespmem:v4+s18+$0x0], $0xffff;
	(pc) =	sbr.rel @p1 .LBB2_5-.Ltmp1, $4  }
0x72: {  	v4 =	vld [tilespmem:s28+$0x20]  }
0x73: {  	v3 =	vmov s30  }
0x74: {  	v3 =	vand.u32 $0xFFFFFFFC, v3  }
0x75: {  	s30 =	sadd.s32 $0x4, s30;
	v3 =	vbroadcast v3, $0x0  }
0x76: {  	_ = 	snop  }
0x77: {  	v1 =	vmul.f32 v1, v2  }
0x78: {  	v4 =	vmul.f32 v4, v2  }
0x79: {  	[tilespmem:s28+$0x30] =	vst v1  }
0x7a: {  	[tilespmem:s28+$0x20] =	vst v4  }
0x7b: {  	s28 =	sadd.s32 $0x80, s28;
	v1 =	vld.idx.msk [tilespmem:v3+s18+$0x0], $0xffff  }
0x7c: {  	s30 =	sadd.s32 $0x1, s29;
	v2 =	vld [tilespmem:s28+$0xFFFFFFC0]  }
0x7d: {  	v61 =	vmov s30;
	v3 =	vld [tilespmem:s28+$0xFFFFFFD0]  }
0x7e: {  	v4 =	vand.u32 $0xFFFFFFFD, v61  }
0x7f: {  	v4 =	vbroadcast v4, $0x0;
	_ =	sdelay $0x1  }
0x80: {  	v2 =	vmul.f32 v2, v1  }
0x81: {  	v1 =	vmul.f32 v3, v1  }
0x82: {  	[tilespmem:s28+$0xFFFFFFC0] =	vst v2  }
0x83: {  	[tilespmem:s28+$0xFFFFFFD0] =	vst v1;
	v2 =	vld [tilespmem:s28+$0xFFFFFFE0]  }
0x84: {  	s31 =	sadd.s32 $0x2, s29;
	v1 =	vld.idx.msk [tilespmem:v4+s18+$0x0], $0xffff  }
0x85: {  	v62 =	vmov s31;
	v3 =	vld [tilespmem:s28+$0xFFFFFFF0]  }
0x86: {  	v4 =	vand.u32 $0xFFFFFFFE, v62  }
0x87: {  	v4 =	vbroadcast v4, $0x0;
	_ =	sdelay $0x1  }
0x88: {  	v2 =	vmul.f32 v2, v1  }
0x89: {  	v1 =	vmul.f32 v3, v1  }
0x8a: {  	[tilespmem:s28+$0xFFFFFFE0] =	vst v2  }
0x8b: {  	[tilespmem:s28+$0xFFFFFFF0] =	vst v1;
	v1 =	vld [tilespmem:s28+$0x10]  }
0x8c: {  	v2 =	vld.idx.msk [tilespmem:v4+s18+$0x0], $0xffff  }
0x8d: {  	v3 =	vld [tilespmem:s28+$0x0];
	_ =	sdelay $0x1  }
0x8e: {  	s31 =	sadd.s32 $0x3, s29  }
0x8f: {  	v63 =	vmov s31  }
0x90: {  	v1 =	vmul.f32 v1, v2  }
0x91: {  	v2 =	vmul.f32 v3, v2  }
0x92: {  	[tilespmem:s28+$0x10] =	vst v1  }
0x93: {  	[tilespmem:s28+$0x0] =	vst v2;
	v2 =	vld [tilespmem:s28+$0x20]  }
0x94: {  	v1 =	vld.idx.msk [tilespmem:v63+s18+$0x0], $0xffff  }
0x95: {  	v3 =	vld [tilespmem:s28+$0x30];
	_ =	sdelay $0x3  }
0x96: {  	v2 =	vmul.f32 v2, v1  }
0x97: {  	s26 =	sadd.s32 $0x1, s26;
	v1 =	vmul.f32 v3, v1  }
0x98: {  	p1 =	sne.s32 s26, $0xA;
	[tilespmem:s28+$0x20] =	vst v2  }
.Ltmp2:
0x99: {  	[tilespmem:s28+$0x30] =	vst v1;
	(pc) =	sbr.rel @p1 .LBB2_4-.Ltmp2, $4  }
0x9a: {  	[spmem:s1] =	stream.indirect.scatter.add.f32 [tilespmem:s19], [sflag:$0x2], $0x20, s17, s17, $0xb8;
	[tilespmem:$0x1A018] =	vst v63  }
0x9b: {  	_ =	swait.ge [sflag:s15], $0x7D00  }
0x9c: {  	[sflag:s15] =	ssyncset.done $0x0  }
0x9d: {  	[sflag:s15] =	ssyncadd.s32 $0xFFFF8300  }
0x9e: {  	[tilespmem:s21], [sflag:$0x2] =	stream.linear.gather [hbm4b:s10+s3], $0x2800, $0x38;
	[tilespmem:$0x1A018] =	vst v63  }
0x9f: {  	_ =	swait.ge [sflag:s15], $0x2800  }
0xa0: {  	[sflag:s15] =	ssyncset.done $0x0  }
0xa1: {  	[sflag:s15] =	ssyncadd.s32 $0xFFFFD800  }
0xa2: {  	[tilespmem:s22], [sflag:$0x2] =	stream.linear.gather [hbm4b:s11+s3], $0x140, $0x38;
	[tilespmem:$0x1A018] =	vst v63  }
0xa3: {  	_ =	swait.ge [sflag:s15], $0x140  }
0xa4: {  	[sflag:s15] =	ssyncset.done $0x0  }
0xa5: {  	[sflag:s15] =	ssyncadd.s32 $0xFFFFFEC0  }
0xa6: {  	[spmem:s1] =	stream.indirect.scatter.add.f32 [tilespmem:s21], [sflag:$0x2], $0x20, s22, s23, $0xb8;
	[tilespmem:$0x1A018] =	vst v63  }
0xa7: {  	_ =	swait.ge [sflag:s15], $0x2800  }
0xa8: {  	[sflag:s15] =	ssyncset.done $0x0  }
0xa9: {  	s25 =	sshrl.u32 @!p0 s1, $0x3;
	s24 =	sadd.s32 $0x1, s24;
	[sflag:s15] =	ssyncadd.s32 $0xFFFFD800  }
0xaa: {  	s26 =	simm.s32 @!p0 $0x1C02;
	p1 =	sne.s32 s24, s13;
	[bflag:$0x0] =	sbarrier.arrive $0xFFFF  }
0xab: {  	[hbm:s12], [sflag:s26] =	dma.local @!p0 [spmem:s25], $0xA000  }
.Ltmp3:
0xac: {  	_ = 	snop;
	(pc) =	sbr.rel @p1 .LBB2_1-.Ltmp3, $4  }
0xad: {  	s25 =	simm.s32 @!p0 $0x2  }
0xae: {  	_ =	swait.ge @!p0 [sflag:s25], $0xA000  }
0xaf: {  	[sflag:s25] =	ssyncset.done @!p0 $0x0  }
0xb0: {  	[sflag:s25] =	ssyncadd.s32 @!p0 $0xFFFF6000  }
0xb1: {  	_ =	sfence.sel $0x180000  }
0xb2: {  	[bflag:$0x0] =	sbarrier.arrive $0xFFFF  }
0xb3: {  	_ =	strace $0x90000056  }
0xb4: {  	s0 =	sadd.s32 @!p0 $0x100000, s0;
	[bflag:$0x2] =	sbarrier.arrive $0xFFFF  }
0xb5: {  	[sflag:s0] =	ssyncadd.tile.s32 @!p0 $0x1;
	_ =	shalt  }
.Lfunc_end2:
_tile_overlayer_lowered:
.L_overlay_start_2:
0xb6: {  	(tag) =	ssettag $0x2  }
0xb7: {  	s0 =	rddreg [dreg:$0x0];
	s2 =	stileid.u32  }
0xb8: {  	s1 =	rddreg [dreg:$0x1];
	p0 =	sne.s32 s2, $0x0  }
0xb9: {  	s3 =	rddreg [dreg:$0x2];
	[bflag:$0x3] =	sbarrier.arrive $0xFFFF;
	s2 =	simm.s32 @!p0 $0x1C02  }
0xba: {  	[timem:s3], [sflag:s2] =	dma.local @!p0 [hbm:s0], s1  }
0xbb: {  	s0 =	simm.s32 @!p0 $0x2  }
0xbc: {  	_ =	swait.ge @!p0 [sflag:s0], s1  }
0xbd: {  	s1 =	ssub.s32 @!p0 $0x0, s1;
	[sflag:s0] =	ssyncset.done @!p0 $0x0  }
0xbe: {  	[sflag:s0] =	ssyncadd.s32 @!p0 s1  }
0xbf: {  	[bflag:$0x3] =	sbarrier.arrive $0xFFFF  }
0xc0: {  	_ =	shalt  }

// kernel: kernel.26.cloned.1.call-start
scs
__scs_entry_jumppad:
0x0: {  	(pc) =	sbr.rel $0x88, $3  }
0x1: {  	(tag) =	ssettag $0x0;
	lr =	simm.s32 $0x1  }
0x2: {  	[smem:$0x3F97] =	sst lr;
	_ =	strace $0xD0000000  }
0x3: {  	_ = 	snop  }
0x4: {  	_ = 	snop  }
0x5: {  	_ = 	snop  }
0x6: {  	_ = 	snop  }
0x7: {  	_ = 	snop  }
__scs_overlays_trampoline_lowered:
0x8: {  	[smem:$0x3FA6] =	sst s0  }
0x9: {  	[smem:$0x3FA7] =	sst s1  }
0xa: {  	[smem:$0x3FA8] =	sst s2  }
0xb: {  	[smem:$0x3FA9] =	sst s3  }
0xc: {  	[smem:$0x3FAA] =	sst s4  }
0xd: {  	[smem:$0x3FAB] =	sst s5  }
0xe: {  	[smem:$0x3FAC] =	sst s6  }
0xf: {  	[smem:$0x3FAD] =	sst s7  }
0x10: {  	[smem:$0x3FAE] =	sst s8  }
0x11: {  	[smem:$0x3FAF] =	sst s9;
	s0 =	simm.s32 @!p0 $0x0  }
0x12: {  	s1 =	sld [smem:$0x3F95];
	s0 =	simm.s32 @p0 $0x1  }
0x13: {  	[smem:$0x3FB0] =	sst s0;
	s0 =	simm.s32 @!p1 $0x0  }
0x14: {  	s2 =	sld [smem:$0x3F94];
	s0 =	simm.s32 @p1 $0x1  }
0x15: {  	[smem:$0x3FB1] =	sst s0;
	s0 =	simm.s32 @!p2 $0x0  }
0x16: {  	s3 =	sld [smem:$0x3FDB];
	s0 =	simm.s32 @p2 $0x1  }
0x17: {  	s4 =	simm.s32 $0x1BF5;
	[smem:$0x3FB3] =	sst s0  }
0x18: {  	s0 =	sld [smem:$0x3F96];
	_ =	swait.ge [sflag:s4], $0x0  }
0x19: {  	s7 =	sld [smem:$0x3F97]  }
0x1a: {  	s8 =	sadd.s32 $0xFFFFE003, lr  }
0x1b: {  	s9 =	sadd.s32 $0xFFFFFEF7, lr;
	s5 =	simm.s32 $0xFFFFFFFF;
	p2 =	slt.u32 s8, $0xFFFFF086  }
0x1c: {  	p1 =	slt.u32 s9, $0xF7A;
	s5 =	simm.s32 @!p2 $0x0  }
0x1d: {  	s5 =	simm.s32 @p1 $0x1;
	p0 =	seq.s32 s7, s2  }
0x1e: {  	s7 =	smul.u32 @!p0 $0xF7A, s2;
	p2 =	seq.s32 @!p0 s5, $0x0  }
0x1f: {  	s9 =	smul.u32 $0xF7A, s1;
	s8 =	simm.s32 @!p0 $0x1BF5;
	p2 =	por !p2, p0  }
0x20: {  	[sflag:s8] =	ssyncset.s32 @!p0 $0xFFFFF086;
	s6 =	sadd.s32 @!p0 s3, s7;
	s7 =	simm.s32 @!p0 $0x108  }
0x21: {  	s3 =	sadd.s32 s3, s9;
	s6 =	sadd.s32 @!p0 $0x88, s6;
	s7 =	simm.s32 @p2 $0x1082  }
0x22: {  	[simem:s7], [sflag:s8] =	dma.local @!p0 [hbm:s6], $0xF7A  }
0x23: {  	s9 =	sor.u32 $0xD0000000, s2;
	s6 =	simm.s32 $0x108;
	_ =	swait.ge @!p0 [sflag:s8], $0x0  }
0x24: {  	s3 =	sadd.s32 $0x88, s3;
	s6 =	simm.s32 @!p1 $0x1082;
	[sflag:s4] =	ssyncset.s32 $0xFFFFF086  }
0x25: {  	[simem:s6], [sflag:s4] =	dma.local [hbm:s3], $0xF7A  }
0x26: {  	[smem:$0x3F97] =	sst s1;
	(tag) =	ssettag s2;
	_ =	strace s9  }
0x27: {  	s1 =	sld [smem:$0x3FA7]  }
0x28: {  	s2 =	sld [smem:$0x3FA8]  }
0x29: {  	s4 =	sld [smem:$0x3FAA]  }
0x2a: {  	p0 =	seq.s32 s5, $0x0;
	s5 =	sld [smem:$0x3FAB]  }
0x2b: {  	s6 =	sld [smem:$0x3FAC]  }
0x2c: {  	s7 =	sld [smem:$0x3FAD]  }
0x2d: {  	s3 =	simm.s32 $0x108;
	s8 =	sld [smem:$0x3FAE]  }
0x2e: {  	s3 =	simm.s32 @!p0 $0x1082;
	s9 =	sld [smem:$0x3FAF]  }
0x2f: {  	lr =	sadd.s32 s0, s3;
	s0 =	sld [smem:$0x3FA6]  }
0x30: {  	s3 =	sld [smem:$0x3FA9]  }
0x31: {  	[smem:$0x3FB2] =	sst s10  }
0x32: {  	s10 =	sld [smem:$0x3FB0];
	_ =	sdelay $0x3  }
0x33: {  	p0 =	seq.s32 s10, $0x1;
	s10 =	sld [smem:$0x3FB2];
	_ =	sdelay $0x3  }
0x34: {  	[smem:$0x3FB2] =	sst s10  }
0x35: {  	s10 =	sld [smem:$0x3FB1];
	_ =	sdelay $0x3  }
0x36: {  	p1 =	seq.s32 s10, $0x1;
	s10 =	sld [smem:$0x3FB2];
	_ =	sdelay $0x3  }
0x37: {  	[smem:$0x3FB2] =	sst s10  }
0x38: {  	s10 =	sld [smem:$0x3FB3]  }
0x39: {  	_ = 	snop;
	(pc) =	sbr.ind lr, $3  }
0x3a: {  	_ = 	snop  }
0x3b: {  	_ = 	snop  }
0x3c: {  	p2 =	seq.s32 s10, $0x1;
	s10 =	sld [smem:$0x3FB2]  }
0x3d: {  	_ =	shalt  }
0x3e: {  	_ =	shalt  }
0x3f: {  	_ =	shalt  }
0x40: {  	_ =	shalt  }
0x41: {  	_ =	shalt  }
0x42: {  	_ =	shalt  }
0x43: {  	_ =	shalt  }
0x44: {  	_ =	shalt  }
0x45: {  	_ =	shalt  }
0x46: {  	_ =	shalt  }
0x47: {  	_ =	shalt  }
0x48: {  	_ =	shalt  }
0x49: {  	_ =	shalt  }
0x4a: {  	_ =	shalt  }
0x4b: {  	_ =	shalt  }
0x4c: {  	_ =	shalt  }
0x4d: {  	_ =	shalt  }
0x4e: {  	_ =	shalt  }
0x4f: {  	_ =	shalt  }
0x50: {  	_ =	shalt  }
0x51: {  	_ =	shalt  }
0x52: {  	_ =	shalt  }
0x53: {  	_ =	shalt  }
0x54: {  	_ =	shalt  }
0x55: {  	_ =	shalt  }
0x56: {  	_ =	shalt  }
0x57: {  	_ =	shalt  }
0x58: {  	_ =	shalt  }
0x59: {  	_ =	shalt  }
0x5a: {  	_ =	shalt  }
0x5b: {  	_ =	shalt  }
0x5c: {  	_ =	shalt  }
0x5d: {  	_ =	shalt  }
0x5e: {  	_ =	shalt  }
0x5f: {  	_ =	shalt  }
0x60: {  	_ =	shalt  }
0x61: {  	_ =	shalt  }
0x62: {  	_ =	shalt  }
0x63: {  	_ =	shalt  }
0x64: {  	_ =	shalt  }
0x65: {  	_ =	shalt  }
0x66: {  	_ =	shalt  }
0x67: {  	_ =	shalt  }
0x68: {  	_ =	shalt  }
0x69: {  	_ =	shalt  }
0x6a: {  	_ =	shalt  }
0x6b: {  	_ =	shalt  }
0x6c: {  	_ =	shalt  }
0x6d: {  	_ =	shalt  }
0x6e: {  	_ =	shalt  }
0x6f: {  	_ =	shalt  }
0x70: {  	_ =	shalt  }
0x71: {  	_ =	shalt  }
0x72: {  	_ =	shalt  }
0x73: {  	_ =	shalt  }
0x74: {  	_ =	shalt  }
0x75: {  	_ =	shalt  }
0x76: {  	_ =	shalt  }
0x77: {  	_ =	shalt  }
0x78: {  	_ =	shalt  }
0x79: {  	_ =	shalt  }
0x7a: {  	_ =	shalt  }
0x7b: {  	_ =	shalt  }
0x7c: {  	_ =	shalt  }
0x7d: {  	_ =	shalt  }
0x7e: {  	_ =	shalt  }
0x7f: {  	_ =	shalt  }
0x80: {  	_ =	shalt  }
0x81: {  	_ =	shalt  }
0x82: {  	_ =	shalt  }
0x83: {  	_ =	shalt  }
0x84: {  	_ =	shalt  }
0x85: {  	_ =	shalt  }
0x86: {  	_ =	shalt  }
0x87: {  	_ =	shalt  }
.Lfunc_end0:
.L_simem_size_0:
called_computation.6_lowered:
.L_overlay_start_0:
0x88: {  	s2 =	sld [smem:$0x3FD9]  }
0x89: {  	s3 =	sld [smem:$0x3FFE];
	_ =	sdelay $0x1  }
0x8a: {  	s1 =	srdreg.scid  }
0x8b: {  	s0 =	sand.u32 $0x1, s1  }
0x8c: {  	s16 =	sshll.u32 s0, $0xA;
	s2 =	sadd.s32 s3, s2  }
0x8d: {  	s2 =	sadd.s32 s2, s16  }
0x8e: {  	[smem:$0x3FBE] =	sst s2  }
0x8f: {  	_ = 	snop  }
0x90: {  	(tm) =	ssettm $0x1  }
0x91: {  	s17 =	sld [smem:$0x3FFB];
	_ =	sdelay $0x3  }
0x92: {  	_ =	strace s17  }
0x93: {  	s2 =	sld [smem:$0x3FFC];
	_ =	sdelay $0x3  }
0x94: {  	_ =	strace s2  }
0x95: {  	s2 =	sld [smem:$0x3FFD];
	_ =	sdelay $0x3  }
0x96: {  	_ =	strace s2  }
0x97: {  	_ =	strace $0x8FFFFFFF  }
0x98: {  	s18 =	sld [smem:$0x3FDB];
	_ =	sdelay $0x1  }
0x99: {  	s19 =	simm.s32 $_scs_section_size  }
0x9a: {  	s4 =	simm.s32 $_size__tile_overlayer_lowered;
	s5 =	simm.s32 $_tile_overlayer_lowered  }
0x9b: {  	s22 =	simm.s32 $0x1BFF;
	s21 =	sshll.u32 s5, $0x1;
	s2 =	sadd.s32 s19, s18  }
0x9c: {  	s6 =	simm.s32 $0x0;
	s20 =	sshll.u32 s4, $0x1;
	s4 =	sadd.s32 s21, s2  }
0x9d: {  	[timem:s6], [sflag:s22] =	dma.local [hbm:s4], s20  }
0x9e: {  	_ =	swait.ge [sflag:s22], s20  }
0x9f: {  	s3 =	ssub.s32 $0x0, s20;
	[sflag:s22] =	ssyncset.done $0x0  }
0xa0: {  	[sflag:s22] =	ssyncadd.s32 s3;
	_ =	sdelay $0x1  }
0xa1: {  	s23 =	simm.s32 $0x1B8B  }
0xa2: {  	_ =	swait.ge [sflag:s23], $0x1  }
0xa3: {  	[sflag:s23] =	ssyncset.done $0x0  }
0xa4: {  	s25 =	simm.s32 $0x1B8E;
	s24 =	sld [smem:$0x3FFE];
	[sflag:s23] =	ssyncadd.s32 $0xFFFFFFFF  }
0xa5: {  	s26 =	simm.s32 $execute0_lowered;
	[smem:$0x3FD2] =	sst s25  }
0xa6: {  	s4 =	sshll.u32 s26, $0x1;
	_ =	strace $0x80000058;
	[dreg:$0x1] =	wrdreg $0xFFFFFFFF  }
0xa7: {  	s28 =	simm.s32 $_size_execute0_lowered;
	s2 =	sadd.s32 s2, s4;
	[dreg:$0x0] =	wrdreg $0x0  }
0xa8: {  	s4 =	sshll.u32 s28, $0x1;
	[dreg:$0x2] =	wrdreg s2  }
0xa9: {  	[dreg:$0x3] =	wrdreg s4  }
0xaa: {  	[dreg:$0x4] =	wrdreg $0xC0  }
0xab: {  	_ =	task [dreg:s6], $0x5FFFF  }
0xac: {  	[dreg:$0x1] =	wrdreg $0xFFFFFFFF  }
0xad: {  	[dreg:$0x0] =	wrdreg $0x60  }
0xae: {  	[dreg:$0x2] =	wrdreg s24  }
0xaf: {  	[dreg:$0x3] =	wrdreg $0x126D80  }
0xb0: {  	[dreg:$0x4] =	wrdreg $0xD8B80  }
0xb1: {  	[dreg:$0x5] =	wrdreg $0x9  }
0xb2: {  	_ =	task.clear_ibuf [dreg:s6], $0x6FFFF;
	_ =	strace $0x90000058  }
0xb3: {  	s29 =	simm.s32 $0x9;
	_ =	strace $0x8000005A  }
0xb4: {  	_ =	swait.ge [sflag:s29], $0x1  }
0xb5: {  	[sflag:s29] =	ssyncadd.s32 $0xFFFFFFFF  }
0xb6: {  	_ =	strace $0x9000005A  }
0xb7: {  	_ =	sfence  }
0xb8: {  	s30 =	sld [smem:$0x0];
	_ =	sdelay $0x2  }
0xb9: {  	s31 =	sshll.u32 s1, $0xD;
	s1 =	sshrl.u32 s1, $0x2  }
0xba: {  	s3 =	sand.u32 $0x4000, s31;
	s1 =	sadd.s32 s1, s30  }
0xbb: {  	s0 =	sor.u32 s3, s0;
	s1 =	sshll.u32 s1, $0x11  }
0xbc: {  	s0 =	sor.u32 s1, s0  }
0xbd: {  	s0 =	sadd.s32 $0x8F2B, s0  }
0xbe: {  	[sflag:s0] =	ssyncadd.remote.s32 $0x1  }
0xbf: {  	_ =	sfence.sel $0xFFFF  }
0xc0: {  	[dreg:$0x0] =	wrdreg $0xFFFFFFFF;
	(pc) =	sbr.abs _section_cstart, $3  }
0xc1: {  	[dreg:$0x1] =	wrdreg $0xFFFFFFFF  }
0xc2: {  	_ =	task.clear_ibuf [dreg:s6], $0x2FFFF;
	_ =	strace $0x9FFFFFFF  }
0xc3: {  	(tm) =	ssettm $0x7FFFFFFF  }
tec
execute0_lowered:
.L_overlay_start_1:
0x0: {  	(tag) =	ssettag $0x1  }
0x1: {  	s1 =	rddreg [dreg:$0x0]  }
0x2: {  	s2 =	rddreg [dreg:$0x1]  }
0x3: {  	s3 =	rddreg [dreg:$0x2]  }
0x4: {  	s0 =	rddreg [dreg:$0x3];
	s4 =	simm.s32 $0x0  }
0x5: {  	s5 =	srdreg.scid;
	s12 =	stileid.u32;
	s15 =	simm.s32 $0x3E8  }
0x6: {  	s16 =	simm.s32 $0x7D0;
	s17 =	simm.s32 $0xBB8;
	s18 =	simm.s32 $0x1  }
0x7: {  	[smem:$0x7FF] =	sst s4;
	s8 =	sand.u32 $0x1, s5;
	s5 =	sadd.s32 $0x9E00, s1  }
0x8: {  	s6 =	sadd.s32 $0x14200, s1;
	s10 =	smul.u32 $0x14000, s12;
	s7 =	sadd.s32 $0x28E00, s1  }
0x9: {  	p0 =	sne.s32 s12, $0x0;
	_ =	strace $0x80000059;
	s9 =	smul.u32 $0xA000, s8  }
0xa: {  	s30 =	ssub.s32 $0x2, s8;
	s14 =	sshll.u32 s8, $0x4;
	s19 =	sshrl.u32 @!p0 s2, $0x3  }
0xb: {  	s13 =	sshrl.u32 s30, $0x1;
	s10 =	sshrl.u32 s10, $0x2;
	s31 =	sor.u32 s12, s14  }
0xc: {  	s12 =	simm.s32 $0x88B8;
	s14 =	sshrl.u32 @!p0 s3, $0x3;
	s11 =	sadd.s32 s9, s1  }
0xd: {  	s13 =	ssub.s32 s30, s13;
	s8 =	sadd.s32 s10, s2;
	s9 =	smul.u32 $0x2710, s31  }
0xe: {  	v0 =	vimm.f32 $0.0e+00;
	s10 =	sadd.s32 $0x32C00, s11;
	s11 =	smax.u32 s13, $0x1;
	s13 =	simm.s32 $0x2  }
.LBB2_1:
0xf: {  	s20 =	simm.s32 $0x80;
	s21 =	simm.s32 $0x0  }
.LBB2_2:
0x10: {  	p1 =	sne.s32 s20, $0x13F80;
	[tilespmem:s21+$0x88B8] =	vst v0;
	s22 =	smov.u32 s20;
	s20 =	sadd.s32 $0x80, s20  }
.Ltmp0:
0x11: {  	[tilespmem:s21+$0x88C8] =	vst v0;
	(pc) =	sbr.rel @p1 .LBB2_2-.Ltmp0, $2  }
0x12: {  	_ =	sdelay $0x2  }
0x13: {  	s21 =	sshra.s32 s22, $0x2  }
0x14: {  	[tilespmem:s21+$0x88B8] =	vst v0  }
0x15: {  	[tilespmem:s21+$0x88C8] =	vst v0  }
0x16: {  	[spmem:s8] =	stream.linear.scatter [tilespmem:s12], [sflag:$0x2], $0x5000, $0x38;
	[tilespmem:$0x176D8] =	vst v63  }
0x17: {  	_ =	swait.ge [sflag:s13], $0x5000  }
0x18: {  	[sflag:s13] =	ssyncset.done $0x0  }
0x19: {  	s20 =	simm.s32 @!p0 $0x1C02;
	[sflag:s13] =	ssyncadd.s32 $0xFFFFB000  }
0x1a: {  	[spmem:s14], [sflag:s20] =	dma.local @!p0 [hbm:s5], $0x9C40  }
0x1b: {  	s20 =	simm.s32 @!p0 $0x2  }
0x1c: {  	_ =	swait.ge @!p0 [sflag:s20], $0x9C40  }
0x1d: {  	[sflag:s20] =	ssyncset.done @!p0 $0x0  }
0x1e: {  	[sflag:s20] =	ssyncadd.s32 @!p0 $0xFFFF63C0  }
0x1f: {  	s21 =	simm.s32 $0x0;
	s20 =	simm.s32 $0x0;
	[bflag:$0x0] =	sbarrier.arrive $0xFFFF  }
.LBB2_4:
0x20: {  	s22 =	smul.u32 $0x3E8, s21;
	_ =	sdelay $0x1  }
0x21: {  	s22 =	sadd.s32 s9, s22  }
0x22: {  	s22 =	sshrl.u32 s22, $0x3  }
0x23: {  	s23 =	sadd.s32 s6, s22  }
0x24: {  	[tilespmem:s20], [sflag:$0x2] =	stream.linear.gather [hbm4b:s23+s20], $0x3E8, $0x38;
	[tilespmem:$0x176D8] =	vst v63  }
0x25: {  	_ =	swait.ge [sflag:s13], $0x3E8  }
0x26: {  	[sflag:s13] =	ssyncset.done $0x0  }
0x27: {  	s28 =	sadd.s32 s7, s22;
	[sflag:s13] =	ssyncadd.s32 $0xFFFFFC18  }
0x28: {  	[tilespmem:s15], [sflag:$0x2] =	stream.linear.gather [hbm4b:s28+s20], $0x3E8, $0x38;
	[tilespmem:$0x176D8] =	vst v63  }
0x29: {  	_ =	swait.ge [sflag:s13], $0x3E8  }
0x2a: {  	[sflag:s13] =	ssyncset.done $0x0  }
0x2b: {  	s22 =	sadd.s32 s1, s22;
	[sflag:s13] =	ssyncadd.s32 $0xFFFFFC18  }
0x2c: {  	v1 =	vmov s20;
	[tilespmem:s16], [sflag:$0x2] =	stream.linear.gather [hbm4b:s22+s20], $0x3E8, $0x38;
	[tilespmem:$0x176D8] =	vst v63  }
0x2d: {  	v1 =	vand.u32 $0xFFFFFFFC, v1;
	_ =	swait.ge [sflag:s13], $0x3E8  }
0x2e: {  	v1 =	vbroadcast v1, $0x0;
	[sflag:s13] =	ssyncset.done $0x0  }
0x2f: {  	[sflag:s13] =	ssyncadd.s32 $0xFFFFFC18  }
0x30: {  	[tilespmem:s17], [sflag:$0x1] =	stream.indirect.gather [spmem:s3], $0x20, s20, s15, $0xb8;
	[tilespmem:$0x176D8] =	vst v63  }
0x31: {  	_ =	swait.ge [sflag:s18], $0x7D00  }
0x32: {  	[sflag:s18] =	ssyncset.done $0x0  }
0x33: {  	[sflag:s18] =	ssyncadd.s32 $0xFFFF8300  }
0x34: {  	s22 =	simm.s32 $0xBF8;
	v1 =	vld.idx.msk [tilespmem:v1+s16+$0x0], $0xffff  }
0x35: {  	s29 =	simm.s32 $0x1;
	v2 =	vld [tilespmem:s22+$0xFFFFFFC0]  }
0x36: {  	v4 =	vmov s29;
	v3 =	vld [tilespmem:s22+$0xFFFFFFD0]  }
0x37: {  	v4 =	vand.u32 $0xFFFFFFFD, v4  }
0x38: {  	v4 =	vbroadcast v4, $0x0;
	_ =	sdelay $0x1  }
0x39: {  	v2 =	vmul.f32 v2, v1  }
0x3a: {  	v1 =	vmul.f32 v3, v1  }
0x3b: {  	[tilespmem:s22+$0xFFFFFFC0] =	vst v2  }
0x3c: {  	[tilespmem:s22+$0xFFFFFFD0] =	vst v1;
	v2 =	vld [tilespmem:s22+$0xFFFFFFE0]  }
0x3d: {  	s30 =	simm.s32 $0x2;
	v1 =	vld.idx.msk [tilespmem:v4+s16+$0x0], $0xffff  }
0x3e: {  	v3 =	vld [tilespmem:s22+$0xFFFFFFF0];
	v4 =	vmov s30  }
0x3f: {  	v4 =	vand.u32 $0xFFFFFFFE, v4  }
0x40: {  	v4 =	vbroadcast v4, $0x0;
	_ =	sdelay $0x1  }
0x41: {  	v2 =	vmul.f32 v2, v1  }
0x42: {  	v1 =	vmul.f32 v3, v1  }
0x43: {  	[tilespmem:s22+$0xFFFFFFE0] =	vst v2  }
0x44: {  	[tilespmem:s22+$0xFFFFFFF0] =	vst v1;
	v1 =	vld [tilespmem:s22+$0x10]  }
0x45: {  	v2 =	vld.idx.msk [tilespmem:v4+s16+$0x0], $0xffff  }
0x46: {  	v3 =	vld [tilespmem:s22+$0x0];
	_ =	sdelay $0x1  }
0x47: {  	s31 =	simm.s32 $0x3  }
0x48: {  	v4 =	vmov s31  }
0x49: {  	v1 =	vmul.f32 v1, v2  }
0x4a: {  	v2 =	vmul.f32 v3, v2  }
0x4b: {  	[tilespmem:s22+$0x10] =	vst v1  }
0x4c: {  	[tilespmem:s22+$0x0] =	vst v2;
	v1 =	vld [tilespmem:s22+$0x30]  }
0x4d: {  	v2 =	vld.idx.msk [tilespmem:v4+s16+$0x0], $0xffff  }
0x4e: {  	s23 =	simm.s32 $0x4;
	v4 =	vld [tilespmem:s22+$0x20]  }
0x4f: {  	v3 =	vmov s23  }
0x50: {  	v3 =	vand.u32 $0xFFFFFFFC, v3  }
0x51: {  	s24 =	simm.s32 $0x8;
	v3 =	vbroadcast v3, $0x0  }
.LBB2_5:
0x52: {  	p1 =	slt.u32 s24, $0x3E4  }
0x53: {  	v1 =	vmul.f32 v1, v2;
	v4 =	vmul.f32 v4, v2;
	_ =	sdelay $0x1  }
0x54: {  	[tilespmem:s22+$0x20] =	vst v4  }
0x55: {  	[tilespmem:s22+$0x30] =	vst v1  }
0x56: {  	s22 =	sadd.s32 $0x80, s22;
	v1 =	vld.idx.msk [tilespmem:v3+s16+$0x0], $0xffff  }
0x57: {  	s25 =	sadd.s32 $0x1, s23;
	v2 =	vld [tilespmem:s22+$0xFFFFFFC0]  }
0x58: {  	v4 =	vmov s25;
	v3 =	vld [tilespmem:s22+$0xFFFFFFD0]  }
0x59: {  	v4 =	vand.u32 $0xFFFFFFFD, v4  }
0x5a: {  	v4 =	vbroadcast v4, $0x0;
	_ =	sdelay $0x1  }
0x5b: {  	v2 =	vmul.f32 v2, v1  }
0x5c: {  	v1 =	vmul.f32 v3, v1  }
0x5d: {  	[tilespmem:s22+$0xFFFFFFC0] =	vst v2  }
0x5e: {  	[tilespmem:s22+$0xFFFFFFD0] =	vst v1  }
0x5f: {  	v1 =	vld.idx.msk [tilespmem:v4+s16+$0x0], $0xffff  }
0x60: {  	s25 =	sadd.s32 $0x2, s23;
	v2 =	vld [tilespmem:s22+$0xFFFFFFE0]  }
0x61: {  	v4 =	vmov s25;
	v3 =	vld [tilespmem:s22+$0xFFFFFFF0]  }
0x62: {  	v4 =	vand.u32 $0xFFFFFFFE, v4  }
0x63: {  	v4 =	vbroadcast v4, $0x0;
	_ =	sdelay $0x1  }
0x64: {  	v2 =	vmul.f32 v2, v1  }
0x65: {  	v1 =	vmul.f32 v3, v1  }
0x66: {  	[tilespmem:s22+$0xFFFFFFE0] =	vst v2  }
0x67: {  	[tilespmem:s22+$0xFFFFFFF0] =	vst v1;
	v1 =	vld [tilespmem:s22+$0x10]  }
0x68: {  	v2 =	vld.idx.msk [tilespmem:v4+s16+$0x0], $0xffff  }
0x69: {  	v3 =	vld [tilespmem:s22+$0x0];
	_ =	sdelay $0x2  }
0x6a: {  	s25 =	sadd.s32 $0x3, s23;
	s23 =	smov.u32 s24  }
0x6b: {  	v4 =	vmov s25  }
0x6c: {  	v1 =	vmul.f32 v1, v2;
	v3 =	vmul.f32 v3, v2;
	_ =	sdelay $0x1  }
0x6d: {  	[tilespmem:s22+$0x10] =	vst v1  }
0x6e: {  	[tilespmem:s22+$0x0] =	vst v3;
	v1 =	vld [tilespmem:s22+$0x30]  }
.Ltmp1:
0x6f: {  	v2 =	vld.idx.msk [tilespmem:v4+s16+$0x0], $0xffff;
	(pc) =	sbr.rel @p1 .LBB2_5-.Ltmp1, $4  }
0x70: {  	v4 =	vld [tilespmem:s22+$0x20]  }
0x71: {  	v3 =	vmov s24  }
0x72: {  	v3 =	vand.u32 $0xFFFFFFFC, v3  }
0x73: {  	s24 =	sadd.s32 $0x4, s24;
	v3 =	vbroadcast v3, $0x0  }
0x74: {  	_ = 	snop  }
0x75: {  	v1 =	vmul.f32 v1, v2  }
0x76: {  	v4 =	vmul.f32 v4, v2  }
0x77: {  	s29 =	sadd.s32 $0x80, s22;
	[tilespmem:s22+$0x30] =	vst v1  }
0x78: {  	v2 =	vld [tilespmem:s29+$0xFFFFFFC0];
	[tilespmem:s22+$0x20] =	vst v4  }
0x79: {  	s24 =	sadd.s32 $0x1, s23;
	v1 =	vld.idx.msk [tilespmem:v3+s16+$0x0], $0xffff  }
0x7a: {  	v61 =	vmov s24;
	v3 =	vld [tilespmem:s29+$0xFFFFFFD0]  }
0x7b: {  	v4 =	vand.u32 $0xFFFFFFFD, v61  }
0x7c: {  	v4 =	vbroadcast v4, $0x0;
	_ =	sdelay $0x1  }
0x7d: {  	v2 =	vmul.f32 v2, v1  }
0x7e: {  	v1 =	vmul.f32 v3, v1  }
0x7f: {  	[tilespmem:s29+$0xFFFFFFC0] =	vst v2  }
0x80: {  	[tilespmem:s29+$0xFFFFFFD0] =	vst v1;
	v2 =	vld [tilespmem:s29+$0xFFFFFFE0]  }
0x81: {  	s30 =	sadd.s32 $0x2, s23;
	v1 =	vld.idx.msk [tilespmem:v4+s16+$0x0], $0xffff  }
0x82: {  	v62 =	vmov s30;
	v3 =	vld [tilespmem:s29+$0xFFFFFFF0]  }
0x83: {  	v4 =	vand.u32 $0xFFFFFFFE, v62  }
0x84: {  	v4 =	vbroadcast v4, $0x0;
	_ =	sdelay $0x1  }
0x85: {  	v2 =	vmul.f32 v2, v1  }
0x86: {  	v1 =	vmul.f32 v3, v1  }
0x87: {  	[tilespmem:s29+$0xFFFFFFE0] =	vst v2  }
0x88: {  	[tilespmem:s29+$0xFFFFFFF0] =	vst v1;
	v1 =	vld [tilespmem:s29+$0x10]  }
0x89: {  	v2 =	vld.idx.msk [tilespmem:v4+s16+$0x0], $0xffff  }
0x8a: {  	v3 =	vld [tilespmem:s29+$0x0];
	_ =	sdelay $0x1  }
0x8b: {  	s31 =	sadd.s32 $0x3, s23  }
0x8c: {  	v63 =	vmov s31  }
0x8d: {  	v1 =	vmul.f32 v1, v2  }
0x8e: {  	v2 =	vmul.f32 v3, v2  }
0x8f: {  	[tilespmem:s29+$0x10] =	vst v1  }
0x90: {  	[tilespmem:s29+$0x0] =	vst v2;
	v2 =	vld [tilespmem:s29+$0x20]  }
0x91: {  	v1 =	vld.idx.msk [tilespmem:v63+s16+$0x0], $0xffff  }
0x92: {  	v3 =	vld [tilespmem:s29+$0x30];
	_ =	sdelay $0x3  }
0x93: {  	v2 =	vmul.f32 v2, v1  }
0x94: {  	s21 =	sadd.s32 $0x1, s21;
	v1 =	vmul.f32 v3, v1  }
0x95: {  	p1 =	sne.s32 s21, $0xA;
	[tilespmem:s29+$0x20] =	vst v2  }
.Ltmp2:
0x96: {  	[tilespmem:s29+$0x30] =	vst v1;
	(pc) =	sbr.rel @p1 .LBB2_4-.Ltmp2, $4  }
0x97: {  	[spmem:s2] =	stream.indirect.scatter.add.f32 [tilespmem:s17], [sflag:$0x2], $0x20, s15, s15, $0xb8;
	[tilespmem:$0x176D8] =	vst v63  }
0x98: {  	_ =	swait.ge [sflag:s13], $0x7D00  }
0x99: {  	[sflag:s13] =	ssyncset.done $0x0  }
0x9a: {  	[sflag:s13] =	ssyncadd.s32 $0xFFFF8300  }
0x9b: {  	[bflag:$0x0] =	sbarrier.arrive $0xFFFF;
	s20 =	simm.s32 @!p0 $0x1C02;
	s4 =	sadd.s32 $0x1, s4  }
0x9c: {  	[hbm:s10], [sflag:s20] =	dma.local @!p0 [spmem:s19], $0xA000  }
0x9d: {  	p1 =	sne.s32 s4, s11  }
.Ltmp3:
0x9e: {  	_ = 	snop;
	(pc) =	sbr.rel @p1 .LBB2_1-.Ltmp3, $4  }
0x9f: {  	s20 =	simm.s32 @!p0 $0x2  }
0xa0: {  	_ =	swait.ge @!p0 [sflag:s20], $0xA000  }
0xa1: {  	[sflag:s20] =	ssyncset.done @!p0 $0x0  }
0xa2: {  	[sflag:s20] =	ssyncadd.s32 @!p0 $0xFFFF6000  }
0xa3: {  	_ =	sfence.sel $0x180000  }
0xa4: {  	[bflag:$0x0] =	sbarrier.arrive $0xFFFF  }
0xa5: {  	_ =	strace $0x90000059  }
0xa6: {  	s0 =	sadd.s32 @!p0 $0x100000, s0;
	[bflag:$0x2] =	sbarrier.arrive $0xFFFF  }
0xa7: {  	[sflag:s0] =	ssyncadd.tile.s32 @!p0 $0x1;
	_ =	shalt  }
.Lfunc_end2:
_tile_overlayer_lowered:
.L_overlay_start_2:
0xa8: {  	(tag) =	ssettag $0x2  }
0xa9: {  	s0 =	rddreg [dreg:$0x0];
	s2 =	stileid.u32  }
0xaa: {  	s1 =	rddreg [dreg:$0x1];
	p0 =	sne.s32 s2, $0x0  }
0xab: {  	s3 =	rddreg [dreg:$0x2];
	[bflag:$0x3] =	sbarrier.arrive $0xFFFF;
	s2 =	simm.s32 @!p0 $0x1C02  }
0xac: {  	[timem:s3], [sflag:s2] =	dma.local @!p0 [hbm:s0], s1  }
0xad: {  	s0 =	simm.s32 @!p0 $0x2  }
0xae: {  	_ =	swait.ge @!p0 [sflag:s0], s1  }
0xaf: {  	s1 =	ssub.s32 @!p0 $0x0, s1;
	[sflag:s0] =	ssyncset.done @!p0 $0x0  }
0xb0: {  	[sflag:s0] =	ssyncadd.s32 @!p0 s1  }
0xb1: {  	[bflag:$0x3] =	sbarrier.arrive $0xFFFF  }
0xb2: {  	_ =	shalt  }

// kernel: scatter_offload_async_start
scs
__scs_entry_jumppad:
0x0: {  	(pc) =	sbr.rel $0x88, $3  }
0x1: {  	(tag) =	ssettag $0x0;
	lr =	simm.s32 $0x1  }
0x2: {  	[smem:$0x3F97] =	sst lr;
	_ =	strace $0xD0000000  }
0x3: {  	_ = 	snop  }
0x4: {  	_ = 	snop  }
0x5: {  	_ = 	snop  }
0x6: {  	_ = 	snop  }
0x7: {  	_ = 	snop  }
__scs_overlays_trampoline_lowered:
0x8: {  	[smem:$0x3FA6] =	sst s0  }
0x9: {  	[smem:$0x3FA7] =	sst s1  }
0xa: {  	[smem:$0x3FA8] =	sst s2  }
0xb: {  	[smem:$0x3FA9] =	sst s3  }
0xc: {  	[smem:$0x3FAA] =	sst s4  }
0xd: {  	[smem:$0x3FAB] =	sst s5  }
0xe: {  	[smem:$0x3FAC] =	sst s6  }
0xf: {  	[smem:$0x3FAD] =	sst s7  }
0x10: {  	[smem:$0x3FAE] =	sst s8  }
0x11: {  	[smem:$0x3FAF] =	sst s9;
	s0 =	simm.s32 @!p0 $0x0  }
0x12: {  	s1 =	sld [smem:$0x3F95];
	s0 =	simm.s32 @p0 $0x1  }
0x13: {  	[smem:$0x3FB0] =	sst s0;
	s0 =	simm.s32 @!p1 $0x0  }
0x14: {  	s2 =	sld [smem:$0x3F94];
	s0 =	simm.s32 @p1 $0x1  }
0x15: {  	[smem:$0x3FB1] =	sst s0;
	s0 =	simm.s32 @!p2 $0x0  }
0x16: {  	s3 =	sld [smem:$0x3FDB];
	s0 =	simm.s32 @p2 $0x1  }
0x17: {  	s4 =	simm.s32 $0x1BF5;
	[smem:$0x3FB3] =	sst s0  }
0x18: {  	s0 =	sld [smem:$0x3F96];
	_ =	swait.ge [sflag:s4], $0x0  }
0x19: {  	s7 =	sld [smem:$0x3F97]  }
0x1a: {  	s8 =	sadd.s32 $0xFFFFE003, lr  }
0x1b: {  	s9 =	sadd.s32 $0xFFFFFEF7, lr;
	s5 =	simm.s32 $0xFFFFFFFF;
	p2 =	slt.u32 s8, $0xFFFFF086  }
0x1c: {  	p1 =	slt.u32 s9, $0xF7A;
	s5 =	simm.s32 @!p2 $0x0  }
0x1d: {  	s5 =	simm.s32 @p1 $0x1;
	p0 =	seq.s32 s7, s2  }
0x1e: {  	s7 =	smul.u32 @!p0 $0xF7A, s2;
	p2 =	seq.s32 @!p0 s5, $0x0  }
0x1f: {  	s9 =	smul.u32 $0xF7A, s1;
	s8 =	simm.s32 @!p0 $0x1BF5;
	p2 =	por !p2, p0  }
0x20: {  	[sflag:s8] =	ssyncset.s32 @!p0 $0xFFFFF086;
	s6 =	sadd.s32 @!p0 s3, s7;
	s7 =	simm.s32 @!p0 $0x108  }
0x21: {  	s3 =	sadd.s32 s3, s9;
	s6 =	sadd.s32 @!p0 $0x88, s6;
	s7 =	simm.s32 @p2 $0x1082  }
0x22: {  	[simem:s7], [sflag:s8] =	dma.local @!p0 [hbm:s6], $0xF7A  }
0x23: {  	s9 =	sor.u32 $0xD0000000, s2;
	s6 =	simm.s32 $0x108;
	_ =	swait.ge @!p0 [sflag:s8], $0x0  }
0x24: {  	s3 =	sadd.s32 $0x88, s3;
	s6 =	simm.s32 @!p1 $0x1082;
	[sflag:s4] =	ssyncset.s32 $0xFFFFF086  }
0x25: {  	[simem:s6], [sflag:s4] =	dma.local [hbm:s3], $0xF7A  }
0x26: {  	[smem:$0x3F97] =	sst s1;
	(tag) =	ssettag s2;
	_ =	strace s9  }
0x27: {  	s1 =	sld [smem:$0x3FA7]  }
0x28: {  	s2 =	sld [smem:$0x3FA8]  }
0x29: {  	s4 =	sld [smem:$0x3FAA]  }
0x2a: {  	p0 =	seq.s32 s5, $0x0;
	s5 =	sld [smem:$0x3FAB]  }
0x2b: {  	s6 =	sld [smem:$0x3FAC]  }
0x2c: {  	s7 =	sld [smem:$0x3FAD]  }
0x2d: {  	s3 =	simm.s32 $0x108;
	s8 =	sld [smem:$0x3FAE]  }
0x2e: {  	s3 =	simm.s32 @!p0 $0x1082;
	s9 =	sld [smem:$0x3FAF]  }
0x2f: {  	lr =	sadd.s32 s0, s3;
	s0 =	sld [smem:$0x3FA6]  }
0x30: {  	s3 =	sld [smem:$0x3FA9]  }
0x31: {  	[smem:$0x3FB2] =	sst s10  }
0x32: {  	s10 =	sld [smem:$0x3FB0];
	_ =	sdelay $0x3  }
0x33: {  	p0 =	seq.s32 s10, $0x1;
	s10 =	sld [smem:$0x3FB2];
	_ =	sdelay $0x3  }
0x34: {  	[smem:$0x3FB2] =	sst s10  }
0x35: {  	s10 =	sld [smem:$0x3FB1];
	_ =	sdelay $0x3  }
0x36: {  	p1 =	seq.s32 s10, $0x1;
	s10 =	sld [smem:$0x3FB2];
	_ =	sdelay $0x3  }
0x37: {  	[smem:$0x3FB2] =	sst s10  }
0x38: {  	s10 =	sld [smem:$0x3FB3]  }
0x39: {  	_ = 	snop;
	(pc) =	sbr.ind lr, $3  }
0x3a: {  	_ = 	snop  }
0x3b: {  	_ = 	snop  }
0x3c: {  	p2 =	seq.s32 s10, $0x1;
	s10 =	sld [smem:$0x3FB2]  }
0x3d: {  	_ =	shalt  }
0x3e: {  	_ =	shalt  }
0x3f: {  	_ =	shalt  }
0x40: {  	_ =	shalt  }
0x41: {  	_ =	shalt  }
0x42: {  	_ =	shalt  }
0x43: {  	_ =	shalt  }
0x44: {  	_ =	shalt  }
0x45: {  	_ =	shalt  }
0x46: {  	_ =	shalt  }
0x47: {  	_ =	shalt  }
0x48: {  	_ =	shalt  }
0x49: {  	_ =	shalt  }
0x4a: {  	_ =	shalt  }
0x4b: {  	_ =	shalt  }
0x4c: {  	_ =	shalt  }
0x4d: {  	_ =	shalt  }
0x4e: {  	_ =	shalt  }
0x4f: {  	_ =	shalt  }
0x50: {  	_ =	shalt  }
0x51: {  	_ =	shalt  }
0x52: {  	_ =	shalt  }
0x53: {  	_ =	shalt  }
0x54: {  	_ =	shalt  }
0x55: {  	_ =	shalt  }
0x56: {  	_ =	shalt  }
0x57: {  	_ =	shalt  }
0x58: {  	_ =	shalt  }
0x59: {  	_ =	shalt  }
0x5a: {  	_ =	shalt  }
0x5b: {  	_ =	shalt  }
0x5c: {  	_ =	shalt  }
0x5d: {  	_ =	shalt  }
0x5e: {  	_ =	shalt  }
0x5f: {  	_ =	shalt  }
0x60: {  	_ =	shalt  }
0x61: {  	_ =	shalt  }
0x62: {  	_ =	shalt  }
0x63: {  	_ =	shalt  }
0x64: {  	_ =	shalt  }
0x65: {  	_ =	shalt  }
0x66: {  	_ =	shalt  }
0x67: {  	_ =	shalt  }
0x68: {  	_ =	shalt  }
0x69: {  	_ =	shalt  }
0x6a: {  	_ =	shalt  }
0x6b: {  	_ =	shalt  }
0x6c: {  	_ =	shalt  }
0x6d: {  	_ =	shalt  }
0x6e: {  	_ =	shalt  }
0x6f: {  	_ =	shalt  }
0x70: {  	_ =	shalt  }
0x71: {  	_ =	shalt  }
0x72: {  	_ =	shalt  }
0x73: {  	_ =	shalt  }
0x74: {  	_ =	shalt  }
0x75: {  	_ =	shalt  }
0x76: {  	_ =	shalt  }
0x77: {  	_ =	shalt  }
0x78: {  	_ =	shalt  }
0x79: {  	_ =	shalt  }
0x7a: {  	_ =	shalt  }
0x7b: {  	_ =	shalt  }
0x7c: {  	_ =	shalt  }
0x7d: {  	_ =	shalt  }
0x7e: {  	_ =	shalt  }
0x7f: {  	_ =	shalt  }
0x80: {  	_ =	shalt  }
0x81: {  	_ =	shalt  }
0x82: {  	_ =	shalt  }
0x83: {  	_ =	shalt  }
0x84: {  	_ =	shalt  }
0x85: {  	_ =	shalt  }
0x86: {  	_ =	shalt  }
0x87: {  	_ =	shalt  }
.Lfunc_end0:
.L_simem_size_0:
called_computation_lowered:
.L_overlay_start_0:
0x88: {  	s0 =	sld [smem:$0x3FD9]  }
0x89: {  	s1 =	sld [smem:$0x3FFE];
	_ =	sdelay $0x3  }
0x8a: {  	s0 =	sadd.s32 s1, s0  }
0x8b: {  	[smem:$0x3FBE] =	sst s0  }
0x8c: {  	_ = 	snop  }
0x8d: {  	(tm) =	ssettm $0x1  }
0x8e: {  	s15 =	sld [smem:$0x3FFB];
	_ =	sdelay $0x3  }
0x8f: {  	_ =	strace s15  }
0x90: {  	s0 =	sld [smem:$0x3FFC];
	_ =	sdelay $0x3  }
0x91: {  	_ =	strace s0  }
0x92: {  	s0 =	sld [smem:$0x3FFD];
	_ =	sdelay $0x3  }
0x93: {  	_ =	strace s0  }
0x94: {  	_ =	strace $0x8FFFFFFF  }
0x95: {  	s16 =	sld [smem:$0x3FDB];
	_ =	sdelay $0x1  }
0x96: {  	s17 =	simm.s32 $_scs_section_size  }
0x97: {  	s2 =	simm.s32 $_size__tile_overlayer_lowered;
	s3 =	simm.s32 $_tile_overlayer_lowered  }
0x98: {  	s20 =	simm.s32 $0x1BFF;
	s19 =	sshll.u32 s3, $0x1;
	s0 =	sadd.s32 s17, s16  }
0x99: {  	s4 =	simm.s32 $0x0;
	s18 =	sshll.u32 s2, $0x1;
	s2 =	sadd.s32 s19, s0  }
0x9a: {  	[timem:s4], [sflag:s20] =	dma.local [hbm:s2], s18  }
0x9b: {  	_ =	swait.ge [sflag:s20], s18  }
0x9c: {  	s1 =	ssub.s32 $0x0, s18;
	[sflag:s20] =	ssyncset.done $0x0  }
0x9d: {  	[sflag:s20] =	ssyncadd.s32 s1;
	_ =	sdelay $0x1  }
0x9e: {  	s21 =	simm.s32 $0x1B8B  }
0x9f: {  	_ =	swait.ge [sflag:s21], $0x1  }
0xa0: {  	[sflag:s21] =	ssyncset.done $0x0  }
0xa1: {  	s23 =	simm.s32 $0x1B8E;
	s22 =	sld [smem:$0x3FFE];
	[sflag:s21] =	ssyncadd.s32 $0xFFFFFFFF  }
0xa2: {  	s24 =	simm.s32 $execute0_lowered;
	[smem:$0x3FD2] =	sst s23  }
0xa3: {  	s2 =	sshll.u32 s24, $0x1;
	_ =	strace $0x80000052;
	[dreg:$0x1] =	wrdreg $0xFFFFFFFF  }
0xa4: {  	s25 =	simm.s32 $_size_execute0_lowered;
	s0 =	sadd.s32 s0, s2;
	[dreg:$0x0] =	wrdreg $0x0  }
0xa5: {  	s2 =	sshll.u32 s25, $0x1;
	[dreg:$0x2] =	wrdreg s0  }
0xa6: {  	[dreg:$0x3] =	wrdreg s2  }
0xa7: {  	[dreg:$0x4] =	wrdreg $0xC0  }
0xa8: {  	_ =	task [dreg:s4], $0x5FFFF  }
0xa9: {  	[dreg:$0x1] =	wrdreg $0xFFFFFFFF  }
0xaa: {  	[dreg:$0x0] =	wrdreg $0x60  }
0xab: {  	[dreg:$0x2] =	wrdreg s22  }
0xac: {  	[dreg:$0x3] =	wrdreg $0x9  }
0xad: {  	_ =	task.clear_ibuf [dreg:s4], $0x4FFFF;
	_ =	strace $0x90000052  }
0xae: {  	s26 =	simm.s32 $0x9;
	_ =	strace $0x80000054  }
0xaf: {  	_ =	swait.ge [sflag:s26], $0x1  }
0xb0: {  	[sflag:s26] =	ssyncadd.s32 $0xFFFFFFFF  }
0xb1: {  	_ =	strace $0x90000054  }
0xb2: {  	_ =	sfence  }
0xb3: {  	s28 =	sld [smem:$0x0];
	_ =	sdelay $0x1  }
0xb4: {  	s29 =	srdreg.scid  }
0xb5: {  	s30 =	sshll.u32 s29, $0xD;
	s31 =	sshrl.u32 s29, $0x2  }
0xb6: {  	s1 =	sand.u32 $0x1, s29;
	s2 =	sand.u32 $0x4000, s30;
	s0 =	sadd.s32 s31, s28  }
0xb7: {  	s1 =	sor.u32 s2, s1;
	s0 =	sshll.u32 s0, $0x11  }
0xb8: {  	s0 =	sor.u32 s0, s1  }
0xb9: {  	s0 =	sadd.s32 $0x8F2B, s0  }
0xba: {  	[sflag:s0] =	ssyncadd.remote.s32 $0x1  }
0xbb: {  	_ =	sfence.sel $0xFFFF  }
0xbc: {  	[dreg:$0x0] =	wrdreg $0xFFFFFFFF;
	(pc) =	sbr.abs _section_cstart, $3  }
0xbd: {  	[dreg:$0x1] =	wrdreg $0xFFFFFFFF  }
0xbe: {  	_ =	task.clear_ibuf [dreg:s4], $0x2FFFF;
	_ =	strace $0x9FFFFFFF  }
0xbf: {  	(tm) =	ssettm $0x7FFFFFFF  }
tec
execute0_lowered:
.L_overlay_start_1:
0x0: {  	(tag) =	ssettag $0x1  }
0x1: {  	s0 =	rddreg [dreg:$0x0];
	_ =	strace $0x80000053;
	s15 =	stileid.u32  }
0x2: {  	s2 =	simm.s32 $0x1;
	s1 =	smin.u32 s15, $0x8;
	s3 =	sshll.u32 s15, $0x1  }
0x3: {  	v1 =	vimm.s32 $0xFFFFFFFF;
	[sflag:s2] =	ssyncpa.u1 $0x0;
	s1 =	sadd.s32 s1, s3  }
0x4: {  	p0 =	slt.u32 s15, $0x8;
	[tilespmem:$0x10] =	vst v1;
	s4 =	smul.u32 $0x1F40, s1;
	s1 =	simm.s32 $0x5DC0  }
0x5: {  	v0 =	vimm.f32 $0.0e+00;
	[tilespmem:$0x20] =	vst v1;
	s1 =	simm.s32 @!p0 $0x3E80  }
0x6: {  	[tilespmem:$0x30] =	vst v0;
	s1 =	sadd.s32 s1, s4  }
0x7: {  	[tilespmem:$0x40] =	vst v0;
	s5 =	smin.u32 s1, $0x4E200  }
0x8: {  	s7 =	simm.s32 $0x2;
	s8 =	simm.s32 $0x8;
	[tilespmem:$0x50] =	vst v0;
	s9 =	ssub.s32 s5, s4  }
0x9: {  	s31 =	simm.s32 $0x9;
	s16 =	simm.s32 $0x0;
	[tilespmem:$0x60] =	vst v1;
	p0 =	sgt.s32 s9, $0x0  }
0xa: {  	s17 =	simm.s32 $0xF0;
	s18 =	simm.s32 $0xFFFFFFFF;
	[tilespmem:$0x70] =	vst v1;
	s9 =	simm.s32 @!p0 $0x0  }
0xb: {  	s19 =	simm.s32 $0xFFFFC280;
	s20 =	simm.s32 $0xFFFFFFFE;
	[tilespmem:$0x80] =	vst v1;
	s30 =	smulhi.u32 $0x10624DD3, s9  }
0xc: {  	s21 =	simm.s32 $0xF;
	s25 =	simm.s32 $0x0;
	s24 =	simm.s32 $0x0;
	v1 =	vimm.s32 $0x0;
	[tilespmem:$0xB0] =	vst v0  }
0xd: {  	s6 =	sadd.s32 $0x50800, s0;
	s15 =	sshllo.u32 s15, $0x1;
	[tilespmem:$0x90] =	vst v1;
	s10 =	sshrl.u32 s30, $0x9  }
0xe: {  	[tilespmem:$0xA0] =	vst v1;
	[sflag:s7] =	ssyncpa.u1 $0x0;
	s7 =	simm.s32 $0x7;
	s11 =	smul.u32 $0x1F40, s10  }
.Ltmp0:
0xf: {  	s13 =	sor.u32 $0x80, s3;
	[sflag:s7] =	ssyncpa.u1 $0x0;
	(pc) =	sbr.rel .LBB2_1-.Ltmp0, $4  }
0x10: {  	s14 =	sor.u32 $0x81, s3;
	[sflag:s8] =	ssyncpa.u1 $0x0;
	p0 =	sne.s32 s9, s11  }
0x11: {  	s23 =	smov.u32 s4;
	s1 =	sadd.s32 $0x1E000, s0;
	s2 =	simm.s32 @!p0 $0x0  }
0x12: {  	vm0 =	vmmov $0xffff;
	v2 =	vlaneseq.u32;
	[sflag:s31] =	ssyncpa.u1 $0x0;
	s9 =	sadd.s32 $0x5A600, s0;
	s10 =	sadd.s32 s2, s10  }
0x13: {  	vm1 =	vmxor vm1, vm1;
	vm2 =	vmmov $0x1;
	vm3 =	vcmask $0x3F3C;
	p0 =	por $0x0, $0x0;
	s11 =	sadd.s32 $0x1, s10;
	s12 =	sadd.s32 $0x2, s10  }
.LBB2_9:
0x14: {  	p1 =	slt.u32 s24, $0x3  }
0x15: {  	s0 =	simm.s32 @!p1 $0x2  }
0x16: {  	_ =	swait.ge @!p1 [sflag:s0], $0x1F40  }
0x17: {  	[sflag:s0] =	ssyncset.done @!p1 $0x0  }
0x18: {  	[sflag:s0] =	ssyncadd.s32 @!p1 $0xFFFFE0C0;
	s0 =	simm.s32 @!p1 $0x9  }
0x19: {  	_ =	swait.ge @!p1 [sflag:s0], $0x10  }
0x1a: {  	[sflag:s0] =	ssyncset.done @!p1 $0x0  }
0x1b: {  	[sflag:s0] =	ssyncadd.s32 @!p1 $0xFFFFFFF0;
	p1 =	sne.s32 s24, s12  }
.Ltmp1:
0x1c: {  	s2 =	sadd.s32 $0x1F40, s23;
	(pc) =	sbr.rel @!p1 .LBB2_10-.Ltmp1, $4  }
0x1d: {  	s22 =	smov.u32 s4;
	s31 =	sadd.s32 $0x1, s24;
	s17 =	sadd.s32 $0x1F40, s17  }
0x1e: {  	s18 =	sadd.s32 $0x1, s18;
	s25 =	smov.u32 s23;
	p2 =	slt.s32 s2, s5  }
0x1f: {  	p0 =	por !p0, !p0;
	s19 =	sadd.s32 $0x1F40, s19;
	s22 =	smov.u32 @p2 s2  }
0x20: {  	s20 =	sadd.s32 $0x1, s20;
	s23 =	smov.u32 s22;
	s24 =	smov.u32 s31  }
.LBB2_1:
0x21: {  	p1 =	sge.u32 s24, s10  }
0x22: {  	s0 =	smulhi.u32 @!p1 $0xAAAAAAAB, s24;
	_ =	sdelay $0x1  }
0x23: {  	s0 =	sshrl.u32 @!p1 s0, $0x1  }
0x24: {  	s0 =	smul.u32 @!p1 $0x3, s0;
	_ =	sdelay $0x1  }
0x25: {  	s0 =	ssub.s32 @!p1 s24, s0  }
0x26: {  	s0 =	smul.u32 @!p1 $0x7D00, s0;
	_ =	sdelay $0x1  }
0x27: {  	s2 =	sshrl.u32 @!p1 s23, $0x3;
	s0 =	sshrl.u32 @!p1 s0, $0x2  }
0x28: {  	s22 =	sand.u32 @!p1 $0x7, s23;
	s2 =	sadd.s32 @!p1 s6, s2;
	s0 =	sadd.s32 @!p1 $0x100, s0  }
0x29: {  	[tilespmem:s0], [sflag:$0x7] =	stream.linear.gather @!p1 [hbm4b:s2+s22], $0x1F40, $0x38;
	[tilespmem:$0x11A60] =	vst v63  }
0x2a: {  	s0 =	sadd.s32 $0xFFFFFFFF, s24  }
0x2b: {  	p1 =	sge.u32 s0, s10  }
.Ltmp2:
0x2c: {  	_ = 	snop;
	(pc) =	sbr.rel @p1 .LBB2_5-.Ltmp2, $1  }
0x2d: {  	_ =	sdelay $0x3  }
0x2e: {  	s2 =	smulhi.u32 $0xAAAAAAAB, s0;
	_ =	sdelay $0x1  }
0x2f: {  	s2 =	sshrl.u32 s2, $0x1  }
0x30: {  	s2 =	smul.u32 $0x3, s2;
	_ =	sdelay $0x1  }
0x31: {  	s2 =	ssub.s32 s0, s2  }
0x32: {  	s2 =	smul.u32 $0x7D00, s2  }
0x33: {  	_ =	swait.ge [sflag:s7], $0x1F40  }
0x34: {  	[sflag:s7] =	ssyncset.done $0x0;
	s2 =	sshrl.u32 s2, $0x2  }
0x35: {  	[sflag:s7] =	ssyncadd.s32 $0xFFFFE0C0;
	(ifvalue) =	ssetifvalue $0xFFFFFFFF;
	v3 =	vld.msk [tilespmem:s2+$0x100 ss:$0x1], $0xffff;
	_ =	sdelay $0x2  }
0x36: {  	s30 =	smulhi.u32 $0xAAAAAAAB, s18;
	p1 =	sne.s32 s24, $0x1  }
0x37: {  	v4 =	vimm.s32 @!p1 $0x0  }
0x38: {  	s2 =	sshrl.u32 s30, $0x1;
	v4 =	vperm.xlane @!p1 v3, v4  }
0x39: {  	s22 =	sshll.u32 s24, $0x4;
	s2 =	smul.u32 $0xFFFE8900, s2;
	vm4 =	vlt.u32 v3, $0x2800  }
0x3a: {  	s22 =	sand.u32 $0x10, s22;
	v3 =	vnsel vm4, $0xFFFFFFFE, v3;
	vm4 =	vlt.u32 @!p1 v4, $0x2800  }
0x3b: {  	s2 =	sshra.s32 s2, $0x2;
	[tilespmem:s22+$0x60] =	vst v3;
	v3 =	vnsel @!p1 vm4, $0xFFFFFFFE, v4  }
0x3c: {  	s28 =	sadd.s32 s2, s17;
	[tilespmem:$0x80] =	vst @!p1 v3  }
0x3d: {  	v3 =	vld.msk [tilespmem:s28+$0x0 ss:$0x1], $0xffff;
	_ =	sdelay $0x4  }
0x3e: {  	(xrf1) =	vunique.msk.u32 $0xffff, v3;
	_ =	sdelay $0xd  }
0x3f: {  	v4 =	vimm.s32 $0xFFFFFFFF;
	v5, _, _ =	vpop (xrf1)  }
0x40: {  	vm5 =	vne.s32 v3, v4;
	vm4 =	veq.s32 v5, v2  }
0x41: {  	vm6 =	vlt.u32 v3, $0x2800;
	vm4 =	vmand vm5, vm4  }
0x42: {  	vm4 =	vmand vm6, vm4  }
0x43: {  	v4 =	vnsel vm4, $0xFFFFFFFF, v3  }
0x44: {  	s31 =	sand.u32 $0x1, s0  }
0x45: {  	s0 =	simm.s32 $0x1F40;
	p1 =	seq.s32 s31, $0x1  }
0x46: {  	s0 =	simm.s32 @!p1 $0x0  }
0x47: {  	s26 =	sadd.s32 $0x7DF0, s0;
	(ifvalue) =	ssetifvalue $0xFFFFFFFF  }
0x48: {  	v3 =	vperm.xlane v3, v1;
	[tilespmem:s26], [sflag:$0x8] =	stream.indirect_vreg.gather [hbm4b:s1+s16], $0x1, v4, vm0, $0x4038;
	v4 =	vnsel vm6, $0xFFFFFFFE, v4;
	[tilespmem:$0x11A60] =	vst v63  }
0x49: {  	s2 =	simm.s32 $0x0;
	s22 =	sadd.s32 $0xFFFFFFF0, s28;
	[tilespmem:s28+$0x0] =	vst v4  }
.LBB2_3:
0x4a: {  	v4 =	vld.msk [tilespmem:s22+$0x0 ss:$0x1], $0xffff;
	s2 =	sadd.s32 $0x10, s2;
	v5 =	vmov v3;
	s28 =	smov.u32 s22  }
0x4b: {  	p1 =	slt.u32 s2, $0x1F30;
	_ =	sdelay $0x4  }
0x4c: {  	v3 =	vperm.xlane v4, v1;
	(xrf1) =	vunique.msk.u32 $0xffff, v4;
	_ =	sdelay $0xd  }
0x4d: {  	v6, _, _ =	vpop (xrf1)  }
0x4e: {  	vm5 =	vne.s32 v4, v5;
	vm4 =	veq.s32 v6, v2  }
0x4f: {  	vm6 =	vlt.u32 v4, $0x2800;
	vm4 =	vmand vm5, vm4  }
0x50: {  	vm4 =	vmand vm6, vm4  }
0x51: {  	v4 =	vnsel vm4, $0xFFFFFFFF, v4  }
.Ltmp3:
0x52: {  	v5 =	vnsel vm6, $0xFFFFFFFE, v4;
	(pc) =	sbr.rel @p1 .LBB2_3-.Ltmp3, $3  }
0x53: {  	_ =	sdelay $0x1  }
0x54: {  	s22 =	sadd.s32 $0xFFFFFFF0, s22;
	s26 =	sadd.s32 $0xFFFFFFF0, s26;
	(ifvalue) =	ssetifvalue $0xFFFFFFFF  }
0x55: {  	[tilespmem:s26], [sflag:$0x8] =	stream.indirect_vreg.gather [hbm4b:s1+s16], $0x1, v4, vm0, $0x4038;
	[tilespmem:s28+$0x0] =	vst v5  }
0x56: {  	s2 =	sshrl.u32 s25, $0x3  }
0x57: {  	s0 =	sadd.s32 $0x9D40, s0;
	s2 =	sadd.s32 s9, s2  }
0x58: {  	[tilespmem:s0], [sflag:$0x8] =	stream.linear.gather [hbm:s2], $0x1F40, $0x38;
	[tilespmem:$0x11A60] =	vst v63  }
.LBB2_5:
0x59: {  	p1 =	slt.u32 s24, $0x2  }
0x5a: {  	p2 =	sge.u32 @!p1 s24, s12  }
0x5b: {  	p1 =	por p1, p2  }
.Ltmp4:
0x5c: {  	_ = 	snop;
	(pc) =	sbr.rel @p1 .LBB2_9-.Ltmp4, $1  }
0x5d: {  	_ =	sdelay $0x3  }
0x5e: {  	s0 =	sadd.s32 $0xFFFFFFFE, s24  }
0x5f: {  	s2 =	smulhi.u32 $0xAAAAAAAB, s0;
	_ =	sdelay $0x1  }
0x60: {  	s2 =	sshrl.u32 s2, $0x1  }
0x61: {  	s2 =	smul.u32 $0x3, s2;
	_ =	sdelay $0x1  }
0x62: {  	s0 =	ssub.s32 s0, s2  }
0x63: {  	_ =	swait.ge [sflag:s8], $0x3E80;
	s0 =	smul.u32 $0x1F40, s0  }
0x64: {  	p1 =	sne.s32 s24, s11;
	[sflag:s8] =	ssyncset.done $0x0  }
0x65: {  	[sflag:s8] =	ssyncadd.s32 $0xFFFFC180;
	s2 =	sadd.s32 @!p1 $0x203F, s0  }
0x66: {  	[spmem:s14] =	stream.linear.scatter @!p1 [tilespmem:s2], [sflag:$0x1], $0x1, $0x38;
	[tilespmem:$0x11A60] =	vst v63  }
0x67: {  	s2 =	simm.s32 @!p1 $0x1  }
0x68: {  	_ =	swait.ge @!p1 [sflag:s2], $0x1  }
0x69: {  	s22 =	sshll.u32 s24, $0x4;
	[sflag:s2] =	ssyncset.done @!p1 $0x0  }
0x6a: {  	s25 =	sand.u32 $0x10, s22;
	[sflag:s2] =	ssyncadd.s32 @!p1 $0xFFFFFFFF  }
0x6b: {  	s2 =	sxor.u32 $0x10, s25;
	v4 =	vld [tilespmem:s25+$0x10]  }
0x6c: {  	v5 =	vld [tilespmem:s2+$0x60]  }
0x6d: {  	v3 =	vld [tilespmem:$0x80];
	_ =	sdelay $0x2  }
0x6e: {  	(v2sf) =	vpush v4, $0x0  }
0x6f: {  	(v2sf) =	vpush v5, $0x0  }
0x70: {  	(v2sf) =	vpush v3, $0x0;
	_ =	sdelay $0xc  }
0x71: {  	s22 =	spop (v2sf)  }
0x72: {  	s26 =	spop (v2sf)  }
0x73: {  	s28 =	spop (v2sf)  }
0x74: {  	p2 =	seq.s32 s22, s26;
	p3 =	seq.s32 s28, s22  }
0x75: {  	p3 =	por p2, p3  }
0x76: {  	s26 =	sand.u32 $0x1, s24;
	v4 =	vpsel p3, $0xFFFFFFFF, v4  }
0x77: {  	s29 =	smul.u32 $0x1F40, s26;
	[tilespmem:s25+$0x10] =	vst.msk $0x1, v4  }
0x78: {  	v4 =	vld [tilespmem:$0x30]  }
0x79: {  	v5 =	vld [tilespmem:s29+$0x9D40]  }
0x7a: {  	v6 =	vld [tilespmem:s25+$0x40];
	_ =	sdelay $0x3  }
0x7b: {  	vm4 =	vmmov vm1;
	v5 =	vadd.f32 v5, v4  }
0x7c: {  	vm5 =	vmmov vm2;
	vm4 =	vmmov @p2 vm2;
	s22 =	sshll.u32 s26, $0x4;
	v4 =	vadd.f32 v6, v4  }
0x7d: {  	s26 =	sor.u32 $0x11A40, s22;
	vm5 =	vmmov @p3 vm1;
	[tilespmem:s29+$0x9D40] =	vst.msk vm4, v5  }
0x7e: {  	[tilespmem:s26+$0x0] =	vst.msk vm5, v4  }
0x7f: {  	v4 =	vld [tilespmem:s29+$0x7DF0];
	_ =	sdelay $0x3  }
0x80: {  	v5 =	vimm.f32 $0.0e+00  }
0x81: {  	v4 =	vshift.insert v4, v5, s21  }
0x82: {  	s22 =	sor.u32 $0x40, s2  }
0x83: {  	[tilespmem:s22+$0x0] =	vst.msk $0x1, v4  }
0x84: {  	[tilespmem:s29+$0x7DFF] =	vst.msk $0x1, v5  }
0x85: {  	v4 =	vld [tilespmem:s0+$0x2030];
	_ =	sdelay $0x1  }
0x86: {  	s22 =	smulhi.u32 $0xAAAAAAAB, s20;
	s0 =	simm.s32 $0x1  }
0x87: {  	s0 =	simm.s32 @!p0 $0x0  }
0x88: {  	s22 =	sshrl.u32 s22, $0x1;
	s0 =	smul.u32 $0x7D00, s0  }
0x89: {  	s22 =	smul.u32 $0xFFFE8900, s22;
	v4 =	vshift.insert v4, v1, s21  }
0x8a: {  	s0 =	sshrl.u32 s0, $0x2  }
0x8b: {  	s22 =	sshra.s32 s22, $0x2;
	s30 =	sadd.s32 $0x9D40, s0;
	[tilespmem:s2+$0x10] =	vst.msk $0x1, v4  }
0x8c: {  	s22 =	sadd.s32 s22, s19;
	v6 =	vld [tilespmem:s30+$0x0]  }
0x8d: {  	v7 =	vld [tilespmem:s22+$0x0];
	_ =	sdelay $0x3  }
0x8e: {  	v5 =	vadd.f32 v6, v5  }
0x8f: {  	vm4 =	vne.s32 v7, $0xFFFFFFFF  }
0x90: {  	(xrf2) =	vadd.seg.scan.f32 vm4, v5;
	_ =	sdelay $0x3  }
0x91: {  	s31 =	sadd.s32 $0x5EC0, s0;
	v5 =	vperm.xlane v4, v1  }
0x92: {  	v6 =	vld [tilespmem:s31+$0x0]  }
0x93: {  	vm5 =	veq.s32 v7, v3;
	vm6 =	veq.s32 v7, v5  }
0x94: {  	vm7 =	vgt.u32 v7, $0xFFFFFFFD;
	vm6 =	vmor vm6, vm5  }
0x95: {  	vm6 =	vmor vm6, vm7  }
0x96: {  	v9 =	vld [tilespmem:$0xA0];
	v7 =	vsel vm6, $0xFFFFFFFF, v7  }
0x97: {  	v10 =	vld [tilespmem:$0x90];
	v6 =	vsel vm5, $0x0, v6;
	v8, _, _ =	vpop (xrf2)  }
0x98: {  	v6 =	vadd.f32 v8, v6  }
0x99: {  	s0 =	sadd.s32 $0xDBC0, s0  }
0x9a: {  	vm4 =	vmand vm4, vm3;
	[tilespmem:s0+$0x0] =	vst v6;
	(ifvalue) =	ssetifvalue $0xFFFFFFFF  }
0x9b: {  	vm6 =	veq.s32 v9, $0x1;
	[hbm4b:s1+s16] =	stream.indirect_vreg.scatter [tilespmem:s0], [sflag:$0x2], $0x1, v7, vm0, $0x4038;
	v7 =	vsel vm4, $0x0, v8;
	[tilespmem:$0x11A60] =	vst v63  }
0x9c: {  	s2 =	simm.s32 $0x0;
	s22 =	sadd.s32 $0x10, s22;
	vm4 =	vmor vm6, vm5;
	v6 =	vsel vm5, v8, v10;
	v7 =	vshift.insert v7, v0, s21  }
.LBB2_7:
0x9d: {  	v8 =	vld [tilespmem:s22+$0x0];
	s30 =	sadd.s32 $0x10, s30  }
0x9e: {  	s31 =	sadd.s32 $0x10, s31;
	v9 =	vld [tilespmem:s30+$0x0]  }
0x9f: {  	s2 =	sadd.s32 $0x10, s2;
	v10 =	vld [tilespmem:s31+$0x0]  }
0xa0: {  	p2 =	slt.u32 s2, $0x1F30;
	_ =	sdelay $0x2  }
0xa1: {  	v7 =	vadd.f32 v9, v7  }
0xa2: {  	vm5 =	vne.s32 v8, $0xFFFFFFFF  }
0xa3: {  	vm6 =	vmand vm5, vm3;
	(xrf2) =	vadd.seg.scan.f32 vm5, v7;
	_ =	sdelay $0x5  }
0xa4: {  	vm7 =	veq.s32 v8, v5;
	vm5 =	veq.s32 v8, v3  }
0xa5: {  	vm8 =	vgt.u32 v8, $0xFFFFFFFD;
	vm4 =	vmor vm4, vm5;
	vm7 =	vmor vm7, vm5  }
0xa6: {  	vm7 =	vmor vm7, vm8  }
0xa7: {  	v8 =	vsel vm7, $0xFFFFFFFF, v8  }
.Ltmp5:
0xa8: {  	v7 =	vsel vm5, $0x0, v10;
	v9, _, _ =	vpop (xrf2);
	(pc) =	sbr.rel @p2 .LBB2_7-.Ltmp5, $4  }
0xa9: {  	v6 =	vsel vm5, v9, v6;
	v10 =	vadd.f32 v9, v7;
	v7 =	vsel vm6, $0x0, v9  }
0xaa: {  	s0 =	sadd.s32 $0x10, s0;
	v7 =	vshift.insert v7, v0, s21  }
0xab: {  	s22 =	sadd.s32 $0x10, s22;
	[tilespmem:s0+$0x0] =	vst v10;
	(ifvalue) =	ssetifvalue $0xFFFFFFFF  }
0xac: {  	[hbm4b:s1+s16] =	stream.indirect_vreg.scatter [tilespmem:s0], [sflag:$0x2], $0x1, v8, vm0, $0x4038;
	[tilespmem:$0x11A60] =	vst v63  }
0xad: {  	v3 =	vld [tilespmem:s29+$0xFAF0];
	_ =	sdelay $0x4  }
0xae: {  	v3 =	vshift.insert v3, v0, s21  }
0xaf: {  	s0 =	simm.s32 $0x30  }
0xb0: {  	[tilespmem:s0+$0x0] =	vst.msk $0x1, v3  }
0xb1: {  	v3 =	vsel vm4, $0x1, v1;
	[tilespmem:$0x90] =	vst v6  }
0xb2: {  	s0 =	sadd.s32 @!p1 $0xFAFF, s29;
	[tilespmem:$0xA0] =	vst v3  }
0xb3: {  	[spmem:s15] =	stream.linear.scatter @!p1 [tilespmem:s0], [sflag:$0x1], $0x1, $0x38;
	[tilespmem:$0x11A60] =	vst v63  }
0xb4: {  	s0 =	simm.s32 @!p1 $0x1  }
0xb5: {  	v3 =	vmctz.xlane @!p1 vm4;
	_ =	swait.ge @!p1 [sflag:s0], $0x1  }
0xb6: {  	(v2sf) =	vpush @!p1 v4, $0x0  }
0xb7: {  	(v2sf) =	vpush @!p1 v3, $0x0;
	_ =	sdelay $0xd  }
0xb8: {  	s2 =	spop @!p1 (v2sf)  }
0xb9: {  	s22 =	spop @!p1 (v2sf)  }
0xba: {  	p2 =	sne.s32 @!p1 s28, s2;
	p3 =	slt.s32 @!p1 s22, $0xF  }
0xbb: {  	[sflag:s0] =	ssyncset.done @!p1 $0x0;
	p2 =	por p2, p1;
	p3 =	por !p3, p1  }
0xbc: {  	[sflag:s0] =	ssyncadd.s32 @!p1 $0xFFFFFFFF;
	v3 =	vimm.s32 @!p2 $0xFFFFFFFF;
	s22 =	simm.s32 @p3 $0xF  }
0xbd: {  	[tilespmem:$0x80] =	vst @!p2 v3;
	s2 =	sadd.s32 @!p1 $0x90, s22  }
0xbe: {  	[spmem:s3] =	stream.linear.scatter @!p1 [tilespmem:s2], [sflag:$0x1], $0x1, $0x38;
	[tilespmem:$0x11A60] =	vst v63  }
0xbf: {  	_ =	swait.ge @!p1 [sflag:s0], $0x1  }
0xc0: {  	[sflag:s0] =	ssyncset.done @!p1 $0x0  }
0xc1: {  	s2 =	simm.s32 @!p1 $0x80;
	[sflag:s0] =	ssyncadd.s32 @!p1 $0xFFFFFFFF  }
0xc2: {  	[spmem:s13] =	stream.linear.scatter @!p1 [tilespmem:s2], [sflag:$0x1], $0x1, $0x38;
	[tilespmem:$0x11A60] =	vst v63  }
0xc3: {  	_ =	swait.ge @!p1 [sflag:s0], $0x1  }
0xc4: {  	[sflag:s0] =	ssyncset.done @!p1 $0x0  }
0xc5: {  	[sflag:s0] =	ssyncadd.s32 @!p1 $0xFFFFFFFF;
	(ifvalue) =	ssetifvalue $0xFFFFFFFF;
	v3 =	vld [tilespmem:s25+$0x10];
	_ =	sdelay $0x3  }
.Ltmp6:
0xc6: {  	_ = 	snop;
	(pc) =	sbr.rel .LBB2_9-.Ltmp6, $3  }
0xc7: {  	_ =	sdelay $0x1  }
0xc8: {  	(ifvalue) =	ssetifvalue $0xFFFFFFFF  }
0xc9: {  	[hbm4b:s1+s16] =	stream.indirect_vreg.scatter [tilespmem:s26], [sflag:$0x9], $0x1, v3, vm0, $0x4038;
	[tilespmem:$0x11A60] =	vst v63  }
.LBB2_10:
0xca: {  	_ =	sfence.sel $0x180000  }
0xcb: {  	s0 =	simm.s32 $0x7;
	[bflag:$0x0] =	sbarrier.arrive $0xFFFF  }
0xcc: {  	s26 =	simm.s32 $0x8;
	[sflag:s0] =	ssyncpa.u1 $0x1  }
0xcd: {  	s28 =	simm.s32 $0x9;
	[sflag:s26] =	ssyncpa.u1 $0x1  }
0xce: {  	[sflag:s28] =	ssyncpa.u1 $0x1  }
0xcf: {  	_ =	sfence.stream.spmem  }
0xd0: {  	s29 =	simm.s32 $0x3;
	[bflag:$0x0] =	sbarrier.arrive $0xFFFF  }
0xd1: {  	s30 =	simm.s32 $0x4;
	[sflag:s29] =	ssyncpa.u1 $0x1  }
0xd2: {  	s31 =	simm.s32 $0x3C;
	s2 =	stileid.u32;
	[sflag:s30] =	ssyncpa.u1 $0x1  }
0xd3: {  	p0 =	sne.s32 s2, $0x0;
	[sflag:s31] =	ssyncpa.u1 $0x1  }
0xd4: {  	s0 =	simm.s32 @p0 $0x1;
	_ =	sfence @p0  }
0xd5: {  	[sflag:s0] =	ssyncpa.u1 @p0 $0x1;
	s0 =	simm.s32 @p0 $0x2  }
0xd6: {  	[sflag:s0] =	ssyncpa.u1 @p0 $0x1  }
0xd7: {  	_ =	strace @p0 $0x90000053  }
0xd8: {  	[bflag:$0x2] =	sbarrier.arrive @p0 $0xFFFF  }
0xd9: {  	_ =	shalt @p0  }
.LBB2_11:
0xda: {  	_ =	sfence.stream.spmem;
	s0 =	simm.s32 $0x5  }
0xdb: {  	s2 =	simm.s32 $0x80;
	s3 =	simm.s32 $0xC0;
	[sflag:s0] =	ssyncpa.u1 $0x0  }
0xdc: {  	[tilespmem:s3], [sflag:$0x5] =	stream.linear.gather [spmem:s2], $0x20, $0x38;
	[tilespmem:$0x11A60] =	vst v63  }
0xdd: {  	s2 =	simm.s32 $0x0;
	s3 =	simm.s32 $0xE0  }
0xde: {  	[tilespmem:s3], [sflag:$0x5] =	stream.linear.gather [spmem:s2], $0x20, $0x38;
	[tilespmem:$0x11A60] =	vst v63  }
.Ltmp7:
0xdf: {  	_ = 	snop;
	(pc) =	sbr.rel .LBB2_12-.Ltmp7, $4  }
0xe0: {  	_ =	swait.ge [sflag:s0], $0x40  }
0xe1: {  	[sflag:s0] =	ssyncset.done $0x0  }
0xe2: {  	s31 =	simm.s32 $0x6;
	[sflag:s0] =	ssyncadd.s32 $0xFFFFFFC0  }
0xe3: {  	s4 =	simm.s32 $0x0;
	[sflag:s31] =	ssyncpa.u1 $0x0  }
.LBB2_17:
0xe4: {  	p0 =	sgt.u32 s5, $0x27FF  }
0xe5: {  	s0 =	sshrl.u32 @!p0 s5, $0x3  }
0xe6: {  	s5 =	sand.u32 @!p0 $0x7, s5;
	s6 =	simm.s32 @!p0 $0xB0;
	s0 =	sadd.s32 @!p0 s1, s0  }
0xe7: {  	[tilespmem:s6], [sflag:$0x6] =	stream.linear.gather @!p0 [hbm4b:s0+s5], $0x1, $0x38;
	[tilespmem:$0x11A60] =	vst v63  }
0xe8: {  	s0 =	simm.s32 @!p0 $0x6  }
0xe9: {  	_ =	swait.ge @!p0 [sflag:s0], $0x1  }
0xea: {  	[sflag:s0] =	ssyncset.done @!p0 $0x0  }
0xeb: {  	[sflag:s0] =	ssyncadd.s32 @!p0 $0xFFFFFFFF  }
0xec: {  	v2 =	vmov @!p0 s4;
	v1 =	vld.msk @!p0 [tilespmem:$0xB0], $0x1;
	_ =	sdelay $0x3  }
0xed: {  	s0 =	simm.s32 @!p0 $0xE0  }
0xee: {  	[tilespmem:v2+s0+$0x0], v1 =	vst.idx.ret.add.f32.msk @!p0 $0x1, v1  }
0xef: {  	[tilespmem:s2+$0xC0] =	vst.msk $0x1, v0  }
0xf0: {  	v0 =	vld.msk [tilespmem:s4+$0xE0], $0x1;
	_ =	sdelay $0x4  }
0xf1: {  	[tilespmem:s2+$0xE0] =	vst.msk $0x1, v0;
	s2 =	sadd.s32 $0x1, s2  }
.LBB2_19:
0xf2: {  	s4 =	sadd.s32 $0x1, s4  }
0xf3: {  	p0 =	sne.s32 s4, $0x20  }
.Ltmp8:
0xf4: {  	_ = 	snop;
	(pc) =	sbr.rel @!p0 .LBB2_20-.Ltmp8, $1  }
0xf5: {  	_ =	sdelay $0x3  }
.LBB2_12:
0xf6: {  	v0 =	vld.msk [tilespmem:s4+$0xC0], $0x1;
	_ =	sdelay $0x4  }
0xf7: {  	(v2sf) =	vpush v0, $0x0;
	_ =	sdelay $0xe  }
0xf8: {  	s5 =	spop (v2sf)  }
0xf9: {  	p0 =	seq.s32 s5, $0xFFFFFFFF  }
.Ltmp9:
0xfa: {  	_ = 	snop;
	(pc) =	sbr.rel @p0 .LBB2_19-.Ltmp9, $1  }
0xfb: {  	_ =	sdelay $0x3  }
0xfc: {  	p0 =	slt.s32 s2, $0x1  }
.Ltmp10:
0xfd: {  	_ = 	snop;
	(pc) =	sbr.rel @p0 .LBB2_17-.Ltmp10, $1  }
0xfe: {  	_ =	sdelay $0x3  }
0xff: {  	s0 =	simm.s32 $0xC0;
	p0 =	por $0x0, $0x0  }
0x100: {  	v1 =	vld.msk @!p0 [tilespmem:s0+$0x0], $0x1;
	_ =	sdelay $0x4  }
0x101: {  	(v2sf) =	vpush @!p0 v1, $0x0;
	_ =	sdelay $0xd  }
0x102: {  	p2 =	sne.s32 s2, $0x1  }
.Ltmp11:
0x103: {  	s6 =	spop @!p0 (v2sf);
	(pc) =	sbr.rel @!p2 .LBB2_16-.Ltmp11, $4  }
0x104: {  	p1 =	seq.s32 @!p0 s5, s6  }
0x105: {  	s6 =	simm.s32 $0x0;
	p1 =	por !p1, p0  }
0x106: {  	s8 =	simm.s32 $0xFFFFFFFF;
	s6 =	simm.s32 @p1 $0xFFFFFFFF  }
0x107: {  	s7 =	simm.s32 $0x1;
	s6 =	smov.u32 @p0 s8  }
.LBB2_15:
0x108: {  	s8 =	smov.u32 s6;
	p0 =	sne.s32 s6, $0xFFFFFFFF  }
0x109: {  	s0 =	sadd.s32 $0x1, s0;
	s6 =	smov.u32 s7;
	s7 =	sadd.s32 $0x1, s7  }
0x10a: {  	p1 =	sne.s32 s2, s7;
	v1 =	vld.msk @!p0 [tilespmem:s0+$0x0], $0x1;
	_ =	sdelay $0x4  }
0x10b: {  	(v2sf) =	vpush @!p0 v1, $0x0;
	_ =	sdelay $0xe  }
.Ltmp12:
0x10c: {  	s9 =	spop @!p0 (v2sf);
	(pc) =	sbr.rel @p1 .LBB2_15-.Ltmp12, $4  }
0x10d: {  	p2 =	seq.s32 @!p0 s5, s9  }
0x10e: {  	p2 =	por !p2, p0  }
0x10f: {  	s6 =	simm.s32 @p2 $0xFFFFFFFF  }
0x110: {  	s6 =	smov.u32 @p0 s8  }
.LBB2_16:
0x111: {  	p0 =	sne.s32 s6, $0xFFFFFFFF  }
.Ltmp13:
0x112: {  	_ = 	snop;
	(pc) =	sbr.rel @!p0 .LBB2_17-.Ltmp13, $1  }
0x113: {  	_ =	sdelay $0x3  }
0x114: {  	v0 =	vld.msk [tilespmem:s4+$0xE0], $0x1;
	v1 =	vmov s6  }
.Ltmp14:
0x115: {  	_ = 	snop;
	(pc) =	sbr.rel .LBB2_19-.Ltmp14, $2  }
0x116: {  	_ =	sdelay $0x2  }
0x117: {  	[tilespmem:v1+s3+$0x0], v0 =	vst.idx.ret.add.f32.msk $0x1, v0  }
.LBB2_20:
0x118: {  	p0 =	slt.s32 s2, $0x1  }
.Ltmp15:
0x119: {  	_ = 	snop;
	(pc) =	sbr.rel @p0 .LBB2_24-.Ltmp15, $3  }
0x11a: {  	_ =	sdelay $0x1  }
0x11b: {  	s0 =	simm.s32 $0x6  }
0x11c: {  	s3 =	simm.s32 $0x0;
	[sflag:s0] =	ssyncpa.u1 $0x1  }
0x11d: {  	s0 =	simm.s32 $0xC0  }
0x11e: {  	v0 =	vld.msk [tilespmem:s0+$0x0], $0x1;
	_ =	sdelay $0x4  }
0x11f: {  	(v2sf) =	vpush v0, $0x0;
	_ =	sdelay $0xe  }
0x120: {  	s2 =	sadd.s32 $0xFFFFFFFF, s2;
	s4 =	spop (v2sf)  }
0x121: {  	p1 =	sne.s32 s2, $0x0;
	p0 =	sgt.u32 s4, $0x27FF  }
.Ltmp16:
0x122: {  	s5 =	sshrl.u32 @!p0 s4, $0x3;
	(pc) =	sbr.rel @!p1 .LBB2_23-.Ltmp16, $4  }
0x123: {  	s0 =	simm.s32 $0xE0;
	s4 =	sand.u32 @!p0 $0x7, s4;
	s5 =	sadd.s32 @!p0 s1, s5  }
0x124: {  	[hbm4b:s5+s4] =	stream.linear.scatter @!p0 [tilespmem:s0], [sflag:$0x5], $0x1, $0x38;
	[tilespmem:$0x11A60] =	vst v63  }
0x125: {  	s5 =	simm.s32 $0x0  }
0x126: {  	s4 =	simm.s32 $0xC1;
	s5 =	simm.s32 @!p0 $0x4  }
.LBB2_22:
0x127: {  	v0 =	vld.msk [tilespmem:s4+$0x0], $0x1;
	s2 =	sadd.s32 $0xFFFFFFFF, s2;
	s3 =	sadd.s32 s3, s5  }
0x128: {  	p0 =	sne.s32 s2, $0x0;
	_ =	sdelay $0x3  }
0x129: {  	(v2sf) =	vpush v0, $0x0;
	_ =	sdelay $0xe  }
.Ltmp17:
0x12a: {  	s6 =	spop (v2sf);
	(pc) =	sbr.rel @p0 .LBB2_22-.Ltmp17, $4  }
0x12b: {  	s5 =	simm.s32 $0x0;
	p1 =	sgt.u32 s6, $0x27FF  }
0x12c: {  	s0 =	sadd.s32 $0x1, s0;
	s5 =	simm.s32 @!p1 $0x4;
	s7 =	sshrl.u32 @!p1 s6, $0x3  }
0x12d: {  	s4 =	sadd.s32 $0x1, s4;
	s6 =	sand.u32 @!p1 $0x7, s6;
	s7 =	sadd.s32 @!p1 s1, s7  }
0x12e: {  	[hbm4b:s7+s6] =	stream.linear.scatter @!p1 [tilespmem:s0], [sflag:$0x5], $0x1, $0x38;
	[tilespmem:$0x11A60] =	vst v63  }
.LBB2_23:
0x12f: {  	s0 =	sadd.s32 s3, s5  }
0x130: {  	s3 =	sshrl.u32 s0, $0x2  }
.LBB2_24:
0x131: {  	s0 =	simm.s32 $0x5  }
0x132: {  	_ =	swait.ge [sflag:s0], s3  }
0x133: {  	s1 =	ssub.s32 $0x0, s3;
	[sflag:s0] =	ssyncset.done $0x0  }
0x134: {  	[sflag:s0] =	ssyncadd.s32 s1  }
0x135: {  	[sflag:s0] =	ssyncpa.u1 $0x1  }
0x136: {  	s29 =	simm.s32 $0x1;
	_ =	sfence  }
0x137: {  	s30 =	simm.s32 $0x2;
	[sflag:s29] =	ssyncpa.u1 $0x1  }
0x138: {  	[sflag:s30] =	ssyncpa.u1 $0x1  }
0x139: {  	_ =	strace $0x90000053  }
0x13a: {  	[bflag:$0x2] =	sbarrier.arrive $0xFFFF  }
0x13b: {  	s31 =	rddreg [dreg:$0x1]  }
0x13c: {  	s0 =	sadd.s32 $0x100000, s31  }
0x13d: {  	[sflag:s0] =	ssyncadd.tile.s32 $0x1;
	_ =	shalt  }
.Lfunc_end2:
_tile_overlayer_lowered:
.L_overlay_start_2:
0x13e: {  	(tag) =	ssettag $0x2  }
0x13f: {  	s0 =	rddreg [dreg:$0x0];
	s2 =	stileid.u32  }
0x140: {  	s1 =	rddreg [dreg:$0x1];
	p0 =	sne.s32 s2, $0x0  }
0x141: {  	s3 =	rddreg [dreg:$0x2];
	[bflag:$0x3] =	sbarrier.arrive $0xFFFF;
	s2 =	simm.s32 @!p0 $0x1C01  }
0x142: {  	[timem:s3], [sflag:s2] =	dma.local @!p0 [hbm:s0], s1  }
0x143: {  	s0 =	simm.s32 @!p0 $0x1  }
0x144: {  	_ =	swait.ge @!p0 [sflag:s0], s1  }
0x145: {  	s1 =	ssub.s32 @!p0 $0x0, s1;
	[sflag:s0] =	ssyncset.done @!p0 $0x0  }
0x146: {  	[sflag:s0] =	ssyncadd.s32 @!p0 s1  }
0x147: {  	[bflag:$0x3] =	sbarrier.arrive $0xFFFF  }
0x148: {  	_ =	shalt  }

</sc_bundles>
